<compile_context>
chip_gen: v7x
topology: tpu7x:2x2x1
jax: 0.10.2.dev20260603
libtpu: 0.0.44.dev20260713+nightly
codegen_flags: <defaults>
</compile_context>

<pallas_src>
import functools

import jax
import jax.numpy as jnp
from jax import lax
from jax.experimental import pallas as pl
from jax.experimental.pallas import tpu as pltpu
from jax.experimental.pallas import tpu_sc as plsc

_BATCH = 16384
_NCHUNK = 2
_CB = _BATCH // _NCHUNK
_IN = 256
_HID = 256
_NSLOT = 24
_K = 6
_TILE = 4096

_SEL = tuple(j for j in range(24) if j != 0 and j != 12)
_SENTINEL = -2147483648
_NCORE = 2
_NSUB = 16
_NW = _NCORE * _NSUB
_CHUNK = _CB // _NW
_LANES = 16
_GROUPS = _CHUNK // _LANES


def _mlp_body(x_ref, w1_ref, b1_ref, w2_ref, b2_ref, w3_ref, b3_ref, o_ref):
    x = x_ref[...]
    h = jnp.dot(x, w1_ref[...], preferred_element_type=jnp.float32) + b1_ref[...]
    h = jnp.maximum(h, 0.0)
    h = jnp.dot(h, w2_ref[...], preferred_element_type=jnp.float32) + b2_ref[...]
    h = jnp.maximum(h, 0.0)
    logits = jnp.dot(h, w3_ref[...], preferred_element_type=jnp.float32) + b3_ref[...]
    o_ref[...] = jnp.transpose(logits)


def _tc_logits_t(x, W1, b1, W2, b2, W3, b3):
    return pl.pallas_call(
        _mlp_body,
        grid=(_CB // _TILE,),
        in_specs=[
            pl.BlockSpec((_TILE, _IN), lambda i: (i, 0)),
            pl.BlockSpec((_IN, _HID), lambda i: (0, 0)),
            pl.BlockSpec((1, _HID), lambda i: (0, 0)),
            pl.BlockSpec((_HID, _HID), lambda i: (0, 0)),
            pl.BlockSpec((1, _HID), lambda i: (0, 0)),
            pl.BlockSpec((_HID, _NSLOT), lambda i: (0, 0)),
            pl.BlockSpec((1, _NSLOT), lambda i: (0, 0)),
        ],
        out_specs=pl.BlockSpec((_NSLOT, _TILE), lambda i: (0, i)),
        out_shape=jax.ShapeDtypeStruct((_NSLOT, _CB), jnp.float32),
    )(x, W1, b1, W2, b2, W3, b3)


def _tree_max(vals):
    while len(vals) > 1:
        nxt = [jnp.maximum(vals[i], vals[i + 1]) for i in range(0, len(vals) - 1, 2)]
        if len(vals) % 2:
            nxt.append(vals[-1])
        vals = nxt
    return vals[0]


def _sc_mask_body(logits_hbm, out_hbm, in_v, out_v):
    wid = lax.axis_index("s") * _NCORE + lax.axis_index("c")
    base = wid * _CHUNK
    pltpu.sync_copy(logits_hbm.at[:, pl.ds(base, _CHUNK)], in_v)

    def group(g, carry):
        r0 = g * _LANES
        ones = jnp.ones((_LANES,), jnp.float32)
        keys = []
        for j in _SEL:
            v = in_v[j, pl.ds(r0, _LANES)]
            u = plsc.bitcast(v, jnp.int32)
            k = u ^ ((u >> 31) & jnp.int32(0x7FFFFFFF))
            k = (k & jnp.int32(-32)) | jnp.int32(31 - j)
            keys.append(k)
        accs = [None] * len(_SEL)
        sentinel = jnp.int32(_SENTINEL)
        for _ in range(_K):
            m = _tree_max(keys)
            for t in range(len(_SEL)):
                pick = keys[t] == m
                sel_f = jnp.where(pick, 1.0, 0.0)
                accs[t] = sel_f if accs[t] is None else jnp.maximum(accs[t], sel_f)
                keys[t] = jnp.where(pick, sentinel, keys[t])
        out_v[0, pl.ds(r0, _LANES)] = ones
        out_v[12, pl.ds(r0, _LANES)] = ones
        for t, j in enumerate(_SEL):
            out_v[j, pl.ds(r0, _LANES)] = accs[t]
        return carry

    lax.fori_loop(0, _GROUPS, group, 0)
    pltpu.sync_copy(out_v, out_hbm.at[:, pl.ds(base, _CHUNK)])


_sc_mask = functools.partial(
    pl.kernel,
    out_type=jax.ShapeDtypeStruct((_NSLOT, _CB), jnp.float32),
    mesh=plsc.VectorSubcoreMesh(
        core_axis_name="c", subcore_axis_name="s",
        num_cores=_NCORE, num_subcores=_NSUB),
    scratch_types=[
        pltpu.VMEM((_NSLOT, _CHUNK), jnp.float32),
        pltpu.VMEM((_NSLOT, _CHUNK), jnp.float32),
    ],
    compiler_params=pltpu.CompilerParams(needs_layout_passes=False),
)(_sc_mask_body)


@jax.jit
def kernel(qoi_features, W1, b1, W2, b2, W3, b3):
    b1r = b1.reshape(1, _HID)
    b2r = b2.reshape(1, _HID)
    b3r = b3.reshape(1, _NSLOT)
    masks = []
    logits = [
        _tc_logits_t(qoi_features[c * _CB:(c + 1) * _CB], W1, b1r, W2, b2r, W3, b3r)
        for c in range(_NCHUNK)
    ]
    masks = [_sc_mask(lt) for lt in logits]
    mask_t = jnp.concatenate(masks, axis=1)
    return mask_t.T.reshape(_BATCH, 2, 12)

# --- scband reference (transcript-rebuilt; emitter-appended) ---
"""Pipeline reference for scband-layer-allocation-module-8160437862927 (READ-ONLY COPY).

The authoritative reference and input builder live on the scoring server;
editing this copy changes nothing except your own understanding.
"""

import jax, jax.numpy as jnp
import numpy as np

BATCH = 16384
QOI_DIM = 128
HIDDEN = 256
TOTAL_LAYERS = 8
SEL = np.array([i for i in range(24) if i != 0 and i != 12], dtype=np.int32)  # 22 selectable slots


def setup_inputs(seed: int = 0) -> dict:
    key = jax.random.key(seed)
    ks = jax.random.split(key, 7)
    in_dim = 2 * QOI_DIM
    s1 = 1.0 / np.sqrt(in_dim)
    s2 = 1.0 / np.sqrt(HIDDEN)
    return {
        "qoi_features": jax.random.normal(ks[0], (BATCH, in_dim), dtype=jnp.float32),
        "W1": jax.random.uniform(ks[1], (in_dim, HIDDEN), jnp.float32, -s1, s1),
        "b1": jax.random.uniform(ks[2], (HIDDEN,), jnp.float32, -s1, s1),
        "W2": jax.random.uniform(ks[3], (HIDDEN, HIDDEN), jnp.float32, -s2, s2),
        "b2": jax.random.uniform(ks[4], (HIDDEN,), jnp.float32, -s2, s2),
        "W3": jax.random.uniform(ks[5], (HIDDEN, 24), jnp.float32, -s2, s2),
        "b3": jax.random.uniform(ks[6], (24,), jnp.float32, -s2, s2),
    }


def reference(qoi_features, W1, b1, W2, b2, W3, b3):
    # allocation_net MLP (eval mode: no gumbel noise)
    h = jax.nn.relu(jnp.dot(qoi_features, W1) + b1)
    h = jax.nn.relu(jnp.dot(h, W2) + b2)
    logits_flat = jnp.dot(h, W3) + b3  # [B, 24]
    B = logits_flat.shape[0]

    sel = jnp.asarray(SEL)
    selectable_logits = logits_flat[:, sel]  # gather: [B, 22]
    soft_allocation = jax.nn.softmax(selectable_logits, axis=-1)

    k = TOTAL_LAYERS - 2  # remaining budget = 6
    _, top_k_indices = jax.lax.top_k(soft_allocation, k)  # [B, 6]

    rows = jnp.arange(B)[:, None]
    allocation_binary_hard = jnp.zeros_like(selectable_logits).at[rows, top_k_indices].set(1.0)
    # straight-through estimator
    allocation_binary = allocation_binary_hard - jax.lax.stop_gradient(soft_allocation) + soft_allocation

    # scatter back into the full [B, 24] allocation; slots 0 and 12 are forced to 1
    allocation_full_flat = jnp.zeros((B, 24), dtype=logits_flat.dtype)
    allocation_full_flat = allocation_full_flat.at[:, sel].set(allocation_binary)
    allocation_full_flat = allocation_full_flat.at[:, 0].set(1.0)
    allocation_full_flat = allocation_full_flat.at[:, 12].set(1.0)
    return allocation_full_flat.reshape(B, 2, 12)

if __name__ == "__main__":
    import jax
    _d = setup_inputs()
    print(jax.jit(kernel)(*tuple(_d.values())))

</pallas_src>

<mosaic_0001>
#map = affine_map<(d0, d1) -> (0, 0)>
module attributes {stable_mosaic.version = 14 : i64} {
  func.func @_sc_mask_body(%arg0: i32, %arg1: i32, %arg2: memref<24x8192xf32, #tpu.memory_space<hbm>>, %arg3: memref<24x8192xf32, #tpu.memory_space<hbm>>, %arg4: memref<24x256xf32, #tpu.memory_space<vmem>>, %arg5: memref<24x256xf32, #tpu.memory_space<vmem>>) attributes {dimension_semantics = [#tpu.dimension_semantics<core_parallel>, #tpu.dimension_semantics<subcore_parallel>], iteration_bounds = array<i64: 2, 16>, scalar_prefetch = 0 : i64, scratch_operands = 2 : i64, tpu.core_type = #tpu.core_type<sc_vector_subcore>, window_params = [{transform_indices = #map}, {transform_indices = #map}]} {
    %mul3A = arith.constant 2 : i32
    %mul3A_0 = arith.muli %arg1, %mul3A : i32
    %add3A = arith.addi %mul3A_0, %arg0 : i32
    %mul3A_1 = arith.constant 256 : i32
    %mul3A_2 = arith.muli %add3A, %mul3A_1 : i32
    "tpu.region"() ({
      %run_scoped3A = tpu.sem_alloc : memref<!tpu.dma_semaphore, #tpu.memory_space<semaphore_mem>>
      %dma_start3A = arith.constant 0 : i32
      %dma_start3A_8 = tpu.memref_slice %arg2[%dma_start3A, %mul3A_2] : memref<24x8192xf32, #tpu.memory_space<hbm>> -> memref<24x256xf32, #tpu.memory_space<hbm>>
      %dma_start3A_9 = arith.constant 0 : i32
      %dma_start3A_10 = tpu.memref_slice %arg2[%dma_start3A_9, %mul3A_2] : memref<24x8192xf32, #tpu.memory_space<hbm>> -> memref<24x256xf32, #tpu.memory_space<hbm>>
      tpu.enqueue_dma source(%dma_start3A_10 : memref<24x256xf32, #tpu.memory_space<hbm>>) target(%arg4 : memref<24x256xf32, #tpu.memory_space<vmem>>) target_semaphore(%run_scoped3A : memref<!tpu.dma_semaphore, #tpu.memory_space<semaphore_mem>>)
      %dma_wait3A = arith.constant 0 : i32
      %dma_wait3A_11 = tpu.memref_slice %arg2[%dma_wait3A, %mul3A_2] : memref<24x8192xf32, #tpu.memory_space<hbm>> -> memref<24x256xf32, #tpu.memory_space<hbm>>
      %dma_wait3A_12 = arith.constant 0 : i32
      %dma_wait3A_13 = tpu.memref_slice %arg2[%dma_wait3A_12, %mul3A_2] : memref<24x8192xf32, #tpu.memory_space<hbm>> -> memref<24x256xf32, #tpu.memory_space<hbm>>
      tpu.wait_dma2 semaphore(%run_scoped3A : memref<!tpu.dma_semaphore, #tpu.memory_space<semaphore_mem>>) src(%dma_wait3A_13 : memref<24x256xf32, #tpu.memory_space<hbm>>) dst(%arg4 : memref<24x256xf32, #tpu.memory_space<vmem>>)
      tpu.yield
    }) : () -> ()
    %scan3A = arith.constant 0 : i32
    %scan3A_3 = arith.constant 0 : i32
    %scan3A_4 = arith.constant 16 : i32
    %scan3A_5 = arith.addi %scan3A_3, %scan3A_4 : i32
    %scan3A_6 = arith.constant 1 : i32
    scf.for %scan3A_8 = %scan3A_3 to %scan3A_5 step %scan3A_6  : i32 {
      %mul3A_9 = arith.constant 16 : i32
      %mul3A_10 = arith.muli %scan3A_8, %mul3A_9 : i32
      %broadcast_in_dim3A = arith.constant 1.000000e+00 : f32
      %broadcast_in_dim3A_11 = vector.broadcast %broadcast_in_dim3A : f32 to vector<16xf32>
      %get3A = arith.constant 1 : i32
      %get3A_12 = arith.index_cast %get3A : i32 to index
      %get3A_13 = arith.index_cast %mul3A_10 : i32 to index
      %get3A_14 = tpu.vector_load %arg4[%get3A_12, %get3A_13] {strides = array<i32>} : memref<24x256xf32, #tpu.memory_space<vmem>>, vector<16xf32>,
      %bitcast3A = vector.bitcast %get3A_14 : vector<16xf32> to vector<16xi32>
      %shift_right_arithmetic3A = arith.constant 31 : i32
      %shift_right_arithmetic3A_15 = vector.broadcast %shift_right_arithmetic3A : i32 to vector<16xi32>
      %shift_right_arithmetic3A_16 = arith.shrsi %bitcast3A, %shift_right_arithmetic3A_15 : vector<16xi32>
      %and3A = arith.constant 2147483647 : i32
      %and3A_17 = vector.broadcast %and3A : i32 to vector<16xi32>
      %and3A_18 = arith.andi %shift_right_arithmetic3A_16, %and3A_17 : vector<16xi32>
      %xor3A = arith.xori %bitcast3A, %and3A_18 : vector<16xi32>
      %and3A_19 = arith.constant -32 : i32
      %and3A_20 = vector.broadcast %and3A_19 : i32 to vector<16xi32>
      %and3A_21 = arith.andi %xor3A, %and3A_20 : vector<16xi32>
      %or3A = arith.constant 30 : i32
      %or3A_22 = vector.broadcast %or3A : i32 to vector<16xi32>
      %or3A_23 = arith.ori %and3A_21, %or3A_22 : vector<16xi32>
      %get3A_24 = arith.constant 2 : i32
      %get3A_25 = arith.index_cast %get3A_24 : i32 to index
      %get3A_26 = arith.index_cast %mul3A_10 : i32 to index
      %get3A_27 = tpu.vector_load %arg4[%get3A_25, %get3A_26] {strides = array<i32>} : memref<24x256xf32, #tpu.memory_space<vmem>>, vector<16xf32>,
      %bitcast3A_28 = vector.bitcast %get3A_27 : vector<16xf32> to vector<16xi32>
      %shift_right_arithmetic3A_29 = arith.constant 31 : i32
      %shift_right_arithmetic3A_30 = vector.broadcast %shift_right_arithmetic3A_29 : i32 to vector<16xi32>
      %shift_right_arithmetic3A_31 = arith.shrsi %bitcast3A_28, %shift_right_arithmetic3A_30 : vector<16xi32>
      %and3A_32 = arith.constant 2147483647 : i32
      %and3A_33 = vector.broadcast %and3A_32 : i32 to vector<16xi32>
      %and3A_34 = arith.andi %shift_right_arithmetic3A_31, %and3A_33 : vector<16xi32>
      %xor3A_35 = arith.xori %bitcast3A_28, %and3A_34 : vector<16xi32>
      %and3A_36 = arith.constant -32 : i32
      %and3A_37 = vector.broadcast %and3A_36 : i32 to vector<16xi32>
      %and3A_38 = arith.andi %xor3A_35, %and3A_37 : vector<16xi32>
      %or3A_39 = arith.constant 29 : i32
      %or3A_40 = vector.broadcast %or3A_39 : i32 to vector<16xi32>
      %or3A_41 = arith.ori %and3A_38, %or3A_40 : vector<16xi32>
      %get3A_42 = arith.constant 3 : i32
      %get3A_43 = arith.index_cast %get3A_42 : i32 to index
      %get3A_44 = arith.index_cast %mul3A_10 : i32 to index
      %get3A_45 = tpu.vector_load %arg4[%get3A_43, %get3A_44] {strides = array<i32>} : memref<24x256xf32, #tpu.memory_space<vmem>>, vector<16xf32>,
      %bitcast3A_46 = vector.bitcast %get3A_45 : vector<16xf32> to vector<16xi32>
      %shift_right_arithmetic3A_47 = arith.constant 31 : i32
      %shift_right_arithmetic3A_48 = vector.broadcast %shift_right_arithmetic3A_47 : i32 to vector<16xi32>
      %shift_right_arithmetic3A_49 = arith.shrsi %bitcast3A_46, %shift_right_arithmetic3A_48 : vector<16xi32>
      %and3A_50 = arith.constant 2147483647 : i32
      %and3A_51 = vector.broadcast %and3A_50 : i32 to vector<16xi32>
      %and3A_52 = arith.andi %shift_right_arithmetic3A_49, %and3A_51 : vector<16xi32>
      %xor3A_53 = arith.xori %bitcast3A_46, %and3A_52 : vector<16xi32>
      %and3A_54 = arith.constant -32 : i32
      %and3A_55 = vector.broadcast %and3A_54 : i32 to vector<16xi32>
      %and3A_56 = arith.andi %xor3A_53, %and3A_55 : vector<16xi32>
      %or3A_57 = arith.constant 28 : i32
      %or3A_58 = vector.broadcast %or3A_57 : i32 to vector<16xi32>
      %or3A_59 = arith.ori %and3A_56, %or3A_58 : vector<16xi32>
      %get3A_60 = arith.constant 4 : i32
      %get3A_61 = arith.index_cast %get3A_60 : i32 to index
      %get3A_62 = arith.index_cast %mul3A_10 : i32 to index
      %get3A_63 = tpu.vector_load %arg4[%get3A_61, %get3A_62] {strides = array<i32>} : memref<24x256xf32, #tpu.memory_space<vmem>>, vector<16xf32>,
      %bitcast3A_64 = vector.bitcast %get3A_63 : vector<16xf32> to vector<16xi32>
      %shift_right_arithmetic3A_65 = arith.constant 31 : i32
      %shift_right_arithmetic3A_66 = vector.broadcast %shift_right_arithmetic3A_65 : i32 to vector<16xi32>
      %shift_right_arithmetic3A_67 = arith.shrsi %bitcast3A_64, %shift_right_arithmetic3A_66 : vector<16xi32>
      %and3A_68 = arith.constant 2147483647 : i32
      %and3A_69 = vector.broadcast %and3A_68 : i32 to vector<16xi32>
      %and3A_70 = arith.andi %shift_right_arithmetic3A_67, %and3A_69 : vector<16xi32>
      %xor3A_71 = arith.xori %bitcast3A_64, %and3A_70 : vector<16xi32>
      %and3A_72 = arith.constant -32 : i32
      %and3A_73 = vector.broadcast %and3A_72 : i32 to vector<16xi32>
      %and3A_74 = arith.andi %xor3A_71, %and3A_73 : vector<16xi32>
      %or3A_75 = arith.constant 27 : i32
      %or3A_76 = vector.broadcast %or3A_75 : i32 to vector<16xi32>
      %or3A_77 = arith.ori %and3A_74, %or3A_76 : vector<16xi32>
      %get3A_78 = arith.constant 5 : i32
      %get3A_79 = arith.index_cast %get3A_78 : i32 to index
      %get3A_80 = arith.index_cast %mul3A_10 : i32 to index
      %get3A_81 = tpu.vector_load %arg4[%get3A_79, %get3A_80] {strides = array<i32>} : memref<24x256xf32, #tpu.memory_space<vmem>>, vector<16xf32>,
      %bitcast3A_82 = vector.bitcast %get3A_81 : vector<16xf32> to vector<16xi32>
      %shift_right_arithmetic3A_83 = arith.constant 31 : i32
      %shift_right_arithmetic3A_84 = vector.broadcast %shift_right_arithmetic3A_83 : i32 to vector<16xi32>
      %shift_right_arithmetic3A_85 = arith.shrsi %bitcast3A_82, %shift_right_arithmetic3A_84 : vector<16xi32>
      %and3A_86 = arith.constant 2147483647 : i32
      %and3A_87 = vector.broadcast %and3A_86 : i32 to vector<16xi32>
      %and3A_88 = arith.andi %shift_right_arithmetic3A_85, %and3A_87 : vector<16xi32>
      %xor3A_89 = arith.xori %bitcast3A_82, %and3A_88 : vector<16xi32>
      %and3A_90 = arith.constant -32 : i32
      %and3A_91 = vector.broadcast %and3A_90 : i32 to vector<16xi32>
      %and3A_92 = arith.andi %xor3A_89, %and3A_91 : vector<16xi32>
      %or3A_93 = arith.constant 26 : i32
      %or3A_94 = vector.broadcast %or3A_93 : i32 to vector<16xi32>
      %or3A_95 = arith.ori %and3A_92, %or3A_94 : vector<16xi32>
      %get3A_96 = arith.constant 6 : i32
      %get3A_97 = arith.index_cast %get3A_96 : i32 to index
      %get3A_98 = arith.index_cast %mul3A_10 : i32 to index
      %get3A_99 = tpu.vector_load %arg4[%get3A_97, %get3A_98] {strides = array<i32>} : memref<24x256xf32, #tpu.memory_space<vmem>>, vector<16xf32>,
      %bitcast3A_100 = vector.bitcast %get3A_99 : vector<16xf32> to vector<16xi32>
      %shift_right_arithmetic3A_101 = arith.constant 31 : i32
      %shift_right_arithmetic3A_102 = vector.broadcast %shift_right_arithmetic3A_101 : i32 to vector<16xi32>
      %shift_right_arithmetic3A_103 = arith.shrsi %bitcast3A_100, %shift_right_arithmetic3A_102 : vector<16xi32>
      %and3A_104 = arith.constant 2147483647 : i32
      %and3A_105 = vector.broadcast %and3A_104 : i32 to vector<16xi32>
      %and3A_106 = arith.andi %shift_right_arithmetic3A_103, %and3A_105 : vector<16xi32>
      %xor3A_107 = arith.xori %bitcast3A_100, %and3A_106 : vector<16xi32>
      %and3A_108 = arith.constant -32 : i32
      %and3A_109 = vector.broadcast %and3A_108 : i32 to vector<16xi32>
      %and3A_110 = arith.andi %xor3A_107, %and3A_109 : vector<16xi32>
      %or3A_111 = arith.constant 25 : i32
      %or3A_112 = vector.broadcast %or3A_111 : i32 to vector<16xi32>
      %or3A_113 = arith.ori %and3A_110, %or3A_112 : vector<16xi32>
      %get3A_114 = arith.constant 7 : i32
      %get3A_115 = arith.index_cast %get3A_114 : i32 to index
      %get3A_116 = arith.index_cast %mul3A_10 : i32 to index
      %get3A_117 = tpu.vector_load %arg4[%get3A_115, %get3A_116] {strides = array<i32>} : memref<24x256xf32, #tpu.memory_space<vmem>>, vector<16xf32>,
      %bitcast3A_118 = vector.bitcast %get3A_117 : vector<16xf32> to vector<16xi32>
      %shift_right_arithmetic3A_119 = arith.constant 31 : i32
      %shift_right_arithmetic3A_120 = vector.broadcast %shift_right_arithmetic3A_119 : i32 to vector<16xi32>
      %shift_right_arithmetic3A_121 = arith.shrsi %bitcast3A_118, %shift_right_arithmetic3A_120 : vector<16xi32>
      %and3A_122 = arith.constant 2147483647 : i32
      %and3A_123 = vector.broadcast %and3A_122 : i32 to vector<16xi32>
      %and3A_124 = arith.andi %shift_right_arithmetic3A_121, %and3A_123 : vector<16xi32>
      %xor3A_125 = arith.xori %bitcast3A_118, %and3A_124 : vector<16xi32>
      %and3A_126 = arith.constant -32 : i32
      %and3A_127 = vector.broadcast %and3A_126 : i32 to vector<16xi32>
      %and3A_128 = arith.andi %xor3A_125, %and3A_127 : vector<16xi32>
      %or3A_129 = arith.constant 24 : i32
      %or3A_130 = vector.broadcast %or3A_129 : i32 to vector<16xi32>
      %or3A_131 = arith.ori %and3A_128, %or3A_130 : vector<16xi32>
      %get3A_132 = arith.constant 8 : i32
      %get3A_133 = arith.index_cast %get3A_132 : i32 to index
      %get3A_134 = arith.index_cast %mul3A_10 : i32 to index
      %get3A_135 = tpu.vector_load %arg4[%get3A_133, %get3A_134] {strides = array<i32>} : memref<24x256xf32, #tpu.memory_space<vmem>>, vector<16xf32>,
      %bitcast3A_136 = vector.bitcast %get3A_135 : vector<16xf32> to vector<16xi32>
      %shift_right_arithmetic3A_137 = arith.constant 31 : i32
      %shift_right_arithmetic3A_138 = vector.broadcast %shift_right_arithmetic3A_137 : i32 to vector<16xi32>
      %shift_right_arithmetic3A_139 = arith.shrsi %bitcast3A_136, %shift_right_arithmetic3A_138 : vector<16xi32>
      %and3A_140 = arith.constant 2147483647 : i32
      %and3A_141 = vector.broadcast %and3A_140 : i32 to vector<16xi32>
      %and3A_142 = arith.andi %shift_right_arithmetic3A_139, %and3A_141 : vector<16xi32>
      %xor3A_143 = arith.xori %bitcast3A_136, %and3A_142 : vector<16xi32>
      %and3A_144 = arith.constant -32 : i32
      %and3A_145 = vector.broadcast %and3A_144 : i32 to vector<16xi32>
      %and3A_146 = arith.andi %xor3A_143, %and3A_145 : vector<16xi32>
      %or3A_147 = arith.constant 23 : i32
      %or3A_148 = vector.broadcast %or3A_147 : i32 to vector<16xi32>
      %or3A_149 = arith.ori %and3A_146, %or3A_148 : vector<16xi32>
      %get3A_150 = arith.constant 9 : i32
      %get3A_151 = arith.index_cast %get3A_150 : i32 to index
      %get3A_152 = arith.index_cast %mul3A_10 : i32 to index
      %get3A_153 = tpu.vector_load %arg4[%get3A_151, %get3A_152] {strides = array<i32>} : memref<24x256xf32, #tpu.memory_space<vmem>>, vector<16xf32>,
      %bitcast3A_154 = vector.bitcast %get3A_153 : vector<16xf32> to vector<16xi32>
      %shift_right_arithmetic3A_155 = arith.constant 31 : i32
      %shift_right_arithmetic3A_156 = vector.broadcast %shift_right_arithmetic3A_155 : i32 to vector<16xi32>
      %shift_right_arithmetic3A_157 = arith.shrsi %bitcast3A_154, %shift_right_arithmetic3A_156 : vector<16xi32>
      %and3A_158 = arith.constant 2147483647 : i32
      %and3A_159 = vector.broadcast %and3A_158 : i32 to vector<16xi32>
      %and3A_160 = arith.andi %shift_right_arithmetic3A_157, %and3A_159 : vector<16xi32>
      %xor3A_161 = arith.xori %bitcast3A_154, %and3A_160 : vector<16xi32>
      %and3A_162 = arith.constant -32 : i32
      %and3A_163 = vector.broadcast %and3A_162 : i32 to vector<16xi32>
      %and3A_164 = arith.andi %xor3A_161, %and3A_163 : vector<16xi32>
      %or3A_165 = arith.constant 22 : i32
      %or3A_166 = vector.broadcast %or3A_165 : i32 to vector<16xi32>
      %or3A_167 = arith.ori %and3A_164, %or3A_166 : vector<16xi32>
      %get3A_168 = arith.constant 10 : i32
      %get3A_169 = arith.index_cast %get3A_168 : i32 to index
      %get3A_170 = arith.index_cast %mul3A_10 : i32 to index
      %get3A_171 = tpu.vector_load %arg4[%get3A_169, %get3A_170] {strides = array<i32>} : memref<24x256xf32, #tpu.memory_space<vmem>>, vector<16xf32>,
      %bitcast3A_172 = vector.bitcast %get3A_171 : vector<16xf32> to vector<16xi32>
      %shift_right_arithmetic3A_173 = arith.constant 31 : i32
      %shift_right_arithmetic3A_174 = vector.broadcast %shift_right_arithmetic3A_173 : i32 to vector<16xi32>
      %shift_right_arithmetic3A_175 = arith.shrsi %bitcast3A_172, %shift_right_arithmetic3A_174 : vector<16xi32>
      %and3A_176 = arith.constant 2147483647 : i32
      %and3A_177 = vector.broadcast %and3A_176 : i32 to vector<16xi32>
      %and3A_178 = arith.andi %shift_right_arithmetic3A_175, %and3A_177 : vector<16xi32>
      %xor3A_179 = arith.xori %bitcast3A_172, %and3A_178 : vector<16xi32>
      %and3A_180 = arith.constant -32 : i32
      %and3A_181 = vector.broadcast %and3A_180 : i32 to vector<16xi32>
      %and3A_182 = arith.andi %xor3A_179, %and3A_181 : vector<16xi32>
      %or3A_183 = arith.constant 21 : i32
      %or3A_184 = vector.broadcast %or3A_183 : i32 to vector<16xi32>
      %or3A_185 = arith.ori %and3A_182, %or3A_184 : vector<16xi32>
      %get3A_186 = arith.constant 11 : i32
      %get3A_187 = arith.index_cast %get3A_186 : i32 to index
      %get3A_188 = arith.index_cast %mul3A_10 : i32 to index
      %get3A_189 = tpu.vector_load %arg4[%get3A_187, %get3A_188] {strides = array<i32>} : memref<24x256xf32, #tpu.memory_space<vmem>>, vector<16xf32>,
      %bitcast3A_190 = vector.bitcast %get3A_189 : vector<16xf32> to vector<16xi32>
      %shift_right_arithmetic3A_191 = arith.constant 31 : i32
      %shift_right_arithmetic3A_192 = vector.broadcast %shift_right_arithmetic3A_191 : i32 to vector<16xi32>
      %shift_right_arithmetic3A_193 = arith.shrsi %bitcast3A_190, %shift_right_arithmetic3A_192 : vector<16xi32>
      %and3A_194 = arith.constant 2147483647 : i32
      %and3A_195 = vector.broadcast %and3A_194 : i32 to vector<16xi32>
      %and3A_196 = arith.andi %shift_right_arithmetic3A_193, %and3A_195 : vector<16xi32>
      %xor3A_197 = arith.xori %bitcast3A_190, %and3A_196 : vector<16xi32>
      %and3A_198 = arith.constant -32 : i32
      %and3A_199 = vector.broadcast %and3A_198 : i32 to vector<16xi32>
      %and3A_200 = arith.andi %xor3A_197, %and3A_199 : vector<16xi32>
      %or3A_201 = arith.constant 20 : i32
      %or3A_202 = vector.broadcast %or3A_201 : i32 to vector<16xi32>
      %or3A_203 = arith.ori %and3A_200, %or3A_202 : vector<16xi32>
      %get3A_204 = arith.constant 13 : i32
      %get3A_205 = arith.index_cast %get3A_204 : i32 to index
      %get3A_206 = arith.index_cast %mul3A_10 : i32 to index
      %get3A_207 = tpu.vector_load %arg4[%get3A_205, %get3A_206] {strides = array<i32>} : memref<24x256xf32, #tpu.memory_space<vmem>>, vector<16xf32>,
      %bitcast3A_208 = vector.bitcast %get3A_207 : vector<16xf32> to vector<16xi32>
      %shift_right_arithmetic3A_209 = arith.constant 31 : i32
      %shift_right_arithmetic3A_210 = vector.broadcast %shift_right_arithmetic3A_209 : i32 to vector<16xi32>
      %shift_right_arithmetic3A_211 = arith.shrsi %bitcast3A_208, %shift_right_arithmetic3A_210 : vector<16xi32>
      %and3A_212 = arith.constant 2147483647 : i32
      %and3A_213 = vector.broadcast %and3A_212 : i32 to vector<16xi32>
      %and3A_214 = arith.andi %shift_right_arithmetic3A_211, %and3A_213 : vector<16xi32>
      %xor3A_215 = arith.xori %bitcast3A_208, %and3A_214 : vector<16xi32>
      %and3A_216 = arith.constant -32 : i32
      %and3A_217 = vector.broadcast %and3A_216 : i32 to vector<16xi32>
      %and3A_218 = arith.andi %xor3A_215, %and3A_217 : vector<16xi32>
      %or3A_219 = arith.constant 18 : i32
      %or3A_220 = vector.broadcast %or3A_219 : i32 to vector<16xi32>
      %or3A_221 = arith.ori %and3A_218, %or3A_220 : vector<16xi32>
      %get3A_222 = arith.constant 14 : i32
      %get3A_223 = arith.index_cast %get3A_222 : i32 to index
      %get3A_224 = arith.index_cast %mul3A_10 : i32 to index
      %get3A_225 = tpu.vector_load %arg4[%get3A_223, %get3A_224] {strides = array<i32>} : memref<24x256xf32, #tpu.memory_space<vmem>>, vector<16xf32>,
      %bitcast3A_226 = vector.bitcast %get3A_225 : vector<16xf32> to vector<16xi32>
      %shift_right_arithmetic3A_227 = arith.constant 31 : i32
      %shift_right_arithmetic3A_228 = vector.broadcast %shift_right_arithmetic3A_227 : i32 to vector<16xi32>
      %shift_right_arithmetic3A_229 = arith.shrsi %bitcast3A_226, %shift_right_arithmetic3A_228 : vector<16xi32>
      %and3A_230 = arith.constant 2147483647 : i32
      %and3A_231 = vector.broadcast %and3A_230 : i32 to vector<16xi32>
      %and3A_232 = arith.andi %shift_right_arithmetic3A_229, %and3A_231 : vector<16xi32>
      %xor3A_233 = arith.xori %bitcast3A_226, %and3A_232 : vector<16xi32>
      %and3A_234 = arith.constant -32 : i32
      %and3A_235 = vector.broadcast %and3A_234 : i32 to vector<16xi32>
      %and3A_236 = arith.andi %xor3A_233, %and3A_235 : vector<16xi32>
      %or3A_237 = arith.constant 17 : i32
      %or3A_238 = vector.broadcast %or3A_237 : i32 to vector<16xi32>
      %or3A_239 = arith.ori %and3A_236, %or3A_238 : vector<16xi32>
      %get3A_240 = arith.constant 15 : i32
      %get3A_241 = arith.index_cast %get3A_240 : i32 to index
      %get3A_242 = arith.index_cast %mul3A_10 : i32 to index
      %get3A_243 = tpu.vector_load %arg4[%get3A_241, %get3A_242] {strides = array<i32>} : memref<24x256xf32, #tpu.memory_space<vmem>>, vector<16xf32>,
      %bitcast3A_244 = vector.bitcast %get3A_243 : vector<16xf32> to vector<16xi32>
      %shift_right_arithmetic3A_245 = arith.constant 31 : i32
      %shift_right_arithmetic3A_246 = vector.broadcast %shift_right_arithmetic3A_245 : i32 to vector<16xi32>
      %shift_right_arithmetic3A_247 = arith.shrsi %bitcast3A_244, %shift_right_arithmetic3A_246 : vector<16xi32>
      %and3A_248 = arith.constant 2147483647 : i32
      %and3A_249 = vector.broadcast %and3A_248 : i32 to vector<16xi32>
      %and3A_250 = arith.andi %shift_right_arithmetic3A_247, %and3A_249 : vector<16xi32>
      %xor3A_251 = arith.xori %bitcast3A_244, %and3A_250 : vector<16xi32>
      %and3A_252 = arith.constant -32 : i32
      %and3A_253 = vector.broadcast %and3A_252 : i32 to vector<16xi32>
      %and3A_254 = arith.andi %xor3A_251, %and3A_253 : vector<16xi32>
      %or3A_255 = arith.constant 16 : i32
      %or3A_256 = vector.broadcast %or3A_255 : i32 to vector<16xi32>
      %or3A_257 = arith.ori %and3A_254, %or3A_256 : vector<16xi32>
      %get3A_258 = arith.constant 16 : i32
      %get3A_259 = arith.index_cast %get3A_258 : i32 to index
      %get3A_260 = arith.index_cast %mul3A_10 : i32 to index
      %get3A_261 = tpu.vector_load %arg4[%get3A_259, %get3A_260] {strides = array<i32>} : memref<24x256xf32, #tpu.memory_space<vmem>>, vector<16xf32>,
      %bitcast3A_262 = vector.bitcast %get3A_261 : vector<16xf32> to vector<16xi32>
      %shift_right_arithmetic3A_263 = arith.constant 31 : i32
      %shift_right_arithmetic3A_264 = vector.broadcast %shift_right_arithmetic3A_263 : i32 to vector<16xi32>
      %shift_right_arithmetic3A_265 = arith.shrsi %bitcast3A_262, %shift_right_arithmetic3A_264 : vector<16xi32>
      %and3A_266 = arith.constant 2147483647 : i32
      %and3A_267 = vector.broadcast %and3A_266 : i32 to vector<16xi32>
      %and3A_268 = arith.andi %shift_right_arithmetic3A_265, %and3A_267 : vector<16xi32>
      %xor3A_269 = arith.xori %bitcast3A_262, %and3A_268 : vector<16xi32>
      %and3A_270 = arith.constant -32 : i32
      %and3A_271 = vector.broadcast %and3A_270 : i32 to vector<16xi32>
      %and3A_272 = arith.andi %xor3A_269, %and3A_271 : vector<16xi32>
      %or3A_273 = arith.constant 15 : i32
      %or3A_274 = vector.broadcast %or3A_273 : i32 to vector<16xi32>
      %or3A_275 = arith.ori %and3A_272, %or3A_274 : vector<16xi32>
      %get3A_276 = arith.constant 17 : i32
      %get3A_277 = arith.index_cast %get3A_276 : i32 to index
      %get3A_278 = arith.index_cast %mul3A_10 : i32 to index
      %get3A_279 = tpu.vector_load %arg4[%get3A_277, %get3A_278] {strides = array<i32>} : memref<24x256xf32, #tpu.memory_space<vmem>>, vector<16xf32>,
      %bitcast3A_280 = vector.bitcast %get3A_279 : vector<16xf32> to vector<16xi32>
      %shift_right_arithmetic3A_281 = arith.constant 31 : i32
      %shift_right_arithmetic3A_282 = vector.broadcast %shift_right_arithmetic3A_281 : i32 to vector<16xi32>
      %shift_right_arithmetic3A_283 = arith.shrsi %bitcast3A_280, %shift_right_arithmetic3A_282 : vector<16xi32>
      %and3A_284 = arith.constant 2147483647 : i32
      %and3A_285 = vector.broadcast %and3A_284 : i32 to vector<16xi32>
      %and3A_286 = arith.andi %shift_right_arithmetic3A_283, %and3A_285 : vector<16xi32>
      %xor3A_287 = arith.xori %bitcast3A_280, %and3A_286 : vector<16xi32>
      %and3A_288 = arith.constant -32 : i32
      %and3A_289 = vector.broadcast %and3A_288 : i32 to vector<16xi32>
      %and3A_290 = arith.andi %xor3A_287, %and3A_289 : vector<16xi32>
      %or3A_291 = arith.constant 14 : i32
      %or3A_292 = vector.broadcast %or3A_291 : i32 to vector<16xi32>
      %or3A_293 = arith.ori %and3A_290, %or3A_292 : vector<16xi32>
      %get3A_294 = arith.constant 18 : i32
      %get3A_295 = arith.index_cast %get3A_294 : i32 to index
      %get3A_296 = arith.index_cast %mul3A_10 : i32 to index
      %get3A_297 = tpu.vector_load %arg4[%get3A_295, %get3A_296] {strides = array<i32>} : memref<24x256xf32, #tpu.memory_space<vmem>>, vector<16xf32>,
      %bitcast3A_298 = vector.bitcast %get3A_297 : vector<16xf32> to vector<16xi32>
      %shift_right_arithmetic3A_299 = arith.constant 31 : i32
      %shift_right_arithmetic3A_300 = vector.broadcast %shift_right_arithmetic3A_299 : i32 to vector<16xi32>
      %shift_right_arithmetic3A_301 = arith.shrsi %bitcast3A_298, %shift_right_arithmetic3A_300 : vector<16xi32>
      %and3A_302 = arith.constant 2147483647 : i32
      %and3A_303 = vector.broadcast %and3A_302 : i32 to vector<16xi32>
      %and3A_304 = arith.andi %shift_right_arithmetic3A_301, %and3A_303 : vector<16xi32>
      %xor3A_305 = arith.xori %bitcast3A_298, %and3A_304 : vector<16xi32>
      %and3A_306 = arith.constant -32 : i32
      %and3A_307 = vector.broadcast %and3A_306 : i32 to vector<16xi32>
      %and3A_308 = arith.andi %xor3A_305, %and3A_307 : vector<16xi32>
      %or3A_309 = arith.constant 13 : i32
      %or3A_310 = vector.broadcast %or3A_309 : i32 to vector<16xi32>
      %or3A_311 = arith.ori %and3A_308, %or3A_310 : vector<16xi32>
      %get3A_312 = arith.constant 19 : i32
      %get3A_313 = arith.index_cast %get3A_312 : i32 to index
      %get3A_314 = arith.index_cast %mul3A_10 : i32 to index
      %get3A_315 = tpu.vector_load %arg4[%get3A_313, %get3A_314] {strides = array<i32>} : memref<24x256xf32, #tpu.memory_space<vmem>>, vector<16xf32>,
      %bitcast3A_316 = vector.bitcast %get3A_315 : vector<16xf32> to vector<16xi32>
      %shift_right_arithmetic3A_317 = arith.constant 31 : i32
      %shift_right_arithmetic3A_318 = vector.broadcast %shift_right_arithmetic3A_317 : i32 to vector<16xi32>
      %shift_right_arithmetic3A_319 = arith.shrsi %bitcast3A_316, %shift_right_arithmetic3A_318 : vector<16xi32>
      %and3A_320 = arith.constant 2147483647 : i32
      %and3A_321 = vector.broadcast %and3A_320 : i32 to vector<16xi32>
      %and3A_322 = arith.andi %shift_right_arithmetic3A_319, %and3A_321 : vector<16xi32>
      %xor3A_323 = arith.xori %bitcast3A_316, %and3A_322 : vector<16xi32>
      %and3A_324 = arith.constant -32 : i32
      %and3A_325 = vector.broadcast %and3A_324 : i32 to vector<16xi32>
      %and3A_326 = arith.andi %xor3A_323, %and3A_325 : vector<16xi32>
      %or3A_327 = arith.constant 12 : i32
      %or3A_328 = vector.broadcast %or3A_327 : i32 to vector<16xi32>
      %or3A_329 = arith.ori %and3A_326, %or3A_328 : vector<16xi32>
      %get3A_330 = arith.constant 20 : i32
      %get3A_331 = arith.index_cast %get3A_330 : i32 to index
      %get3A_332 = arith.index_cast %mul3A_10 : i32 to index
      %get3A_333 = tpu.vector_load %arg4[%get3A_331, %get3A_332] {strides = array<i32>} : memref<24x256xf32, #tpu.memory_space<vmem>>, vector<16xf32>,
      %bitcast3A_334 = vector.bitcast %get3A_333 : vector<16xf32> to vector<16xi32>
      %shift_right_arithmetic3A_335 = arith.constant 31 : i32
      %shift_right_arithmetic3A_336 = vector.broadcast %shift_right_arithmetic3A_335 : i32 to vector<16xi32>
      %shift_right_arithmetic3A_337 = arith.shrsi %bitcast3A_334, %shift_right_arithmetic3A_336 : vector<16xi32>
      %and3A_338 = arith.constant 2147483647 : i32
      %and3A_339 = vector.broadcast %and3A_338 : i32 to vector<16xi32>
      %and3A_340 = arith.andi %shift_right_arithmetic3A_337, %and3A_339 : vector<16xi32>
      %xor3A_341 = arith.xori %bitcast3A_334, %and3A_340 : vector<16xi32>
      %and3A_342 = arith.constant -32 : i32
      %and3A_343 = vector.broadcast %and3A_342 : i32 to vector<16xi32>
      %and3A_344 = arith.andi %xor3A_341, %and3A_343 : vector<16xi32>
      %or3A_345 = arith.constant 11 : i32
      %or3A_346 = vector.broadcast %or3A_345 : i32 to vector<16xi32>
      %or3A_347 = arith.ori %and3A_344, %or3A_346 : vector<16xi32>
      %get3A_348 = arith.constant 21 : i32
      %get3A_349 = arith.index_cast %get3A_348 : i32 to index
      %get3A_350 = arith.index_cast %mul3A_10 : i32 to index
      %get3A_351 = tpu.vector_load %arg4[%get3A_349, %get3A_350] {strides = array<i32>} : memref<24x256xf32, #tpu.memory_space<vmem>>, vector<16xf32>,
      %bitcast3A_352 = vector.bitcast %get3A_351 : vector<16xf32> to vector<16xi32>
      %shift_right_arithmetic3A_353 = arith.constant 31 : i32
      %shift_right_arithmetic3A_354 = vector.broadcast %shift_right_arithmetic3A_353 : i32 to vector<16xi32>
      %shift_right_arithmetic3A_355 = arith.shrsi %bitcast3A_352, %shift_right_arithmetic3A_354 : vector<16xi32>
      %and3A_356 = arith.constant 2147483647 : i32
      %and3A_357 = vector.broadcast %and3A_356 : i32 to vector<16xi32>
      %and3A_358 = arith.andi %shift_right_arithmetic3A_355, %and3A_357 : vector<16xi32>
      %xor3A_359 = arith.xori %bitcast3A_352, %and3A_358 : vector<16xi32>
      %and3A_360 = arith.constant -32 : i32
      %and3A_361 = vector.broadcast %and3A_360 : i32 to vector<16xi32>
      %and3A_362 = arith.andi %xor3A_359, %and3A_361 : vector<16xi32>
      %or3A_363 = arith.constant 10 : i32
      %or3A_364 = vector.broadcast %or3A_363 : i32 to vector<16xi32>
      %or3A_365 = arith.ori %and3A_362, %or3A_364 : vector<16xi32>
      %get3A_366 = arith.constant 22 : i32
      %get3A_367 = arith.index_cast %get3A_366 : i32 to index
      %get3A_368 = arith.index_cast %mul3A_10 : i32 to index
      %get3A_369 = tpu.vector_load %arg4[%get3A_367, %get3A_368] {strides = array<i32>} : memref<24x256xf32, #tpu.memory_space<vmem>>, vector<16xf32>,
      %bitcast3A_370 = vector.bitcast %get3A_369 : vector<16xf32> to vector<16xi32>
      %shift_right_arithmetic3A_371 = arith.constant 31 : i32
      %shift_right_arithmetic3A_372 = vector.broadcast %shift_right_arithmetic3A_371 : i32 to vector<16xi32>
      %shift_right_arithmetic3A_373 = arith.shrsi %bitcast3A_370, %shift_right_arithmetic3A_372 : vector<16xi32>
      %and3A_374 = arith.constant 2147483647 : i32
      %and3A_375 = vector.broadcast %and3A_374 : i32 to vector<16xi32>
      %and3A_376 = arith.andi %shift_right_arithmetic3A_373, %and3A_375 : vector<16xi32>
      %xor3A_377 = arith.xori %bitcast3A_370, %and3A_376 : vector<16xi32>
      %and3A_378 = arith.constant -32 : i32
      %and3A_379 = vector.broadcast %and3A_378 : i32 to vector<16xi32>
      %and3A_380 = arith.andi %xor3A_377, %and3A_379 : vector<16xi32>
      %or3A_381 = arith.constant 9 : i32
      %or3A_382 = vector.broadcast %or3A_381 : i32 to vector<16xi32>
      %or3A_383 = arith.ori %and3A_380, %or3A_382 : vector<16xi32>
      %get3A_384 = arith.constant 23 : i32
      %get3A_385 = arith.index_cast %get3A_384 : i32 to index
      %get3A_386 = arith.index_cast %mul3A_10 : i32 to index
      %get3A_387 = tpu.vector_load %arg4[%get3A_385, %get3A_386] {strides = array<i32>} : memref<24x256xf32, #tpu.memory_space<vmem>>, vector<16xf32>,
      %bitcast3A_388 = vector.bitcast %get3A_387 : vector<16xf32> to vector<16xi32>
      %shift_right_arithmetic3A_389 = arith.constant 31 : i32
      %shift_right_arithmetic3A_390 = vector.broadcast %shift_right_arithmetic3A_389 : i32 to vector<16xi32>
      %shift_right_arithmetic3A_391 = arith.shrsi %bitcast3A_388, %shift_right_arithmetic3A_390 : vector<16xi32>
      %and3A_392 = arith.constant 2147483647 : i32
      %and3A_393 = vector.broadcast %and3A_392 : i32 to vector<16xi32>
      %and3A_394 = arith.andi %shift_right_arithmetic3A_391, %and3A_393 : vector<16xi32>
      %xor3A_395 = arith.xori %bitcast3A_388, %and3A_394 : vector<16xi32>
      %and3A_396 = arith.constant -32 : i32
      %and3A_397 = vector.broadcast %and3A_396 : i32 to vector<16xi32>
      %and3A_398 = arith.andi %xor3A_395, %and3A_397 : vector<16xi32>
      %or3A_399 = arith.constant 8 : i32
      %or3A_400 = vector.broadcast %or3A_399 : i32 to vector<16xi32>
      %or3A_401 = arith.ori %and3A_398, %or3A_400 : vector<16xi32>
      %max3A = arith.maxsi %or3A_23, %or3A_41 : vector<16xi32>
      %max3A_402 = arith.maxsi %or3A_59, %or3A_77 : vector<16xi32>
      %max3A_403 = arith.maxsi %or3A_95, %or3A_113 : vector<16xi32>
      %max3A_404 = arith.maxsi %or3A_131, %or3A_149 : vector<16xi32>
      %max3A_405 = arith.maxsi %or3A_167, %or3A_185 : vector<16xi32>
      %max3A_406 = arith.maxsi %or3A_203, %or3A_221 : vector<16xi32>
      %max3A_407 = arith.maxsi %or3A_239, %or3A_257 : vector<16xi32>
      %max3A_408 = arith.maxsi %or3A_275, %or3A_293 : vector<16xi32>
      %max3A_409 = arith.maxsi %or3A_311, %or3A_329 : vector<16xi32>
      %max3A_410 = arith.maxsi %or3A_347, %or3A_365 : vector<16xi32>
      %max3A_411 = arith.maxsi %or3A_383, %or3A_401 : vector<16xi32>
      %max3A_412 = arith.maxsi %max3A, %max3A_402 : vector<16xi32>
      %max3A_413 = arith.maxsi %max3A_403, %max3A_404 : vector<16xi32>
      %max3A_414 = arith.maxsi %max3A_405, %max3A_406 : vector<16xi32>
      %max3A_415 = arith.maxsi %max3A_407, %max3A_408 : vector<16xi32>
      %max3A_416 = arith.maxsi %max3A_409, %max3A_410 : vector<16xi32>
      %max3A_417 = arith.maxsi %max3A_412, %max3A_413 : vector<16xi32>
      %max3A_418 = arith.maxsi %max3A_414, %max3A_415 : vector<16xi32>
      %max3A_419 = arith.maxsi %max3A_416, %max3A_411 : vector<16xi32>
      %max3A_420 = arith.maxsi %max3A_417, %max3A_418 : vector<16xi32>
      %max3A_421 = arith.maxsi %max3A_420, %max3A_419 : vector<16xi32>
      %eq3A = arith.cmpi eq, %or3A_23, %max3A_421 : vector<16xi32>
      %jit3A = arith.constant 1.000000e+00 : f32
      %jit3A_422 = arith.constant 0.000000e+00 : f32
      %broadcast_in_dim3A_423 = vector.broadcast %jit3A : f32 to vector<16xf32>
      %broadcast_in_dim3A_424 = vector.broadcast %jit3A_422 : f32 to vector<16xf32>
      %select_n3A = arith.select %eq3A, %broadcast_in_dim3A_423, %broadcast_in_dim3A_424 : vector<16xi1>, vector<16xf32>
      %jit3A_425 = arith.constant -2147483648 : i32
      %broadcast_in_dim3A_426 = vector.broadcast %jit3A_425 : i32 to vector<16xi32>
      %select_n3A_427 = arith.select %eq3A, %broadcast_in_dim3A_426, %or3A_23 : vector<16xi1>, vector<16xi32>
      %eq3A_428 = arith.cmpi eq, %or3A_41, %max3A_421 : vector<16xi32>
      %jit3A_429 = arith.constant 1.000000e+00 : f32
      %jit3A_430 = arith.constant 0.000000e+00 : f32
      %broadcast_in_dim3A_431 = vector.broadcast %jit3A_429 : f32 to vector<16xf32>
      %broadcast_in_dim3A_432 = vector.broadcast %jit3A_430 : f32 to vector<16xf32>
      %select_n3A_433 = arith.select %eq3A_428, %broadcast_in_dim3A_431, %broadcast_in_dim3A_432 : vector<16xi1>, vector<16xf32>
      %jit3A_434 = arith.constant -2147483648 : i32
      %broadcast_in_dim3A_435 = vector.broadcast %jit3A_434 : i32 to vector<16xi32>
      %select_n3A_436 = arith.select %eq3A_428, %broadcast_in_dim3A_435, %or3A_41 : vector<16xi1>, vector<16xi32>
      %eq3A_437 = arith.cmpi eq, %or3A_59, %max3A_421 : vector<16xi32>
      %jit3A_438 = arith.constant 1.000000e+00 : f32
      %jit3A_439 = arith.constant 0.000000e+00 : f32
      %broadcast_in_dim3A_440 = vector.broadcast %jit3A_438 : f32 to vector<16xf32>
      %broadcast_in_dim3A_441 = vector.broadcast %jit3A_439 : f32 to vector<16xf32>
      %select_n3A_442 = arith.select %eq3A_437, %broadcast_in_dim3A_440, %broadcast_in_dim3A_441 : vector<16xi1>, vector<16xf32>
      %jit3A_443 = arith.constant -2147483648 : i32
      %broadcast_in_dim3A_444 = vector.broadcast %jit3A_443 : i32 to vector<16xi32>
      %select_n3A_445 = arith.select %eq3A_437, %broadcast_in_dim3A_444, %or3A_59 : vector<16xi1>, vector<16xi32>
      %eq3A_446 = arith.cmpi eq, %or3A_77, %max3A_421 : vector<16xi32>
      %jit3A_447 = arith.constant 1.000000e+00 : f32
      %jit3A_448 = arith.constant 0.000000e+00 : f32
      %broadcast_in_dim3A_449 = vector.broadcast %jit3A_447 : f32 to vector<16xf32>
      %broadcast_in_dim3A_450 = vector.broadcast %jit3A_448 : f32 to vector<16xf32>
      %select_n3A_451 = arith.select %eq3A_446, %broadcast_in_dim3A_449, %broadcast_in_dim3A_450 : vector<16xi1>, vector<16xf32>
      %jit3A_452 = arith.constant -2147483648 : i32
      %broadcast_in_dim3A_453 = vector.broadcast %jit3A_452 : i32 to vector<16xi32>
      %select_n3A_454 = arith.select %eq3A_446, %broadcast_in_dim3A_453, %or3A_77 : vector<16xi1>, vector<16xi32>
      %eq3A_455 = arith.cmpi eq, %or3A_95, %max3A_421 : vector<16xi32>
      %jit3A_456 = arith.constant 1.000000e+00 : f32
      %jit3A_457 = arith.constant 0.000000e+00 : f32
      %broadcast_in_dim3A_458 = vector.broadcast %jit3A_456 : f32 to vector<16xf32>
      %broadcast_in_dim3A_459 = vector.broadcast %jit3A_457 : f32 to vector<16xf32>
      %select_n3A_460 = arith.select %eq3A_455, %broadcast_in_dim3A_458, %broadcast_in_dim3A_459 : vector<16xi1>, vector<16xf32>
      %jit3A_461 = arith.constant -2147483648 : i32
      %broadcast_in_dim3A_462 = vector.broadcast %jit3A_461 : i32 to vector<16xi32>
      %select_n3A_463 = arith.select %eq3A_455, %broadcast_in_dim3A_462, %or3A_95 : vector<16xi1>, vector<16xi32>
      %eq3A_464 = arith.cmpi eq, %or3A_113, %max3A_421 : vector<16xi32>
      %jit3A_465 = arith.constant 1.000000e+00 : f32
      %jit3A_466 = arith.constant 0.000000e+00 : f32
      %broadcast_in_dim3A_467 = vector.broadcast %jit3A_465 : f32 to vector<16xf32>
      %broadcast_in_dim3A_468 = vector.broadcast %jit3A_466 : f32 to vector<16xf32>
      %select_n3A_469 = arith.select %eq3A_464, %broadcast_in_dim3A_467, %broadcast_in_dim3A_468 : vector<16xi1>, vector<16xf32>
      %jit3A_470 = arith.constant -2147483648 : i32
      %broadcast_in_dim3A_471 = vector.broadcast %jit3A_470 : i32 to vector<16xi32>
      %select_n3A_472 = arith.select %eq3A_464, %broadcast_in_dim3A_471, %or3A_113 : vector<16xi1>, vector<16xi32>
      %eq3A_473 = arith.cmpi eq, %or3A_131, %max3A_421 : vector<16xi32>
      %jit3A_474 = arith.constant 1.000000e+00 : f32
      %jit3A_475 = arith.constant 0.000000e+00 : f32
      %broadcast_in_dim3A_476 = vector.broadcast %jit3A_474 : f32 to vector<16xf32>
      %broadcast_in_dim3A_477 = vector.broadcast %jit3A_475 : f32 to vector<16xf32>
      %select_n3A_478 = arith.select %eq3A_473, %broadcast_in_dim3A_476, %broadcast_in_dim3A_477 : vector<16xi1>, vector<16xf32>
      %jit3A_479 = arith.constant -2147483648 : i32
      %broadcast_in_dim3A_480 = vector.broadcast %jit3A_479 : i32 to vector<16xi32>
      %select_n3A_481 = arith.select %eq3A_473, %broadcast_in_dim3A_480, %or3A_131 : vector<16xi1>, vector<16xi32>
      %eq3A_482 = arith.cmpi eq, %or3A_149, %max3A_421 : vector<16xi32>
      %jit3A_483 = arith.constant 1.000000e+00 : f32
      %jit3A_484 = arith.constant 0.000000e+00 : f32
      %broadcast_in_dim3A_485 = vector.broadcast %jit3A_483 : f32 to vector<16xf32>
      %broadcast_in_dim3A_486 = vector.broadcast %jit3A_484 : f32 to vector<16xf32>
      %select_n3A_487 = arith.select %eq3A_482, %broadcast_in_dim3A_485, %broadcast_in_dim3A_486 : vector<16xi1>, vector<16xf32>
      %jit3A_488 = arith.constant -2147483648 : i32
      %broadcast_in_dim3A_489 = vector.broadcast %jit3A_488 : i32 to vector<16xi32>
      %select_n3A_490 = arith.select %eq3A_482, %broadcast_in_dim3A_489, %or3A_149 : vector<16xi1>, vector<16xi32>
      %eq3A_491 = arith.cmpi eq, %or3A_167, %max3A_421 : vector<16xi32>
      %jit3A_492 = arith.constant 1.000000e+00 : f32
      %jit3A_493 = arith.constant 0.000000e+00 : f32
      %broadcast_in_dim3A_494 = vector.broadcast %jit3A_492 : f32 to vector<16xf32>
      %broadcast_in_dim3A_495 = vector.broadcast %jit3A_493 : f32 to vector<16xf32>
      %select_n3A_496 = arith.select %eq3A_491, %broadcast_in_dim3A_494, %broadcast_in_dim3A_495 : vector<16xi1>, vector<16xf32>
      %jit3A_497 = arith.constant -2147483648 : i32
      %broadcast_in_dim3A_498 = vector.broadcast %jit3A_497 : i32 to vector<16xi32>
      %select_n3A_499 = arith.select %eq3A_491, %broadcast_in_dim3A_498, %or3A_167 : vector<16xi1>, vector<16xi32>
      %eq3A_500 = arith.cmpi eq, %or3A_185, %max3A_421 : vector<16xi32>
      %jit3A_501 = arith.constant 1.000000e+00 : f32
      %jit3A_502 = arith.constant 0.000000e+00 : f32
      %broadcast_in_dim3A_503 = vector.broadcast %jit3A_501 : f32 to vector<16xf32>
      %broadcast_in_dim3A_504 = vector.broadcast %jit3A_502 : f32 to vector<16xf32>
      %select_n3A_505 = arith.select %eq3A_500, %broadcast_in_dim3A_503, %broadcast_in_dim3A_504 : vector<16xi1>, vector<16xf32>
      %jit3A_506 = arith.constant -2147483648 : i32
      %broadcast_in_dim3A_507 = vector.broadcast %jit3A_506 : i32 to vector<16xi32>
      %select_n3A_508 = arith.select %eq3A_500, %broadcast_in_dim3A_507, %or3A_185 : vector<16xi1>, vector<16xi32>
      %eq3A_509 = arith.cmpi eq, %or3A_203, %max3A_421 : vector<16xi32>
      %jit3A_510 = arith.constant 1.000000e+00 : f32
      %jit3A_511 = arith.constant 0.000000e+00 : f32
      %broadcast_in_dim3A_512 = vector.broadcast %jit3A_510 : f32 to vector<16xf32>
      %broadcast_in_dim3A_513 = vector.broadcast %jit3A_511 : f32 to vector<16xf32>
      %select_n3A_514 = arith.select %eq3A_509, %broadcast_in_dim3A_512, %broadcast_in_dim3A_513 : vector<16xi1>, vector<16xf32>
      %jit3A_515 = arith.constant -2147483648 : i32
      %broadcast_in_dim3A_516 = vector.broadcast %jit3A_515 : i32 to vector<16xi32>
      %select_n3A_517 = arith.select %eq3A_509, %broadcast_in_dim3A_516, %or3A_203 : vector<16xi1>, vector<16xi32>
      %eq3A_518 = arith.cmpi eq, %or3A_221, %max3A_421 : vector<16xi32>
      %jit3A_519 = arith.constant 1.000000e+00 : f32
      %jit3A_520 = arith.constant 0.000000e+00 : f32
      %broadcast_in_dim3A_521 = vector.broadcast %jit3A_519 : f32 to vector<16xf32>
      %broadcast_in_dim3A_522 = vector.broadcast %jit3A_520 : f32 to vector<16xf32>
      %select_n3A_523 = arith.select %eq3A_518, %broadcast_in_dim3A_521, %broadcast_in_dim3A_522 : vector<16xi1>, vector<16xf32>
      %jit3A_524 = arith.constant -2147483648 : i32
      %broadcast_in_dim3A_525 = vector.broadcast %jit3A_524 : i32 to vector<16xi32>
      %select_n3A_526 = arith.select %eq3A_518, %broadcast_in_dim3A_525, %or3A_221 : vector<16xi1>, vector<16xi32>
      %eq3A_527 = arith.cmpi eq, %or3A_239, %max3A_421 : vector<16xi32>
      %jit3A_528 = arith.constant 1.000000e+00 : f32
      %jit3A_529 = arith.constant 0.000000e+00 : f32
      %broadcast_in_dim3A_530 = vector.broadcast %jit3A_528 : f32 to vector<16xf32>
      %broadcast_in_dim3A_531 = vector.broadcast %jit3A_529 : f32 to vector<16xf32>
      %select_n3A_532 = arith.select %eq3A_527, %broadcast_in_dim3A_530, %broadcast_in_dim3A_531 : vector<16xi1>, vector<16xf32>
      %jit3A_533 = arith.constant -2147483648 : i32
      %broadcast_in_dim3A_534 = vector.broadcast %jit3A_533 : i32 to vector<16xi32>
      %select_n3A_535 = arith.select %eq3A_527, %broadcast_in_dim3A_534, %or3A_239 : vector<16xi1>, vector<16xi32>
      %eq3A_536 = arith.cmpi eq, %or3A_257, %max3A_421 : vector<16xi32>
      %jit3A_537 = arith.constant 1.000000e+00 : f32
      %jit3A_538 = arith.constant 0.000000e+00 : f32
      %broadcast_in_dim3A_539 = vector.broadcast %jit3A_537 : f32 to vector<16xf32>
      %broadcast_in_dim3A_540 = vector.broadcast %jit3A_538 : f32 to vector<16xf32>
      %select_n3A_541 = arith.select %eq3A_536, %broadcast_in_dim3A_539, %broadcast_in_dim3A_540 : vector<16xi1>, vector<16xf32>
      %jit3A_542 = arith.constant -2147483648 : i32
      %broadcast_in_dim3A_543 = vector.broadcast %jit3A_542 : i32 to vector<16xi32>
      %select_n3A_544 = arith.select %eq3A_536, %broadcast_in_dim3A_543, %or3A_257 : vector<16xi1>, vector<16xi32>
      %eq3A_545 = arith.cmpi eq, %or3A_275, %max3A_421 : vector<16xi32>
      %jit3A_546 = arith.constant 1.000000e+00 : f32
      %jit3A_547 = arith.constant 0.000000e+00 : f32
      %broadcast_in_dim3A_548 = vector.broadcast %jit3A_546 : f32 to vector<16xf32>
      %broadcast_in_dim3A_549 = vector.broadcast %jit3A_547 : f32 to vector<16xf32>
      %select_n3A_550 = arith.select %eq3A_545, %broadcast_in_dim3A_548, %broadcast_in_dim3A_549 : vector<16xi1>, vector<16xf32>
      %jit3A_551 = arith.constant -2147483648 : i32
      %broadcast_in_dim3A_552 = vector.broadcast %jit3A_551 : i32 to vector<16xi32>
      %select_n3A_553 = arith.select %eq3A_545, %broadcast_in_dim3A_552, %or3A_275 : vector<16xi1>, vector<16xi32>
      %eq3A_554 = arith.cmpi eq, %or3A_293, %max3A_421 : vector<16xi32>
      %jit3A_555 = arith.constant 1.000000e+00 : f32
      %jit3A_556 = arith.constant 0.000000e+00 : f32
      %broadcast_in_dim3A_557 = vector.broadcast %jit3A_555 : f32 to vector<16xf32>
      %broadcast_in_dim3A_558 = vector.broadcast %jit3A_556 : f32 to vector<16xf32>
      %select_n3A_559 = arith.select %eq3A_554, %broadcast_in_dim3A_557, %broadcast_in_dim3A_558 : vector<16xi1>, vector<16xf32>
      %jit3A_560 = arith.constant -2147483648 : i32
      %broadcast_in_dim3A_561 = vector.broadcast %jit3A_560 : i32 to vector<16xi32>
      %select_n3A_562 = arith.select %eq3A_554, %broadcast_in_dim3A_561, %or3A_293 : vector<16xi1>, vector<16xi32>
      %eq3A_563 = arith.cmpi eq, %or3A_311, %max3A_421 : vector<16xi32>
      %jit3A_564 = arith.constant 1.000000e+00 : f32
      %jit3A_565 = arith.constant 0.000000e+00 : f32
      %broadcast_in_dim3A_566 = vector.broadcast %jit3A_564 : f32 to vector<16xf32>
      %broadcast_in_dim3A_567 = vector.broadcast %jit3A_565 : f32 to vector<16xf32>
      %select_n3A_568 = arith.select %eq3A_563, %broadcast_in_dim3A_566, %broadcast_in_dim3A_567 : vector<16xi1>, vector<16xf32>
      %jit3A_569 = arith.constant -2147483648 : i32
      %broadcast_in_dim3A_570 = vector.broadcast %jit3A_569 : i32 to vector<16xi32>
      %select_n3A_571 = arith.select %eq3A_563, %broadcast_in_dim3A_570, %or3A_311 : vector<16xi1>, vector<16xi32>
      %eq3A_572 = arith.cmpi eq, %or3A_329, %max3A_421 : vector<16xi32>
      %jit3A_573 = arith.constant 1.000000e+00 : f32
      %jit3A_574 = arith.constant 0.000000e+00 : f32
      %broadcast_in_dim3A_575 = vector.broadcast %jit3A_573 : f32 to vector<16xf32>
      %broadcast_in_dim3A_576 = vector.broadcast %jit3A_574 : f32 to vector<16xf32>
      %select_n3A_577 = arith.select %eq3A_572, %broadcast_in_dim3A_575, %broadcast_in_dim3A_576 : vector<16xi1>, vector<16xf32>
      %jit3A_578 = arith.constant -2147483648 : i32
      %broadcast_in_dim3A_579 = vector.broadcast %jit3A_578 : i32 to vector<16xi32>
      %select_n3A_580 = arith.select %eq3A_572, %broadcast_in_dim3A_579, %or3A_329 : vector<16xi1>, vector<16xi32>
      %eq3A_581 = arith.cmpi eq, %or3A_347, %max3A_421 : vector<16xi32>
      %jit3A_582 = arith.constant 1.000000e+00 : f32
      %jit3A_583 = arith.constant 0.000000e+00 : f32
      %broadcast_in_dim3A_584 = vector.broadcast %jit3A_582 : f32 to vector<16xf32>
      %broadcast_in_dim3A_585 = vector.broadcast %jit3A_583 : f32 to vector<16xf32>
      %select_n3A_586 = arith.select %eq3A_581, %broadcast_in_dim3A_584, %broadcast_in_dim3A_585 : vector<16xi1>, vector<16xf32>
      %jit3A_587 = arith.constant -2147483648 : i32
      %broadcast_in_dim3A_588 = vector.broadcast %jit3A_587 : i32 to vector<16xi32>
      %select_n3A_589 = arith.select %eq3A_581, %broadcast_in_dim3A_588, %or3A_347 : vector<16xi1>, vector<16xi32>
      %eq3A_590 = arith.cmpi eq, %or3A_365, %max3A_421 : vector<16xi32>
      %jit3A_591 = arith.constant 1.000000e+00 : f32
      %jit3A_592 = arith.constant 0.000000e+00 : f32
      %broadcast_in_dim3A_593 = vector.broadcast %jit3A_591 : f32 to vector<16xf32>
      %broadcast_in_dim3A_594 = vector.broadcast %jit3A_592 : f32 to vector<16xf32>
      %select_n3A_595 = arith.select %eq3A_590, %broadcast_in_dim3A_593, %broadcast_in_dim3A_594 : vector<16xi1>, vector<16xf32>
      %jit3A_596 = arith.constant -2147483648 : i32
      %broadcast_in_dim3A_597 = vector.broadcast %jit3A_596 : i32 to vector<16xi32>
      %select_n3A_598 = arith.select %eq3A_590, %broadcast_in_dim3A_597, %or3A_365 : vector<16xi1>, vector<16xi32>
      %eq3A_599 = arith.cmpi eq, %or3A_383, %max3A_421 : vector<16xi32>
      %jit3A_600 = arith.constant 1.000000e+00 : f32
      %jit3A_601 = arith.constant 0.000000e+00 : f32
      %broadcast_in_dim3A_602 = vector.broadcast %jit3A_600 : f32 to vector<16xf32>
      %broadcast_in_dim3A_603 = vector.broadcast %jit3A_601 : f32 to vector<16xf32>
      %select_n3A_604 = arith.select %eq3A_599, %broadcast_in_dim3A_602, %broadcast_in_dim3A_603 : vector<16xi1>, vector<16xf32>
      %jit3A_605 = arith.constant -2147483648 : i32
      %broadcast_in_dim3A_606 = vector.broadcast %jit3A_605 : i32 to vector<16xi32>
      %select_n3A_607 = arith.select %eq3A_599, %broadcast_in_dim3A_606, %or3A_383 : vector<16xi1>, vector<16xi32>
      %eq3A_608 = arith.cmpi eq, %or3A_401, %max3A_421 : vector<16xi32>
      %jit3A_609 = arith.constant 1.000000e+00 : f32
      %jit3A_610 = arith.constant 0.000000e+00 : f32
      %broadcast_in_dim3A_611 = vector.broadcast %jit3A_609 : f32 to vector<16xf32>
      %broadcast_in_dim3A_612 = vector.broadcast %jit3A_610 : f32 to vector<16xf32>
      %select_n3A_613 = arith.select %eq3A_608, %broadcast_in_dim3A_611, %broadcast_in_dim3A_612 : vector<16xi1>, vector<16xf32>
      %jit3A_614 = arith.constant -2147483648 : i32
      %broadcast_in_dim3A_615 = vector.broadcast %jit3A_614 : i32 to vector<16xi32>
      %select_n3A_616 = arith.select %eq3A_608, %broadcast_in_dim3A_615, %or3A_401 : vector<16xi1>, vector<16xi32>
      %max3A_617 = arith.maxsi %select_n3A_427, %select_n3A_436 : vector<16xi32>
      %max3A_618 = arith.maxsi %select_n3A_445, %select_n3A_454 : vector<16xi32>
      %max3A_619 = arith.maxsi %select_n3A_463, %select_n3A_472 : vector<16xi32>
      %max3A_620 = arith.maxsi %select_n3A_481, %select_n3A_490 : vector<16xi32>
      %max3A_621 = arith.maxsi %select_n3A_499, %select_n3A_508 : vector<16xi32>
      %max3A_622 = arith.maxsi %select_n3A_517, %select_n3A_526 : vector<16xi32>
      %max3A_623 = arith.maxsi %select_n3A_535, %select_n3A_544 : vector<16xi32>
      %max3A_624 = arith.maxsi %select_n3A_553, %select_n3A_562 : vector<16xi32>
      %max3A_625 = arith.maxsi %select_n3A_571, %select_n3A_580 : vector<16xi32>
      %max3A_626 = arith.maxsi %select_n3A_589, %select_n3A_598 : vector<16xi32>
      %max3A_627 = arith.maxsi %select_n3A_607, %select_n3A_616 : vector<16xi32>
      %max3A_628 = arith.maxsi %max3A_617, %max3A_618 : vector<16xi32>
      %max3A_629 = arith.maxsi %max3A_619, %max3A_620 : vector<16xi32>
      %max3A_630 = arith.maxsi %max3A_621, %max3A_622 : vector<16xi32>
      %max3A_631 = arith.maxsi %max3A_623, %max3A_624 : vector<16xi32>
      %max3A_632 = arith.maxsi %max3A_625, %max3A_626 : vector<16xi32>
      %max3A_633 = arith.maxsi %max3A_628, %max3A_629 : vector<16xi32>
      %max3A_634 = arith.maxsi %max3A_630, %max3A_631 : vector<16xi32>
      %max3A_635 = arith.maxsi %max3A_632, %max3A_627 : vector<16xi32>
      %max3A_636 = arith.maxsi %max3A_633, %max3A_634 : vector<16xi32>
      %max3A_637 = arith.maxsi %max3A_636, %max3A_635 : vector<16xi32>
      %eq3A_638 = arith.cmpi eq, %select_n3A_427, %max3A_637 : vector<16xi32>
      %jit3A_639 = arith.constant 1.000000e+00 : f32
      %jit3A_640 = arith.constant 0.000000e+00 : f32
      %broadcast_in_dim3A_641 = vector.broadcast %jit3A_639 : f32 to vector<16xf32>
      %broadcast_in_dim3A_642 = vector.broadcast %jit3A_640 : f32 to vector<16xf32>
      %select_n3A_643 = arith.select %eq3A_638, %broadcast_in_dim3A_641, %broadcast_in_dim3A_642 : vector<16xi1>, vector<16xf32>
      %max3A_644 = arith.maximumf %select_n3A, %select_n3A_643 : vector<16xf32>
      %jit3A_645 = arith.constant -2147483648 : i32
      %broadcast_in_dim3A_646 = vector.broadcast %jit3A_645 : i32 to vector<16xi32>
      %select_n3A_647 = arith.select %eq3A_638, %broadcast_in_dim3A_646, %select_n3A_427 : vector<16xi1>, vector<16xi32>
      %eq3A_648 = arith.cmpi eq, %select_n3A_436, %max3A_637 : vector<16xi32>
      %jit3A_649 = arith.constant 1.000000e+00 : f32
      %jit3A_650 = arith.constant 0.000000e+00 : f32
      %broadcast_in_dim3A_651 = vector.broadcast %jit3A_649 : f32 to vector<16xf32>
      %broadcast_in_dim3A_652 = vector.broadcast %jit3A_650 : f32 to vector<16xf32>
      %select_n3A_653 = arith.select %eq3A_648, %broadcast_in_dim3A_651, %broadcast_in_dim3A_652 : vector<16xi1>, vector<16xf32>
      %max3A_654 = arith.maximumf %select_n3A_433, %select_n3A_653 : vector<16xf32>
      %jit3A_655 = arith.constant -2147483648 : i32
      %broadcast_in_dim3A_656 = vector.broadcast %jit3A_655 : i32 to vector<16xi32>
      %select_n3A_657 = arith.select %eq3A_648, %broadcast_in_dim3A_656, %select_n3A_436 : vector<16xi1>, vector<16xi32>
      %eq3A_658 = arith.cmpi eq, %select_n3A_445, %max3A_637 : vector<16xi32>
      %jit3A_659 = arith.constant 1.000000e+00 : f32
      %jit3A_660 = arith.constant 0.000000e+00 : f32
      %broadcast_in_dim3A_661 = vector.broadcast %jit3A_659 : f32 to vector<16xf32>
      %broadcast_in_dim3A_662 = vector.broadcast %jit3A_660 : f32 to vector<16xf32>
      %select_n3A_663 = arith.select %eq3A_658, %broadcast_in_dim3A_661, %broadcast_in_dim3A_662 : vector<16xi1>, vector<16xf32>
      %max3A_664 = arith.maximumf %select_n3A_442, %select_n3A_663 : vector<16xf32>
      %jit3A_665 = arith.constant -2147483648 : i32
      %broadcast_in_dim3A_666 = vector.broadcast %jit3A_665 : i32 to vector<16xi32>
      %select_n3A_667 = arith.select %eq3A_658, %broadcast_in_dim3A_666, %select_n3A_445 : vector<16xi1>, vector<16xi32>
      %eq3A_668 = arith.cmpi eq, %select_n3A_454, %max3A_637 : vector<16xi32>
      %jit3A_669 = arith.constant 1.000000e+00 : f32
      %jit3A_670 = arith.constant 0.000000e+00 : f32
      %broadcast_in_dim3A_671 = vector.broadcast %jit3A_669 : f32 to vector<16xf32>
      %broadcast_in_dim3A_672 = vector.broadcast %jit3A_670 : f32 to vector<16xf32>
      %select_n3A_673 = arith.select %eq3A_668, %broadcast_in_dim3A_671, %broadcast_in_dim3A_672 : vector<16xi1>, vector<16xf32>
      %max3A_674 = arith.maximumf %select_n3A_451, %select_n3A_673 : vector<16xf32>
      %jit3A_675 = arith.constant -2147483648 : i32
      %broadcast_in_dim3A_676 = vector.broadcast %jit3A_675 : i32 to vector<16xi32>
      %select_n3A_677 = arith.select %eq3A_668, %broadcast_in_dim3A_676, %select_n3A_454 : vector<16xi1>, vector<16xi32>
      %eq3A_678 = arith.cmpi eq, %select_n3A_463, %max3A_637 : vector<16xi32>
      %jit3A_679 = arith.constant 1.000000e+00 : f32
      %jit3A_680 = arith.constant 0.000000e+00 : f32
      %broadcast_in_dim3A_681 = vector.broadcast %jit3A_679 : f32 to vector<16xf32>
      %broadcast_in_dim3A_682 = vector.broadcast %jit3A_680 : f32 to vector<16xf32>
      %select_n3A_683 = arith.select %eq3A_678, %broadcast_in_dim3A_681, %broadcast_in_dim3A_682 : vector<16xi1>, vector<16xf32>
      %max3A_684 = arith.maximumf %select_n3A_460, %select_n3A_683 : vector<16xf32>
      %jit3A_685 = arith.constant -2147483648 : i32
      %broadcast_in_dim3A_686 = vector.broadcast %jit3A_685 : i32 to vector<16xi32>
      %select_n3A_687 = arith.select %eq3A_678, %broadcast_in_dim3A_686, %select_n3A_463 : vector<16xi1>, vector<16xi32>
      %eq3A_688 = arith.cmpi eq, %select_n3A_472, %max3A_637 : vector<16xi32>
      %jit3A_689 = arith.constant 1.000000e+00 : f32
      %jit3A_690 = arith.constant 0.000000e+00 : f32
      %broadcast_in_dim3A_691 = vector.broadcast %jit3A_689 : f32 to vector<16xf32>
      %broadcast_in_dim3A_692 = vector.broadcast %jit3A_690 : f32 to vector<16xf32>
      %select_n3A_693 = arith.select %eq3A_688, %broadcast_in_dim3A_691, %broadcast_in_dim3A_692 : vector<16xi1>, vector<16xf32>
      %max3A_694 = arith.maximumf %select_n3A_469, %select_n3A_693 : vector<16xf32>
      %jit3A_695 = arith.constant -2147483648 : i32
      %broadcast_in_dim3A_696 = vector.broadcast %jit3A_695 : i32 to vector<16xi32>
      %select_n3A_697 = arith.select %eq3A_688, %broadcast_in_dim3A_696, %select_n3A_472 : vector<16xi1>, vector<16xi32>
      %eq3A_698 = arith.cmpi eq, %select_n3A_481, %max3A_637 : vector<16xi32>
      %jit3A_699 = arith.constant 1.000000e+00 : f32
      %jit3A_700 = arith.constant 0.000000e+00 : f32
      %broadcast_in_dim3A_701 = vector.broadcast %jit3A_699 : f32 to vector<16xf32>
      %broadcast_in_dim3A_702 = vector.broadcast %jit3A_700 : f32 to vector<16xf32>
      %select_n3A_703 = arith.select %eq3A_698, %broadcast_in_dim3A_701, %broadcast_in_dim3A_702 : vector<16xi1>, vector<16xf32>
      %max3A_704 = arith.maximumf %select_n3A_478, %select_n3A_703 : vector<16xf32>
      %jit3A_705 = arith.constant -2147483648 : i32
      %broadcast_in_dim3A_706 = vector.broadcast %jit3A_705 : i32 to vector<16xi32>
      %select_n3A_707 = arith.select %eq3A_698, %broadcast_in_dim3A_706, %select_n3A_481 : vector<16xi1>, vector<16xi32>
      %eq3A_708 = arith.cmpi eq, %select_n3A_490, %max3A_637 : vector<16xi32>
      %jit3A_709 = arith.constant 1.000000e+00 : f32
      %jit3A_710 = arith.constant 0.000000e+00 : f32
      %broadcast_in_dim3A_711 = vector.broadcast %jit3A_709 : f32 to vector<16xf32>
      %broadcast_in_dim3A_712 = vector.broadcast %jit3A_710 : f32 to vector<16xf32>
      %select_n3A_713 = arith.select %eq3A_708, %broadcast_in_dim3A_711, %broadcast_in_dim3A_712 : vector<16xi1>, vector<16xf32>
      %max3A_714 = arith.maximumf %select_n3A_487, %select_n3A_713 : vector<16xf32>
      %jit3A_715 = arith.constant -2147483648 : i32
      %broadcast_in_dim3A_716 = vector.broadcast %jit3A_715 : i32 to vector<16xi32>
      %select_n3A_717 = arith.select %eq3A_708, %broadcast_in_dim3A_716, %select_n3A_490 : vector<16xi1>, vector<16xi32>
      %eq3A_718 = arith.cmpi eq, %select_n3A_499, %max3A_637 : vector<16xi32>
      %jit3A_719 = arith.constant 1.000000e+00 : f32
      %jit3A_720 = arith.constant 0.000000e+00 : f32
      %broadcast_in_dim3A_721 = vector.broadcast %jit3A_719 : f32 to vector<16xf32>
      %broadcast_in_dim3A_722 = vector.broadcast %jit3A_720 : f32 to vector<16xf32>
      %select_n3A_723 = arith.select %eq3A_718, %broadcast_in_dim3A_721, %broadcast_in_dim3A_722 : vector<16xi1>, vector<16xf32>
      %max3A_724 = arith.maximumf %select_n3A_496, %select_n3A_723 : vector<16xf32>
      %jit3A_725 = arith.constant -2147483648 : i32
      %broadcast_in_dim3A_726 = vector.broadcast %jit3A_725 : i32 to vector<16xi32>
      %select_n3A_727 = arith.select %eq3A_718, %broadcast_in_dim3A_726, %select_n3A_499 : vector<16xi1>, vector<16xi32>
      %eq3A_728 = arith.cmpi eq, %select_n3A_508, %max3A_637 : vector<16xi32>
      %jit3A_729 = arith.constant 1.000000e+00 : f32
      %jit3A_730 = arith.constant 0.000000e+00 : f32
      %broadcast_in_dim3A_731 = vector.broadcast %jit3A_729 : f32 to vector<16xf32>
      %broadcast_in_dim3A_732 = vector.broadcast %jit3A_730 : f32 to vector<16xf32>
      %select_n3A_733 = arith.select %eq3A_728, %broadcast_in_dim3A_731, %broadcast_in_dim3A_732 : vector<16xi1>, vector<16xf32>
      %max3A_734 = arith.maximumf %select_n3A_505, %select_n3A_733 : vector<16xf32>
      %jit3A_735 = arith.constant -2147483648 : i32
      %broadcast_in_dim3A_736 = vector.broadcast %jit3A_735 : i32 to vector<16xi32>
      %select_n3A_737 = arith.select %eq3A_728, %broadcast_in_dim3A_736, %select_n3A_508 : vector<16xi1>, vector<16xi32>
      %eq3A_738 = arith.cmpi eq, %select_n3A_517, %max3A_637 : vector<16xi32>
      %jit3A_739 = arith.constant 1.000000e+00 : f32
      %jit3A_740 = arith.constant 0.000000e+00 : f32
      %broadcast_in_dim3A_741 = vector.broadcast %jit3A_739 : f32 to vector<16xf32>
      %broadcast_in_dim3A_742 = vector.broadcast %jit3A_740 : f32 to vector<16xf32>
      %select_n3A_743 = arith.select %eq3A_738, %broadcast_in_dim3A_741, %broadcast_in_dim3A_742 : vector<16xi1>, vector<16xf32>
      %max3A_744 = arith.maximumf %select_n3A_514, %select_n3A_743 : vector<16xf32>
      %jit3A_745 = arith.constant -2147483648 : i32
      %broadcast_in_dim3A_746 = vector.broadcast %jit3A_745 : i32 to vector<16xi32>
      %select_n3A_747 = arith.select %eq3A_738, %broadcast_in_dim3A_746, %select_n3A_517 : vector<16xi1>, vector<16xi32>
      %eq3A_748 = arith.cmpi eq, %select_n3A_526, %max3A_637 : vector<16xi32>
      %jit3A_749 = arith.constant 1.000000e+00 : f32
      %jit3A_750 = arith.constant 0.000000e+00 : f32
      %broadcast_in_dim3A_751 = vector.broadcast %jit3A_749 : f32 to vector<16xf32>
      %broadcast_in_dim3A_752 = vector.broadcast %jit3A_750 : f32 to vector<16xf32>
      %select_n3A_753 = arith.select %eq3A_748, %broadcast_in_dim3A_751, %broadcast_in_dim3A_752 : vector<16xi1>, vector<16xf32>
      %max3A_754 = arith.maximumf %select_n3A_523, %select_n3A_753 : vector<16xf32>
      %jit3A_755 = arith.constant -2147483648 : i32
      %broadcast_in_dim3A_756 = vector.broadcast %jit3A_755 : i32 to vector<16xi32>
      %select_n3A_757 = arith.select %eq3A_748, %broadcast_in_dim3A_756, %select_n3A_526 : vector<16xi1>, vector<16xi32>
      %eq3A_758 = arith.cmpi eq, %select_n3A_535, %max3A_637 : vector<16xi32>
      %jit3A_759 = arith.constant 1.000000e+00 : f32
      %jit3A_760 = arith.constant 0.000000e+00 : f32
      %broadcast_in_dim3A_761 = vector.broadcast %jit3A_759 : f32 to vector<16xf32>
      %broadcast_in_dim3A_762 = vector.broadcast %jit3A_760 : f32 to vector<16xf32>
      %select_n3A_763 = arith.select %eq3A_758, %broadcast_in_dim3A_761, %broadcast_in_dim3A_762 : vector<16xi1>, vector<16xf32>
      %max3A_764 = arith.maximumf %select_n3A_532, %select_n3A_763 : vector<16xf32>
      %jit3A_765 = arith.constant -2147483648 : i32
      %broadcast_in_dim3A_766 = vector.broadcast %jit3A_765 : i32 to vector<16xi32>
      %select_n3A_767 = arith.select %eq3A_758, %broadcast_in_dim3A_766, %select_n3A_535 : vector<16xi1>, vector<16xi32>
      %eq3A_768 = arith.cmpi eq, %select_n3A_544, %max3A_637 : vector<16xi32>
      %jit3A_769 = arith.constant 1.000000e+00 : f32
      %jit3A_770 = arith.constant 0.000000e+00 : f32
      %broadcast_in_dim3A_771 = vector.broadcast %jit3A_769 : f32 to vector<16xf32>
      %broadcast_in_dim3A_772 = vector.broadcast %jit3A_770 : f32 to vector<16xf32>
      %select_n3A_773 = arith.select %eq3A_768, %broadcast_in_dim3A_771, %broadcast_in_dim3A_772 : vector<16xi1>, vector<16xf32>
      %max3A_774 = arith.maximumf %select_n3A_541, %select_n3A_773 : vector<16xf32>
      %jit3A_775 = arith.constant -2147483648 : i32
      %broadcast_in_dim3A_776 = vector.broadcast %jit3A_775 : i32 to vector<16xi32>
      %select_n3A_777 = arith.select %eq3A_768, %broadcast_in_dim3A_776, %select_n3A_544 : vector<16xi1>, vector<16xi32>
      %eq3A_778 = arith.cmpi eq, %select_n3A_553, %max3A_637 : vector<16xi32>
      %jit3A_779 = arith.constant 1.000000e+00 : f32
      %jit3A_780 = arith.constant 0.000000e+00 : f32
      %broadcast_in_dim3A_781 = vector.broadcast %jit3A_779 : f32 to vector<16xf32>
      %broadcast_in_dim3A_782 = vector.broadcast %jit3A_780 : f32 to vector<16xf32>
      %select_n3A_783 = arith.select %eq3A_778, %broadcast_in_dim3A_781, %broadcast_in_dim3A_782 : vector<16xi1>, vector<16xf32>
      %max3A_784 = arith.maximumf %select_n3A_550, %select_n3A_783 : vector<16xf32>
      %jit3A_785 = arith.constant -2147483648 : i32
      %broadcast_in_dim3A_786 = vector.broadcast %jit3A_785 : i32 to vector<16xi32>
      %select_n3A_787 = arith.select %eq3A_778, %broadcast_in_dim3A_786, %select_n3A_553 : vector<16xi1>, vector<16xi32>
      %eq3A_788 = arith.cmpi eq, %select_n3A_562, %max3A_637 : vector<16xi32>
      %jit3A_789 = arith.constant 1.000000e+00 : f32
      %jit3A_790 = arith.constant 0.000000e+00 : f32
      %broadcast_in_dim3A_791 = vector.broadcast %jit3A_789 : f32 to vector<16xf32>
      %broadcast_in_dim3A_792 = vector.broadcast %jit3A_790 : f32 to vector<16xf32>
      %select_n3A_793 = arith.select %eq3A_788, %broadcast_in_dim3A_791, %broadcast_in_dim3A_792 : vector<16xi1>, vector<16xf32>
      %max3A_794 = arith.maximumf %select_n3A_559, %select_n3A_793 : vector<16xf32>
      %jit3A_795 = arith.constant -2147483648 : i32
      %broadcast_in_dim3A_796 = vector.broadcast %jit3A_795 : i32 to vector<16xi32>
      %select_n3A_797 = arith.select %eq3A_788, %broadcast_in_dim3A_796, %select_n3A_562 : vector<16xi1>, vector<16xi32>
      %eq3A_798 = arith.cmpi eq, %select_n3A_571, %max3A_637 : vector<16xi32>
      %jit3A_799 = arith.constant 1.000000e+00 : f32
      %jit3A_800 = arith.constant 0.000000e+00 : f32
      %broadcast_in_dim3A_801 = vector.broadcast %jit3A_799 : f32 to vector<16xf32>
      %broadcast_in_dim3A_802 = vector.broadcast %jit3A_800 : f32 to vector<16xf32>
      %select_n3A_803 = arith.select %eq3A_798, %broadcast_in_dim3A_801, %broadcast_in_dim3A_802 : vector<16xi1>, vector<16xf32>
      %max3A_804 = arith.maximumf %select_n3A_568, %select_n3A_803 : vector<16xf32>
      %jit3A_805 = arith.constant -2147483648 : i32
      %broadcast_in_dim3A_806 = vector.broadcast %jit3A_805 : i32 to vector<16xi32>
      %select_n3A_807 = arith.select %eq3A_798, %broadcast_in_dim3A_806, %select_n3A_571 : vector<16xi1>, vector<16xi32>
      %eq3A_808 = arith.cmpi eq, %select_n3A_580, %max3A_637 : vector<16xi32>
      %jit3A_809 = arith.constant 1.000000e+00 : f32
      %jit3A_810 = arith.constant 0.000000e+00 : f32
      %broadcast_in_dim3A_811 = vector.broadcast %jit3A_809 : f32 to vector<16xf32>
      %broadcast_in_dim3A_812 = vector.broadcast %jit3A_810 : f32 to vector<16xf32>
      %select_n3A_813 = arith.select %eq3A_808, %broadcast_in_dim3A_811, %broadcast_in_dim3A_812 : vector<16xi1>, vector<16xf32>
      %max3A_814 = arith.maximumf %select_n3A_577, %select_n3A_813 : vector<16xf32>
      %jit3A_815 = arith.constant -2147483648 : i32
      %broadcast_in_dim3A_816 = vector.broadcast %jit3A_815 : i32 to vector<16xi32>
      %select_n3A_817 = arith.select %eq3A_808, %broadcast_in_dim3A_816, %select_n3A_580 : vector<16xi1>, vector<16xi32>
      %eq3A_818 = arith.cmpi eq, %select_n3A_589, %max3A_637 : vector<16xi32>
      %jit3A_819 = arith.constant 1.000000e+00 : f32
      %jit3A_820 = arith.constant 0.000000e+00 : f32
      %broadcast_in_dim3A_821 = vector.broadcast %jit3A_819 : f32 to vector<16xf32>
      %broadcast_in_dim3A_822 = vector.broadcast %jit3A_820 : f32 to vector<16xf32>
      %select_n3A_823 = arith.select %eq3A_818, %broadcast_in_dim3A_821, %broadcast_in_dim3A_822 : vector<16xi1>, vector<16xf32>
      %max3A_824 = arith.maximumf %select_n3A_586, %select_n3A_823 : vector<16xf32>
      %jit3A_825 = arith.constant -2147483648 : i32
      %broadcast_in_dim3A_826 = vector.broadcast %jit3A_825 : i32 to vector<16xi32>
      %select_n3A_827 = arith.select %eq3A_818, %broadcast_in_dim3A_826, %select_n3A_589 : vector<16xi1>, vector<16xi32>
      %eq3A_828 = arith.cmpi eq, %select_n3A_598, %max3A_637 : vector<16xi32>
      %jit3A_829 = arith.constant 1.000000e+00 : f32
      %jit3A_830 = arith.constant 0.000000e+00 : f32
      %broadcast_in_dim3A_831 = vector.broadcast %jit3A_829 : f32 to vector<16xf32>
      %broadcast_in_dim3A_832 = vector.broadcast %jit3A_830 : f32 to vector<16xf32>
      %select_n3A_833 = arith.select %eq3A_828, %broadcast_in_dim3A_831, %broadcast_in_dim3A_832 : vector<16xi1>, vector<16xf32>
      %max3A_834 = arith.maximumf %select_n3A_595, %select_n3A_833 : vector<16xf32>
      %jit3A_835 = arith.constant -2147483648 : i32
      %broadcast_in_dim3A_836 = vector.broadcast %jit3A_835 : i32 to vector<16xi32>
      %select_n3A_837 = arith.select %eq3A_828, %broadcast_in_dim3A_836, %select_n3A_598 : vector<16xi1>, vector<16xi32>
      %eq3A_838 = arith.cmpi eq, %select_n3A_607, %max3A_637 : vector<16xi32>
      %jit3A_839 = arith.constant 1.000000e+00 : f32
      %jit3A_840 = arith.constant 0.000000e+00 : f32
      %broadcast_in_dim3A_841 = vector.broadcast %jit3A_839 : f32 to vector<16xf32>
      %broadcast_in_dim3A_842 = vector.broadcast %jit3A_840 : f32 to vector<16xf32>
      %select_n3A_843 = arith.select %eq3A_838, %broadcast_in_dim3A_841, %broadcast_in_dim3A_842 : vector<16xi1>, vector<16xf32>
      %max3A_844 = arith.maximumf %select_n3A_604, %select_n3A_843 : vector<16xf32>
      %jit3A_845 = arith.constant -2147483648 : i32
      %broadcast_in_dim3A_846 = vector.broadcast %jit3A_845 : i32 to vector<16xi32>
      %select_n3A_847 = arith.select %eq3A_838, %broadcast_in_dim3A_846, %select_n3A_607 : vector<16xi1>, vector<16xi32>
      %eq3A_848 = arith.cmpi eq, %select_n3A_616, %max3A_637 : vector<16xi32>
      %jit3A_849 = arith.constant 1.000000e+00 : f32
      %jit3A_850 = arith.constant 0.000000e+00 : f32
      %broadcast_in_dim3A_851 = vector.broadcast %jit3A_849 : f32 to vector<16xf32>
      %broadcast_in_dim3A_852 = vector.broadcast %jit3A_850 : f32 to vector<16xf32>
      %select_n3A_853 = arith.select %eq3A_848, %broadcast_in_dim3A_851, %broadcast_in_dim3A_852 : vector<16xi1>, vector<16xf32>
      %max3A_854 = arith.maximumf %select_n3A_613, %select_n3A_853 : vector<16xf32>
      %jit3A_855 = arith.constant -2147483648 : i32
      %broadcast_in_dim3A_856 = vector.broadcast %jit3A_855 : i32 to vector<16xi32>
      %select_n3A_857 = arith.select %eq3A_848, %broadcast_in_dim3A_856, %select_n3A_616 : vector<16xi1>, vector<16xi32>
      %max3A_858 = arith.maxsi %select_n3A_647, %select_n3A_657 : vector<16xi32>
      %max3A_859 = arith.maxsi %select_n3A_667, %select_n3A_677 : vector<16xi32>
      %max3A_860 = arith.maxsi %select_n3A_687, %select_n3A_697 : vector<16xi32>
      %max3A_861 = arith.maxsi %select_n3A_707, %select_n3A_717 : vector<16xi32>
      %max3A_862 = arith.maxsi %select_n3A_727, %select_n3A_737 : vector<16xi32>
      %max3A_863 = arith.maxsi %select_n3A_747, %select_n3A_757 : vector<16xi32>
      %max3A_864 = arith.maxsi %select_n3A_767, %select_n3A_777 : vector<16xi32>
      %max3A_865 = arith.maxsi %select_n3A_787, %select_n3A_797 : vector<16xi32>
      %max3A_866 = arith.maxsi %select_n3A_807, %select_n3A_817 : vector<16xi32>
      %max3A_867 = arith.maxsi %select_n3A_827, %select_n3A_837 : vector<16xi32>
      %max3A_868 = arith.maxsi %select_n3A_847, %select_n3A_857 : vector<16xi32>
      %max3A_869 = arith.maxsi %max3A_858, %max3A_859 : vector<16xi32>
      %max3A_870 = arith.maxsi %max3A_860, %max3A_861 : vector<16xi32>
      %max3A_871 = arith.maxsi %max3A_862, %max3A_863 : vector<16xi32>
      %max3A_872 = arith.maxsi %max3A_864, %max3A_865 : vector<16xi32>
      %max3A_873 = arith.maxsi %max3A_866, %max3A_867 : vector<16xi32>
      %max3A_874 = arith.maxsi %max3A_869, %max3A_870 : vector<16xi32>
      %max3A_875 = arith.maxsi %max3A_871, %max3A_872 : vector<16xi32>
      %max3A_876 = arith.maxsi %max3A_873, %max3A_868 : vector<16xi32>
      %max3A_877 = arith.maxsi %max3A_874, %max3A_875 : vector<16xi32>
      %max3A_878 = arith.maxsi %max3A_877, %max3A_876 : vector<16xi32>
      %eq3A_879 = arith.cmpi eq, %select_n3A_647, %max3A_878 : vector<16xi32>
      %jit3A_880 = arith.constant 1.000000e+00 : f32
      %jit3A_881 = arith.constant 0.000000e+00 : f32
      %broadcast_in_dim3A_882 = vector.broadcast %jit3A_880 : f32 to vector<16xf32>
      %broadcast_in_dim3A_883 = vector.broadcast %jit3A_881 : f32 to vector<16xf32>
      %select_n3A_884 = arith.select %eq3A_879, %broadcast_in_dim3A_882, %broadcast_in_dim3A_883 : vector<16xi1>, vector<16xf32>
      %max3A_885 = arith.maximumf %max3A_644, %select_n3A_884 : vector<16xf32>
      %jit3A_886 = arith.constant -2147483648 : i32
      %broadcast_in_dim3A_887 = vector.broadcast %jit3A_886 : i32 to vector<16xi32>
      %select_n3A_888 = arith.select %eq3A_879, %broadcast_in_dim3A_887, %select_n3A_647 : vector<16xi1>, vector<16xi32>
      %eq3A_889 = arith.cmpi eq, %select_n3A_657, %max3A_878 : vector<16xi32>
      %jit3A_890 = arith.constant 1.000000e+00 : f32
      %jit3A_891 = arith.constant 0.000000e+00 : f32
      %broadcast_in_dim3A_892 = vector.broadcast %jit3A_890 : f32 to vector<16xf32>
      %broadcast_in_dim3A_893 = vector.broadcast %jit3A_891 : f32 to vector<16xf32>
      %select_n3A_894 = arith.select %eq3A_889, %broadcast_in_dim3A_892, %broadcast_in_dim3A_893 : vector<16xi1>, vector<16xf32>
      %max3A_895 = arith.maximumf %max3A_654, %select_n3A_894 : vector<16xf32>
      %jit3A_896 = arith.constant -2147483648 : i32
      %broadcast_in_dim3A_897 = vector.broadcast %jit3A_896 : i32 to vector<16xi32>
      %select_n3A_898 = arith.select %eq3A_889, %broadcast_in_dim3A_897, %select_n3A_657 : vector<16xi1>, vector<16xi32>
      %eq3A_899 = arith.cmpi eq, %select_n3A_667, %max3A_878 : vector<16xi32>
      %jit3A_900 = arith.constant 1.000000e+00 : f32
      %jit3A_901 = arith.constant 0.000000e+00 : f32
      %broadcast_in_dim3A_902 = vector.broadcast %jit3A_900 : f32 to vector<16xf32>
      %broadcast_in_dim3A_903 = vector.broadcast %jit3A_901 : f32 to vector<16xf32>
      %select_n3A_904 = arith.select %eq3A_899, %broadcast_in_dim3A_902, %broadcast_in_dim3A_903 : vector<16xi1>, vector<16xf32>
      %max3A_905 = arith.maximumf %max3A_664, %select_n3A_904 : vector<16xf32>
      %jit3A_906 = arith.constant -2147483648 : i32
      %broadcast_in_dim3A_907 = vector.broadcast %jit3A_906 : i32 to vector<16xi32>
      %select_n3A_908 = arith.select %eq3A_899, %broadcast_in_dim3A_907, %select_n3A_667 : vector<16xi1>, vector<16xi32>
      %eq3A_909 = arith.cmpi eq, %select_n3A_677, %max3A_878 : vector<16xi32>
      %jit3A_910 = arith.constant 1.000000e+00 : f32
      %jit3A_911 = arith.constant 0.000000e+00 : f32
      %broadcast_in_dim3A_912 = vector.broadcast %jit3A_910 : f32 to vector<16xf32>
      %broadcast_in_dim3A_913 = vector.broadcast %jit3A_911 : f32 to vector<16xf32>
      %select_n3A_914 = arith.select %eq3A_909, %broadcast_in_dim3A_912, %broadcast_in_dim3A_913 : vector<16xi1>, vector<16xf32>
      %max3A_915 = arith.maximumf %max3A_674, %select_n3A_914 : vector<16xf32>
      %jit3A_916 = arith.constant -2147483648 : i32
      %broadcast_in_dim3A_917 = vector.broadcast %jit3A_916 : i32 to vector<16xi32>
      %select_n3A_918 = arith.select %eq3A_909, %broadcast_in_dim3A_917, %select_n3A_677 : vector<16xi1>, vector<16xi32>
      %eq3A_919 = arith.cmpi eq, %select_n3A_687, %max3A_878 : vector<16xi32>
      %jit3A_920 = arith.constant 1.000000e+00 : f32
      %jit3A_921 = arith.constant 0.000000e+00 : f32
      %broadcast_in_dim3A_922 = vector.broadcast %jit3A_920 : f32 to vector<16xf32>
      %broadcast_in_dim3A_923 = vector.broadcast %jit3A_921 : f32 to vector<16xf32>
      %select_n3A_924 = arith.select %eq3A_919, %broadcast_in_dim3A_922, %broadcast_in_dim3A_923 : vector<16xi1>, vector<16xf32>
      %max3A_925 = arith.maximumf %max3A_684, %select_n3A_924 : vector<16xf32>
      %jit3A_926 = arith.constant -2147483648 : i32
      %broadcast_in_dim3A_927 = vector.broadcast %jit3A_926 : i32 to vector<16xi32>
      %select_n3A_928 = arith.select %eq3A_919, %broadcast_in_dim3A_927, %select_n3A_687 : vector<16xi1>, vector<16xi32>
      %eq3A_929 = arith.cmpi eq, %select_n3A_697, %max3A_878 : vector<16xi32>
      %jit3A_930 = arith.constant 1.000000e+00 : f32
      %jit3A_931 = arith.constant 0.000000e+00 : f32
      %broadcast_in_dim3A_932 = vector.broadcast %jit3A_930 : f32 to vector<16xf32>
      %broadcast_in_dim3A_933 = vector.broadcast %jit3A_931 : f32 to vector<16xf32>
      %select_n3A_934 = arith.select %eq3A_929, %broadcast_in_dim3A_932, %broadcast_in_dim3A_933 : vector<16xi1>, vector<16xf32>
      %max3A_935 = arith.maximumf %max3A_694, %select_n3A_934 : vector<16xf32>
      %jit3A_936 = arith.constant -2147483648 : i32
      %broadcast_in_dim3A_937 = vector.broadcast %jit3A_936 : i32 to vector<16xi32>
      %select_n3A_938 = arith.select %eq3A_929, %broadcast_in_dim3A_937, %select_n3A_697 : vector<16xi1>, vector<16xi32>
      %eq3A_939 = arith.cmpi eq, %select_n3A_707, %max3A_878 : vector<16xi32>
      %jit3A_940 = arith.constant 1.000000e+00 : f32
      %jit3A_941 = arith.constant 0.000000e+00 : f32
      %broadcast_in_dim3A_942 = vector.broadcast %jit3A_940 : f32 to vector<16xf32>
      %broadcast_in_dim3A_943 = vector.broadcast %jit3A_941 : f32 to vector<16xf32>
      %select_n3A_944 = arith.select %eq3A_939, %broadcast_in_dim3A_942, %broadcast_in_dim3A_943 : vector<16xi1>, vector<16xf32>
      %max3A_945 = arith.maximumf %max3A_704, %select_n3A_944 : vector<16xf32>
      %jit3A_946 = arith.constant -2147483648 : i32
      %broadcast_in_dim3A_947 = vector.broadcast %jit3A_946 : i32 to vector<16xi32>
      %select_n3A_948 = arith.select %eq3A_939, %broadcast_in_dim3A_947, %select_n3A_707 : vector<16xi1>, vector<16xi32>
      %eq3A_949 = arith.cmpi eq, %select_n3A_717, %max3A_878 : vector<16xi32>
      %jit3A_950 = arith.constant 1.000000e+00 : f32
      %jit3A_951 = arith.constant 0.000000e+00 : f32
      %broadcast_in_dim3A_952 = vector.broadcast %jit3A_950 : f32 to vector<16xf32>
      %broadcast_in_dim3A_953 = vector.broadcast %jit3A_951 : f32 to vector<16xf32>
      %select_n3A_954 = arith.select %eq3A_949, %broadcast_in_dim3A_952, %broadcast_in_dim3A_953 : vector<16xi1>, vector<16xf32>
      %max3A_955 = arith.maximumf %max3A_714, %select_n3A_954 : vector<16xf32>
      %jit3A_956 = arith.constant -2147483648 : i32
      %broadcast_in_dim3A_957 = vector.broadcast %jit3A_956 : i32 to vector<16xi32>
      %select_n3A_958 = arith.select %eq3A_949, %broadcast_in_dim3A_957, %select_n3A_717 : vector<16xi1>, vector<16xi32>
      %eq3A_959 = arith.cmpi eq, %select_n3A_727, %max3A_878 : vector<16xi32>
      %jit3A_960 = arith.constant 1.000000e+00 : f32
      %jit3A_961 = arith.constant 0.000000e+00 : f32
      %broadcast_in_dim3A_962 = vector.broadcast %jit3A_960 : f32 to vector<16xf32>
      %broadcast_in_dim3A_963 = vector.broadcast %jit3A_961 : f32 to vector<16xf32>
      %select_n3A_964 = arith.select %eq3A_959, %broadcast_in_dim3A_962, %broadcast_in_dim3A_963 : vector<16xi1>, vector<16xf32>
      %max3A_965 = arith.maximumf %max3A_724, %select_n3A_964 : vector<16xf32>
      %jit3A_966 = arith.constant -2147483648 : i32
      %broadcast_in_dim3A_967 = vector.broadcast %jit3A_966 : i32 to vector<16xi32>
      %select_n3A_968 = arith.select %eq3A_959, %broadcast_in_dim3A_967, %select_n3A_727 : vector<16xi1>, vector<16xi32>
      %eq3A_969 = arith.cmpi eq, %select_n3A_737, %max3A_878 : vector<16xi32>
      %jit3A_970 = arith.constant 1.000000e+00 : f32
      %jit3A_971 = arith.constant 0.000000e+00 : f32
      %broadcast_in_dim3A_972 = vector.broadcast %jit3A_970 : f32 to vector<16xf32>
      %broadcast_in_dim3A_973 = vector.broadcast %jit3A_971 : f32 to vector<16xf32>
      %select_n3A_974 = arith.select %eq3A_969, %broadcast_in_dim3A_972, %broadcast_in_dim3A_973 : vector<16xi1>, vector<16xf32>
      %max3A_975 = arith.maximumf %max3A_734, %select_n3A_974 : vector<16xf32>
      %jit3A_976 = arith.constant -2147483648 : i32
      %broadcast_in_dim3A_977 = vector.broadcast %jit3A_976 : i32 to vector<16xi32>
      %select_n3A_978 = arith.select %eq3A_969, %broadcast_in_dim3A_977, %select_n3A_737 : vector<16xi1>, vector<16xi32>
      %eq3A_979 = arith.cmpi eq, %select_n3A_747, %max3A_878 : vector<16xi32>
      %jit3A_980 = arith.constant 1.000000e+00 : f32
      %jit3A_981 = arith.constant 0.000000e+00 : f32
      %broadcast_in_dim3A_982 = vector.broadcast %jit3A_980 : f32 to vector<16xf32>
      %broadcast_in_dim3A_983 = vector.broadcast %jit3A_981 : f32 to vector<16xf32>
      %select_n3A_984 = arith.select %eq3A_979, %broadcast_in_dim3A_982, %broadcast_in_dim3A_983 : vector<16xi1>, vector<16xf32>
      %max3A_985 = arith.maximumf %max3A_744, %select_n3A_984 : vector<16xf32>
      %jit3A_986 = arith.constant -2147483648 : i32
      %broadcast_in_dim3A_987 = vector.broadcast %jit3A_986 : i32 to vector<16xi32>
      %select_n3A_988 = arith.select %eq3A_979, %broadcast_in_dim3A_987, %select_n3A_747 : vector<16xi1>, vector<16xi32>
      %eq3A_989 = arith.cmpi eq, %select_n3A_757, %max3A_878 : vector<16xi32>
      %jit3A_990 = arith.constant 1.000000e+00 : f32
      %jit3A_991 = arith.constant 0.000000e+00 : f32
      %broadcast_in_dim3A_992 = vector.broadcast %jit3A_990 : f32 to vector<16xf32>
      %broadcast_in_dim3A_993 = vector.broadcast %jit3A_991 : f32 to vector<16xf32>
      %select_n3A_994 = arith.select %eq3A_989, %broadcast_in_dim3A_992, %broadcast_in_dim3A_993 : vector<16xi1>, vector<16xf32>
      %max3A_995 = arith.maximumf %max3A_754, %select_n3A_994 : vector<16xf32>
      %jit3A_996 = arith.constant -2147483648 : i32
      %broadcast_in_dim3A_997 = vector.broadcast %jit3A_996 : i32 to vector<16xi32>
      %select_n3A_998 = arith.select %eq3A_989, %broadcast_in_dim3A_997, %select_n3A_757 : vector<16xi1>, vector<16xi32>
      %eq3A_999 = arith.cmpi eq, %select_n3A_767, %max3A_878 : vector<16xi32>
      %jit3A_1000 = arith.constant 1.000000e+00 : f32
      %jit3A_1001 = arith.constant 0.000000e+00 : f32
      %broadcast_in_dim3A_1002 = vector.broadcast %jit3A_1000 : f32 to vector<16xf32>
      %broadcast_in_dim3A_1003 = vector.broadcast %jit3A_1001 : f32 to vector<16xf32>
      %select_n3A_1004 = arith.select %eq3A_999, %broadcast_in_dim3A_1002, %broadcast_in_dim3A_1003 : vector<16xi1>, vector<16xf32>
      %max3A_1005 = arith.maximumf %max3A_764, %select_n3A_1004 : vector<16xf32>
      %jit3A_1006 = arith.constant -2147483648 : i32
      %broadcast_in_dim3A_1007 = vector.broadcast %jit3A_1006 : i32 to vector<16xi32>
      %select_n3A_1008 = arith.select %eq3A_999, %broadcast_in_dim3A_1007, %select_n3A_767 : vector<16xi1>, vector<16xi32>
      %eq3A_1009 = arith.cmpi eq, %select_n3A_777, %max3A_878 : vector<16xi32>
      %jit3A_1010 = arith.constant 1.000000e+00 : f32
      %jit3A_1011 = arith.constant 0.000000e+00 : f32
      %broadcast_in_dim3A_1012 = vector.broadcast %jit3A_1010 : f32 to vector<16xf32>
      %broadcast_in_dim3A_1013 = vector.broadcast %jit3A_1011 : f32 to vector<16xf32>
      %select_n3A_1014 = arith.select %eq3A_1009, %broadcast_in_dim3A_1012, %broadcast_in_dim3A_1013 : vector<16xi1>, vector<16xf32>
      %max3A_1015 = arith.maximumf %max3A_774, %select_n3A_1014 : vector<16xf32>
      %jit3A_1016 = arith.constant -2147483648 : i32
      %broadcast_in_dim3A_1017 = vector.broadcast %jit3A_1016 : i32 to vector<16xi32>
      %select_n3A_1018 = arith.select %eq3A_1009, %broadcast_in_dim3A_1017, %select_n3A_777 : vector<16xi1>, vector<16xi32>
      %eq3A_1019 = arith.cmpi eq, %select_n3A_787, %max3A_878 : vector<16xi32>
      %jit3A_1020 = arith.constant 1.000000e+00 : f32
      %jit3A_1021 = arith.constant 0.000000e+00 : f32
      %broadcast_in_dim3A_1022 = vector.broadcast %jit3A_1020 : f32 to vector<16xf32>
      %broadcast_in_dim3A_1023 = vector.broadcast %jit3A_1021 : f32 to vector<16xf32>
      %select_n3A_1024 = arith.select %eq3A_1019, %broadcast_in_dim3A_1022, %broadcast_in_dim3A_1023 : vector<16xi1>, vector<16xf32>
      %max3A_1025 = arith.maximumf %max3A_784, %select_n3A_1024 : vector<16xf32>
      %jit3A_1026 = arith.constant -2147483648 : i32
      %broadcast_in_dim3A_1027 = vector.broadcast %jit3A_1026 : i32 to vector<16xi32>
      %select_n3A_1028 = arith.select %eq3A_1019, %broadcast_in_dim3A_1027, %select_n3A_787 : vector<16xi1>, vector<16xi32>
      %eq3A_1029 = arith.cmpi eq, %select_n3A_797, %max3A_878 : vector<16xi32>
      %jit3A_1030 = arith.constant 1.000000e+00 : f32
      %jit3A_1031 = arith.constant 0.000000e+00 : f32
      %broadcast_in_dim3A_1032 = vector.broadcast %jit3A_1030 : f32 to vector<16xf32>
      %broadcast_in_dim3A_1033 = vector.broadcast %jit3A_1031 : f32 to vector<16xf32>
      %select_n3A_1034 = arith.select %eq3A_1029, %broadcast_in_dim3A_1032, %broadcast_in_dim3A_1033 : vector<16xi1>, vector<16xf32>
      %max3A_1035 = arith.maximumf %max3A_794, %select_n3A_1034 : vector<16xf32>
      %jit3A_1036 = arith.constant -2147483648 : i32
      %broadcast_in_dim3A_1037 = vector.broadcast %jit3A_1036 : i32 to vector<16xi32>
      %select_n3A_1038 = arith.select %eq3A_1029, %broadcast_in_dim3A_1037, %select_n3A_797 : vector<16xi1>, vector<16xi32>
      %eq3A_1039 = arith.cmpi eq, %select_n3A_807, %max3A_878 : vector<16xi32>
      %jit3A_1040 = arith.constant 1.000000e+00 : f32
      %jit3A_1041 = arith.constant 0.000000e+00 : f32
      %broadcast_in_dim3A_1042 = vector.broadcast %jit3A_1040 : f32 to vector<16xf32>
      %broadcast_in_dim3A_1043 = vector.broadcast %jit3A_1041 : f32 to vector<16xf32>
      %select_n3A_1044 = arith.select %eq3A_1039, %broadcast_in_dim3A_1042, %broadcast_in_dim3A_1043 : vector<16xi1>, vector<16xf32>
      %max3A_1045 = arith.maximumf %max3A_804, %select_n3A_1044 : vector<16xf32>
      %jit3A_1046 = arith.constant -2147483648 : i32
      %broadcast_in_dim3A_1047 = vector.broadcast %jit3A_1046 : i32 to vector<16xi32>
      %select_n3A_1048 = arith.select %eq3A_1039, %broadcast_in_dim3A_1047, %select_n3A_807 : vector<16xi1>, vector<16xi32>
      %eq3A_1049 = arith.cmpi eq, %select_n3A_817, %max3A_878 : vector<16xi32>
      %jit3A_1050 = arith.constant 1.000000e+00 : f32
      %jit3A_1051 = arith.constant 0.000000e+00 : f32
      %broadcast_in_dim3A_1052 = vector.broadcast %jit3A_1050 : f32 to vector<16xf32>
      %broadcast_in_dim3A_1053 = vector.broadcast %jit3A_1051 : f32 to vector<16xf32>
      %select_n3A_1054 = arith.select %eq3A_1049, %broadcast_in_dim3A_1052, %broadcast_in_dim3A_1053 : vector<16xi1>, vector<16xf32>
      %max3A_1055 = arith.maximumf %max3A_814, %select_n3A_1054 : vector<16xf32>
      %jit3A_1056 = arith.constant -2147483648 : i32
      %broadcast_in_dim3A_1057 = vector.broadcast %jit3A_1056 : i32 to vector<16xi32>
      %select_n3A_1058 = arith.select %eq3A_1049, %broadcast_in_dim3A_1057, %select_n3A_817 : vector<16xi1>, vector<16xi32>
      %eq3A_1059 = arith.cmpi eq, %select_n3A_827, %max3A_878 : vector<16xi32>
      %jit3A_1060 = arith.constant 1.000000e+00 : f32
      %jit3A_1061 = arith.constant 0.000000e+00 : f32
      %broadcast_in_dim3A_1062 = vector.broadcast %jit3A_1060 : f32 to vector<16xf32>
      %broadcast_in_dim3A_1063 = vector.broadcast %jit3A_1061 : f32 to vector<16xf32>
      %select_n3A_1064 = arith.select %eq3A_1059, %broadcast_in_dim3A_1062, %broadcast_in_dim3A_1063 : vector<16xi1>, vector<16xf32>
      %max3A_1065 = arith.maximumf %max3A_824, %select_n3A_1064 : vector<16xf32>
      %jit3A_1066 = arith.constant -2147483648 : i32
      %broadcast_in_dim3A_1067 = vector.broadcast %jit3A_1066 : i32 to vector<16xi32>
      %select_n3A_1068 = arith.select %eq3A_1059, %broadcast_in_dim3A_1067, %select_n3A_827 : vector<16xi1>, vector<16xi32>
      %eq3A_1069 = arith.cmpi eq, %select_n3A_837, %max3A_878 : vector<16xi32>
      %jit3A_1070 = arith.constant 1.000000e+00 : f32
      %jit3A_1071 = arith.constant 0.000000e+00 : f32
      %broadcast_in_dim3A_1072 = vector.broadcast %jit3A_1070 : f32 to vector<16xf32>
      %broadcast_in_dim3A_1073 = vector.broadcast %jit3A_1071 : f32 to vector<16xf32>
      %select_n3A_1074 = arith.select %eq3A_1069, %broadcast_in_dim3A_1072, %broadcast_in_dim3A_1073 : vector<16xi1>, vector<16xf32>
      %max3A_1075 = arith.maximumf %max3A_834, %select_n3A_1074 : vector<16xf32>
      %jit3A_1076 = arith.constant -2147483648 : i32
      %broadcast_in_dim3A_1077 = vector.broadcast %jit3A_1076 : i32 to vector<16xi32>
      %select_n3A_1078 = arith.select %eq3A_1069, %broadcast_in_dim3A_1077, %select_n3A_837 : vector<16xi1>, vector<16xi32>
      %eq3A_1079 = arith.cmpi eq, %select_n3A_847, %max3A_878 : vector<16xi32>
      %jit3A_1080 = arith.constant 1.000000e+00 : f32
      %jit3A_1081 = arith.constant 0.000000e+00 : f32
      %broadcast_in_dim3A_1082 = vector.broadcast %jit3A_1080 : f32 to vector<16xf32>
      %broadcast_in_dim3A_1083 = vector.broadcast %jit3A_1081 : f32 to vector<16xf32>
      %select_n3A_1084 = arith.select %eq3A_1079, %broadcast_in_dim3A_1082, %broadcast_in_dim3A_1083 : vector<16xi1>, vector<16xf32>
      %max3A_1085 = arith.maximumf %max3A_844, %select_n3A_1084 : vector<16xf32>
      %jit3A_1086 = arith.constant -2147483648 : i32
      %broadcast_in_dim3A_1087 = vector.broadcast %jit3A_1086 : i32 to vector<16xi32>
      %select_n3A_1088 = arith.select %eq3A_1079, %broadcast_in_dim3A_1087, %select_n3A_847 : vector<16xi1>, vector<16xi32>
      %eq3A_1089 = arith.cmpi eq, %select_n3A_857, %max3A_878 : vector<16xi32>
      %jit3A_1090 = arith.constant 1.000000e+00 : f32
      %jit3A_1091 = arith.constant 0.000000e+00 : f32
      %broadcast_in_dim3A_1092 = vector.broadcast %jit3A_1090 : f32 to vector<16xf32>
      %broadcast_in_dim3A_1093 = vector.broadcast %jit3A_1091 : f32 to vector<16xf32>
      %select_n3A_1094 = arith.select %eq3A_1089, %broadcast_in_dim3A_1092, %broadcast_in_dim3A_1093 : vector<16xi1>, vector<16xf32>
      %max3A_1095 = arith.maximumf %max3A_854, %select_n3A_1094 : vector<16xf32>
      %jit3A_1096 = arith.constant -2147483648 : i32
      %broadcast_in_dim3A_1097 = vector.broadcast %jit3A_1096 : i32 to vector<16xi32>
      %select_n3A_1098 = arith.select %eq3A_1089, %broadcast_in_dim3A_1097, %select_n3A_857 : vector<16xi1>, vector<16xi32>
      %max3A_1099 = arith.maxsi %select_n3A_888, %select_n3A_898 : vector<16xi32>
      %max3A_1100 = arith.maxsi %select_n3A_908, %select_n3A_918 : vector<16xi32>
      %max3A_1101 = arith.maxsi %select_n3A_928, %select_n3A_938 : vector<16xi32>
      %max3A_1102 = arith.maxsi %select_n3A_948, %select_n3A_958 : vector<16xi32>
      %max3A_1103 = arith.maxsi %select_n3A_968, %select_n3A_978 : vector<16xi32>
      %max3A_1104 = arith.maxsi %select_n3A_988, %select_n3A_998 : vector<16xi32>
      %max3A_1105 = arith.maxsi %select_n3A_1008, %select_n3A_1018 : vector<16xi32>
      %max3A_1106 = arith.maxsi %select_n3A_1028, %select_n3A_1038 : vector<16xi32>
      %max3A_1107 = arith.maxsi %select_n3A_1048, %select_n3A_1058 : vector<16xi32>
      %max3A_1108 = arith.maxsi %select_n3A_1068, %select_n3A_1078 : vector<16xi32>
      %max3A_1109 = arith.maxsi %select_n3A_1088, %select_n3A_1098 : vector<16xi32>
      %max3A_1110 = arith.maxsi %max3A_1099, %max3A_1100 : vector<16xi32>
      %max3A_1111 = arith.maxsi %max3A_1101, %max3A_1102 : vector<16xi32>
      %max3A_1112 = arith.maxsi %max3A_1103, %max3A_1104 : vector<16xi32>
      %max3A_1113 = arith.maxsi %max3A_1105, %max3A_1106 : vector<16xi32>
      %max3A_1114 = arith.maxsi %max3A_1107, %max3A_1108 : vector<16xi32>
      %max3A_1115 = arith.maxsi %max3A_1110, %max3A_1111 : vector<16xi32>
      %max3A_1116 = arith.maxsi %max3A_1112, %max3A_1113 : vector<16xi32>
      %max3A_1117 = arith.maxsi %max3A_1114, %max3A_1109 : vector<16xi32>
      %max3A_1118 = arith.maxsi %max3A_1115, %max3A_1116 : vector<16xi32>
      %max3A_1119 = arith.maxsi %max3A_1118, %max3A_1117 : vector<16xi32>
      %eq3A_1120 = arith.cmpi eq, %select_n3A_888, %max3A_1119 : vector<16xi32>
      %jit3A_1121 = arith.constant 1.000000e+00 : f32
      %jit3A_1122 = arith.constant 0.000000e+00 : f32
      %broadcast_in_dim3A_1123 = vector.broadcast %jit3A_1121 : f32 to vector<16xf32>
      %broadcast_in_dim3A_1124 = vector.broadcast %jit3A_1122 : f32 to vector<16xf32>
      %select_n3A_1125 = arith.select %eq3A_1120, %broadcast_in_dim3A_1123, %broadcast_in_dim3A_1124 : vector<16xi1>, vector<16xf32>
      %max3A_1126 = arith.maximumf %max3A_885, %select_n3A_1125 : vector<16xf32>
      %jit3A_1127 = arith.constant -2147483648 : i32
      %broadcast_in_dim3A_1128 = vector.broadcast %jit3A_1127 : i32 to vector<16xi32>
      %select_n3A_1129 = arith.select %eq3A_1120, %broadcast_in_dim3A_1128, %select_n3A_888 : vector<16xi1>, vector<16xi32>
      %eq3A_1130 = arith.cmpi eq, %select_n3A_898, %max3A_1119 : vector<16xi32>
      %jit3A_1131 = arith.constant 1.000000e+00 : f32
      %jit3A_1132 = arith.constant 0.000000e+00 : f32
      %broadcast_in_dim3A_1133 = vector.broadcast %jit3A_1131 : f32 to vector<16xf32>
      %broadcast_in_dim3A_1134 = vector.broadcast %jit3A_1132 : f32 to vector<16xf32>
      %select_n3A_1135 = arith.select %eq3A_1130, %broadcast_in_dim3A_1133, %broadcast_in_dim3A_1134 : vector<16xi1>, vector<16xf32>
      %max3A_1136 = arith.maximumf %max3A_895, %select_n3A_1135 : vector<16xf32>
      %jit3A_1137 = arith.constant -2147483648 : i32
      %broadcast_in_dim3A_1138 = vector.broadcast %jit3A_1137 : i32 to vector<16xi32>
      %select_n3A_1139 = arith.select %eq3A_1130, %broadcast_in_dim3A_1138, %select_n3A_898 : vector<16xi1>, vector<16xi32>
      %eq3A_1140 = arith.cmpi eq, %select_n3A_908, %max3A_1119 : vector<16xi32>
      %jit3A_1141 = arith.constant 1.000000e+00 : f32
      %jit3A_1142 = arith.constant 0.000000e+00 : f32
      %broadcast_in_dim3A_1143 = vector.broadcast %jit3A_1141 : f32 to vector<16xf32>
      %broadcast_in_dim3A_1144 = vector.broadcast %jit3A_1142 : f32 to vector<16xf32>
      %select_n3A_1145 = arith.select %eq3A_1140, %broadcast_in_dim3A_1143, %broadcast_in_dim3A_1144 : vector<16xi1>, vector<16xf32>
      %max3A_1146 = arith.maximumf %max3A_905, %select_n3A_1145 : vector<16xf32>
      %jit3A_1147 = arith.constant -2147483648 : i32
      %broadcast_in_dim3A_1148 = vector.broadcast %jit3A_1147 : i32 to vector<16xi32>
      %select_n3A_1149 = arith.select %eq3A_1140, %broadcast_in_dim3A_1148, %select_n3A_908 : vector<16xi1>, vector<16xi32>
      %eq3A_1150 = arith.cmpi eq, %select_n3A_918, %max3A_1119 : vector<16xi32>
      %jit3A_1151 = arith.constant 1.000000e+00 : f32
      %jit3A_1152 = arith.constant 0.000000e+00 : f32
      %broadcast_in_dim3A_1153 = vector.broadcast %jit3A_1151 : f32 to vector<16xf32>
      %broadcast_in_dim3A_1154 = vector.broadcast %jit3A_1152 : f32 to vector<16xf32>
      %select_n3A_1155 = arith.select %eq3A_1150, %broadcast_in_dim3A_1153, %broadcast_in_dim3A_1154 : vector<16xi1>, vector<16xf32>
      %max3A_1156 = arith.maximumf %max3A_915, %select_n3A_1155 : vector<16xf32>
      %jit3A_1157 = arith.constant -2147483648 : i32
      %broadcast_in_dim3A_1158 = vector.broadcast %jit3A_1157 : i32 to vector<16xi32>
      %select_n3A_1159 = arith.select %eq3A_1150, %broadcast_in_dim3A_1158, %select_n3A_918 : vector<16xi1>, vector<16xi32>
      %eq3A_1160 = arith.cmpi eq, %select_n3A_928, %max3A_1119 : vector<16xi32>
      %jit3A_1161 = arith.constant 1.000000e+00 : f32
      %jit3A_1162 = arith.constant 0.000000e+00 : f32
      %broadcast_in_dim3A_1163 = vector.broadcast %jit3A_1161 : f32 to vector<16xf32>
      %broadcast_in_dim3A_1164 = vector.broadcast %jit3A_1162 : f32 to vector<16xf32>
      %select_n3A_1165 = arith.select %eq3A_1160, %broadcast_in_dim3A_1163, %broadcast_in_dim3A_1164 : vector<16xi1>, vector<16xf32>
      %max3A_1166 = arith.maximumf %max3A_925, %select_n3A_1165 : vector<16xf32>
      %jit3A_1167 = arith.constant -2147483648 : i32
      %broadcast_in_dim3A_1168 = vector.broadcast %jit3A_1167 : i32 to vector<16xi32>
      %select_n3A_1169 = arith.select %eq3A_1160, %broadcast_in_dim3A_1168, %select_n3A_928 : vector<16xi1>, vector<16xi32>
      %eq3A_1170 = arith.cmpi eq, %select_n3A_938, %max3A_1119 : vector<16xi32>
      %jit3A_1171 = arith.constant 1.000000e+00 : f32
      %jit3A_1172 = arith.constant 0.000000e+00 : f32
      %broadcast_in_dim3A_1173 = vector.broadcast %jit3A_1171 : f32 to vector<16xf32>
      %broadcast_in_dim3A_1174 = vector.broadcast %jit3A_1172 : f32 to vector<16xf32>
      %select_n3A_1175 = arith.select %eq3A_1170, %broadcast_in_dim3A_1173, %broadcast_in_dim3A_1174 : vector<16xi1>, vector<16xf32>
      %max3A_1176 = arith.maximumf %max3A_935, %select_n3A_1175 : vector<16xf32>
      %jit3A_1177 = arith.constant -2147483648 : i32
      %broadcast_in_dim3A_1178 = vector.broadcast %jit3A_1177 : i32 to vector<16xi32>
      %select_n3A_1179 = arith.select %eq3A_1170, %broadcast_in_dim3A_1178, %select_n3A_938 : vector<16xi1>, vector<16xi32>
      %eq3A_1180 = arith.cmpi eq, %select_n3A_948, %max3A_1119 : vector<16xi32>
      %jit3A_1181 = arith.constant 1.000000e+00 : f32
      %jit3A_1182 = arith.constant 0.000000e+00 : f32
      %broadcast_in_dim3A_1183 = vector.broadcast %jit3A_1181 : f32 to vector<16xf32>
      %broadcast_in_dim3A_1184 = vector.broadcast %jit3A_1182 : f32 to vector<16xf32>
      %select_n3A_1185 = arith.select %eq3A_1180, %broadcast_in_dim3A_1183, %broadcast_in_dim3A_1184 : vector<16xi1>, vector<16xf32>
      %max3A_1186 = arith.maximumf %max3A_945, %select_n3A_1185 : vector<16xf32>
      %jit3A_1187 = arith.constant -2147483648 : i32
      %broadcast_in_dim3A_1188 = vector.broadcast %jit3A_1187 : i32 to vector<16xi32>
      %select_n3A_1189 = arith.select %eq3A_1180, %broadcast_in_dim3A_1188, %select_n3A_948 : vector<16xi1>, vector<16xi32>
      %eq3A_1190 = arith.cmpi eq, %select_n3A_958, %max3A_1119 : vector<16xi32>
      %jit3A_1191 = arith.constant 1.000000e+00 : f32
      %jit3A_1192 = arith.constant 0.000000e+00 : f32
      %broadcast_in_dim3A_1193 = vector.broadcast %jit3A_1191 : f32 to vector<16xf32>
      %broadcast_in_dim3A_1194 = vector.broadcast %jit3A_1192 : f32 to vector<16xf32>
      %select_n3A_1195 = arith.select %eq3A_1190, %broadcast_in_dim3A_1193, %broadcast_in_dim3A_1194 : vector<16xi1>, vector<16xf32>
      %max3A_1196 = arith.maximumf %max3A_955, %select_n3A_1195 : vector<16xf32>
      %jit3A_1197 = arith.constant -2147483648 : i32
      %broadcast_in_dim3A_1198 = vector.broadcast %jit3A_1197 : i32 to vector<16xi32>
      %select_n3A_1199 = arith.select %eq3A_1190, %broadcast_in_dim3A_1198, %select_n3A_958 : vector<16xi1>, vector<16xi32>
      %eq3A_1200 = arith.cmpi eq, %select_n3A_968, %max3A_1119 : vector<16xi32>
      %jit3A_1201 = arith.constant 1.000000e+00 : f32
      %jit3A_1202 = arith.constant 0.000000e+00 : f32
      %broadcast_in_dim3A_1203 = vector.broadcast %jit3A_1201 : f32 to vector<16xf32>
      %broadcast_in_dim3A_1204 = vector.broadcast %jit3A_1202 : f32 to vector<16xf32>
      %select_n3A_1205 = arith.select %eq3A_1200, %broadcast_in_dim3A_1203, %broadcast_in_dim3A_1204 : vector<16xi1>, vector<16xf32>
      %max3A_1206 = arith.maximumf %max3A_965, %select_n3A_1205 : vector<16xf32>
      %jit3A_1207 = arith.constant -2147483648 : i32
      %broadcast_in_dim3A_1208 = vector.broadcast %jit3A_1207 : i32 to vector<16xi32>
      %select_n3A_1209 = arith.select %eq3A_1200, %broadcast_in_dim3A_1208, %select_n3A_968 : vector<16xi1>, vector<16xi32>
      %eq3A_1210 = arith.cmpi eq, %select_n3A_978, %max3A_1119 : vector<16xi32>
      %jit3A_1211 = arith.constant 1.000000e+00 : f32
      %jit3A_1212 = arith.constant 0.000000e+00 : f32
      %broadcast_in_dim3A_1213 = vector.broadcast %jit3A_1211 : f32 to vector<16xf32>
      %broadcast_in_dim3A_1214 = vector.broadcast %jit3A_1212 : f32 to vector<16xf32>
      %select_n3A_1215 = arith.select %eq3A_1210, %broadcast_in_dim3A_1213, %broadcast_in_dim3A_1214 : vector<16xi1>, vector<16xf32>
      %max3A_1216 = arith.maximumf %max3A_975, %select_n3A_1215 : vector<16xf32>
      %jit3A_1217 = arith.constant -2147483648 : i32
      %broadcast_in_dim3A_1218 = vector.broadcast %jit3A_1217 : i32 to vector<16xi32>
      %select_n3A_1219 = arith.select %eq3A_1210, %broadcast_in_dim3A_1218, %select_n3A_978 : vector<16xi1>, vector<16xi32>
      %eq3A_1220 = arith.cmpi eq, %select_n3A_988, %max3A_1119 : vector<16xi32>
      %jit3A_1221 = arith.constant 1.000000e+00 : f32
      %jit3A_1222 = arith.constant 0.000000e+00 : f32
      %broadcast_in_dim3A_1223 = vector.broadcast %jit3A_1221 : f32 to vector<16xf32>
      %broadcast_in_dim3A_1224 = vector.broadcast %jit3A_1222 : f32 to vector<16xf32>
      %select_n3A_1225 = arith.select %eq3A_1220, %broadcast_in_dim3A_1223, %broadcast_in_dim3A_1224 : vector<16xi1>, vector<16xf32>
      %max3A_1226 = arith.maximumf %max3A_985, %select_n3A_1225 : vector<16xf32>
      %jit3A_1227 = arith.constant -2147483648 : i32
      %broadcast_in_dim3A_1228 = vector.broadcast %jit3A_1227 : i32 to vector<16xi32>
      %select_n3A_1229 = arith.select %eq3A_1220, %broadcast_in_dim3A_1228, %select_n3A_988 : vector<16xi1>, vector<16xi32>
      %eq3A_1230 = arith.cmpi eq, %select_n3A_998, %max3A_1119 : vector<16xi32>
      %jit3A_1231 = arith.constant 1.000000e+00 : f32
      %jit3A_1232 = arith.constant 0.000000e+00 : f32
      %broadcast_in_dim3A_1233 = vector.broadcast %jit3A_1231 : f32 to vector<16xf32>
      %broadcast_in_dim3A_1234 = vector.broadcast %jit3A_1232 : f32 to vector<16xf32>
      %select_n3A_1235 = arith.select %eq3A_1230, %broadcast_in_dim3A_1233, %broadcast_in_dim3A_1234 : vector<16xi1>, vector<16xf32>
      %max3A_1236 = arith.maximumf %max3A_995, %select_n3A_1235 : vector<16xf32>
      %jit3A_1237 = arith.constant -2147483648 : i32
      %broadcast_in_dim3A_1238 = vector.broadcast %jit3A_1237 : i32 to vector<16xi32>
      %select_n3A_1239 = arith.select %eq3A_1230, %broadcast_in_dim3A_1238, %select_n3A_998 : vector<16xi1>, vector<16xi32>
      %eq3A_1240 = arith.cmpi eq, %select_n3A_1008, %max3A_1119 : vector<16xi32>
      %jit3A_1241 = arith.constant 1.000000e+00 : f32
      %jit3A_1242 = arith.constant 0.000000e+00 : f32
      %broadcast_in_dim3A_1243 = vector.broadcast %jit3A_1241 : f32 to vector<16xf32>
      %broadcast_in_dim3A_1244 = vector.broadcast %jit3A_1242 : f32 to vector<16xf32>
      %select_n3A_1245 = arith.select %eq3A_1240, %broadcast_in_dim3A_1243, %broadcast_in_dim3A_1244 : vector<16xi1>, vector<16xf32>
      %max3A_1246 = arith.maximumf %max3A_1005, %select_n3A_1245 : vector<16xf32>
      %jit3A_1247 = arith.constant -2147483648 : i32
      %broadcast_in_dim3A_1248 = vector.broadcast %jit3A_1247 : i32 to vector<16xi32>
      %select_n3A_1249 = arith.select %eq3A_1240, %broadcast_in_dim3A_1248, %select_n3A_1008 : vector<16xi1>, vector<16xi32>
      %eq3A_1250 = arith.cmpi eq, %select_n3A_1018, %max3A_1119 : vector<16xi32>
      %jit3A_1251 = arith.constant 1.000000e+00 : f32
      %jit3A_1252 = arith.constant 0.000000e+00 : f32
      %broadcast_in_dim3A_1253 = vector.broadcast %jit3A_1251 : f32 to vector<16xf32>
      %broadcast_in_dim3A_1254 = vector.broadcast %jit3A_1252 : f32 to vector<16xf32>
      %select_n3A_1255 = arith.select %eq3A_1250, %broadcast_in_dim3A_1253, %broadcast_in_dim3A_1254 : vector<16xi1>, vector<16xf32>
      %max3A_1256 = arith.maximumf %max3A_1015, %select_n3A_1255 : vector<16xf32>
      %jit3A_1257 = arith.constant -2147483648 : i32
      %broadcast_in_dim3A_1258 = vector.broadcast %jit3A_1257 : i32 to vector<16xi32>
      %select_n3A_1259 = arith.select %eq3A_1250, %broadcast_in_dim3A_1258, %select_n3A_1018 : vector<16xi1>, vector<16xi32>
      %eq3A_1260 = arith.cmpi eq, %select_n3A_1028, %max3A_1119 : vector<16xi32>
      %jit3A_1261 = arith.constant 1.000000e+00 : f32
      %jit3A_1262 = arith.constant 0.000000e+00 : f32
      %broadcast_in_dim3A_1263 = vector.broadcast %jit3A_1261 : f32 to vector<16xf32>
      %broadcast_in_dim3A_1264 = vector.broadcast %jit3A_1262 : f32 to vector<16xf32>
      %select_n3A_1265 = arith.select %eq3A_1260, %broadcast_in_dim3A_1263, %broadcast_in_dim3A_1264 : vector<16xi1>, vector<16xf32>
      %max3A_1266 = arith.maximumf %max3A_1025, %select_n3A_1265 : vector<16xf32>
      %jit3A_1267 = arith.constant -2147483648 : i32
      %broadcast_in_dim3A_1268 = vector.broadcast %jit3A_1267 : i32 to vector<16xi32>
      %select_n3A_1269 = arith.select %eq3A_1260, %broadcast_in_dim3A_1268, %select_n3A_1028 : vector<16xi1>, vector<16xi32>
      %eq3A_1270 = arith.cmpi eq, %select_n3A_1038, %max3A_1119 : vector<16xi32>
      %jit3A_1271 = arith.constant 1.000000e+00 : f32
      %jit3A_1272 = arith.constant 0.000000e+00 : f32
      %broadcast_in_dim3A_1273 = vector.broadcast %jit3A_1271 : f32 to vector<16xf32>
      %broadcast_in_dim3A_1274 = vector.broadcast %jit3A_1272 : f32 to vector<16xf32>
      %select_n3A_1275 = arith.select %eq3A_1270, %broadcast_in_dim3A_1273, %broadcast_in_dim3A_1274 : vector<16xi1>, vector<16xf32>
      %max3A_1276 = arith.maximumf %max3A_1035, %select_n3A_1275 : vector<16xf32>
      %jit3A_1277 = arith.constant -2147483648 : i32
      %broadcast_in_dim3A_1278 = vector.broadcast %jit3A_1277 : i32 to vector<16xi32>
      %select_n3A_1279 = arith.select %eq3A_1270, %broadcast_in_dim3A_1278, %select_n3A_1038 : vector<16xi1>, vector<16xi32>
      %eq3A_1280 = arith.cmpi eq, %select_n3A_1048, %max3A_1119 : vector<16xi32>
      %jit3A_1281 = arith.constant 1.000000e+00 : f32
      %jit3A_1282 = arith.constant 0.000000e+00 : f32
      %broadcast_in_dim3A_1283 = vector.broadcast %jit3A_1281 : f32 to vector<16xf32>
      %broadcast_in_dim3A_1284 = vector.broadcast %jit3A_1282 : f32 to vector<16xf32>
      %select_n3A_1285 = arith.select %eq3A_1280, %broadcast_in_dim3A_1283, %broadcast_in_dim3A_1284 : vector<16xi1>, vector<16xf32>
      %max3A_1286 = arith.maximumf %max3A_1045, %select_n3A_1285 : vector<16xf32>
      %jit3A_1287 = arith.constant -2147483648 : i32
      %broadcast_in_dim3A_1288 = vector.broadcast %jit3A_1287 : i32 to vector<16xi32>
      %select_n3A_1289 = arith.select %eq3A_1280, %broadcast_in_dim3A_1288, %select_n3A_1048 : vector<16xi1>, vector<16xi32>
      %eq3A_1290 = arith.cmpi eq, %select_n3A_1058, %max3A_1119 : vector<16xi32>
      %jit3A_1291 = arith.constant 1.000000e+00 : f32
      %jit3A_1292 = arith.constant 0.000000e+00 : f32
      %broadcast_in_dim3A_1293 = vector.broadcast %jit3A_1291 : f32 to vector<16xf32>
      %broadcast_in_dim3A_1294 = vector.broadcast %jit3A_1292 : f32 to vector<16xf32>
      %select_n3A_1295 = arith.select %eq3A_1290, %broadcast_in_dim3A_1293, %broadcast_in_dim3A_1294 : vector<16xi1>, vector<16xf32>
      %max3A_1296 = arith.maximumf %max3A_1055, %select_n3A_1295 : vector<16xf32>
      %jit3A_1297 = arith.constant -2147483648 : i32
      %broadcast_in_dim3A_1298 = vector.broadcast %jit3A_1297 : i32 to vector<16xi32>
      %select_n3A_1299 = arith.select %eq3A_1290, %broadcast_in_dim3A_1298, %select_n3A_1058 : vector<16xi1>, vector<16xi32>
      %eq3A_1300 = arith.cmpi eq, %select_n3A_1068, %max3A_1119 : vector<16xi32>
      %jit3A_1301 = arith.constant 1.000000e+00 : f32
      %jit3A_1302 = arith.constant 0.000000e+00 : f32
      %broadcast_in_dim3A_1303 = vector.broadcast %jit3A_1301 : f32 to vector<16xf32>
      %broadcast_in_dim3A_1304 = vector.broadcast %jit3A_1302 : f32 to vector<16xf32>
      %select_n3A_1305 = arith.select %eq3A_1300, %broadcast_in_dim3A_1303, %broadcast_in_dim3A_1304 : vector<16xi1>, vector<16xf32>
      %max3A_1306 = arith.maximumf %max3A_1065, %select_n3A_1305 : vector<16xf32>
      %jit3A_1307 = arith.constant -2147483648 : i32
      %broadcast_in_dim3A_1308 = vector.broadcast %jit3A_1307 : i32 to vector<16xi32>
      %select_n3A_1309 = arith.select %eq3A_1300, %broadcast_in_dim3A_1308, %select_n3A_1068 : vector<16xi1>, vector<16xi32>
      %eq3A_1310 = arith.cmpi eq, %select_n3A_1078, %max3A_1119 : vector<16xi32>
      %jit3A_1311 = arith.constant 1.000000e+00 : f32
      %jit3A_1312 = arith.constant 0.000000e+00 : f32
      %broadcast_in_dim3A_1313 = vector.broadcast %jit3A_1311 : f32 to vector<16xf32>
      %broadcast_in_dim3A_1314 = vector.broadcast %jit3A_1312 : f32 to vector<16xf32>
      %select_n3A_1315 = arith.select %eq3A_1310, %broadcast_in_dim3A_1313, %broadcast_in_dim3A_1314 : vector<16xi1>, vector<16xf32>
      %max3A_1316 = arith.maximumf %max3A_1075, %select_n3A_1315 : vector<16xf32>
      %jit3A_1317 = arith.constant -2147483648 : i32
      %broadcast_in_dim3A_1318 = vector.broadcast %jit3A_1317 : i32 to vector<16xi32>
      %select_n3A_1319 = arith.select %eq3A_1310, %broadcast_in_dim3A_1318, %select_n3A_1078 : vector<16xi1>, vector<16xi32>
      %eq3A_1320 = arith.cmpi eq, %select_n3A_1088, %max3A_1119 : vector<16xi32>
      %jit3A_1321 = arith.constant 1.000000e+00 : f32
      %jit3A_1322 = arith.constant 0.000000e+00 : f32
      %broadcast_in_dim3A_1323 = vector.broadcast %jit3A_1321 : f32 to vector<16xf32>
      %broadcast_in_dim3A_1324 = vector.broadcast %jit3A_1322 : f32 to vector<16xf32>
      %select_n3A_1325 = arith.select %eq3A_1320, %broadcast_in_dim3A_1323, %broadcast_in_dim3A_1324 : vector<16xi1>, vector<16xf32>
      %max3A_1326 = arith.maximumf %max3A_1085, %select_n3A_1325 : vector<16xf32>
      %jit3A_1327 = arith.constant -2147483648 : i32
      %broadcast_in_dim3A_1328 = vector.broadcast %jit3A_1327 : i32 to vector<16xi32>
      %select_n3A_1329 = arith.select %eq3A_1320, %broadcast_in_dim3A_1328, %select_n3A_1088 : vector<16xi1>, vector<16xi32>
      %eq3A_1330 = arith.cmpi eq, %select_n3A_1098, %max3A_1119 : vector<16xi32>
      %jit3A_1331 = arith.constant 1.000000e+00 : f32
      %jit3A_1332 = arith.constant 0.000000e+00 : f32
      %broadcast_in_dim3A_1333 = vector.broadcast %jit3A_1331 : f32 to vector<16xf32>
      %broadcast_in_dim3A_1334 = vector.broadcast %jit3A_1332 : f32 to vector<16xf32>
      %select_n3A_1335 = arith.select %eq3A_1330, %broadcast_in_dim3A_1333, %broadcast_in_dim3A_1334 : vector<16xi1>, vector<16xf32>
      %max3A_1336 = arith.maximumf %max3A_1095, %select_n3A_1335 : vector<16xf32>
      %jit3A_1337 = arith.constant -2147483648 : i32
      %broadcast_in_dim3A_1338 = vector.broadcast %jit3A_1337 : i32 to vector<16xi32>
      %select_n3A_1339 = arith.select %eq3A_1330, %broadcast_in_dim3A_1338, %select_n3A_1098 : vector<16xi1>, vector<16xi32>
      %max3A_1340 = arith.maxsi %select_n3A_1129, %select_n3A_1139 : vector<16xi32>
      %max3A_1341 = arith.maxsi %select_n3A_1149, %select_n3A_1159 : vector<16xi32>
      %max3A_1342 = arith.maxsi %select_n3A_1169, %select_n3A_1179 : vector<16xi32>
      %max3A_1343 = arith.maxsi %select_n3A_1189, %select_n3A_1199 : vector<16xi32>
      %max3A_1344 = arith.maxsi %select_n3A_1209, %select_n3A_1219 : vector<16xi32>
      %max3A_1345 = arith.maxsi %select_n3A_1229, %select_n3A_1239 : vector<16xi32>
      %max3A_1346 = arith.maxsi %select_n3A_1249, %select_n3A_1259 : vector<16xi32>
      %max3A_1347 = arith.maxsi %select_n3A_1269, %select_n3A_1279 : vector<16xi32>
      %max3A_1348 = arith.maxsi %select_n3A_1289, %select_n3A_1299 : vector<16xi32>
      %max3A_1349 = arith.maxsi %select_n3A_1309, %select_n3A_1319 : vector<16xi32>
      %max3A_1350 = arith.maxsi %select_n3A_1329, %select_n3A_1339 : vector<16xi32>
      %max3A_1351 = arith.maxsi %max3A_1340, %max3A_1341 : vector<16xi32>
      %max3A_1352 = arith.maxsi %max3A_1342, %max3A_1343 : vector<16xi32>
      %max3A_1353 = arith.maxsi %max3A_1344, %max3A_1345 : vector<16xi32>
      %max3A_1354 = arith.maxsi %max3A_1346, %max3A_1347 : vector<16xi32>
      %max3A_1355 = arith.maxsi %max3A_1348, %max3A_1349 : vector<16xi32>
      %max3A_1356 = arith.maxsi %max3A_1351, %max3A_1352 : vector<16xi32>
      %max3A_1357 = arith.maxsi %max3A_1353, %max3A_1354 : vector<16xi32>
      %max3A_1358 = arith.maxsi %max3A_1355, %max3A_1350 : vector<16xi32>
      %max3A_1359 = arith.maxsi %max3A_1356, %max3A_1357 : vector<16xi32>
      %max3A_1360 = arith.maxsi %max3A_1359, %max3A_1358 : vector<16xi32>
      %eq3A_1361 = arith.cmpi eq, %select_n3A_1129, %max3A_1360 : vector<16xi32>
      %jit3A_1362 = arith.constant 1.000000e+00 : f32
      %jit3A_1363 = arith.constant 0.000000e+00 : f32
      %broadcast_in_dim3A_1364 = vector.broadcast %jit3A_1362 : f32 to vector<16xf32>
      %broadcast_in_dim3A_1365 = vector.broadcast %jit3A_1363 : f32 to vector<16xf32>
      %select_n3A_1366 = arith.select %eq3A_1361, %broadcast_in_dim3A_1364, %broadcast_in_dim3A_1365 : vector<16xi1>, vector<16xf32>
      %max3A_1367 = arith.maximumf %max3A_1126, %select_n3A_1366 : vector<16xf32>
      %jit3A_1368 = arith.constant -2147483648 : i32
      %broadcast_in_dim3A_1369 = vector.broadcast %jit3A_1368 : i32 to vector<16xi32>
      %select_n3A_1370 = arith.select %eq3A_1361, %broadcast_in_dim3A_1369, %select_n3A_1129 : vector<16xi1>, vector<16xi32>
      %eq3A_1371 = arith.cmpi eq, %select_n3A_1139, %max3A_1360 : vector<16xi32>
      %jit3A_1372 = arith.constant 1.000000e+00 : f32
      %jit3A_1373 = arith.constant 0.000000e+00 : f32
      %broadcast_in_dim3A_1374 = vector.broadcast %jit3A_1372 : f32 to vector<16xf32>
      %broadcast_in_dim3A_1375 = vector.broadcast %jit3A_1373 : f32 to vector<16xf32>
      %select_n3A_1376 = arith.select %eq3A_1371, %broadcast_in_dim3A_1374, %broadcast_in_dim3A_1375 : vector<16xi1>, vector<16xf32>
      %max3A_1377 = arith.maximumf %max3A_1136, %select_n3A_1376 : vector<16xf32>
      %jit3A_1378 = arith.constant -2147483648 : i32
      %broadcast_in_dim3A_1379 = vector.broadcast %jit3A_1378 : i32 to vector<16xi32>
      %select_n3A_1380 = arith.select %eq3A_1371, %broadcast_in_dim3A_1379, %select_n3A_1139 : vector<16xi1>, vector<16xi32>
      %eq3A_1381 = arith.cmpi eq, %select_n3A_1149, %max3A_1360 : vector<16xi32>
      %jit3A_1382 = arith.constant 1.000000e+00 : f32
      %jit3A_1383 = arith.constant 0.000000e+00 : f32
      %broadcast_in_dim3A_1384 = vector.broadcast %jit3A_1382 : f32 to vector<16xf32>
      %broadcast_in_dim3A_1385 = vector.broadcast %jit3A_1383 : f32 to vector<16xf32>
      %select_n3A_1386 = arith.select %eq3A_1381, %broadcast_in_dim3A_1384, %broadcast_in_dim3A_1385 : vector<16xi1>, vector<16xf32>
      %max3A_1387 = arith.maximumf %max3A_1146, %select_n3A_1386 : vector<16xf32>
      %jit3A_1388 = arith.constant -2147483648 : i32
      %broadcast_in_dim3A_1389 = vector.broadcast %jit3A_1388 : i32 to vector<16xi32>
      %select_n3A_1390 = arith.select %eq3A_1381, %broadcast_in_dim3A_1389, %select_n3A_1149 : vector<16xi1>, vector<16xi32>
      %eq3A_1391 = arith.cmpi eq, %select_n3A_1159, %max3A_1360 : vector<16xi32>
      %jit3A_1392 = arith.constant 1.000000e+00 : f32
      %jit3A_1393 = arith.constant 0.000000e+00 : f32
      %broadcast_in_dim3A_1394 = vector.broadcast %jit3A_1392 : f32 to vector<16xf32>
      %broadcast_in_dim3A_1395 = vector.broadcast %jit3A_1393 : f32 to vector<16xf32>
      %select_n3A_1396 = arith.select %eq3A_1391, %broadcast_in_dim3A_1394, %broadcast_in_dim3A_1395 : vector<16xi1>, vector<16xf32>
      %max3A_1397 = arith.maximumf %max3A_1156, %select_n3A_1396 : vector<16xf32>
      %jit3A_1398 = arith.constant -2147483648 : i32
      %broadcast_in_dim3A_1399 = vector.broadcast %jit3A_1398 : i32 to vector<16xi32>
      %select_n3A_1400 = arith.select %eq3A_1391, %broadcast_in_dim3A_1399, %select_n3A_1159 : vector<16xi1>, vector<16xi32>
      %eq3A_1401 = arith.cmpi eq, %select_n3A_1169, %max3A_1360 : vector<16xi32>
      %jit3A_1402 = arith.constant 1.000000e+00 : f32
      %jit3A_1403 = arith.constant 0.000000e+00 : f32
      %broadcast_in_dim3A_1404 = vector.broadcast %jit3A_1402 : f32 to vector<16xf32>
      %broadcast_in_dim3A_1405 = vector.broadcast %jit3A_1403 : f32 to vector<16xf32>
      %select_n3A_1406 = arith.select %eq3A_1401, %broadcast_in_dim3A_1404, %broadcast_in_dim3A_1405 : vector<16xi1>, vector<16xf32>
      %max3A_1407 = arith.maximumf %max3A_1166, %select_n3A_1406 : vector<16xf32>
      %jit3A_1408 = arith.constant -2147483648 : i32
      %broadcast_in_dim3A_1409 = vector.broadcast %jit3A_1408 : i32 to vector<16xi32>
      %select_n3A_1410 = arith.select %eq3A_1401, %broadcast_in_dim3A_1409, %select_n3A_1169 : vector<16xi1>, vector<16xi32>
      %eq3A_1411 = arith.cmpi eq, %select_n3A_1179, %max3A_1360 : vector<16xi32>
      %jit3A_1412 = arith.constant 1.000000e+00 : f32
      %jit3A_1413 = arith.constant 0.000000e+00 : f32
      %broadcast_in_dim3A_1414 = vector.broadcast %jit3A_1412 : f32 to vector<16xf32>
      %broadcast_in_dim3A_1415 = vector.broadcast %jit3A_1413 : f32 to vector<16xf32>
      %select_n3A_1416 = arith.select %eq3A_1411, %broadcast_in_dim3A_1414, %broadcast_in_dim3A_1415 : vector<16xi1>, vector<16xf32>
      %max3A_1417 = arith.maximumf %max3A_1176, %select_n3A_1416 : vector<16xf32>
      %jit3A_1418 = arith.constant -2147483648 : i32
      %broadcast_in_dim3A_1419 = vector.broadcast %jit3A_1418 : i32 to vector<16xi32>
      %select_n3A_1420 = arith.select %eq3A_1411, %broadcast_in_dim3A_1419, %select_n3A_1179 : vector<16xi1>, vector<16xi32>
      %eq3A_1421 = arith.cmpi eq, %select_n3A_1189, %max3A_1360 : vector<16xi32>
      %jit3A_1422 = arith.constant 1.000000e+00 : f32
      %jit3A_1423 = arith.constant 0.000000e+00 : f32
      %broadcast_in_dim3A_1424 = vector.broadcast %jit3A_1422 : f32 to vector<16xf32>
      %broadcast_in_dim3A_1425 = vector.broadcast %jit3A_1423 : f32 to vector<16xf32>
      %select_n3A_1426 = arith.select %eq3A_1421, %broadcast_in_dim3A_1424, %broadcast_in_dim3A_1425 : vector<16xi1>, vector<16xf32>
      %max3A_1427 = arith.maximumf %max3A_1186, %select_n3A_1426 : vector<16xf32>
      %jit3A_1428 = arith.constant -2147483648 : i32
      %broadcast_in_dim3A_1429 = vector.broadcast %jit3A_1428 : i32 to vector<16xi32>
      %select_n3A_1430 = arith.select %eq3A_1421, %broadcast_in_dim3A_1429, %select_n3A_1189 : vector<16xi1>, vector<16xi32>
      %eq3A_1431 = arith.cmpi eq, %select_n3A_1199, %max3A_1360 : vector<16xi32>
      %jit3A_1432 = arith.constant 1.000000e+00 : f32
      %jit3A_1433 = arith.constant 0.000000e+00 : f32
      %broadcast_in_dim3A_1434 = vector.broadcast %jit3A_1432 : f32 to vector<16xf32>
      %broadcast_in_dim3A_1435 = vector.broadcast %jit3A_1433 : f32 to vector<16xf32>
      %select_n3A_1436 = arith.select %eq3A_1431, %broadcast_in_dim3A_1434, %broadcast_in_dim3A_1435 : vector<16xi1>, vector<16xf32>
      %max3A_1437 = arith.maximumf %max3A_1196, %select_n3A_1436 : vector<16xf32>
      %jit3A_1438 = arith.constant -2147483648 : i32
      %broadcast_in_dim3A_1439 = vector.broadcast %jit3A_1438 : i32 to vector<16xi32>
      %select_n3A_1440 = arith.select %eq3A_1431, %broadcast_in_dim3A_1439, %select_n3A_1199 : vector<16xi1>, vector<16xi32>
      %eq3A_1441 = arith.cmpi eq, %select_n3A_1209, %max3A_1360 : vector<16xi32>
      %jit3A_1442 = arith.constant 1.000000e+00 : f32
      %jit3A_1443 = arith.constant 0.000000e+00 : f32
      %broadcast_in_dim3A_1444 = vector.broadcast %jit3A_1442 : f32 to vector<16xf32>
      %broadcast_in_dim3A_1445 = vector.broadcast %jit3A_1443 : f32 to vector<16xf32>
      %select_n3A_1446 = arith.select %eq3A_1441, %broadcast_in_dim3A_1444, %broadcast_in_dim3A_1445 : vector<16xi1>, vector<16xf32>
      %max3A_1447 = arith.maximumf %max3A_1206, %select_n3A_1446 : vector<16xf32>
      %jit3A_1448 = arith.constant -2147483648 : i32
      %broadcast_in_dim3A_1449 = vector.broadcast %jit3A_1448 : i32 to vector<16xi32>
      %select_n3A_1450 = arith.select %eq3A_1441, %broadcast_in_dim3A_1449, %select_n3A_1209 : vector<16xi1>, vector<16xi32>
      %eq3A_1451 = arith.cmpi eq, %select_n3A_1219, %max3A_1360 : vector<16xi32>
      %jit3A_1452 = arith.constant 1.000000e+00 : f32
      %jit3A_1453 = arith.constant 0.000000e+00 : f32
      %broadcast_in_dim3A_1454 = vector.broadcast %jit3A_1452 : f32 to vector<16xf32>
      %broadcast_in_dim3A_1455 = vector.broadcast %jit3A_1453 : f32 to vector<16xf32>
      %select_n3A_1456 = arith.select %eq3A_1451, %broadcast_in_dim3A_1454, %broadcast_in_dim3A_1455 : vector<16xi1>, vector<16xf32>
      %max3A_1457 = arith.maximumf %max3A_1216, %select_n3A_1456 : vector<16xf32>
      %jit3A_1458 = arith.constant -2147483648 : i32
      %broadcast_in_dim3A_1459 = vector.broadcast %jit3A_1458 : i32 to vector<16xi32>
      %select_n3A_1460 = arith.select %eq3A_1451, %broadcast_in_dim3A_1459, %select_n3A_1219 : vector<16xi1>, vector<16xi32>
      %eq3A_1461 = arith.cmpi eq, %select_n3A_1229, %max3A_1360 : vector<16xi32>
      %jit3A_1462 = arith.constant 1.000000e+00 : f32
      %jit3A_1463 = arith.constant 0.000000e+00 : f32
      %broadcast_in_dim3A_1464 = vector.broadcast %jit3A_1462 : f32 to vector<16xf32>
      %broadcast_in_dim3A_1465 = vector.broadcast %jit3A_1463 : f32 to vector<16xf32>
      %select_n3A_1466 = arith.select %eq3A_1461, %broadcast_in_dim3A_1464, %broadcast_in_dim3A_1465 : vector<16xi1>, vector<16xf32>
      %max3A_1467 = arith.maximumf %max3A_1226, %select_n3A_1466 : vector<16xf32>
      %jit3A_1468 = arith.constant -2147483648 : i32
      %broadcast_in_dim3A_1469 = vector.broadcast %jit3A_1468 : i32 to vector<16xi32>
      %select_n3A_1470 = arith.select %eq3A_1461, %broadcast_in_dim3A_1469, %select_n3A_1229 : vector<16xi1>, vector<16xi32>
      %eq3A_1471 = arith.cmpi eq, %select_n3A_1239, %max3A_1360 : vector<16xi32>
      %jit3A_1472 = arith.constant 1.000000e+00 : f32
      %jit3A_1473 = arith.constant 0.000000e+00 : f32
      %broadcast_in_dim3A_1474 = vector.broadcast %jit3A_1472 : f32 to vector<16xf32>
      %broadcast_in_dim3A_1475 = vector.broadcast %jit3A_1473 : f32 to vector<16xf32>
      %select_n3A_1476 = arith.select %eq3A_1471, %broadcast_in_dim3A_1474, %broadcast_in_dim3A_1475 : vector<16xi1>, vector<16xf32>
      %max3A_1477 = arith.maximumf %max3A_1236, %select_n3A_1476 : vector<16xf32>
      %jit3A_1478 = arith.constant -2147483648 : i32
      %broadcast_in_dim3A_1479 = vector.broadcast %jit3A_1478 : i32 to vector<16xi32>
      %select_n3A_1480 = arith.select %eq3A_1471, %broadcast_in_dim3A_1479, %select_n3A_1239 : vector<16xi1>, vector<16xi32>
      %eq3A_1481 = arith.cmpi eq, %select_n3A_1249, %max3A_1360 : vector<16xi32>
      %jit3A_1482 = arith.constant 1.000000e+00 : f32
      %jit3A_1483 = arith.constant 0.000000e+00 : f32
      %broadcast_in_dim3A_1484 = vector.broadcast %jit3A_1482 : f32 to vector<16xf32>
      %broadcast_in_dim3A_1485 = vector.broadcast %jit3A_1483 : f32 to vector<16xf32>
      %select_n3A_1486 = arith.select %eq3A_1481, %broadcast_in_dim3A_1484, %broadcast_in_dim3A_1485 : vector<16xi1>, vector<16xf32>
      %max3A_1487 = arith.maximumf %max3A_1246, %select_n3A_1486 : vector<16xf32>
      %jit3A_1488 = arith.constant -2147483648 : i32
      %broadcast_in_dim3A_1489 = vector.broadcast %jit3A_1488 : i32 to vector<16xi32>
      %select_n3A_1490 = arith.select %eq3A_1481, %broadcast_in_dim3A_1489, %select_n3A_1249 : vector<16xi1>, vector<16xi32>
      %eq3A_1491 = arith.cmpi eq, %select_n3A_1259, %max3A_1360 : vector<16xi32>
      %jit3A_1492 = arith.constant 1.000000e+00 : f32
      %jit3A_1493 = arith.constant 0.000000e+00 : f32
      %broadcast_in_dim3A_1494 = vector.broadcast %jit3A_1492 : f32 to vector<16xf32>
      %broadcast_in_dim3A_1495 = vector.broadcast %jit3A_1493 : f32 to vector<16xf32>
      %select_n3A_1496 = arith.select %eq3A_1491, %broadcast_in_dim3A_1494, %broadcast_in_dim3A_1495 : vector<16xi1>, vector<16xf32>
      %max3A_1497 = arith.maximumf %max3A_1256, %select_n3A_1496 : vector<16xf32>
      %jit3A_1498 = arith.constant -2147483648 : i32
      %broadcast_in_dim3A_1499 = vector.broadcast %jit3A_1498 : i32 to vector<16xi32>
      %select_n3A_1500 = arith.select %eq3A_1491, %broadcast_in_dim3A_1499, %select_n3A_1259 : vector<16xi1>, vector<16xi32>
      %eq3A_1501 = arith.cmpi eq, %select_n3A_1269, %max3A_1360 : vector<16xi32>
      %jit3A_1502 = arith.constant 1.000000e+00 : f32
      %jit3A_1503 = arith.constant 0.000000e+00 : f32
      %broadcast_in_dim3A_1504 = vector.broadcast %jit3A_1502 : f32 to vector<16xf32>
      %broadcast_in_dim3A_1505 = vector.broadcast %jit3A_1503 : f32 to vector<16xf32>
      %select_n3A_1506 = arith.select %eq3A_1501, %broadcast_in_dim3A_1504, %broadcast_in_dim3A_1505 : vector<16xi1>, vector<16xf32>
      %max3A_1507 = arith.maximumf %max3A_1266, %select_n3A_1506 : vector<16xf32>
      %jit3A_1508 = arith.constant -2147483648 : i32
      %broadcast_in_dim3A_1509 = vector.broadcast %jit3A_1508 : i32 to vector<16xi32>
      %select_n3A_1510 = arith.select %eq3A_1501, %broadcast_in_dim3A_1509, %select_n3A_1269 : vector<16xi1>, vector<16xi32>
      %eq3A_1511 = arith.cmpi eq, %select_n3A_1279, %max3A_1360 : vector<16xi32>
      %jit3A_1512 = arith.constant 1.000000e+00 : f32
      %jit3A_1513 = arith.constant 0.000000e+00 : f32
      %broadcast_in_dim3A_1514 = vector.broadcast %jit3A_1512 : f32 to vector<16xf32>
      %broadcast_in_dim3A_1515 = vector.broadcast %jit3A_1513 : f32 to vector<16xf32>
      %select_n3A_1516 = arith.select %eq3A_1511, %broadcast_in_dim3A_1514, %broadcast_in_dim3A_1515 : vector<16xi1>, vector<16xf32>
      %max3A_1517 = arith.maximumf %max3A_1276, %select_n3A_1516 : vector<16xf32>
      %jit3A_1518 = arith.constant -2147483648 : i32
      %broadcast_in_dim3A_1519 = vector.broadcast %jit3A_1518 : i32 to vector<16xi32>
      %select_n3A_1520 = arith.select %eq3A_1511, %broadcast_in_dim3A_1519, %select_n3A_1279 : vector<16xi1>, vector<16xi32>
      %eq3A_1521 = arith.cmpi eq, %select_n3A_1289, %max3A_1360 : vector<16xi32>
      %jit3A_1522 = arith.constant 1.000000e+00 : f32
      %jit3A_1523 = arith.constant 0.000000e+00 : f32
      %broadcast_in_dim3A_1524 = vector.broadcast %jit3A_1522 : f32 to vector<16xf32>
      %broadcast_in_dim3A_1525 = vector.broadcast %jit3A_1523 : f32 to vector<16xf32>
      %select_n3A_1526 = arith.select %eq3A_1521, %broadcast_in_dim3A_1524, %broadcast_in_dim3A_1525 : vector<16xi1>, vector<16xf32>
      %max3A_1527 = arith.maximumf %max3A_1286, %select_n3A_1526 : vector<16xf32>
      %jit3A_1528 = arith.constant -2147483648 : i32
      %broadcast_in_dim3A_1529 = vector.broadcast %jit3A_1528 : i32 to vector<16xi32>
      %select_n3A_1530 = arith.select %eq3A_1521, %broadcast_in_dim3A_1529, %select_n3A_1289 : vector<16xi1>, vector<16xi32>
      %eq3A_1531 = arith.cmpi eq, %select_n3A_1299, %max3A_1360 : vector<16xi32>
      %jit3A_1532 = arith.constant 1.000000e+00 : f32
      %jit3A_1533 = arith.constant 0.000000e+00 : f32
      %broadcast_in_dim3A_1534 = vector.broadcast %jit3A_1532 : f32 to vector<16xf32>
      %broadcast_in_dim3A_1535 = vector.broadcast %jit3A_1533 : f32 to vector<16xf32>
      %select_n3A_1536 = arith.select %eq3A_1531, %broadcast_in_dim3A_1534, %broadcast_in_dim3A_1535 : vector<16xi1>, vector<16xf32>
      %max3A_1537 = arith.maximumf %max3A_1296, %select_n3A_1536 : vector<16xf32>
      %jit3A_1538 = arith.constant -2147483648 : i32
      %broadcast_in_dim3A_1539 = vector.broadcast %jit3A_1538 : i32 to vector<16xi32>
      %select_n3A_1540 = arith.select %eq3A_1531, %broadcast_in_dim3A_1539, %select_n3A_1299 : vector<16xi1>, vector<16xi32>
      %eq3A_1541 = arith.cmpi eq, %select_n3A_1309, %max3A_1360 : vector<16xi32>
      %jit3A_1542 = arith.constant 1.000000e+00 : f32
      %jit3A_1543 = arith.constant 0.000000e+00 : f32
      %broadcast_in_dim3A_1544 = vector.broadcast %jit3A_1542 : f32 to vector<16xf32>
      %broadcast_in_dim3A_1545 = vector.broadcast %jit3A_1543 : f32 to vector<16xf32>
      %select_n3A_1546 = arith.select %eq3A_1541, %broadcast_in_dim3A_1544, %broadcast_in_dim3A_1545 : vector<16xi1>, vector<16xf32>
      %max3A_1547 = arith.maximumf %max3A_1306, %select_n3A_1546 : vector<16xf32>
      %jit3A_1548 = arith.constant -2147483648 : i32
      %broadcast_in_dim3A_1549 = vector.broadcast %jit3A_1548 : i32 to vector<16xi32>
      %select_n3A_1550 = arith.select %eq3A_1541, %broadcast_in_dim3A_1549, %select_n3A_1309 : vector<16xi1>, vector<16xi32>
      %eq3A_1551 = arith.cmpi eq, %select_n3A_1319, %max3A_1360 : vector<16xi32>
      %jit3A_1552 = arith.constant 1.000000e+00 : f32
      %jit3A_1553 = arith.constant 0.000000e+00 : f32
      %broadcast_in_dim3A_1554 = vector.broadcast %jit3A_1552 : f32 to vector<16xf32>
      %broadcast_in_dim3A_1555 = vector.broadcast %jit3A_1553 : f32 to vector<16xf32>
      %select_n3A_1556 = arith.select %eq3A_1551, %broadcast_in_dim3A_1554, %broadcast_in_dim3A_1555 : vector<16xi1>, vector<16xf32>
      %max3A_1557 = arith.maximumf %max3A_1316, %select_n3A_1556 : vector<16xf32>
      %jit3A_1558 = arith.constant -2147483648 : i32
      %broadcast_in_dim3A_1559 = vector.broadcast %jit3A_1558 : i32 to vector<16xi32>
      %select_n3A_1560 = arith.select %eq3A_1551, %broadcast_in_dim3A_1559, %select_n3A_1319 : vector<16xi1>, vector<16xi32>
      %eq3A_1561 = arith.cmpi eq, %select_n3A_1329, %max3A_1360 : vector<16xi32>
      %jit3A_1562 = arith.constant 1.000000e+00 : f32
      %jit3A_1563 = arith.constant 0.000000e+00 : f32
      %broadcast_in_dim3A_1564 = vector.broadcast %jit3A_1562 : f32 to vector<16xf32>
      %broadcast_in_dim3A_1565 = vector.broadcast %jit3A_1563 : f32 to vector<16xf32>
      %select_n3A_1566 = arith.select %eq3A_1561, %broadcast_in_dim3A_1564, %broadcast_in_dim3A_1565 : vector<16xi1>, vector<16xf32>
      %max3A_1567 = arith.maximumf %max3A_1326, %select_n3A_1566 : vector<16xf32>
      %jit3A_1568 = arith.constant -2147483648 : i32
      %broadcast_in_dim3A_1569 = vector.broadcast %jit3A_1568 : i32 to vector<16xi32>
      %select_n3A_1570 = arith.select %eq3A_1561, %broadcast_in_dim3A_1569, %select_n3A_1329 : vector<16xi1>, vector<16xi32>
      %eq3A_1571 = arith.cmpi eq, %select_n3A_1339, %max3A_1360 : vector<16xi32>
      %jit3A_1572 = arith.constant 1.000000e+00 : f32
      %jit3A_1573 = arith.constant 0.000000e+00 : f32
      %broadcast_in_dim3A_1574 = vector.broadcast %jit3A_1572 : f32 to vector<16xf32>
      %broadcast_in_dim3A_1575 = vector.broadcast %jit3A_1573 : f32 to vector<16xf32>
      %select_n3A_1576 = arith.select %eq3A_1571, %broadcast_in_dim3A_1574, %broadcast_in_dim3A_1575 : vector<16xi1>, vector<16xf32>
      %max3A_1577 = arith.maximumf %max3A_1336, %select_n3A_1576 : vector<16xf32>
      %jit3A_1578 = arith.constant -2147483648 : i32
      %broadcast_in_dim3A_1579 = vector.broadcast %jit3A_1578 : i32 to vector<16xi32>
      %select_n3A_1580 = arith.select %eq3A_1571, %broadcast_in_dim3A_1579, %select_n3A_1339 : vector<16xi1>, vector<16xi32>
      %max3A_1581 = arith.maxsi %select_n3A_1370, %select_n3A_1380 : vector<16xi32>
      %max3A_1582 = arith.maxsi %select_n3A_1390, %select_n3A_1400 : vector<16xi32>
      %max3A_1583 = arith.maxsi %select_n3A_1410, %select_n3A_1420 : vector<16xi32>
      %max3A_1584 = arith.maxsi %select_n3A_1430, %select_n3A_1440 : vector<16xi32>
      %max3A_1585 = arith.maxsi %select_n3A_1450, %select_n3A_1460 : vector<16xi32>
      %max3A_1586 = arith.maxsi %select_n3A_1470, %select_n3A_1480 : vector<16xi32>
      %max3A_1587 = arith.maxsi %select_n3A_1490, %select_n3A_1500 : vector<16xi32>
      %max3A_1588 = arith.maxsi %select_n3A_1510, %select_n3A_1520 : vector<16xi32>
      %max3A_1589 = arith.maxsi %select_n3A_1530, %select_n3A_1540 : vector<16xi32>
      %max3A_1590 = arith.maxsi %select_n3A_1550, %select_n3A_1560 : vector<16xi32>
      %max3A_1591 = arith.maxsi %select_n3A_1570, %select_n3A_1580 : vector<16xi32>
      %max3A_1592 = arith.maxsi %max3A_1581, %max3A_1582 : vector<16xi32>
      %max3A_1593 = arith.maxsi %max3A_1583, %max3A_1584 : vector<16xi32>
      %max3A_1594 = arith.maxsi %max3A_1585, %max3A_1586 : vector<16xi32>
      %max3A_1595 = arith.maxsi %max3A_1587, %max3A_1588 : vector<16xi32>
      %max3A_1596 = arith.maxsi %max3A_1589, %max3A_1590 : vector<16xi32>
      %max3A_1597 = arith.maxsi %max3A_1592, %max3A_1593 : vector<16xi32>
      %max3A_1598 = arith.maxsi %max3A_1594, %max3A_1595 : vector<16xi32>
      %max3A_1599 = arith.maxsi %max3A_1596, %max3A_1591 : vector<16xi32>
      %max3A_1600 = arith.maxsi %max3A_1597, %max3A_1598 : vector<16xi32>
      %max3A_1601 = arith.maxsi %max3A_1600, %max3A_1599 : vector<16xi32>
      %eq3A_1602 = arith.cmpi eq, %select_n3A_1370, %max3A_1601 : vector<16xi32>
      %jit3A_1603 = arith.constant 1.000000e+00 : f32
      %jit3A_1604 = arith.constant 0.000000e+00 : f32
      %broadcast_in_dim3A_1605 = vector.broadcast %jit3A_1603 : f32 to vector<16xf32>
      %broadcast_in_dim3A_1606 = vector.broadcast %jit3A_1604 : f32 to vector<16xf32>
      %select_n3A_1607 = arith.select %eq3A_1602, %broadcast_in_dim3A_1605, %broadcast_in_dim3A_1606 : vector<16xi1>, vector<16xf32>
      %max3A_1608 = arith.maximumf %max3A_1367, %select_n3A_1607 : vector<16xf32>
      %jit3A_1609 = arith.constant -2147483648 : i32
      %broadcast_in_dim3A_1610 = vector.broadcast %jit3A_1609 : i32 to vector<16xi32>
      %select_n3A_1611 = arith.select %eq3A_1602, %broadcast_in_dim3A_1610, %select_n3A_1370 : vector<16xi1>, vector<16xi32>
      %eq3A_1612 = arith.cmpi eq, %select_n3A_1380, %max3A_1601 : vector<16xi32>
      %jit3A_1613 = arith.constant 1.000000e+00 : f32
      %jit3A_1614 = arith.constant 0.000000e+00 : f32
      %broadcast_in_dim3A_1615 = vector.broadcast %jit3A_1613 : f32 to vector<16xf32>
      %broadcast_in_dim3A_1616 = vector.broadcast %jit3A_1614 : f32 to vector<16xf32>
      %select_n3A_1617 = arith.select %eq3A_1612, %broadcast_in_dim3A_1615, %broadcast_in_dim3A_1616 : vector<16xi1>, vector<16xf32>
      %max3A_1618 = arith.maximumf %max3A_1377, %select_n3A_1617 : vector<16xf32>
      %jit3A_1619 = arith.constant -2147483648 : i32
      %broadcast_in_dim3A_1620 = vector.broadcast %jit3A_1619 : i32 to vector<16xi32>
      %select_n3A_1621 = arith.select %eq3A_1612, %broadcast_in_dim3A_1620, %select_n3A_1380 : vector<16xi1>, vector<16xi32>
      %eq3A_1622 = arith.cmpi eq, %select_n3A_1390, %max3A_1601 : vector<16xi32>
      %jit3A_1623 = arith.constant 1.000000e+00 : f32
      %jit3A_1624 = arith.constant 0.000000e+00 : f32
      %broadcast_in_dim3A_1625 = vector.broadcast %jit3A_1623 : f32 to vector<16xf32>
      %broadcast_in_dim3A_1626 = vector.broadcast %jit3A_1624 : f32 to vector<16xf32>
      %select_n3A_1627 = arith.select %eq3A_1622, %broadcast_in_dim3A_1625, %broadcast_in_dim3A_1626 : vector<16xi1>, vector<16xf32>
      %max3A_1628 = arith.maximumf %max3A_1387, %select_n3A_1627 : vector<16xf32>
      %jit3A_1629 = arith.constant -2147483648 : i32
      %broadcast_in_dim3A_1630 = vector.broadcast %jit3A_1629 : i32 to vector<16xi32>
      %select_n3A_1631 = arith.select %eq3A_1622, %broadcast_in_dim3A_1630, %select_n3A_1390 : vector<16xi1>, vector<16xi32>
      %eq3A_1632 = arith.cmpi eq, %select_n3A_1400, %max3A_1601 : vector<16xi32>
      %jit3A_1633 = arith.constant 1.000000e+00 : f32
      %jit3A_1634 = arith.constant 0.000000e+00 : f32
      %broadcast_in_dim3A_1635 = vector.broadcast %jit3A_1633 : f32 to vector<16xf32>
      %broadcast_in_dim3A_1636 = vector.broadcast %jit3A_1634 : f32 to vector<16xf32>
      %select_n3A_1637 = arith.select %eq3A_1632, %broadcast_in_dim3A_1635, %broadcast_in_dim3A_1636 : vector<16xi1>, vector<16xf32>
      %max3A_1638 = arith.maximumf %max3A_1397, %select_n3A_1637 : vector<16xf32>
      %jit3A_1639 = arith.constant -2147483648 : i32
      %broadcast_in_dim3A_1640 = vector.broadcast %jit3A_1639 : i32 to vector<16xi32>
      %select_n3A_1641 = arith.select %eq3A_1632, %broadcast_in_dim3A_1640, %select_n3A_1400 : vector<16xi1>, vector<16xi32>
      %eq3A_1642 = arith.cmpi eq, %select_n3A_1410, %max3A_1601 : vector<16xi32>
      %jit3A_1643 = arith.constant 1.000000e+00 : f32
      %jit3A_1644 = arith.constant 0.000000e+00 : f32
      %broadcast_in_dim3A_1645 = vector.broadcast %jit3A_1643 : f32 to vector<16xf32>
      %broadcast_in_dim3A_1646 = vector.broadcast %jit3A_1644 : f32 to vector<16xf32>
      %select_n3A_1647 = arith.select %eq3A_1642, %broadcast_in_dim3A_1645, %broadcast_in_dim3A_1646 : vector<16xi1>, vector<16xf32>
      %max3A_1648 = arith.maximumf %max3A_1407, %select_n3A_1647 : vector<16xf32>
      %jit3A_1649 = arith.constant -2147483648 : i32
      %broadcast_in_dim3A_1650 = vector.broadcast %jit3A_1649 : i32 to vector<16xi32>
      %select_n3A_1651 = arith.select %eq3A_1642, %broadcast_in_dim3A_1650, %select_n3A_1410 : vector<16xi1>, vector<16xi32>
      %eq3A_1652 = arith.cmpi eq, %select_n3A_1420, %max3A_1601 : vector<16xi32>
      %jit3A_1653 = arith.constant 1.000000e+00 : f32
      %jit3A_1654 = arith.constant 0.000000e+00 : f32
      %broadcast_in_dim3A_1655 = vector.broadcast %jit3A_1653 : f32 to vector<16xf32>
      %broadcast_in_dim3A_1656 = vector.broadcast %jit3A_1654 : f32 to vector<16xf32>
      %select_n3A_1657 = arith.select %eq3A_1652, %broadcast_in_dim3A_1655, %broadcast_in_dim3A_1656 : vector<16xi1>, vector<16xf32>
      %max3A_1658 = arith.maximumf %max3A_1417, %select_n3A_1657 : vector<16xf32>
      %jit3A_1659 = arith.constant -2147483648 : i32
      %broadcast_in_dim3A_1660 = vector.broadcast %jit3A_1659 : i32 to vector<16xi32>
      %select_n3A_1661 = arith.select %eq3A_1652, %broadcast_in_dim3A_1660, %select_n3A_1420 : vector<16xi1>, vector<16xi32>
      %eq3A_1662 = arith.cmpi eq, %select_n3A_1430, %max3A_1601 : vector<16xi32>
      %jit3A_1663 = arith.constant 1.000000e+00 : f32
      %jit3A_1664 = arith.constant 0.000000e+00 : f32
      %broadcast_in_dim3A_1665 = vector.broadcast %jit3A_1663 : f32 to vector<16xf32>
      %broadcast_in_dim3A_1666 = vector.broadcast %jit3A_1664 : f32 to vector<16xf32>
      %select_n3A_1667 = arith.select %eq3A_1662, %broadcast_in_dim3A_1665, %broadcast_in_dim3A_1666 : vector<16xi1>, vector<16xf32>
      %max3A_1668 = arith.maximumf %max3A_1427, %select_n3A_1667 : vector<16xf32>
      %jit3A_1669 = arith.constant -2147483648 : i32
      %broadcast_in_dim3A_1670 = vector.broadcast %jit3A_1669 : i32 to vector<16xi32>
      %select_n3A_1671 = arith.select %eq3A_1662, %broadcast_in_dim3A_1670, %select_n3A_1430 : vector<16xi1>, vector<16xi32>
      %eq3A_1672 = arith.cmpi eq, %select_n3A_1440, %max3A_1601 : vector<16xi32>
      %jit3A_1673 = arith.constant 1.000000e+00 : f32
      %jit3A_1674 = arith.constant 0.000000e+00 : f32
      %broadcast_in_dim3A_1675 = vector.broadcast %jit3A_1673 : f32 to vector<16xf32>
      %broadcast_in_dim3A_1676 = vector.broadcast %jit3A_1674 : f32 to vector<16xf32>
      %select_n3A_1677 = arith.select %eq3A_1672, %broadcast_in_dim3A_1675, %broadcast_in_dim3A_1676 : vector<16xi1>, vector<16xf32>
      %max3A_1678 = arith.maximumf %max3A_1437, %select_n3A_1677 : vector<16xf32>
      %jit3A_1679 = arith.constant -2147483648 : i32
      %broadcast_in_dim3A_1680 = vector.broadcast %jit3A_1679 : i32 to vector<16xi32>
      %select_n3A_1681 = arith.select %eq3A_1672, %broadcast_in_dim3A_1680, %select_n3A_1440 : vector<16xi1>, vector<16xi32>
      %eq3A_1682 = arith.cmpi eq, %select_n3A_1450, %max3A_1601 : vector<16xi32>
      %jit3A_1683 = arith.constant 1.000000e+00 : f32
      %jit3A_1684 = arith.constant 0.000000e+00 : f32
      %broadcast_in_dim3A_1685 = vector.broadcast %jit3A_1683 : f32 to vector<16xf32>
      %broadcast_in_dim3A_1686 = vector.broadcast %jit3A_1684 : f32 to vector<16xf32>
      %select_n3A_1687 = arith.select %eq3A_1682, %broadcast_in_dim3A_1685, %broadcast_in_dim3A_1686 : vector<16xi1>, vector<16xf32>
      %max3A_1688 = arith.maximumf %max3A_1447, %select_n3A_1687 : vector<16xf32>
      %jit3A_1689 = arith.constant -2147483648 : i32
      %broadcast_in_dim3A_1690 = vector.broadcast %jit3A_1689 : i32 to vector<16xi32>
      %select_n3A_1691 = arith.select %eq3A_1682, %broadcast_in_dim3A_1690, %select_n3A_1450 : vector<16xi1>, vector<16xi32>
      %eq3A_1692 = arith.cmpi eq, %select_n3A_1460, %max3A_1601 : vector<16xi32>
      %jit3A_1693 = arith.constant 1.000000e+00 : f32
      %jit3A_1694 = arith.constant 0.000000e+00 : f32
      %broadcast_in_dim3A_1695 = vector.broadcast %jit3A_1693 : f32 to vector<16xf32>
      %broadcast_in_dim3A_1696 = vector.broadcast %jit3A_1694 : f32 to vector<16xf32>
      %select_n3A_1697 = arith.select %eq3A_1692, %broadcast_in_dim3A_1695, %broadcast_in_dim3A_1696 : vector<16xi1>, vector<16xf32>
      %max3A_1698 = arith.maximumf %max3A_1457, %select_n3A_1697 : vector<16xf32>
      %jit3A_1699 = arith.constant -2147483648 : i32
      %broadcast_in_dim3A_1700 = vector.broadcast %jit3A_1699 : i32 to vector<16xi32>
      %select_n3A_1701 = arith.select %eq3A_1692, %broadcast_in_dim3A_1700, %select_n3A_1460 : vector<16xi1>, vector<16xi32>
      %eq3A_1702 = arith.cmpi eq, %select_n3A_1470, %max3A_1601 : vector<16xi32>
      %jit3A_1703 = arith.constant 1.000000e+00 : f32
      %jit3A_1704 = arith.constant 0.000000e+00 : f32
      %broadcast_in_dim3A_1705 = vector.broadcast %jit3A_1703 : f32 to vector<16xf32>
      %broadcast_in_dim3A_1706 = vector.broadcast %jit3A_1704 : f32 to vector<16xf32>
      %select_n3A_1707 = arith.select %eq3A_1702, %broadcast_in_dim3A_1705, %broadcast_in_dim3A_1706 : vector<16xi1>, vector<16xf32>
      %max3A_1708 = arith.maximumf %max3A_1467, %select_n3A_1707 : vector<16xf32>
      %jit3A_1709 = arith.constant -2147483648 : i32
      %broadcast_in_dim3A_1710 = vector.broadcast %jit3A_1709 : i32 to vector<16xi32>
      %select_n3A_1711 = arith.select %eq3A_1702, %broadcast_in_dim3A_1710, %select_n3A_1470 : vector<16xi1>, vector<16xi32>
      %eq3A_1712 = arith.cmpi eq, %select_n3A_1480, %max3A_1601 : vector<16xi32>
      %jit3A_1713 = arith.constant 1.000000e+00 : f32
      %jit3A_1714 = arith.constant 0.000000e+00 : f32
      %broadcast_in_dim3A_1715 = vector.broadcast %jit3A_1713 : f32 to vector<16xf32>
      %broadcast_in_dim3A_1716 = vector.broadcast %jit3A_1714 : f32 to vector<16xf32>
      %select_n3A_1717 = arith.select %eq3A_1712, %broadcast_in_dim3A_1715, %broadcast_in_dim3A_1716 : vector<16xi1>, vector<16xf32>
      %max3A_1718 = arith.maximumf %max3A_1477, %select_n3A_1717 : vector<16xf32>
      %jit3A_1719 = arith.constant -2147483648 : i32
      %broadcast_in_dim3A_1720 = vector.broadcast %jit3A_1719 : i32 to vector<16xi32>
      %select_n3A_1721 = arith.select %eq3A_1712, %broadcast_in_dim3A_1720, %select_n3A_1480 : vector<16xi1>, vector<16xi32>
      %eq3A_1722 = arith.cmpi eq, %select_n3A_1490, %max3A_1601 : vector<16xi32>
      %jit3A_1723 = arith.constant 1.000000e+00 : f32
      %jit3A_1724 = arith.constant 0.000000e+00 : f32
      %broadcast_in_dim3A_1725 = vector.broadcast %jit3A_1723 : f32 to vector<16xf32>
      %broadcast_in_dim3A_1726 = vector.broadcast %jit3A_1724 : f32 to vector<16xf32>
      %select_n3A_1727 = arith.select %eq3A_1722, %broadcast_in_dim3A_1725, %broadcast_in_dim3A_1726 : vector<16xi1>, vector<16xf32>
      %max3A_1728 = arith.maximumf %max3A_1487, %select_n3A_1727 : vector<16xf32>
      %jit3A_1729 = arith.constant -2147483648 : i32
      %broadcast_in_dim3A_1730 = vector.broadcast %jit3A_1729 : i32 to vector<16xi32>
      %select_n3A_1731 = arith.select %eq3A_1722, %broadcast_in_dim3A_1730, %select_n3A_1490 : vector<16xi1>, vector<16xi32>
      %eq3A_1732 = arith.cmpi eq, %select_n3A_1500, %max3A_1601 : vector<16xi32>
      %jit3A_1733 = arith.constant 1.000000e+00 : f32
      %jit3A_1734 = arith.constant 0.000000e+00 : f32
      %broadcast_in_dim3A_1735 = vector.broadcast %jit3A_1733 : f32 to vector<16xf32>
      %broadcast_in_dim3A_1736 = vector.broadcast %jit3A_1734 : f32 to vector<16xf32>
      %select_n3A_1737 = arith.select %eq3A_1732, %broadcast_in_dim3A_1735, %broadcast_in_dim3A_1736 : vector<16xi1>, vector<16xf32>
      %max3A_1738 = arith.maximumf %max3A_1497, %select_n3A_1737 : vector<16xf32>
      %jit3A_1739 = arith.constant -2147483648 : i32
      %broadcast_in_dim3A_1740 = vector.broadcast %jit3A_1739 : i32 to vector<16xi32>
      %select_n3A_1741 = arith.select %eq3A_1732, %broadcast_in_dim3A_1740, %select_n3A_1500 : vector<16xi1>, vector<16xi32>
      %eq3A_1742 = arith.cmpi eq, %select_n3A_1510, %max3A_1601 : vector<16xi32>
      %jit3A_1743 = arith.constant 1.000000e+00 : f32
      %jit3A_1744 = arith.constant 0.000000e+00 : f32
      %broadcast_in_dim3A_1745 = vector.broadcast %jit3A_1743 : f32 to vector<16xf32>
      %broadcast_in_dim3A_1746 = vector.broadcast %jit3A_1744 : f32 to vector<16xf32>
      %select_n3A_1747 = arith.select %eq3A_1742, %broadcast_in_dim3A_1745, %broadcast_in_dim3A_1746 : vector<16xi1>, vector<16xf32>
      %max3A_1748 = arith.maximumf %max3A_1507, %select_n3A_1747 : vector<16xf32>
      %jit3A_1749 = arith.constant -2147483648 : i32
      %broadcast_in_dim3A_1750 = vector.broadcast %jit3A_1749 : i32 to vector<16xi32>
      %select_n3A_1751 = arith.select %eq3A_1742, %broadcast_in_dim3A_1750, %select_n3A_1510 : vector<16xi1>, vector<16xi32>
      %eq3A_1752 = arith.cmpi eq, %select_n3A_1520, %max3A_1601 : vector<16xi32>
      %jit3A_1753 = arith.constant 1.000000e+00 : f32
      %jit3A_1754 = arith.constant 0.000000e+00 : f32
      %broadcast_in_dim3A_1755 = vector.broadcast %jit3A_1753 : f32 to vector<16xf32>
      %broadcast_in_dim3A_1756 = vector.broadcast %jit3A_1754 : f32 to vector<16xf32>
      %select_n3A_1757 = arith.select %eq3A_1752, %broadcast_in_dim3A_1755, %broadcast_in_dim3A_1756 : vector<16xi1>, vector<16xf32>
      %max3A_1758 = arith.maximumf %max3A_1517, %select_n3A_1757 : vector<16xf32>
      %jit3A_1759 = arith.constant -2147483648 : i32
      %broadcast_in_dim3A_1760 = vector.broadcast %jit3A_1759 : i32 to vector<16xi32>
      %select_n3A_1761 = arith.select %eq3A_1752, %broadcast_in_dim3A_1760, %select_n3A_1520 : vector<16xi1>, vector<16xi32>
      %eq3A_1762 = arith.cmpi eq, %select_n3A_1530, %max3A_1601 : vector<16xi32>
      %jit3A_1763 = arith.constant 1.000000e+00 : f32
      %jit3A_1764 = arith.constant 0.000000e+00 : f32
      %broadcast_in_dim3A_1765 = vector.broadcast %jit3A_1763 : f32 to vector<16xf32>
      %broadcast_in_dim3A_1766 = vector.broadcast %jit3A_1764 : f32 to vector<16xf32>
      %select_n3A_1767 = arith.select %eq3A_1762, %broadcast_in_dim3A_1765, %broadcast_in_dim3A_1766 : vector<16xi1>, vector<16xf32>
      %max3A_1768 = arith.maximumf %max3A_1527, %select_n3A_1767 : vector<16xf32>
      %jit3A_1769 = arith.constant -2147483648 : i32
      %broadcast_in_dim3A_1770 = vector.broadcast %jit3A_1769 : i32 to vector<16xi32>
      %select_n3A_1771 = arith.select %eq3A_1762, %broadcast_in_dim3A_1770, %select_n3A_1530 : vector<16xi1>, vector<16xi32>
      %eq3A_1772 = arith.cmpi eq, %select_n3A_1540, %max3A_1601 : vector<16xi32>
      %jit3A_1773 = arith.constant 1.000000e+00 : f32
      %jit3A_1774 = arith.constant 0.000000e+00 : f32
      %broadcast_in_dim3A_1775 = vector.broadcast %jit3A_1773 : f32 to vector<16xf32>
      %broadcast_in_dim3A_1776 = vector.broadcast %jit3A_1774 : f32 to vector<16xf32>
      %select_n3A_1777 = arith.select %eq3A_1772, %broadcast_in_dim3A_1775, %broadcast_in_dim3A_1776 : vector<16xi1>, vector<16xf32>
      %max3A_1778 = arith.maximumf %max3A_1537, %select_n3A_1777 : vector<16xf32>
      %jit3A_1779 = arith.constant -2147483648 : i32
      %broadcast_in_dim3A_1780 = vector.broadcast %jit3A_1779 : i32 to vector<16xi32>
      %select_n3A_1781 = arith.select %eq3A_1772, %broadcast_in_dim3A_1780, %select_n3A_1540 : vector<16xi1>, vector<16xi32>
      %eq3A_1782 = arith.cmpi eq, %select_n3A_1550, %max3A_1601 : vector<16xi32>
      %jit3A_1783 = arith.constant 1.000000e+00 : f32
      %jit3A_1784 = arith.constant 0.000000e+00 : f32
      %broadcast_in_dim3A_1785 = vector.broadcast %jit3A_1783 : f32 to vector<16xf32>
      %broadcast_in_dim3A_1786 = vector.broadcast %jit3A_1784 : f32 to vector<16xf32>
      %select_n3A_1787 = arith.select %eq3A_1782, %broadcast_in_dim3A_1785, %broadcast_in_dim3A_1786 : vector<16xi1>, vector<16xf32>
      %max3A_1788 = arith.maximumf %max3A_1547, %select_n3A_1787 : vector<16xf32>
      %jit3A_1789 = arith.constant -2147483648 : i32
      %broadcast_in_dim3A_1790 = vector.broadcast %jit3A_1789 : i32 to vector<16xi32>
      %select_n3A_1791 = arith.select %eq3A_1782, %broadcast_in_dim3A_1790, %select_n3A_1550 : vector<16xi1>, vector<16xi32>
      %eq3A_1792 = arith.cmpi eq, %select_n3A_1560, %max3A_1601 : vector<16xi32>
      %jit3A_1793 = arith.constant 1.000000e+00 : f32
      %jit3A_1794 = arith.constant 0.000000e+00 : f32
      %broadcast_in_dim3A_1795 = vector.broadcast %jit3A_1793 : f32 to vector<16xf32>
      %broadcast_in_dim3A_1796 = vector.broadcast %jit3A_1794 : f32 to vector<16xf32>
      %select_n3A_1797 = arith.select %eq3A_1792, %broadcast_in_dim3A_1795, %broadcast_in_dim3A_1796 : vector<16xi1>, vector<16xf32>
      %max3A_1798 = arith.maximumf %max3A_1557, %select_n3A_1797 : vector<16xf32>
      %jit3A_1799 = arith.constant -2147483648 : i32
      %broadcast_in_dim3A_1800 = vector.broadcast %jit3A_1799 : i32 to vector<16xi32>
      %select_n3A_1801 = arith.select %eq3A_1792, %broadcast_in_dim3A_1800, %select_n3A_1560 : vector<16xi1>, vector<16xi32>
      %eq3A_1802 = arith.cmpi eq, %select_n3A_1570, %max3A_1601 : vector<16xi32>
      %jit3A_1803 = arith.constant 1.000000e+00 : f32
      %jit3A_1804 = arith.constant 0.000000e+00 : f32
      %broadcast_in_dim3A_1805 = vector.broadcast %jit3A_1803 : f32 to vector<16xf32>
      %broadcast_in_dim3A_1806 = vector.broadcast %jit3A_1804 : f32 to vector<16xf32>
      %select_n3A_1807 = arith.select %eq3A_1802, %broadcast_in_dim3A_1805, %broadcast_in_dim3A_1806 : vector<16xi1>, vector<16xf32>
      %max3A_1808 = arith.maximumf %max3A_1567, %select_n3A_1807 : vector<16xf32>
      %jit3A_1809 = arith.constant -2147483648 : i32
      %broadcast_in_dim3A_1810 = vector.broadcast %jit3A_1809 : i32 to vector<16xi32>
      %select_n3A_1811 = arith.select %eq3A_1802, %broadcast_in_dim3A_1810, %select_n3A_1570 : vector<16xi1>, vector<16xi32>
      %eq3A_1812 = arith.cmpi eq, %select_n3A_1580, %max3A_1601 : vector<16xi32>
      %jit3A_1813 = arith.constant 1.000000e+00 : f32
      %jit3A_1814 = arith.constant 0.000000e+00 : f32
      %broadcast_in_dim3A_1815 = vector.broadcast %jit3A_1813 : f32 to vector<16xf32>
      %broadcast_in_dim3A_1816 = vector.broadcast %jit3A_1814 : f32 to vector<16xf32>
      %select_n3A_1817 = arith.select %eq3A_1812, %broadcast_in_dim3A_1815, %broadcast_in_dim3A_1816 : vector<16xi1>, vector<16xf32>
      %max3A_1818 = arith.maximumf %max3A_1577, %select_n3A_1817 : vector<16xf32>
      %jit3A_1819 = arith.constant -2147483648 : i32
      %broadcast_in_dim3A_1820 = vector.broadcast %jit3A_1819 : i32 to vector<16xi32>
      %select_n3A_1821 = arith.select %eq3A_1812, %broadcast_in_dim3A_1820, %select_n3A_1580 : vector<16xi1>, vector<16xi32>
      %swap3A = arith.constant 0 : i32
      %swap3A_1822 = arith.index_cast %swap3A : i32 to index
      %swap3A_1823 = arith.index_cast %mul3A_10 : i32 to index
      %swap3A_1824 = tpu.vector_load %arg5[%swap3A_1822, %swap3A_1823] {strides = array<i32>} : memref<24x256xf32, #tpu.memory_space<vmem>>, vector<16xf32>,
      tpu.vector_store %arg5[%swap3A_1822, %swap3A_1823], %broadcast_in_dim3A_11 {strides = array<i32>} : memref<24x256xf32, #tpu.memory_space<vmem>>, vector<16xf32>,
      %swap3A_1825 = arith.constant 12 : i32
      %swap3A_1826 = arith.index_cast %swap3A_1825 : i32 to index
      %swap3A_1827 = arith.index_cast %mul3A_10 : i32 to index
      %swap3A_1828 = tpu.vector_load %arg5[%swap3A_1826, %swap3A_1827] {strides = array<i32>} : memref<24x256xf32, #tpu.memory_space<vmem>>, vector<16xf32>,
      tpu.vector_store %arg5[%swap3A_1826, %swap3A_1827], %broadcast_in_dim3A_11 {strides = array<i32>} : memref<24x256xf32, #tpu.memory_space<vmem>>, vector<16xf32>,
      %swap3A_1829 = arith.constant 1 : i32
      %swap3A_1830 = arith.index_cast %swap3A_1829 : i32 to index
      %swap3A_1831 = arith.index_cast %mul3A_10 : i32 to index
      %swap3A_1832 = tpu.vector_load %arg5[%swap3A_1830, %swap3A_1831] {strides = array<i32>} : memref<24x256xf32, #tpu.memory_space<vmem>>, vector<16xf32>,
      tpu.vector_store %arg5[%swap3A_1830, %swap3A_1831], %max3A_1608 {strides = array<i32>} : memref<24x256xf32, #tpu.memory_space<vmem>>, vector<16xf32>,
      %swap3A_1833 = arith.constant 2 : i32
      %swap3A_1834 = arith.index_cast %swap3A_1833 : i32 to index
      %swap3A_1835 = arith.index_cast %mul3A_10 : i32 to index
      %swap3A_1836 = tpu.vector_load %arg5[%swap3A_1834, %swap3A_1835] {strides = array<i32>} : memref<24x256xf32, #tpu.memory_space<vmem>>, vector<16xf32>,
      tpu.vector_store %arg5[%swap3A_1834, %swap3A_1835], %max3A_1618 {strides = array<i32>} : memref<24x256xf32, #tpu.memory_space<vmem>>, vector<16xf32>,
      %swap3A_1837 = arith.constant 3 : i32
      %swap3A_1838 = arith.index_cast %swap3A_1837 : i32 to index
      %swap3A_1839 = arith.index_cast %mul3A_10 : i32 to index
      %swap3A_1840 = tpu.vector_load %arg5[%swap3A_1838, %swap3A_1839] {strides = array<i32>} : memref<24x256xf32, #tpu.memory_space<vmem>>, vector<16xf32>,
      tpu.vector_store %arg5[%swap3A_1838, %swap3A_1839], %max3A_1628 {strides = array<i32>} : memref<24x256xf32, #tpu.memory_space<vmem>>, vector<16xf32>,
      %swap3A_1841 = arith.constant 4 : i32
      %swap3A_1842 = arith.index_cast %swap3A_1841 : i32 to index
      %swap3A_1843 = arith.index_cast %mul3A_10 : i32 to index
      %swap3A_1844 = tpu.vector_load %arg5[%swap3A_1842, %swap3A_1843] {strides = array<i32>} : memref<24x256xf32, #tpu.memory_space<vmem>>, vector<16xf32>,
      tpu.vector_store %arg5[%swap3A_1842, %swap3A_1843], %max3A_1638 {strides = array<i32>} : memref<24x256xf32, #tpu.memory_space<vmem>>, vector<16xf32>,
      %swap3A_1845 = arith.constant 5 : i32
      %swap3A_1846 = arith.index_cast %swap3A_1845 : i32 to index
      %swap3A_1847 = arith.index_cast %mul3A_10 : i32 to index
      %swap3A_1848 = tpu.vector_load %arg5[%swap3A_1846, %swap3A_1847] {strides = array<i32>} : memref<24x256xf32, #tpu.memory_space<vmem>>, vector<16xf32>,
      tpu.vector_store %arg5[%swap3A_1846, %swap3A_1847], %max3A_1648 {strides = array<i32>} : memref<24x256xf32, #tpu.memory_space<vmem>>, vector<16xf32>,
      %swap3A_1849 = arith.constant 6 : i32
      %swap3A_1850 = arith.index_cast %swap3A_1849 : i32 to index
      %swap3A_1851 = arith.index_cast %mul3A_10 : i32 to index
      %swap3A_1852 = tpu.vector_load %arg5[%swap3A_1850, %swap3A_1851] {strides = array<i32>} : memref<24x256xf32, #tpu.memory_space<vmem>>, vector<16xf32>,
      tpu.vector_store %arg5[%swap3A_1850, %swap3A_1851], %max3A_1658 {strides = array<i32>} : memref<24x256xf32, #tpu.memory_space<vmem>>, vector<16xf32>,
      %swap3A_1853 = arith.constant 7 : i32
      %swap3A_1854 = arith.index_cast %swap3A_1853 : i32 to index
      %swap3A_1855 = arith.index_cast %mul3A_10 : i32 to index
      %swap3A_1856 = tpu.vector_load %arg5[%swap3A_1854, %swap3A_1855] {strides = array<i32>} : memref<24x256xf32, #tpu.memory_space<vmem>>, vector<16xf32>,
      tpu.vector_store %arg5[%swap3A_1854, %swap3A_1855], %max3A_1668 {strides = array<i32>} : memref<24x256xf32, #tpu.memory_space<vmem>>, vector<16xf32>,
      %swap3A_1857 = arith.constant 8 : i32
      %swap3A_1858 = arith.index_cast %swap3A_1857 : i32 to index
      %swap3A_1859 = arith.index_cast %mul3A_10 : i32 to index
      %swap3A_1860 = tpu.vector_load %arg5[%swap3A_1858, %swap3A_1859] {strides = array<i32>} : memref<24x256xf32, #tpu.memory_space<vmem>>, vector<16xf32>,
      tpu.vector_store %arg5[%swap3A_1858, %swap3A_1859], %max3A_1678 {strides = array<i32>} : memref<24x256xf32, #tpu.memory_space<vmem>>, vector<16xf32>,
      %swap3A_1861 = arith.constant 9 : i32
      %swap3A_1862 = arith.index_cast %swap3A_1861 : i32 to index
      %swap3A_1863 = arith.index_cast %mul3A_10 : i32 to index
      %swap3A_1864 = tpu.vector_load %arg5[%swap3A_1862, %swap3A_1863] {strides = array<i32>} : memref<24x256xf32, #tpu.memory_space<vmem>>, vector<16xf32>,
      tpu.vector_store %arg5[%swap3A_1862, %swap3A_1863], %max3A_1688 {strides = array<i32>} : memref<24x256xf32, #tpu.memory_space<vmem>>, vector<16xf32>,
      %swap3A_1865 = arith.constant 10 : i32
      %swap3A_1866 = arith.index_cast %swap3A_1865 : i32 to index
      %swap3A_1867 = arith.index_cast %mul3A_10 : i32 to index
      %swap3A_1868 = tpu.vector_load %arg5[%swap3A_1866, %swap3A_1867] {strides = array<i32>} : memref<24x256xf32, #tpu.memory_space<vmem>>, vector<16xf32>,
      tpu.vector_store %arg5[%swap3A_1866, %swap3A_1867], %max3A_1698 {strides = array<i32>} : memref<24x256xf32, #tpu.memory_space<vmem>>, vector<16xf32>,
      %swap3A_1869 = arith.constant 11 : i32
      %swap3A_1870 = arith.index_cast %swap3A_1869 : i32 to index
      %swap3A_1871 = arith.index_cast %mul3A_10 : i32 to index
      %swap3A_1872 = tpu.vector_load %arg5[%swap3A_1870, %swap3A_1871] {strides = array<i32>} : memref<24x256xf32, #tpu.memory_space<vmem>>, vector<16xf32>,
      tpu.vector_store %arg5[%swap3A_1870, %swap3A_1871], %max3A_1708 {strides = array<i32>} : memref<24x256xf32, #tpu.memory_space<vmem>>, vector<16xf32>,
      %swap3A_1873 = arith.constant 13 : i32
      %swap3A_1874 = arith.index_cast %swap3A_1873 : i32 to index
      %swap3A_1875 = arith.index_cast %mul3A_10 : i32 to index
      %swap3A_1876 = tpu.vector_load %arg5[%swap3A_1874, %swap3A_1875] {strides = array<i32>} : memref<24x256xf32, #tpu.memory_space<vmem>>, vector<16xf32>,
      tpu.vector_store %arg5[%swap3A_1874, %swap3A_1875], %max3A_1718 {strides = array<i32>} : memref<24x256xf32, #tpu.memory_space<vmem>>, vector<16xf32>,
      %swap3A_1877 = arith.constant 14 : i32
      %swap3A_1878 = arith.index_cast %swap3A_1877 : i32 to index
      %swap3A_1879 = arith.index_cast %mul3A_10 : i32 to index
      %swap3A_1880 = tpu.vector_load %arg5[%swap3A_1878, %swap3A_1879] {strides = array<i32>} : memref<24x256xf32, #tpu.memory_space<vmem>>, vector<16xf32>,
      tpu.vector_store %arg5[%swap3A_1878, %swap3A_1879], %max3A_1728 {strides = array<i32>} : memref<24x256xf32, #tpu.memory_space<vmem>>, vector<16xf32>,
      %swap3A_1881 = arith.constant 15 : i32
      %swap3A_1882 = arith.index_cast %swap3A_1881 : i32 to index
      %swap3A_1883 = arith.index_cast %mul3A_10 : i32 to index
      %swap3A_1884 = tpu.vector_load %arg5[%swap3A_1882, %swap3A_1883] {strides = array<i32>} : memref<24x256xf32, #tpu.memory_space<vmem>>, vector<16xf32>,
      tpu.vector_store %arg5[%swap3A_1882, %swap3A_1883], %max3A_1738 {strides = array<i32>} : memref<24x256xf32, #tpu.memory_space<vmem>>, vector<16xf32>,
      %swap3A_1885 = arith.constant 16 : i32
      %swap3A_1886 = arith.index_cast %swap3A_1885 : i32 to index
      %swap3A_1887 = arith.index_cast %mul3A_10 : i32 to index
      %swap3A_1888 = tpu.vector_load %arg5[%swap3A_1886, %swap3A_1887] {strides = array<i32>} : memref<24x256xf32, #tpu.memory_space<vmem>>, vector<16xf32>,
      tpu.vector_store %arg5[%swap3A_1886, %swap3A_1887], %max3A_1748 {strides = array<i32>} : memref<24x256xf32, #tpu.memory_space<vmem>>, vector<16xf32>,
      %swap3A_1889 = arith.constant 17 : i32
      %swap3A_1890 = arith.index_cast %swap3A_1889 : i32 to index
      %swap3A_1891 = arith.index_cast %mul3A_10 : i32 to index
      %swap3A_1892 = tpu.vector_load %arg5[%swap3A_1890, %swap3A_1891] {strides = array<i32>} : memref<24x256xf32, #tpu.memory_space<vmem>>, vector<16xf32>,
      tpu.vector_store %arg5[%swap3A_1890, %swap3A_1891], %max3A_1758 {strides = array<i32>} : memref<24x256xf32, #tpu.memory_space<vmem>>, vector<16xf32>,
      %swap3A_1893 = arith.constant 18 : i32
      %swap3A_1894 = arith.index_cast %swap3A_1893 : i32 to index
      %swap3A_1895 = arith.index_cast %mul3A_10 : i32 to index
      %swap3A_1896 = tpu.vector_load %arg5[%swap3A_1894, %swap3A_1895] {strides = array<i32>} : memref<24x256xf32, #tpu.memory_space<vmem>>, vector<16xf32>,
      tpu.vector_store %arg5[%swap3A_1894, %swap3A_1895], %max3A_1768 {strides = array<i32>} : memref<24x256xf32, #tpu.memory_space<vmem>>, vector<16xf32>,
      %swap3A_1897 = arith.constant 19 : i32
      %swap3A_1898 = arith.index_cast %swap3A_1897 : i32 to index
      %swap3A_1899 = arith.index_cast %mul3A_10 : i32 to index
      %swap3A_1900 = tpu.vector_load %arg5[%swap3A_1898, %swap3A_1899] {strides = array<i32>} : memref<24x256xf32, #tpu.memory_space<vmem>>, vector<16xf32>,
      tpu.vector_store %arg5[%swap3A_1898, %swap3A_1899], %max3A_1778 {strides = array<i32>} : memref<24x256xf32, #tpu.memory_space<vmem>>, vector<16xf32>,
      %swap3A_1901 = arith.constant 20 : i32
      %swap3A_1902 = arith.index_cast %swap3A_1901 : i32 to index
      %swap3A_1903 = arith.index_cast %mul3A_10 : i32 to index
      %swap3A_1904 = tpu.vector_load %arg5[%swap3A_1902, %swap3A_1903] {strides = array<i32>} : memref<24x256xf32, #tpu.memory_space<vmem>>, vector<16xf32>,
      tpu.vector_store %arg5[%swap3A_1902, %swap3A_1903], %max3A_1788 {strides = array<i32>} : memref<24x256xf32, #tpu.memory_space<vmem>>, vector<16xf32>,
      %swap3A_1905 = arith.constant 21 : i32
      %swap3A_1906 = arith.index_cast %swap3A_1905 : i32 to index
      %swap3A_1907 = arith.index_cast %mul3A_10 : i32 to index
      %swap3A_1908 = tpu.vector_load %arg5[%swap3A_1906, %swap3A_1907] {strides = array<i32>} : memref<24x256xf32, #tpu.memory_space<vmem>>, vector<16xf32>,
      tpu.vector_store %arg5[%swap3A_1906, %swap3A_1907], %max3A_1798 {strides = array<i32>} : memref<24x256xf32, #tpu.memory_space<vmem>>, vector<16xf32>,
      %swap3A_1909 = arith.constant 22 : i32
      %swap3A_1910 = arith.index_cast %swap3A_1909 : i32 to index
      %swap3A_1911 = arith.index_cast %mul3A_10 : i32 to index
      %swap3A_1912 = tpu.vector_load %arg5[%swap3A_1910, %swap3A_1911] {strides = array<i32>} : memref<24x256xf32, #tpu.memory_space<vmem>>, vector<16xf32>,
      tpu.vector_store %arg5[%swap3A_1910, %swap3A_1911], %max3A_1808 {strides = array<i32>} : memref<24x256xf32, #tpu.memory_space<vmem>>, vector<16xf32>,
      %swap3A_1913 = arith.constant 23 : i32
      %swap3A_1914 = arith.index_cast %swap3A_1913 : i32 to index
      %swap3A_1915 = arith.index_cast %mul3A_10 : i32 to index
      %swap3A_1916 = tpu.vector_load %arg5[%swap3A_1914, %swap3A_1915] {strides = array<i32>} : memref<24x256xf32, #tpu.memory_space<vmem>>, vector<16xf32>,
      tpu.vector_store %arg5[%swap3A_1914, %swap3A_1915], %max3A_1818 {strides = array<i32>} : memref<24x256xf32, #tpu.memory_space<vmem>>, vector<16xf32>,
    }
    %scan3A_7 = arith.constant 16 : i32
    "tpu.region"() ({
      %run_scoped3A = tpu.sem_alloc : memref<!tpu.dma_semaphore, #tpu.memory_space<semaphore_mem>>
      %dma_start3A = arith.constant 0 : i32
      %dma_start3A_8 = tpu.memref_slice %arg3[%dma_start3A, %mul3A_2] : memref<24x8192xf32, #tpu.memory_space<hbm>> -> memref<24x256xf32, #tpu.memory_space<hbm>>
      %dma_start3A_9 = arith.constant 0 : i32
      %dma_start3A_10 = tpu.memref_slice %arg3[%dma_start3A_9, %mul3A_2] : memref<24x8192xf32, #tpu.memory_space<hbm>> -> memref<24x256xf32, #tpu.memory_space<hbm>>
      tpu.enqueue_dma source(%arg5 : memref<24x256xf32, #tpu.memory_space<vmem>>) target(%dma_start3A_10 : memref<24x256xf32, #tpu.memory_space<hbm>>) target_semaphore(%run_scoped3A : memref<!tpu.dma_semaphore, #tpu.memory_space<semaphore_mem>>)
      %dma_wait3A = arith.constant 0 : i32
      %dma_wait3A_11 = tpu.memref_slice %arg3[%dma_wait3A, %mul3A_2] : memref<24x8192xf32, #tpu.memory_space<hbm>> -> memref<24x256xf32, #tpu.memory_space<hbm>>
      %dma_wait3A_12 = arith.constant 0 : i32
      %dma_wait3A_13 = tpu.memref_slice %arg3[%dma_wait3A_12, %mul3A_2] : memref<24x8192xf32, #tpu.memory_space<hbm>> -> memref<24x256xf32, #tpu.memory_space<hbm>>
      tpu.wait_dma2 semaphore(%run_scoped3A : memref<!tpu.dma_semaphore, #tpu.memory_space<semaphore_mem>>) src(%arg5 : memref<24x256xf32, #tpu.memory_space<vmem>>) dst(%dma_wait3A_13 : memref<24x256xf32, #tpu.memory_space<hbm>>)
      tpu.yield
    }) : () -> ()
    return
  }
}

#map = affine_map<(d0, d1) -> (0, 0)>
module attributes {stable_mosaic.version = 14 : i64} {
  func.func @_sc_mask_body(%arg0: i32, %arg1: i32, %arg2: memref<24x8192xf32, #tpu.memory_space<hbm>>, %arg3: memref<24x8192xf32, #tpu.memory_space<hbm>>, %arg4: memref<24x256xf32, #tpu.memory_space<vmem>>, %arg5: memref<24x256xf32, #tpu.memory_space<vmem>>) attributes {dimension_semantics = [#tpu.dimension_semantics<core_parallel>, #tpu.dimension_semantics<subcore_parallel>], iteration_bounds = array<i64: 2, 16>, scalar_prefetch = 0 : i64, scratch_operands = 2 : i64, tpu.core_type = #tpu.core_type<sc_vector_subcore>, window_params = [{transform_indices = #map}, {transform_indices = #map}]} {
    %mul3A = arith.constant 2 : i32
    %mul3A_0 = arith.muli %arg1, %mul3A : i32
    %add3A = arith.addi %mul3A_0, %arg0 : i32
    %mul3A_1 = arith.constant 256 : i32
    %mul3A_2 = arith.muli %add3A, %mul3A_1 : i32
    "tpu.region"() ({
      %run_scoped3A = tpu.sem_alloc : memref<!tpu.dma_semaphore, #tpu.memory_space<semaphore_mem>>
      %dma_start3A = arith.constant 0 : i32
      %dma_start3A_8 = tpu.memref_slice %arg2[%dma_start3A, %mul3A_2] : memref<24x8192xf32, #tpu.memory_space<hbm>> -> memref<24x256xf32, #tpu.memory_space<hbm>>
      %dma_start3A_9 = arith.constant 0 : i32
      %dma_start3A_10 = tpu.memref_slice %arg2[%dma_start3A_9, %mul3A_2] : memref<24x8192xf32, #tpu.memory_space<hbm>> -> memref<24x256xf32, #tpu.memory_space<hbm>>
      tpu.enqueue_dma source(%dma_start3A_10 : memref<24x256xf32, #tpu.memory_space<hbm>>) target(%arg4 : memref<24x256xf32, #tpu.memory_space<vmem>>) target_semaphore(%run_scoped3A : memref<!tpu.dma_semaphore, #tpu.memory_space<semaphore_mem>>)
      %dma_wait3A = arith.constant 0 : i32
      %dma_wait3A_11 = tpu.memref_slice %arg2[%dma_wait3A, %mul3A_2] : memref<24x8192xf32, #tpu.memory_space<hbm>> -> memref<24x256xf32, #tpu.memory_space<hbm>>
      %dma_wait3A_12 = arith.constant 0 : i32
      %dma_wait3A_13 = tpu.memref_slice %arg2[%dma_wait3A_12, %mul3A_2] : memref<24x8192xf32, #tpu.memory_space<hbm>> -> memref<24x256xf32, #tpu.memory_space<hbm>>
      tpu.wait_dma2 semaphore(%run_scoped3A : memref<!tpu.dma_semaphore, #tpu.memory_space<semaphore_mem>>) src(%dma_wait3A_13 : memref<24x256xf32, #tpu.memory_space<hbm>>) dst(%arg4 : memref<24x256xf32, #tpu.memory_space<vmem>>)
      tpu.yield
    }) : () -> ()
    %scan3A = arith.constant 0 : i32
    %scan3A_3 = arith.constant 0 : i32
    %scan3A_4 = arith.constant 16 : i32
    %scan3A_5 = arith.addi %scan3A_3, %scan3A_4 : i32
    %scan3A_6 = arith.constant 1 : i32
    scf.for %scan3A_8 = %scan3A_3 to %scan3A_5 step %scan3A_6  : i32 {
      %mul3A_9 = arith.constant 16 : i32
      %mul3A_10 = arith.muli %scan3A_8, %mul3A_9 : i32
      %broadcast_in_dim3A = arith.constant 1.000000e+00 : f32
      %broadcast_in_dim3A_11 = vector.broadcast %broadcast_in_dim3A : f32 to vector<16xf32>
      %get3A = arith.constant 1 : i32
      %get3A_12 = arith.index_cast %get3A : i32 to index
      %get3A_13 = arith.index_cast %mul3A_10 : i32 to index
      %get3A_14 = tpu.vector_load %arg4[%get3A_12, %get3A_13] {strides = array<i32>} : memref<24x256xf32, #tpu.memory_space<vmem>>, vector<16xf32>,
      %bitcast3A = vector.bitcast %get3A_14 : vector<16xf32> to vector<16xi32>
      %shift_right_arithmetic3A = arith.constant 31 : i32
      %shift_right_arithmetic3A_15 = vector.broadcast %shift_right_arithmetic3A : i32 to vector<16xi32>
      %shift_right_arithmetic3A_16 = arith.shrsi %bitcast3A, %shift_right_arithmetic3A_15 : vector<16xi32>
      %and3A = arith.constant 2147483647 : i32
      %and3A_17 = vector.broadcast %and3A : i32 to vector<16xi32>
      %and3A_18 = arith.andi %shift_right_arithmetic3A_16, %and3A_17 : vector<16xi32>
      %xor3A = arith.xori %bitcast3A, %and3A_18 : vector<16xi32>
      %and3A_19 = arith.constant -32 : i32
      %and3A_20 = vector.broadcast %and3A_19 : i32 to vector<16xi32>
      %and3A_21 = arith.andi %xor3A, %and3A_20 : vector<16xi32>
      %or3A = arith.constant 30 : i32
      %or3A_22 = vector.broadcast %or3A : i32 to vector<16xi32>
      %or3A_23 = arith.ori %and3A_21, %or3A_22 : vector<16xi32>
      %get3A_24 = arith.constant 2 : i32
      %get3A_25 = arith.index_cast %get3A_24 : i32 to index
      %get3A_26 = arith.index_cast %mul3A_10 : i32 to index
      %get3A_27 = tpu.vector_load %arg4[%get3A_25, %get3A_26] {strides = array<i32>} : memref<24x256xf32, #tpu.memory_space<vmem>>, vector<16xf32>,
      %bitcast3A_28 = vector.bitcast %get3A_27 : vector<16xf32> to vector<16xi32>
      %shift_right_arithmetic3A_29 = arith.constant 31 : i32
      %shift_right_arithmetic3A_30 = vector.broadcast %shift_right_arithmetic3A_29 : i32 to vector<16xi32>
      %shift_right_arithmetic3A_31 = arith.shrsi %bitcast3A_28, %shift_right_arithmetic3A_30 : vector<16xi32>
      %and3A_32 = arith.constant 2147483647 : i32
      %and3A_33 = vector.broadcast %and3A_32 : i32 to vector<16xi32>
      %and3A_34 = arith.andi %shift_right_arithmetic3A_31, %and3A_33 : vector<16xi32>
      %xor3A_35 = arith.xori %bitcast3A_28, %and3A_34 : vector<16xi32>
      %and3A_36 = arith.constant -32 : i32
      %and3A_37 = vector.broadcast %and3A_36 : i32 to vector<16xi32>
      %and3A_38 = arith.andi %xor3A_35, %and3A_37 : vector<16xi32>
      %or3A_39 = arith.constant 29 : i32
      %or3A_40 = vector.broadcast %or3A_39 : i32 to vector<16xi32>
      %or3A_41 = arith.ori %and3A_38, %or3A_40 : vector<16xi32>
      %get3A_42 = arith.constant 3 : i32
      %get3A_43 = arith.index_cast %get3A_42 : i32 to index
      %get3A_44 = arith.index_cast %mul3A_10 : i32 to index
      %get3A_45 = tpu.vector_load %arg4[%get3A_43, %get3A_44] {strides = array<i32>} : memref<24x256xf32, #tpu.memory_space<vmem>>, vector<16xf32>,
      %bitcast3A_46 = vector.bitcast %get3A_45 : vector<16xf32> to vector<16xi32>
      %shift_right_arithmetic3A_47 = arith.constant 31 : i32
      %shift_right_arithmetic3A_48 = vector.broadcast %shift_right_arithmetic3A_47 : i32 to vector<16xi32>
      %shift_right_arithmetic3A_49 = arith.shrsi %bitcast3A_46, %shift_right_arithmetic3A_48 : vector<16xi32>
      %and3A_50 = arith.constant 2147483647 : i32
      %and3A_51 = vector.broadcast %and3A_50 : i32 to vector<16xi32>
      %and3A_52 = arith.andi %shift_right_arithmetic3A_49, %and3A_51 : vector<16xi32>
      %xor3A_53 = arith.xori %bitcast3A_46, %and3A_52 : vector<16xi32>
      %and3A_54 = arith.constant -32 : i32
      %and3A_55 = vector.broadcast %and3A_54 : i32 to vector<16xi32>
      %and3A_56 = arith.andi %xor3A_53, %and3A_55 : vector<16xi32>
      %or3A_57 = arith.constant 28 : i32
      %or3A_58 = vector.broadcast %or3A_57 : i32 to vector<16xi32>
      %or3A_59 = arith.ori %and3A_56, %or3A_58 : vector<16xi32>
      %get3A_60 = arith.constant 4 : i32
      %get3A_61 = arith.index_cast %get3A_60 : i32 to index
      %get3A_62 = arith.index_cast %mul3A_10 : i32 to index
      %get3A_63 = tpu.vector_load %arg4[%get3A_61, %get3A_62] {strides = array<i32>} : memref<24x256xf32, #tpu.memory_space<vmem>>, vector<16xf32>,
      %bitcast3A_64 = vector.bitcast %get3A_63 : vector<16xf32> to vector<16xi32>
      %shift_right_arithmetic3A_65 = arith.constant 31 : i32
      %shift_right_arithmetic3A_66 = vector.broadcast %shift_right_arithmetic3A_65 : i32 to vector<16xi32>
      %shift_right_arithmetic3A_67 = arith.shrsi %bitcast3A_64, %shift_right_arithmetic3A_66 : vector<16xi32>
      %and3A_68 = arith.constant 2147483647 : i32
      %and3A_69 = vector.broadcast %and3A_68 : i32 to vector<16xi32>
      %and3A_70 = arith.andi %shift_right_arithmetic3A_67, %and3A_69 : vector<16xi32>
      %xor3A_71 = arith.xori %bitcast3A_64, %and3A_70 : vector<16xi32>
      %and3A_72 = arith.constant -32 : i32
      %and3A_73 = vector.broadcast %and3A_72 : i32 to vector<16xi32>
      %and3A_74 = arith.andi %xor3A_71, %and3A_73 : vector<16xi32>
      %or3A_75 = arith.constant 27 : i32
      %or3A_76 = vector.broadcast %or3A_75 : i32 to vector<16xi32>
      %or3A_77 = arith.ori %and3A_74, %or3A_76 : vector<16xi32>
      %get3A_78 = arith.constant 5 : i32
      %get3A_79 = arith.index_cast %get3A_78 : i32 to index
      %get3A_80 = arith.index_cast %mul3A_10 : i32 to index
      %get3A_81 = tpu.vector_load %arg4[%get3A_79, %get3A_80] {strides = array<i32>} : memref<24x256xf32, #tpu.memory_space<vmem>>, vector<16xf32>,
      %bitcast3A_82 = vector.bitcast %get3A_81 : vector<16xf32> to vector<16xi32>
      %shift_right_arithmetic3A_83 = arith.constant 31 : i32
      %shift_right_arithmetic3A_84 = vector.broadcast %shift_right_arithmetic3A_83 : i32 to vector<16xi32>
      %shift_right_arithmetic3A_85 = arith.shrsi %bitcast3A_82, %shift_right_arithmetic3A_84 : vector<16xi32>
      %and3A_86 = arith.constant 2147483647 : i32
      %and3A_87 = vector.broadcast %and3A_86 : i32 to vector<16xi32>
      %and3A_88 = arith.andi %shift_right_arithmetic3A_85, %and3A_87 : vector<16xi32>
      %xor3A_89 = arith.xori %bitcast3A_82, %and3A_88 : vector<16xi32>
      %and3A_90 = arith.constant -32 : i32
      %and3A_91 = vector.broadcast %and3A_90 : i32 to vector<16xi32>
      %and3A_92 = arith.andi %xor3A_89, %and3A_91 : vector<16xi32>
      %or3A_93 = arith.constant 26 : i32
      %or3A_94 = vector.broadcast %or3A_93 : i32 to vector<16xi32>
      %or3A_95 = arith.ori %and3A_92, %or3A_94 : vector<16xi32>
      %get3A_96 = arith.constant 6 : i32
      %get3A_97 = arith.index_cast %get3A_96 : i32 to index
      %get3A_98 = arith.index_cast %mul3A_10 : i32 to index
      %get3A_99 = tpu.vector_load %arg4[%get3A_97, %get3A_98] {strides = array<i32>} : memref<24x256xf32, #tpu.memory_space<vmem>>, vector<16xf32>,
      %bitcast3A_100 = vector.bitcast %get3A_99 : vector<16xf32> to vector<16xi32>
      %shift_right_arithmetic3A_101 = arith.constant 31 : i32
      %shift_right_arithmetic3A_102 = vector.broadcast %shift_right_arithmetic3A_101 : i32 to vector<16xi32>
      %shift_right_arithmetic3A_103 = arith.shrsi %bitcast3A_100, %shift_right_arithmetic3A_102 : vector<16xi32>
      %and3A_104 = arith.constant 2147483647 : i32
      %and3A_105 = vector.broadcast %and3A_104 : i32 to vector<16xi32>
      %and3A_106 = arith.andi %shift_right_arithmetic3A_103, %and3A_105 : vector<16xi32>
      %xor3A_107 = arith.xori %bitcast3A_100, %and3A_106 : vector<16xi32>
      %and3A_108 = arith.constant -32 : i32
      %and3A_109 = vector.broadcast %and3A_108 : i32 to vector<16xi32>
      %and3A_110 = arith.andi %xor3A_107, %and3A_109 : vector<16xi32>
      %or3A_111 = arith.constant 25 : i32
      %or3A_112 = vector.broadcast %or3A_111 : i32 to vector<16xi32>
      %or3A_113 = arith.ori %and3A_110, %or3A_112 : vector<16xi32>
      %get3A_114 = arith.constant 7 : i32
      %get3A_115 = arith.index_cast %get3A_114 : i32 to index
      %get3A_116 = arith.index_cast %mul3A_10 : i32 to index
      %get3A_117 = tpu.vector_load %arg4[%get3A_115, %get3A_116] {strides = array<i32>} : memref<24x256xf32, #tpu.memory_space<vmem>>, vector<16xf32>,
      %bitcast3A_118 = vector.bitcast %get3A_117 : vector<16xf32> to vector<16xi32>
      %shift_right_arithmetic3A_119 = arith.constant 31 : i32
      %shift_right_arithmetic3A_120 = vector.broadcast %shift_right_arithmetic3A_119 : i32 to vector<16xi32>
      %shift_right_arithmetic3A_121 = arith.shrsi %bitcast3A_118, %shift_right_arithmetic3A_120 : vector<16xi32>
      %and3A_122 = arith.constant 2147483647 : i32
      %and3A_123 = vector.broadcast %and3A_122 : i32 to vector<16xi32>
      %and3A_124 = arith.andi %shift_right_arithmetic3A_121, %and3A_123 : vector<16xi32>
      %xor3A_125 = arith.xori %bitcast3A_118, %and3A_124 : vector<16xi32>
      %and3A_126 = arith.constant -32 : i32
      %and3A_127 = vector.broadcast %and3A_126 : i32 to vector<16xi32>
      %and3A_128 = arith.andi %xor3A_125, %and3A_127 : vector<16xi32>
      %or3A_129 = arith.constant 24 : i32
      %or3A_130 = vector.broadcast %or3A_129 : i32 to vector<16xi32>
      %or3A_131 = arith.ori %and3A_128, %or3A_130 : vector<16xi32>
      %get3A_132 = arith.constant 8 : i32
      %get3A_133 = arith.index_cast %get3A_132 : i32 to index
      %get3A_134 = arith.index_cast %mul3A_10 : i32 to index
      %get3A_135 = tpu.vector_load %arg4[%get3A_133, %get3A_134] {strides = array<i32>} : memref<24x256xf32, #tpu.memory_space<vmem>>, vector<16xf32>,
      %bitcast3A_136 = vector.bitcast %get3A_135 : vector<16xf32> to vector<16xi32>
      %shift_right_arithmetic3A_137 = arith.constant 31 : i32
      %shift_right_arithmetic3A_138 = vector.broadcast %shift_right_arithmetic3A_137 : i32 to vector<16xi32>
      %shift_right_arithmetic3A_139 = arith.shrsi %bitcast3A_136, %shift_right_arithmetic3A_138 : vector<16xi32>
      %and3A_140 = arith.constant 2147483647 : i32
      %and3A_141 = vector.broadcast %and3A_140 : i32 to vector<16xi32>
      %and3A_142 = arith.andi %shift_right_arithmetic3A_139, %and3A_141 : vector<16xi32>
      %xor3A_143 = arith.xori %bitcast3A_136, %and3A_142 : vector<16xi32>
      %and3A_144 = arith.constant -32 : i32
      %and3A_145 = vector.broadcast %and3A_144 : i32 to vector<16xi32>
      %and3A_146 = arith.andi %xor3A_143, %and3A_145 : vector<16xi32>
      %or3A_147 = arith.constant 23 : i32
      %or3A_148 = vector.broadcast %or3A_147 : i32 to vector<16xi32>
      %or3A_149 = arith.ori %and3A_146, %or3A_148 : vector<16xi32>
      %get3A_150 = arith.constant 9 : i32
      %get3A_151 = arith.index_cast %get3A_150 : i32 to index
      %get3A_152 = arith.index_cast %mul3A_10 : i32 to index
      %get3A_153 = tpu.vector_load %arg4[%get3A_151, %get3A_152] {strides = array<i32>} : memref<24x256xf32, #tpu.memory_space<vmem>>, vector<16xf32>,
      %bitcast3A_154 = vector.bitcast %get3A_153 : vector<16xf32> to vector<16xi32>
      %shift_right_arithmetic3A_155 = arith.constant 31 : i32
      %shift_right_arithmetic3A_156 = vector.broadcast %shift_right_arithmetic3A_155 : i32 to vector<16xi32>
      %shift_right_arithmetic3A_157 = arith.shrsi %bitcast3A_154, %shift_right_arithmetic3A_156 : vector<16xi32>
      %and3A_158 = arith.constant 2147483647 : i32
      %and3A_159 = vector.broadcast %and3A_158 : i32 to vector<16xi32>
      %and3A_160 = arith.andi %shift_right_arithmetic3A_157, %and3A_159 : vector<16xi32>
      %xor3A_161 = arith.xori %bitcast3A_154, %and3A_160 : vector<16xi32>
      %and3A_162 = arith.constant -32 : i32
      %and3A_163 = vector.broadcast %and3A_162 : i32 to vector<16xi32>
      %and3A_164 = arith.andi %xor3A_161, %and3A_163 : vector<16xi32>
      %or3A_165 = arith.constant 22 : i32
      %or3A_166 = vector.broadcast %or3A_165 : i32 to vector<16xi32>
      %or3A_167 = arith.ori %and3A_164, %or3A_166 : vector<16xi32>
      %get3A_168 = arith.constant 10 : i32
      %get3A_169 = arith.index_cast %get3A_168 : i32 to index
      %get3A_170 = arith.index_cast %mul3A_10 : i32 to index
      %get3A_171 = tpu.vector_load %arg4[%get3A_169, %get3A_170] {strides = array<i32>} : memref<24x256xf32, #tpu.memory_space<vmem>>, vector<16xf32>,
      %bitcast3A_172 = vector.bitcast %get3A_171 : vector<16xf32> to vector<16xi32>
      %shift_right_arithmetic3A_173 = arith.constant 31 : i32
      %shift_right_arithmetic3A_174 = vector.broadcast %shift_right_arithmetic3A_173 : i32 to vector<16xi32>
      %shift_right_arithmetic3A_175 = arith.shrsi %bitcast3A_172, %shift_right_arithmetic3A_174 : vector<16xi32>
      %and3A_176 = arith.constant 2147483647 : i32
      %and3A_177 = vector.broadcast %and3A_176 : i32 to vector<16xi32>
      %and3A_178 = arith.andi %shift_right_arithmetic3A_175, %and3A_177 : vector<16xi32>
      %xor3A_179 = arith.xori %bitcast3A_172, %and3A_178 : vector<16xi32>
      %and3A_180 = arith.constant -32 : i32
      %and3A_181 = vector.broadcast %and3A_180 : i32 to vector<16xi32>
      %and3A_182 = arith.andi %xor3A_179, %and3A_181 : vector<16xi32>
      %or3A_183 = arith.constant 21 : i32
      %or3A_184 = vector.broadcast %or3A_183 : i32 to vector<16xi32>
      %or3A_185 = arith.ori %and3A_182, %or3A_184 : vector<16xi32>
      %get3A_186 = arith.constant 11 : i32
      %get3A_187 = arith.index_cast %get3A_186 : i32 to index
      %get3A_188 = arith.index_cast %mul3A_10 : i32 to index
      %get3A_189 = tpu.vector_load %arg4[%get3A_187, %get3A_188] {strides = array<i32>} : memref<24x256xf32, #tpu.memory_space<vmem>>, vector<16xf32>,
      %bitcast3A_190 = vector.bitcast %get3A_189 : vector<16xf32> to vector<16xi32>
      %shift_right_arithmetic3A_191 = arith.constant 31 : i32
      %shift_right_arithmetic3A_192 = vector.broadcast %shift_right_arithmetic3A_191 : i32 to vector<16xi32>
      %shift_right_arithmetic3A_193 = arith.shrsi %bitcast3A_190, %shift_right_arithmetic3A_192 : vector<16xi32>
      %and3A_194 = arith.constant 2147483647 : i32
      %and3A_195 = vector.broadcast %and3A_194 : i32 to vector<16xi32>
      %and3A_196 = arith.andi %shift_right_arithmetic3A_193, %and3A_195 : vector<16xi32>
      %xor3A_197 = arith.xori %bitcast3A_190, %and3A_196 : vector<16xi32>
      %and3A_198 = arith.constant -32 : i32
      %and3A_199 = vector.broadcast %and3A_198 : i32 to vector<16xi32>
      %and3A_200 = arith.andi %xor3A_197, %and3A_199 : vector<16xi32>
      %or3A_201 = arith.constant 20 : i32
      %or3A_202 = vector.broadcast %or3A_201 : i32 to vector<16xi32>
      %or3A_203 = arith.ori %and3A_200, %or3A_202 : vector<16xi32>
      %get3A_204 = arith.constant 13 : i32
      %get3A_205 = arith.index_cast %get3A_204 : i32 to index
      %get3A_206 = arith.index_cast %mul3A_10 : i32 to index
      %get3A_207 = tpu.vector_load %arg4[%get3A_205, %get3A_206] {strides = array<i32>} : memref<24x256xf32, #tpu.memory_space<vmem>>, vector<16xf32>,
      %bitcast3A_208 = vector.bitcast %get3A_207 : vector<16xf32> to vector<16xi32>
      %shift_right_arithmetic3A_209 = arith.constant 31 : i32
      %shift_right_arithmetic3A_210 = vector.broadcast %shift_right_arithmetic3A_209 : i32 to vector<16xi32>
      %shift_right_arithmetic3A_211 = arith.shrsi %bitcast3A_208, %shift_right_arithmetic3A_210 : vector<16xi32>
      %and3A_212 = arith.constant 2147483647 : i32
      %and3A_213 = vector.broadcast %and3A_212 : i32 to vector<16xi32>
      %and3A_214 = arith.andi %shift_right_arithmetic3A_211, %and3A_213 : vector<16xi32>
      %xor3A_215 = arith.xori %bitcast3A_208, %and3A_214 : vector<16xi32>
      %and3A_216 = arith.constant -32 : i32
      %and3A_217 = vector.broadcast %and3A_216 : i32 to vector<16xi32>
      %and3A_218 = arith.andi %xor3A_215, %and3A_217 : vector<16xi32>
      %or3A_219 = arith.constant 18 : i32
      %or3A_220 = vector.broadcast %or3A_219 : i32 to vector<16xi32>
      %or3A_221 = arith.ori %and3A_218, %or3A_220 : vector<16xi32>
      %get3A_222 = arith.constant 14 : i32
      %get3A_223 = arith.index_cast %get3A_222 : i32 to index
      %get3A_224 = arith.index_cast %mul3A_10 : i32 to index
      %get3A_225 = tpu.vector_load %arg4[%get3A_223, %get3A_224] {strides = array<i32>} : memref<24x256xf32, #tpu.memory_space<vmem>>, vector<16xf32>,
      %bitcast3A_226 = vector.bitcast %get3A_225 : vector<16xf32> to vector<16xi32>
      %shift_right_arithmetic3A_227 = arith.constant 31 : i32
      %shift_right_arithmetic3A_228 = vector.broadcast %shift_right_arithmetic3A_227 : i32 to vector<16xi32>
      %shift_right_arithmetic3A_229 = arith.shrsi %bitcast3A_226, %shift_right_arithmetic3A_228 : vector<16xi32>
      %and3A_230 = arith.constant 2147483647 : i32
      %and3A_231 = vector.broadcast %and3A_230 : i32 to vector<16xi32>
      %and3A_232 = arith.andi %shift_right_arithmetic3A_229, %and3A_231 : vector<16xi32>
      %xor3A_233 = arith.xori %bitcast3A_226, %and3A_232 : vector<16xi32>
      %and3A_234 = arith.constant -32 : i32
      %and3A_235 = vector.broadcast %and3A_234 : i32 to vector<16xi32>
      %and3A_236 = arith.andi %xor3A_233, %and3A_235 : vector<16xi32>
      %or3A_237 = arith.constant 17 : i32
      %or3A_238 = vector.broadcast %or3A_237 : i32 to vector<16xi32>
      %or3A_239 = arith.ori %and3A_236, %or3A_238 : vector<16xi32>
      %get3A_240 = arith.constant 15 : i32
      %get3A_241 = arith.index_cast %get3A_240 : i32 to index
      %get3A_242 = arith.index_cast %mul3A_10 : i32 to index
      %get3A_243 = tpu.vector_load %arg4[%get3A_241, %get3A_242] {strides = array<i32>} : memref<24x256xf32, #tpu.memory_space<vmem>>, vector<16xf32>,
      %bitcast3A_244 = vector.bitcast %get3A_243 : vector<16xf32> to vector<16xi32>
      %shift_right_arithmetic3A_245 = arith.constant 31 : i32
      %shift_right_arithmetic3A_246 = vector.broadcast %shift_right_arithmetic3A_245 : i32 to vector<16xi32>
      %shift_right_arithmetic3A_247 = arith.shrsi %bitcast3A_244, %shift_right_arithmetic3A_246 : vector<16xi32>
      %and3A_248 = arith.constant 2147483647 : i32
      %and3A_249 = vector.broadcast %and3A_248 : i32 to vector<16xi32>
      %and3A_250 = arith.andi %shift_right_arithmetic3A_247, %and3A_249 : vector<16xi32>
      %xor3A_251 = arith.xori %bitcast3A_244, %and3A_250 : vector<16xi32>
      %and3A_252 = arith.constant -32 : i32
      %and3A_253 = vector.broadcast %and3A_252 : i32 to vector<16xi32>
      %and3A_254 = arith.andi %xor3A_251, %and3A_253 : vector<16xi32>
      %or3A_255 = arith.constant 16 : i32
      %or3A_256 = vector.broadcast %or3A_255 : i32 to vector<16xi32>
      %or3A_257 = arith.ori %and3A_254, %or3A_256 : vector<16xi32>
      %get3A_258 = arith.constant 16 : i32
      %get3A_259 = arith.index_cast %get3A_258 : i32 to index
      %get3A_260 = arith.index_cast %mul3A_10 : i32 to index
      %get3A_261 = tpu.vector_load %arg4[%get3A_259, %get3A_260] {strides = array<i32>} : memref<24x256xf32, #tpu.memory_space<vmem>>, vector<16xf32>,
      %bitcast3A_262 = vector.bitcast %get3A_261 : vector<16xf32> to vector<16xi32>
      %shift_right_arithmetic3A_263 = arith.constant 31 : i32
      %shift_right_arithmetic3A_264 = vector.broadcast %shift_right_arithmetic3A_263 : i32 to vector<16xi32>
      %shift_right_arithmetic3A_265 = arith.shrsi %bitcast3A_262, %shift_right_arithmetic3A_264 : vector<16xi32>
      %and3A_266 = arith.constant 2147483647 : i32
      %and3A_267 = vector.broadcast %and3A_266 : i32 to vector<16xi32>
      %and3A_268 = arith.andi %shift_right_arithmetic3A_265, %and3A_267 : vector<16xi32>
      %xor3A_269 = arith.xori %bitcast3A_262, %and3A_268 : vector<16xi32>
      %and3A_270 = arith.constant -32 : i32
      %and3A_271 = vector.broadcast %and3A_270 : i32 to vector<16xi32>
      %and3A_272 = arith.andi %xor3A_269, %and3A_271 : vector<16xi32>
      %or3A_273 = arith.constant 15 : i32
      %or3A_274 = vector.broadcast %or3A_273 : i32 to vector<16xi32>
      %or3A_275 = arith.ori %and3A_272, %or3A_274 : vector<16xi32>
      %get3A_276 = arith.constant 17 : i32
      %get3A_277 = arith.index_cast %get3A_276 : i32 to index
      %get3A_278 = arith.index_cast %mul3A_10 : i32 to index
      %get3A_279 = tpu.vector_load %arg4[%get3A_277, %get3A_278] {strides = array<i32>} : memref<24x256xf32, #tpu.memory_space<vmem>>, vector<16xf32>,
      %bitcast3A_280 = vector.bitcast %get3A_279 : vector<16xf32> to vector<16xi32>
      %shift_right_arithmetic3A_281 = arith.constant 31 : i32
      %shift_right_arithmetic3A_282 = vector.broadcast %shift_right_arithmetic3A_281 : i32 to vector<16xi32>
      %shift_right_arithmetic3A_283 = arith.shrsi %bitcast3A_280, %shift_right_arithmetic3A_282 : vector<16xi32>
      %and3A_284 = arith.constant 2147483647 : i32
      %and3A_285 = vector.broadcast %and3A_284 : i32 to vector<16xi32>
      %and3A_286 = arith.andi %shift_right_arithmetic3A_283, %and3A_285 : vector<16xi32>
      %xor3A_287 = arith.xori %bitcast3A_280, %and3A_286 : vector<16xi32>
      %and3A_288 = arith.constant -32 : i32
      %and3A_289 = vector.broadcast %and3A_288 : i32 to vector<16xi32>
      %and3A_290 = arith.andi %xor3A_287, %and3A_289 : vector<16xi32>
      %or3A_291 = arith.constant 14 : i32
      %or3A_292 = vector.broadcast %or3A_291 : i32 to vector<16xi32>
      %or3A_293 = arith.ori %and3A_290, %or3A_292 : vector<16xi32>
      %get3A_294 = arith.constant 18 : i32
      %get3A_295 = arith.index_cast %get3A_294 : i32 to index
      %get3A_296 = arith.index_cast %mul3A_10 : i32 to index
      %get3A_297 = tpu.vector_load %arg4[%get3A_295, %get3A_296] {strides = array<i32>} : memref<24x256xf32, #tpu.memory_space<vmem>>, vector<16xf32>,
      %bitcast3A_298 = vector.bitcast %get3A_297 : vector<16xf32> to vector<16xi32>
      %shift_right_arithmetic3A_299 = arith.constant 31 : i32
      %shift_right_arithmetic3A_300 = vector.broadcast %shift_right_arithmetic3A_299 : i32 to vector<16xi32>
      %shift_right_arithmetic3A_301 = arith.shrsi %bitcast3A_298, %shift_right_arithmetic3A_300 : vector<16xi32>
      %and3A_302 = arith.constant 2147483647 : i32
      %and3A_303 = vector.broadcast %and3A_302 : i32 to vector<16xi32>
      %and3A_304 = arith.andi %shift_right_arithmetic3A_301, %and3A_303 : vector<16xi32>
      %xor3A_305 = arith.xori %bitcast3A_298, %and3A_304 : vector<16xi32>
      %and3A_306 = arith.constant -32 : i32
      %and3A_307 = vector.broadcast %and3A_306 : i32 to vector<16xi32>
      %and3A_308 = arith.andi %xor3A_305, %and3A_307 : vector<16xi32>
      %or3A_309 = arith.constant 13 : i32
      %or3A_310 = vector.broadcast %or3A_309 : i32 to vector<16xi32>
      %or3A_311 = arith.ori %and3A_308, %or3A_310 : vector<16xi32>
      %get3A_312 = arith.constant 19 : i32
      %get3A_313 = arith.index_cast %get3A_312 : i32 to index
      %get3A_314 = arith.index_cast %mul3A_10 : i32 to index
      %get3A_315 = tpu.vector_load %arg4[%get3A_313, %get3A_314] {strides = array<i32>} : memref<24x256xf32, #tpu.memory_space<vmem>>, vector<16xf32>,
      %bitcast3A_316 = vector.bitcast %get3A_315 : vector<16xf32> to vector<16xi32>
      %shift_right_arithmetic3A_317 = arith.constant 31 : i32
      %shift_right_arithmetic3A_318 = vector.broadcast %shift_right_arithmetic3A_317 : i32 to vector<16xi32>
      %shift_right_arithmetic3A_319 = arith.shrsi %bitcast3A_316, %shift_right_arithmetic3A_318 : vector<16xi32>
      %and3A_320 = arith.constant 2147483647 : i32
      %and3A_321 = vector.broadcast %and3A_320 : i32 to vector<16xi32>
      %and3A_322 = arith.andi %shift_right_arithmetic3A_319, %and3A_321 : vector<16xi32>
      %xor3A_323 = arith.xori %bitcast3A_316, %and3A_322 : vector<16xi32>
      %and3A_324 = arith.constant -32 : i32
      %and3A_325 = vector.broadcast %and3A_324 : i32 to vector<16xi32>
      %and3A_326 = arith.andi %xor3A_323, %and3A_325 : vector<16xi32>
      %or3A_327 = arith.constant 12 : i32
      %or3A_328 = vector.broadcast %or3A_327 : i32 to vector<16xi32>
      %or3A_329 = arith.ori %and3A_326, %or3A_328 : vector<16xi32>
      %get3A_330 = arith.constant 20 : i32
      %get3A_331 = arith.index_cast %get3A_330 : i32 to index
      %get3A_332 = arith.index_cast %mul3A_10 : i32 to index
      %get3A_333 = tpu.vector_load %arg4[%get3A_331, %get3A_332] {strides = array<i32>} : memref<24x256xf32, #tpu.memory_space<vmem>>, vector<16xf32>,
      %bitcast3A_334 = vector.bitcast %get3A_333 : vector<16xf32> to vector<16xi32>
      %shift_right_arithmetic3A_335 = arith.constant 31 : i32
      %shift_right_arithmetic3A_336 = vector.broadcast %shift_right_arithmetic3A_335 : i32 to vector<16xi32>
      %shift_right_arithmetic3A_337 = arith.shrsi %bitcast3A_334, %shift_right_arithmetic3A_336 : vector<16xi32>
      %and3A_338 = arith.constant 2147483647 : i32
      %and3A_339 = vector.broadcast %and3A_338 : i32 to vector<16xi32>
      %and3A_340 = arith.andi %shift_right_arithmetic3A_337, %and3A_339 : vector<16xi32>
      %xor3A_341 = arith.xori %bitcast3A_334, %and3A_340 : vector<16xi32>
      %and3A_342 = arith.constant -32 : i32
      %and3A_343 = vector.broadcast %and3A_342 : i32 to vector<16xi32>
      %and3A_344 = arith.andi %xor3A_341, %and3A_343 : vector<16xi32>
      %or3A_345 = arith.constant 11 : i32
      %or3A_346 = vector.broadcast %or3A_345 : i32 to vector<16xi32>
      %or3A_347 = arith.ori %and3A_344, %or3A_346 : vector<16xi32>
      %get3A_348 = arith.constant 21 : i32
      %get3A_349 = arith.index_cast %get3A_348 : i32 to index
      %get3A_350 = arith.index_cast %mul3A_10 : i32 to index
      %get3A_351 = tpu.vector_load %arg4[%get3A_349, %get3A_350] {strides = array<i32>} : memref<24x256xf32, #tpu.memory_space<vmem>>, vector<16xf32>,
      %bitcast3A_352 = vector.bitcast %get3A_351 : vector<16xf32> to vector<16xi32>
      %shift_right_arithmetic3A_353 = arith.constant 31 : i32
      %shift_right_arithmetic3A_354 = vector.broadcast %shift_right_arithmetic3A_353 : i32 to vector<16xi32>
      %shift_right_arithmetic3A_355 = arith.shrsi %bitcast3A_352, %shift_right_arithmetic3A_354 : vector<16xi32>
      %and3A_356 = arith.constant 2147483647 : i32
      %and3A_357 = vector.broadcast %and3A_356 : i32 to vector<16xi32>
      %and3A_358 = arith.andi %shift_right_arithmetic3A_355, %and3A_357 : vector<16xi32>
      %xor3A_359 = arith.xori %bitcast3A_352, %and3A_358 : vector<16xi32>
      %and3A_360 = arith.constant -32 : i32
      %and3A_361 = vector.broadcast %and3A_360 : i32 to vector<16xi32>
      %and3A_362 = arith.andi %xor3A_359, %and3A_361 : vector<16xi32>
      %or3A_363 = arith.constant 10 : i32
      %or3A_364 = vector.broadcast %or3A_363 : i32 to vector<16xi32>
      %or3A_365 = arith.ori %and3A_362, %or3A_364 : vector<16xi32>
      %get3A_366 = arith.constant 22 : i32
      %get3A_367 = arith.index_cast %get3A_366 : i32 to index
      %get3A_368 = arith.index_cast %mul3A_10 : i32 to index
      %get3A_369 = tpu.vector_load %arg4[%get3A_367, %get3A_368] {strides = array<i32>} : memref<24x256xf32, #tpu.memory_space<vmem>>, vector<16xf32>,
      %bitcast3A_370 = vector.bitcast %get3A_369 : vector<16xf32> to vector<16xi32>
      %shift_right_arithmetic3A_371 = arith.constant 31 : i32
      %shift_right_arithmetic3A_372 = vector.broadcast %shift_right_arithmetic3A_371 : i32 to vector<16xi32>
      %shift_right_arithmetic3A_373 = arith.shrsi %bitcast3A_370, %shift_right_arithmetic3A_372 : vector<16xi32>
      %and3A_374 = arith.constant 2147483647 : i32
      %and3A_375 = vector.broadcast %and3A_374 : i32 to vector<16xi32>
      %and3A_376 = arith.andi %shift_right_arithmetic3A_373, %and3A_375 : vector<16xi32>
      %xor3A_377 = arith.xori %bitcast3A_370, %and3A_376 : vector<16xi32>
      %and3A_378 = arith.constant -32 : i32
      %and3A_379 = vector.broadcast %and3A_378 : i32 to vector<16xi32>
      %and3A_380 = arith.andi %xor3A_377, %and3A_379 : vector<16xi32>
      %or3A_381 = arith.constant 9 : i32
      %or3A_382 = vector.broadcast %or3A_381 : i32 to vector<16xi32>
      %or3A_383 = arith.ori %and3A_380, %or3A_382 : vector<16xi32>
      %get3A_384 = arith.constant 23 : i32
      %get3A_385 = arith.index_cast %get3A_384 : i32 to index
      %get3A_386 = arith.index_cast %mul3A_10 : i32 to index
      %get3A_387 = tpu.vector_load %arg4[%get3A_385, %get3A_386] {strides = array<i32>} : memref<24x256xf32, #tpu.memory_space<vmem>>, vector<16xf32>,
      %bitcast3A_388 = vector.bitcast %get3A_387 : vector<16xf32> to vector<16xi32>
      %shift_right_arithmetic3A_389 = arith.constant 31 : i32
      %shift_right_arithmetic3A_390 = vector.broadcast %shift_right_arithmetic3A_389 : i32 to vector<16xi32>
      %shift_right_arithmetic3A_391 = arith.shrsi %bitcast3A_388, %shift_right_arithmetic3A_390 : vector<16xi32>
      %and3A_392 = arith.constant 2147483647 : i32
      %and3A_393 = vector.broadcast %and3A_392 : i32 to vector<16xi32>
      %and3A_394 = arith.andi %shift_right_arithmetic3A_391, %and3A_393 : vector<16xi32>
      %xor3A_395 = arith.xori %bitcast3A_388, %and3A_394 : vector<16xi32>
      %and3A_396 = arith.constant -32 : i32
      %and3A_397 = vector.broadcast %and3A_396 : i32 to vector<16xi32>
      %and3A_398 = arith.andi %xor3A_395, %and3A_397 : vector<16xi32>
      %or3A_399 = arith.constant 8 : i32
      %or3A_400 = vector.broadcast %or3A_399 : i32 to vector<16xi32>
      %or3A_401 = arith.ori %and3A_398, %or3A_400 : vector<16xi32>
      %max3A = arith.maxsi %or3A_23, %or3A_41 : vector<16xi32>
      %max3A_402 = arith.maxsi %or3A_59, %or3A_77 : vector<16xi32>
      %max3A_403 = arith.maxsi %or3A_95, %or3A_113 : vector<16xi32>
      %max3A_404 = arith.maxsi %or3A_131, %or3A_149 : vector<16xi32>
      %max3A_405 = arith.maxsi %or3A_167, %or3A_185 : vector<16xi32>
      %max3A_406 = arith.maxsi %or3A_203, %or3A_221 : vector<16xi32>
      %max3A_407 = arith.maxsi %or3A_239, %or3A_257 : vector<16xi32>
      %max3A_408 = arith.maxsi %or3A_275, %or3A_293 : vector<16xi32>
      %max3A_409 = arith.maxsi %or3A_311, %or3A_329 : vector<16xi32>
      %max3A_410 = arith.maxsi %or3A_347, %or3A_365 : vector<16xi32>
      %max3A_411 = arith.maxsi %or3A_383, %or3A_401 : vector<16xi32>
      %max3A_412 = arith.maxsi %max3A, %max3A_402 : vector<16xi32>
      %max3A_413 = arith.maxsi %max3A_403, %max3A_404 : vector<16xi32>
      %max3A_414 = arith.maxsi %max3A_405, %max3A_406 : vector<16xi32>
      %max3A_415 = arith.maxsi %max3A_407, %max3A_408 : vector<16xi32>
      %max3A_416 = arith.maxsi %max3A_409, %max3A_410 : vector<16xi32>
      %max3A_417 = arith.maxsi %max3A_412, %max3A_413 : vector<16xi32>
      %max3A_418 = arith.maxsi %max3A_414, %max3A_415 : vector<16xi32>
      %max3A_419 = arith.maxsi %max3A_416, %max3A_411 : vector<16xi32>
      %max3A_420 = arith.maxsi %max3A_417, %max3A_418 : vector<16xi32>
      %max3A_421 = arith.maxsi %max3A_420, %max3A_419 : vector<16xi32>
      %eq3A = arith.cmpi eq, %or3A_23, %max3A_421 : vector<16xi32>
      %jit3A = arith.constant 1.000000e+00 : f32
      %jit3A_422 = arith.constant 0.000000e+00 : f32
      %broadcast_in_dim3A_423 = vector.broadcast %jit3A : f32 to vector<16xf32>
      %broadcast_in_dim3A_424 = vector.broadcast %jit3A_422 : f32 to vector<16xf32>
      %select_n3A = arith.select %eq3A, %broadcast_in_dim3A_423, %broadcast_in_dim3A_424 : vector<16xi1>, vector<16xf32>
      %jit3A_425 = arith.constant -2147483648 : i32
      %broadcast_in_dim3A_426 = vector.broadcast %jit3A_425 : i32 to vector<16xi32>
      %select_n3A_427 = arith.select %eq3A, %broadcast_in_dim3A_426, %or3A_23 : vector<16xi1>, vector<16xi32>
      %eq3A_428 = arith.cmpi eq, %or3A_41, %max3A_421 : vector<16xi32>
      %jit3A_429 = arith.constant 1.000000e+00 : f32
      %jit3A_430 = arith.constant 0.000000e+00 : f32
      %broadcast_in_dim3A_431 = vector.broadcast %jit3A_429 : f32 to vector<16xf32>
      %broadcast_in_dim3A_432 = vector.broadcast %jit3A_430 : f32 to vector<16xf32>
      %select_n3A_433 = arith.select %eq3A_428, %broadcast_in_dim3A_431, %broadcast_in_dim3A_432 : vector<16xi1>, vector<16xf32>
      %jit3A_434 = arith.constant -2147483648 : i32
      %broadcast_in_dim3A_435 = vector.broadcast %jit3A_434 : i32 to vector<16xi32>
      %select_n3A_436 = arith.select %eq3A_428, %broadcast_in_dim3A_435, %or3A_41 : vector<16xi1>, vector<16xi32>
      %eq3A_437 = arith.cmpi eq, %or3A_59, %max3A_421 : vector<16xi32>
      %jit3A_438 = arith.constant 1.000000e+00 : f32
      %jit3A_439 = arith.constant 0.000000e+00 : f32
      %broadcast_in_dim3A_440 = vector.broadcast %jit3A_438 : f32 to vector<16xf32>
      %broadcast_in_dim3A_441 = vector.broadcast %jit3A_439 : f32 to vector<16xf32>
      %select_n3A_442 = arith.select %eq3A_437, %broadcast_in_dim3A_440, %broadcast_in_dim3A_441 : vector<16xi1>, vector<16xf32>
      %jit3A_443 = arith.constant -2147483648 : i32
      %broadcast_in_dim3A_444 = vector.broadcast %jit3A_443 : i32 to vector<16xi32>
      %select_n3A_445 = arith.select %eq3A_437, %broadcast_in_dim3A_444, %or3A_59 : vector<16xi1>, vector<16xi32>
      %eq3A_446 = arith.cmpi eq, %or3A_77, %max3A_421 : vector<16xi32>
      %jit3A_447 = arith.constant 1.000000e+00 : f32
      %jit3A_448 = arith.constant 0.000000e+00 : f32
      %broadcast_in_dim3A_449 = vector.broadcast %jit3A_447 : f32 to vector<16xf32>
      %broadcast_in_dim3A_450 = vector.broadcast %jit3A_448 : f32 to vector<16xf32>
      %select_n3A_451 = arith.select %eq3A_446, %broadcast_in_dim3A_449, %broadcast_in_dim3A_450 : vector<16xi1>, vector<16xf32>
      %jit3A_452 = arith.constant -2147483648 : i32
      %broadcast_in_dim3A_453 = vector.broadcast %jit3A_452 : i32 to vector<16xi32>
      %select_n3A_454 = arith.select %eq3A_446, %broadcast_in_dim3A_453, %or3A_77 : vector<16xi1>, vector<16xi32>
      %eq3A_455 = arith.cmpi eq, %or3A_95, %max3A_421 : vector<16xi32>
      %jit3A_456 = arith.constant 1.000000e+00 : f32
      %jit3A_457 = arith.constant 0.000000e+00 : f32
      %broadcast_in_dim3A_458 = vector.broadcast %jit3A_456 : f32 to vector<16xf32>
      %broadcast_in_dim3A_459 = vector.broadcast %jit3A_457 : f32 to vector<16xf32>
      %select_n3A_460 = arith.select %eq3A_455, %broadcast_in_dim3A_458, %broadcast_in_dim3A_459 : vector<16xi1>, vector<16xf32>
      %jit3A_461 = arith.constant -2147483648 : i32
      %broadcast_in_dim3A_462 = vector.broadcast %jit3A_461 : i32 to vector<16xi32>
      %select_n3A_463 = arith.select %eq3A_455, %broadcast_in_dim3A_462, %or3A_95 : vector<16xi1>, vector<16xi32>
      %eq3A_464 = arith.cmpi eq, %or3A_113, %max3A_421 : vector<16xi32>
      %jit3A_465 = arith.constant 1.000000e+00 : f32
      %jit3A_466 = arith.constant 0.000000e+00 : f32
      %broadcast_in_dim3A_467 = vector.broadcast %jit3A_465 : f32 to vector<16xf32>
      %broadcast_in_dim3A_468 = vector.broadcast %jit3A_466 : f32 to vector<16xf32>
      %select_n3A_469 = arith.select %eq3A_464, %broadcast_in_dim3A_467, %broadcast_in_dim3A_468 : vector<16xi1>, vector<16xf32>
      %jit3A_470 = arith.constant -2147483648 : i32
      %broadcast_in_dim3A_471 = vector.broadcast %jit3A_470 : i32 to vector<16xi32>
      %select_n3A_472 = arith.select %eq3A_464, %broadcast_in_dim3A_471, %or3A_113 : vector<16xi1>, vector<16xi32>
      %eq3A_473 = arith.cmpi eq, %or3A_131, %max3A_421 : vector<16xi32>
      %jit3A_474 = arith.constant 1.000000e+00 : f32
      %jit3A_475 = arith.constant 0.000000e+00 : f32
      %broadcast_in_dim3A_476 = vector.broadcast %jit3A_474 : f32 to vector<16xf32>
      %broadcast_in_dim3A_477 = vector.broadcast %jit3A_475 : f32 to vector<16xf32>
      %select_n3A_478 = arith.select %eq3A_473, %broadcast_in_dim3A_476, %broadcast_in_dim3A_477 : vector<16xi1>, vector<16xf32>
      %jit3A_479 = arith.constant -2147483648 : i32
      %broadcast_in_dim3A_480 = vector.broadcast %jit3A_479 : i32 to vector<16xi32>
      %select_n3A_481 = arith.select %eq3A_473, %broadcast_in_dim3A_480, %or3A_131 : vector<16xi1>, vector<16xi32>
      %eq3A_482 = arith.cmpi eq, %or3A_149, %max3A_421 : vector<16xi32>
      %jit3A_483 = arith.constant 1.000000e+00 : f32
      %jit3A_484 = arith.constant 0.000000e+00 : f32
      %broadcast_in_dim3A_485 = vector.broadcast %jit3A_483 : f32 to vector<16xf32>
      %broadcast_in_dim3A_486 = vector.broadcast %jit3A_484 : f32 to vector<16xf32>
      %select_n3A_487 = arith.select %eq3A_482, %broadcast_in_dim3A_485, %broadcast_in_dim3A_486 : vector<16xi1>, vector<16xf32>
      %jit3A_488 = arith.constant -2147483648 : i32
      %broadcast_in_dim3A_489 = vector.broadcast %jit3A_488 : i32 to vector<16xi32>
      %select_n3A_490 = arith.select %eq3A_482, %broadcast_in_dim3A_489, %or3A_149 : vector<16xi1>, vector<16xi32>
      %eq3A_491 = arith.cmpi eq, %or3A_167, %max3A_421 : vector<16xi32>
      %jit3A_492 = arith.constant 1.000000e+00 : f32
      %jit3A_493 = arith.constant 0.000000e+00 : f32
      %broadcast_in_dim3A_494 = vector.broadcast %jit3A_492 : f32 to vector<16xf32>
      %broadcast_in_dim3A_495 = vector.broadcast %jit3A_493 : f32 to vector<16xf32>
      %select_n3A_496 = arith.select %eq3A_491, %broadcast_in_dim3A_494, %broadcast_in_dim3A_495 : vector<16xi1>, vector<16xf32>
      %jit3A_497 = arith.constant -2147483648 : i32
      %broadcast_in_dim3A_498 = vector.broadcast %jit3A_497 : i32 to vector<16xi32>
      %select_n3A_499 = arith.select %eq3A_491, %broadcast_in_dim3A_498, %or3A_167 : vector<16xi1>, vector<16xi32>
      %eq3A_500 = arith.cmpi eq, %or3A_185, %max3A_421 : vector<16xi32>
      %jit3A_501 = arith.constant 1.000000e+00 : f32
      %jit3A_502 = arith.constant 0.000000e+00 : f32
      %broadcast_in_dim3A_503 = vector.broadcast %jit3A_501 : f32 to vector<16xf32>
      %broadcast_in_dim3A_504 = vector.broadcast %jit3A_502 : f32 to vector<16xf32>
      %select_n3A_505 = arith.select %eq3A_500, %broadcast_in_dim3A_503, %broadcast_in_dim3A_504 : vector<16xi1>, vector<16xf32>
      %jit3A_506 = arith.constant -2147483648 : i32
      %broadcast_in_dim3A_507 = vector.broadcast %jit3A_506 : i32 to vector<16xi32>
      %select_n3A_508 = arith.select %eq3A_500, %broadcast_in_dim3A_507, %or3A_185 : vector<16xi1>, vector<16xi32>
      %eq3A_509 = arith.cmpi eq, %or3A_203, %max3A_421 : vector<16xi32>
      %jit3A_510 = arith.constant 1.000000e+00 : f32
      %jit3A_511 = arith.constant 0.000000e+00 : f32
      %broadcast_in_dim3A_512 = vector.broadcast %jit3A_510 : f32 to vector<16xf32>
      %broadcast_in_dim3A_513 = vector.broadcast %jit3A_511 : f32 to vector<16xf32>
      %select_n3A_514 = arith.select %eq3A_509, %broadcast_in_dim3A_512, %broadcast_in_dim3A_513 : vector<16xi1>, vector<16xf32>
      %jit3A_515 = arith.constant -2147483648 : i32
      %broadcast_in_dim3A_516 = vector.broadcast %jit3A_515 : i32 to vector<16xi32>
      %select_n3A_517 = arith.select %eq3A_509, %broadcast_in_dim3A_516, %or3A_203 : vector<16xi1>, vector<16xi32>
      %eq3A_518 = arith.cmpi eq, %or3A_221, %max3A_421 : vector<16xi32>
      %jit3A_519 = arith.constant 1.000000e+00 : f32
      %jit3A_520 = arith.constant 0.000000e+00 : f32
      %broadcast_in_dim3A_521 = vector.broadcast %jit3A_519 : f32 to vector<16xf32>
      %broadcast_in_dim3A_522 = vector.broadcast %jit3A_520 : f32 to vector<16xf32>
      %select_n3A_523 = arith.select %eq3A_518, %broadcast_in_dim3A_521, %broadcast_in_dim3A_522 : vector<16xi1>, vector<16xf32>
      %jit3A_524 = arith.constant -2147483648 : i32
      %broadcast_in_dim3A_525 = vector.broadcast %jit3A_524 : i32 to vector<16xi32>
      %select_n3A_526 = arith.select %eq3A_518, %broadcast_in_dim3A_525, %or3A_221 : vector<16xi1>, vector<16xi32>
      %eq3A_527 = arith.cmpi eq, %or3A_239, %max3A_421 : vector<16xi32>
      %jit3A_528 = arith.constant 1.000000e+00 : f32
      %jit3A_529 = arith.constant 0.000000e+00 : f32
      %broadcast_in_dim3A_530 = vector.broadcast %jit3A_528 : f32 to vector<16xf32>
      %broadcast_in_dim3A_531 = vector.broadcast %jit3A_529 : f32 to vector<16xf32>
      %select_n3A_532 = arith.select %eq3A_527, %broadcast_in_dim3A_530, %broadcast_in_dim3A_531 : vector<16xi1>, vector<16xf32>
      %jit3A_533 = arith.constant -2147483648 : i32
      %broadcast_in_dim3A_534 = vector.broadcast %jit3A_533 : i32 to vector<16xi32>
      %select_n3A_535 = arith.select %eq3A_527, %broadcast_in_dim3A_534, %or3A_239 : vector<16xi1>, vector<16xi32>
      %eq3A_536 = arith.cmpi eq, %or3A_257, %max3A_421 : vector<16xi32>
      %jit3A_537 = arith.constant 1.000000e+00 : f32
      %jit3A_538 = arith.constant 0.000000e+00 : f32
      %broadcast_in_dim3A_539 = vector.broadcast %jit3A_537 : f32 to vector<16xf32>
      %broadcast_in_dim3A_540 = vector.broadcast %jit3A_538 : f32 to vector<16xf32>
      %select_n3A_541 = arith.select %eq3A_536, %broadcast_in_dim3A_539, %broadcast_in_dim3A_540 : vector<16xi1>, vector<16xf32>
      %jit3A_542 = arith.constant -2147483648 : i32
      %broadcast_in_dim3A_543 = vector.broadcast %jit3A_542 : i32 to vector<16xi32>
      %select_n3A_544 = arith.select %eq3A_536, %broadcast_in_dim3A_543, %or3A_257 : vector<16xi1>, vector<16xi32>
      %eq3A_545 = arith.cmpi eq, %or3A_275, %max3A_421 : vector<16xi32>
      %jit3A_546 = arith.constant 1.000000e+00 : f32
      %jit3A_547 = arith.constant 0.000000e+00 : f32
      %broadcast_in_dim3A_548 = vector.broadcast %jit3A_546 : f32 to vector<16xf32>
      %broadcast_in_dim3A_549 = vector.broadcast %jit3A_547 : f32 to vector<16xf32>
      %select_n3A_550 = arith.select %eq3A_545, %broadcast_in_dim3A_548, %broadcast_in_dim3A_549 : vector<16xi1>, vector<16xf32>
      %jit3A_551 = arith.constant -2147483648 : i32
      %broadcast_in_dim3A_552 = vector.broadcast %jit3A_551 : i32 to vector<16xi32>
      %select_n3A_553 = arith.select %eq3A_545, %broadcast_in_dim3A_552, %or3A_275 : vector<16xi1>, vector<16xi32>
      %eq3A_554 = arith.cmpi eq, %or3A_293, %max3A_421 : vector<16xi32>
      %jit3A_555 = arith.constant 1.000000e+00 : f32
      %jit3A_556 = arith.constant 0.000000e+00 : f32
      %broadcast_in_dim3A_557 = vector.broadcast %jit3A_555 : f32 to vector<16xf32>
      %broadcast_in_dim3A_558 = vector.broadcast %jit3A_556 : f32 to vector<16xf32>
      %select_n3A_559 = arith.select %eq3A_554, %broadcast_in_dim3A_557, %broadcast_in_dim3A_558 : vector<16xi1>, vector<16xf32>
      %jit3A_560 = arith.constant -2147483648 : i32
      %broadcast_in_dim3A_561 = vector.broadcast %jit3A_560 : i32 to vector<16xi32>
      %select_n3A_562 = arith.select %eq3A_554, %broadcast_in_dim3A_561, %or3A_293 : vector<16xi1>, vector<16xi32>
      %eq3A_563 = arith.cmpi eq, %or3A_311, %max3A_421 : vector<16xi32>
      %jit3A_564 = arith.constant 1.000000e+00 : f32
      %jit3A_565 = arith.constant 0.000000e+00 : f32
      %broadcast_in_dim3A_566 = vector.broadcast %jit3A_564 : f32 to vector<16xf32>
      %broadcast_in_dim3A_567 = vector.broadcast %jit3A_565 : f32 to vector<16xf32>
      %select_n3A_568 = arith.select %eq3A_563, %broadcast_in_dim3A_566, %broadcast_in_dim3A_567 : vector<16xi1>, vector<16xf32>
      %jit3A_569 = arith.constant -2147483648 : i32
      %broadcast_in_dim3A_570 = vector.broadcast %jit3A_569 : i32 to vector<16xi32>
      %select_n3A_571 = arith.select %eq3A_563, %broadcast_in_dim3A_570, %or3A_311 : vector<16xi1>, vector<16xi32>
      %eq3A_572 = arith.cmpi eq, %or3A_329, %max3A_421 : vector<16xi32>
      %jit3A_573 = arith.constant 1.000000e+00 : f32
      %jit3A_574 = arith.constant 0.000000e+00 : f32
      %broadcast_in_dim3A_575 = vector.broadcast %jit3A_573 : f32 to vector<16xf32>
      %broadcast_in_dim3A_576 = vector.broadcast %jit3A_574 : f32 to vector<16xf32>
      %select_n3A_577 = arith.select %eq3A_572, %broadcast_in_dim3A_575, %broadcast_in_dim3A_576 : vector<16xi1>, vector<16xf32>
      %jit3A_578 = arith.constant -2147483648 : i32
      %broadcast_in_dim3A_579 = vector.broadcast %jit3A_578 : i32 to vector<16xi32>
      %select_n3A_580 = arith.select %eq3A_572, %broadcast_in_dim3A_579, %or3A_329 : vector<16xi1>, vector<16xi32>
      %eq3A_581 = arith.cmpi eq, %or3A_347, %max3A_421 : vector<16xi32>
      %jit3A_582 = arith.constant 1.000000e+00 : f32
      %jit3A_583 = arith.constant 0.000000e+00 : f32
      %broadcast_in_dim3A_584 = vector.broadcast %jit3A_582 : f32 to vector<16xf32>
      %broadcast_in_dim3A_585 = vector.broadcast %jit3A_583 : f32 to vector<16xf32>
      %select_n3A_586 = arith.select %eq3A_581, %broadcast_in_dim3A_584, %broadcast_in_dim3A_585 : vector<16xi1>, vector<16xf32>
      %jit3A_587 = arith.constant -2147483648 : i32
      %broadcast_in_dim3A_588 = vector.broadcast %jit3A_587 : i32 to vector<16xi32>
      %select_n3A_589 = arith.select %eq3A_581, %broadcast_in_dim3A_588, %or3A_347 : vector<16xi1>, vector<16xi32>
      %eq3A_590 = arith.cmpi eq, %or3A_365, %max3A_421 : vector<16xi32>
      %jit3A_591 = arith.constant 1.000000e+00 : f32
      %jit3A_592 = arith.constant 0.000000e+00 : f32
      %broadcast_in_dim3A_593 = vector.broadcast %jit3A_591 : f32 to vector<16xf32>
      %broadcast_in_dim3A_594 = vector.broadcast %jit3A_592 : f32 to vector<16xf32>
      %select_n3A_595 = arith.select %eq3A_590, %broadcast_in_dim3A_593, %broadcast_in_dim3A_594 : vector<16xi1>, vector<16xf32>
      %jit3A_596 = arith.constant -2147483648 : i32
      %broadcast_in_dim3A_597 = vector.broadcast %jit3A_596 : i32 to vector<16xi32>
      %select_n3A_598 = arith.select %eq3A_590, %broadcast_in_dim3A_597, %or3A_365 : vector<16xi1>, vector<16xi32>
      %eq3A_599 = arith.cmpi eq, %or3A_383, %max3A_421 : vector<16xi32>
      %jit3A_600 = arith.constant 1.000000e+00 : f32
      %jit3A_601 = arith.constant 0.000000e+00 : f32
      %broadcast_in_dim3A_602 = vector.broadcast %jit3A_600 : f32 to vector<16xf32>
      %broadcast_in_dim3A_603 = vector.broadcast %jit3A_601 : f32 to vector<16xf32>
      %select_n3A_604 = arith.select %eq3A_599, %broadcast_in_dim3A_602, %broadcast_in_dim3A_603 : vector<16xi1>, vector<16xf32>
      %jit3A_605 = arith.constant -2147483648 : i32
      %broadcast_in_dim3A_606 = vector.broadcast %jit3A_605 : i32 to vector<16xi32>
      %select_n3A_607 = arith.select %eq3A_599, %broadcast_in_dim3A_606, %or3A_383 : vector<16xi1>, vector<16xi32>
      %eq3A_608 = arith.cmpi eq, %or3A_401, %max3A_421 : vector<16xi32>
      %jit3A_609 = arith.constant 1.000000e+00 : f32
      %jit3A_610 = arith.constant 0.000000e+00 : f32
      %broadcast_in_dim3A_611 = vector.broadcast %jit3A_609 : f32 to vector<16xf32>
      %broadcast_in_dim3A_612 = vector.broadcast %jit3A_610 : f32 to vector<16xf32>
      %select_n3A_613 = arith.select %eq3A_608, %broadcast_in_dim3A_611, %broadcast_in_dim3A_612 : vector<16xi1>, vector<16xf32>
      %jit3A_614 = arith.constant -2147483648 : i32
      %broadcast_in_dim3A_615 = vector.broadcast %jit3A_614 : i32 to vector<16xi32>
      %select_n3A_616 = arith.select %eq3A_608, %broadcast_in_dim3A_615, %or3A_401 : vector<16xi1>, vector<16xi32>
      %max3A_617 = arith.maxsi %select_n3A_427, %select_n3A_436 : vector<16xi32>
      %max3A_618 = arith.maxsi %select_n3A_445, %select_n3A_454 : vector<16xi32>
      %max3A_619 = arith.maxsi %select_n3A_463, %select_n3A_472 : vector<16xi32>
      %max3A_620 = arith.maxsi %select_n3A_481, %select_n3A_490 : vector<16xi32>
      %max3A_621 = arith.maxsi %select_n3A_499, %select_n3A_508 : vector<16xi32>
      %max3A_622 = arith.maxsi %select_n3A_517, %select_n3A_526 : vector<16xi32>
      %max3A_623 = arith.maxsi %select_n3A_535, %select_n3A_544 : vector<16xi32>
      %max3A_624 = arith.maxsi %select_n3A_553, %select_n3A_562 : vector<16xi32>
      %max3A_625 = arith.maxsi %select_n3A_571, %select_n3A_580 : vector<16xi32>
      %max3A_626 = arith.maxsi %select_n3A_589, %select_n3A_598 : vector<16xi32>
      %max3A_627 = arith.maxsi %select_n3A_607, %select_n3A_616 : vector<16xi32>
      %max3A_628 = arith.maxsi %max3A_617, %max3A_618 : vector<16xi32>
      %max3A_629 = arith.maxsi %max3A_619, %max3A_620 : vector<16xi32>
      %max3A_630 = arith.maxsi %max3A_621, %max3A_622 : vector<16xi32>
      %max3A_631 = arith.maxsi %max3A_623, %max3A_624 : vector<16xi32>
      %max3A_632 = arith.maxsi %max3A_625, %max3A_626 : vector<16xi32>
      %max3A_633 = arith.maxsi %max3A_628, %max3A_629 : vector<16xi32>
      %max3A_634 = arith.maxsi %max3A_630, %max3A_631 : vector<16xi32>
      %max3A_635 = arith.maxsi %max3A_632, %max3A_627 : vector<16xi32>
      %max3A_636 = arith.maxsi %max3A_633, %max3A_634 : vector<16xi32>
      %max3A_637 = arith.maxsi %max3A_636, %max3A_635 : vector<16xi32>
      %eq3A_638 = arith.cmpi eq, %select_n3A_427, %max3A_637 : vector<16xi32>
      %jit3A_639 = arith.constant 1.000000e+00 : f32
      %jit3A_640 = arith.constant 0.000000e+00 : f32
      %broadcast_in_dim3A_641 = vector.broadcast %jit3A_639 : f32 to vector<16xf32>
      %broadcast_in_dim3A_642 = vector.broadcast %jit3A_640 : f32 to vector<16xf32>
      %select_n3A_643 = arith.select %eq3A_638, %broadcast_in_dim3A_641, %broadcast_in_dim3A_642 : vector<16xi1>, vector<16xf32>
      %max3A_644 = arith.maximumf %select_n3A, %select_n3A_643 : vector<16xf32>
      %jit3A_645 = arith.constant -2147483648 : i32
      %broadcast_in_dim3A_646 = vector.broadcast %jit3A_645 : i32 to vector<16xi32>
      %select_n3A_647 = arith.select %eq3A_638, %broadcast_in_dim3A_646, %select_n3A_427 : vector<16xi1>, vector<16xi32>
      %eq3A_648 = arith.cmpi eq, %select_n3A_436, %max3A_637 : vector<16xi32>
      %jit3A_649 = arith.constant 1.000000e+00 : f32
      %jit3A_650 = arith.constant 0.000000e+00 : f32
      %broadcast_in_dim3A_651 = vector.broadcast %jit3A_649 : f32 to vector<16xf32>
      %broadcast_in_dim3A_652 = vector.broadcast %jit3A_650 : f32 to vector<16xf32>
      %select_n3A_653 = arith.select %eq3A_648, %broadcast_in_dim3A_651, %broadcast_in_dim3A_652 : vector<16xi1>, vector<16xf32>
      %max3A_654 = arith.maximumf %select_n3A_433, %select_n3A_653 : vector<16xf32>
      %jit3A_655 = arith.constant -2147483648 : i32
      %broadcast_in_dim3A_656 = vector.broadcast %jit3A_655 : i32 to vector<16xi32>
      %select_n3A_657 = arith.select %eq3A_648, %broadcast_in_dim3A_656, %select_n3A_436 : vector<16xi1>, vector<16xi32>
      %eq3A_658 = arith.cmpi eq, %select_n3A_445, %max3A_637 : vector<16xi32>
      %jit3A_659 = arith.constant 1.000000e+00 : f32
      %jit3A_660 = arith.constant 0.000000e+00 : f32
      %broadcast_in_dim3A_661 = vector.broadcast %jit3A_659 : f32 to vector<16xf32>
      %broadcast_in_dim3A_662 = vector.broadcast %jit3A_660 : f32 to vector<16xf32>
      %select_n3A_663 = arith.select %eq3A_658, %broadcast_in_dim3A_661, %broadcast_in_dim3A_662 : vector<16xi1>, vector<16xf32>
      %max3A_664 = arith.maximumf %select_n3A_442, %select_n3A_663 : vector<16xf32>
      %jit3A_665 = arith.constant -2147483648 : i32
      %broadcast_in_dim3A_666 = vector.broadcast %jit3A_665 : i32 to vector<16xi32>
      %select_n3A_667 = arith.select %eq3A_658, %broadcast_in_dim3A_666, %select_n3A_445 : vector<16xi1>, vector<16xi32>
      %eq3A_668 = arith.cmpi eq, %select_n3A_454, %max3A_637 : vector<16xi32>
      %jit3A_669 = arith.constant 1.000000e+00 : f32
      %jit3A_670 = arith.constant 0.000000e+00 : f32
      %broadcast_in_dim3A_671 = vector.broadcast %jit3A_669 : f32 to vector<16xf32>
      %broadcast_in_dim3A_672 = vector.broadcast %jit3A_670 : f32 to vector<16xf32>
      %select_n3A_673 = arith.select %eq3A_668, %broadcast_in_dim3A_671, %broadcast_in_dim3A_672 : vector<16xi1>, vector<16xf32>
      %max3A_674 = arith.maximumf %select_n3A_451, %select_n3A_673 : vector<16xf32>
      %jit3A_675 = arith.constant -2147483648 : i32
      %broadcast_in_dim3A_676 = vector.broadcast %jit3A_675 : i32 to vector<16xi32>
      %select_n3A_677 = arith.select %eq3A_668, %broadcast_in_dim3A_676, %select_n3A_454 : vector<16xi1>, vector<16xi32>
      %eq3A_678 = arith.cmpi eq, %select_n3A_463, %max3A_637 : vector<16xi32>
      %jit3A_679 = arith.constant 1.000000e+00 : f32
      %jit3A_680 = arith.constant 0.000000e+00 : f32
      %broadcast_in_dim3A_681 = vector.broadcast %jit3A_679 : f32 to vector<16xf32>
      %broadcast_in_dim3A_682 = vector.broadcast %jit3A_680 : f32 to vector<16xf32>
      %select_n3A_683 = arith.select %eq3A_678, %broadcast_in_dim3A_681, %broadcast_in_dim3A_682 : vector<16xi1>, vector<16xf32>
      %max3A_684 = arith.maximumf %select_n3A_460, %select_n3A_683 : vector<16xf32>
      %jit3A_685 = arith.constant -2147483648 : i32
      %broadcast_in_dim3A_686 = vector.broadcast %jit3A_685 : i32 to vector<16xi32>
      %select_n3A_687 = arith.select %eq3A_678, %broadcast_in_dim3A_686, %select_n3A_463 : vector<16xi1>, vector<16xi32>
      %eq3A_688 = arith.cmpi eq, %select_n3A_472, %max3A_637 : vector<16xi32>
      %jit3A_689 = arith.constant 1.000000e+00 : f32
      %jit3A_690 = arith.constant 0.000000e+00 : f32
      %broadcast_in_dim3A_691 = vector.broadcast %jit3A_689 : f32 to vector<16xf32>
      %broadcast_in_dim3A_692 = vector.broadcast %jit3A_690 : f32 to vector<16xf32>
      %select_n3A_693 = arith.select %eq3A_688, %broadcast_in_dim3A_691, %broadcast_in_dim3A_692 : vector<16xi1>, vector<16xf32>
      %max3A_694 = arith.maximumf %select_n3A_469, %select_n3A_693 : vector<16xf32>
      %jit3A_695 = arith.constant -2147483648 : i32
      %broadcast_in_dim3A_696 = vector.broadcast %jit3A_695 : i32 to vector<16xi32>
      %select_n3A_697 = arith.select %eq3A_688, %broadcast_in_dim3A_696, %select_n3A_472 : vector<16xi1>, vector<16xi32>
      %eq3A_698 = arith.cmpi eq, %select_n3A_481, %max3A_637 : vector<16xi32>
      %jit3A_699 = arith.constant 1.000000e+00 : f32
      %jit3A_700 = arith.constant 0.000000e+00 : f32
      %broadcast_in_dim3A_701 = vector.broadcast %jit3A_699 : f32 to vector<16xf32>
      %broadcast_in_dim3A_702 = vector.broadcast %jit3A_700 : f32 to vector<16xf32>
      %select_n3A_703 = arith.select %eq3A_698, %broadcast_in_dim3A_701, %broadcast_in_dim3A_702 : vector<16xi1>, vector<16xf32>
      %max3A_704 = arith.maximumf %select_n3A_478, %select_n3A_703 : vector<16xf32>
      %jit3A_705 = arith.constant -2147483648 : i32
      %broadcast_in_dim3A_706 = vector.broadcast %jit3A_705 : i32 to vector<16xi32>
      %select_n3A_707 = arith.select %eq3A_698, %broadcast_in_dim3A_706, %select_n3A_481 : vector<16xi1>, vector<16xi32>
      %eq3A_708 = arith.cmpi eq, %select_n3A_490, %max3A_637 : vector<16xi32>
      %jit3A_709 = arith.constant 1.000000e+00 : f32
      %jit3A_710 = arith.constant 0.000000e+00 : f32
      %broadcast_in_dim3A_711 = vector.broadcast %jit3A_709 : f32 to vector<16xf32>
      %broadcast_in_dim3A_712 = vector.broadcast %jit3A_710 : f32 to vector<16xf32>
      %select_n3A_713 = arith.select %eq3A_708, %broadcast_in_dim3A_711, %broadcast_in_dim3A_712 : vector<16xi1>, vector<16xf32>
      %max3A_714 = arith.maximumf %select_n3A_487, %select_n3A_713 : vector<16xf32>
      %jit3A_715 = arith.constant -2147483648 : i32
      %broadcast_in_dim3A_716 = vector.broadcast %jit3A_715 : i32 to vector<16xi32>
      %select_n3A_717 = arith.select %eq3A_708, %broadcast_in_dim3A_716, %select_n3A_490 : vector<16xi1>, vector<16xi32>
      %eq3A_718 = arith.cmpi eq, %select_n3A_499, %max3A_637 : vector<16xi32>
      %jit3A_719 = arith.constant 1.000000e+00 : f32
      %jit3A_720 = arith.constant 0.000000e+00 : f32
      %broadcast_in_dim3A_721 = vector.broadcast %jit3A_719 : f32 to vector<16xf32>
      %broadcast_in_dim3A_722 = vector.broadcast %jit3A_720 : f32 to vector<16xf32>
      %select_n3A_723 = arith.select %eq3A_718, %broadcast_in_dim3A_721, %broadcast_in_dim3A_722 : vector<16xi1>, vector<16xf32>
      %max3A_724 = arith.maximumf %select_n3A_496, %select_n3A_723 : vector<16xf32>
      %jit3A_725 = arith.constant -2147483648 : i32
      %broadcast_in_dim3A_726 = vector.broadcast %jit3A_725 : i32 to vector<16xi32>
      %select_n3A_727 = arith.select %eq3A_718, %broadcast_in_dim3A_726, %select_n3A_499 : vector<16xi1>, vector<16xi32>
      %eq3A_728 = arith.cmpi eq, %select_n3A_508, %max3A_637 : vector<16xi32>
      %jit3A_729 = arith.constant 1.000000e+00 : f32
      %jit3A_730 = arith.constant 0.000000e+00 : f32
      %broadcast_in_dim3A_731 = vector.broadcast %jit3A_729 : f32 to vector<16xf32>
      %broadcast_in_dim3A_732 = vector.broadcast %jit3A_730 : f32 to vector<16xf32>
      %select_n3A_733 = arith.select %eq3A_728, %broadcast_in_dim3A_731, %broadcast_in_dim3A_732 : vector<16xi1>, vector<16xf32>
      %max3A_734 = arith.maximumf %select_n3A_505, %select_n3A_733 : vector<16xf32>
      %jit3A_735 = arith.constant -2147483648 : i32
      %broadcast_in_dim3A_736 = vector.broadcast %jit3A_735 : i32 to vector<16xi32>
      %select_n3A_737 = arith.select %eq3A_728, %broadcast_in_dim3A_736, %select_n3A_508 : vector<16xi1>, vector<16xi32>
      %eq3A_738 = arith.cmpi eq, %select_n3A_517, %max3A_637 : vector<16xi32>
      %jit3A_739 = arith.constant 1.000000e+00 : f32
      %jit3A_740 = arith.constant 0.000000e+00 : f32
      %broadcast_in_dim3A_741 = vector.broadcast %jit3A_739 : f32 to vector<16xf32>
      %broadcast_in_dim3A_742 = vector.broadcast %jit3A_740 : f32 to vector<16xf32>
      %select_n3A_743 = arith.select %eq3A_738, %broadcast_in_dim3A_741, %broadcast_in_dim3A_742 : vector<16xi1>, vector<16xf32>
      %max3A_744 = arith.maximumf %select_n3A_514, %select_n3A_743 : vector<16xf32>
      %jit3A_745 = arith.constant -2147483648 : i32
      %broadcast_in_dim3A_746 = vector.broadcast %jit3A_745 : i32 to vector<16xi32>
      %select_n3A_747 = arith.select %eq3A_738, %broadcast_in_dim3A_746, %select_n3A_517 : vector<16xi1>, vector<16xi32>
      %eq3A_748 = arith.cmpi eq, %select_n3A_526, %max3A_637 : vector<16xi32>
      %jit3A_749 = arith.constant 1.000000e+00 : f32
      %jit3A_750 = arith.constant 0.000000e+00 : f32
      %broadcast_in_dim3A_751 = vector.broadcast %jit3A_749 : f32 to vector<16xf32>
      %broadcast_in_dim3A_752 = vector.broadcast %jit3A_750 : f32 to vector<16xf32>
      %select_n3A_753 = arith.select %eq3A_748, %broadcast_in_dim3A_751, %broadcast_in_dim3A_752 : vector<16xi1>, vector<16xf32>
      %max3A_754 = arith.maximumf %select_n3A_523, %select_n3A_753 : vector<16xf32>
      %jit3A_755 = arith.constant -2147483648 : i32
      %broadcast_in_dim3A_756 = vector.broadcast %jit3A_755 : i32 to vector<16xi32>
      %select_n3A_757 = arith.select %eq3A_748, %broadcast_in_dim3A_756, %select_n3A_526 : vector<16xi1>, vector<16xi32>
      %eq3A_758 = arith.cmpi eq, %select_n3A_535, %max3A_637 : vector<16xi32>
      %jit3A_759 = arith.constant 1.000000e+00 : f32
      %jit3A_760 = arith.constant 0.000000e+00 : f32
      %broadcast_in_dim3A_761 = vector.broadcast %jit3A_759 : f32 to vector<16xf32>
      %broadcast_in_dim3A_762 = vector.broadcast %jit3A_760 : f32 to vector<16xf32>
      %select_n3A_763 = arith.select %eq3A_758, %broadcast_in_dim3A_761, %broadcast_in_dim3A_762 : vector<16xi1>, vector<16xf32>
      %max3A_764 = arith.maximumf %select_n3A_532, %select_n3A_763 : vector<16xf32>
      %jit3A_765 = arith.constant -2147483648 : i32
      %broadcast_in_dim3A_766 = vector.broadcast %jit3A_765 : i32 to vector<16xi32>
      %select_n3A_767 = arith.select %eq3A_758, %broadcast_in_dim3A_766, %select_n3A_535 : vector<16xi1>, vector<16xi32>
      %eq3A_768 = arith.cmpi eq, %select_n3A_544, %max3A_637 : vector<16xi32>
      %jit3A_769 = arith.constant 1.000000e+00 : f32
      %jit3A_770 = arith.constant 0.000000e+00 : f32
      %broadcast_in_dim3A_771 = vector.broadcast %jit3A_769 : f32 to vector<16xf32>
      %broadcast_in_dim3A_772 = vector.broadcast %jit3A_770 : f32 to vector<16xf32>
      %select_n3A_773 = arith.select %eq3A_768, %broadcast_in_dim3A_771, %broadcast_in_dim3A_772 : vector<16xi1>, vector<16xf32>
      %max3A_774 = arith.maximumf %select_n3A_541, %select_n3A_773 : vector<16xf32>
      %jit3A_775 = arith.constant -2147483648 : i32
      %broadcast_in_dim3A_776 = vector.broadcast %jit3A_775 : i32 to vector<16xi32>
      %select_n3A_777 = arith.select %eq3A_768, %broadcast_in_dim3A_776, %select_n3A_544 : vector<16xi1>, vector<16xi32>
      %eq3A_778 = arith.cmpi eq, %select_n3A_553, %max3A_637 : vector<16xi32>
      %jit3A_779 = arith.constant 1.000000e+00 : f32
      %jit3A_780 = arith.constant 0.000000e+00 : f32
      %broadcast_in_dim3A_781 = vector.broadcast %jit3A_779 : f32 to vector<16xf32>
      %broadcast_in_dim3A_782 = vector.broadcast %jit3A_780 : f32 to vector<16xf32>
      %select_n3A_783 = arith.select %eq3A_778, %broadcast_in_dim3A_781, %broadcast_in_dim3A_782 : vector<16xi1>, vector<16xf32>
      %max3A_784 = arith.maximumf %select_n3A_550, %select_n3A_783 : vector<16xf32>
      %jit3A_785 = arith.constant -2147483648 : i32
      %broadcast_in_dim3A_786 = vector.broadcast %jit3A_785 : i32 to vector<16xi32>
      %select_n3A_787 = arith.select %eq3A_778, %broadcast_in_dim3A_786, %select_n3A_553 : vector<16xi1>, vector<16xi32>
      %eq3A_788 = arith.cmpi eq, %select_n3A_562, %max3A_637 : vector<16xi32>
      %jit3A_789 = arith.constant 1.000000e+00 : f32
      %jit3A_790 = arith.constant 0.000000e+00 : f32
      %broadcast_in_dim3A_791 = vector.broadcast %jit3A_789 : f32 to vector<16xf32>
      %broadcast_in_dim3A_792 = vector.broadcast %jit3A_790 : f32 to vector<16xf32>
      %select_n3A_793 = arith.select %eq3A_788, %broadcast_in_dim3A_791, %broadcast_in_dim3A_792 : vector<16xi1>, vector<16xf32>
      %max3A_794 = arith.maximumf %select_n3A_559, %select_n3A_793 : vector<16xf32>
      %jit3A_795 = arith.constant -2147483648 : i32
      %broadcast_in_dim3A_796 = vector.broadcast %jit3A_795 : i32 to vector<16xi32>
      %select_n3A_797 = arith.select %eq3A_788, %broadcast_in_dim3A_796, %select_n3A_562 : vector<16xi1>, vector<16xi32>
      %eq3A_798 = arith.cmpi eq, %select_n3A_571, %max3A_637 : vector<16xi32>
      %jit3A_799 = arith.constant 1.000000e+00 : f32
      %jit3A_800 = arith.constant 0.000000e+00 : f32
      %broadcast_in_dim3A_801 = vector.broadcast %jit3A_799 : f32 to vector<16xf32>
      %broadcast_in_dim3A_802 = vector.broadcast %jit3A_800 : f32 to vector<16xf32>
      %select_n3A_803 = arith.select %eq3A_798, %broadcast_in_dim3A_801, %broadcast_in_dim3A_802 : vector<16xi1>, vector<16xf32>
      %max3A_804 = arith.maximumf %select_n3A_568, %select_n3A_803 : vector<16xf32>
      %jit3A_805 = arith.constant -2147483648 : i32
      %broadcast_in_dim3A_806 = vector.broadcast %jit3A_805 : i32 to vector<16xi32>
      %select_n3A_807 = arith.select %eq3A_798, %broadcast_in_dim3A_806, %select_n3A_571 : vector<16xi1>, vector<16xi32>
      %eq3A_808 = arith.cmpi eq, %select_n3A_580, %max3A_637 : vector<16xi32>
      %jit3A_809 = arith.constant 1.000000e+00 : f32
      %jit3A_810 = arith.constant 0.000000e+00 : f32
      %broadcast_in_dim3A_811 = vector.broadcast %jit3A_809 : f32 to vector<16xf32>
      %broadcast_in_dim3A_812 = vector.broadcast %jit3A_810 : f32 to vector<16xf32>
      %select_n3A_813 = arith.select %eq3A_808, %broadcast_in_dim3A_811, %broadcast_in_dim3A_812 : vector<16xi1>, vector<16xf32>
      %max3A_814 = arith.maximumf %select_n3A_577, %select_n3A_813 : vector<16xf32>
      %jit3A_815 = arith.constant -2147483648 : i32
      %broadcast_in_dim3A_816 = vector.broadcast %jit3A_815 : i32 to vector<16xi32>
      %select_n3A_817 = arith.select %eq3A_808, %broadcast_in_dim3A_816, %select_n3A_580 : vector<16xi1>, vector<16xi32>
      %eq3A_818 = arith.cmpi eq, %select_n3A_589, %max3A_637 : vector<16xi32>
      %jit3A_819 = arith.constant 1.000000e+00 : f32
      %jit3A_820 = arith.constant 0.000000e+00 : f32
      %broadcast_in_dim3A_821 = vector.broadcast %jit3A_819 : f32 to vector<16xf32>
      %broadcast_in_dim3A_822 = vector.broadcast %jit3A_820 : f32 to vector<16xf32>
      %select_n3A_823 = arith.select %eq3A_818, %broadcast_in_dim3A_821, %broadcast_in_dim3A_822 : vector<16xi1>, vector<16xf32>
      %max3A_824 = arith.maximumf %select_n3A_586, %select_n3A_823 : vector<16xf32>
      %jit3A_825 = arith.constant -2147483648 : i32
      %broadcast_in_dim3A_826 = vector.broadcast %jit3A_825 : i32 to vector<16xi32>
      %select_n3A_827 = arith.select %eq3A_818, %broadcast_in_dim3A_826, %select_n3A_589 : vector<16xi1>, vector<16xi32>
      %eq3A_828 = arith.cmpi eq, %select_n3A_598, %max3A_637 : vector<16xi32>
      %jit3A_829 = arith.constant 1.000000e+00 : f32
      %jit3A_830 = arith.constant 0.000000e+00 : f32
      %broadcast_in_dim3A_831 = vector.broadcast %jit3A_829 : f32 to vector<16xf32>
      %broadcast_in_dim3A_832 = vector.broadcast %jit3A_830 : f32 to vector<16xf32>
      %select_n3A_833 = arith.select %eq3A_828, %broadcast_in_dim3A_831, %broadcast_in_dim3A_832 : vector<16xi1>, vector<16xf32>
      %max3A_834 = arith.maximumf %select_n3A_595, %select_n3A_833 : vector<16xf32>
      %jit3A_835 = arith.constant -2147483648 : i32
      %broadcast_in_dim3A_836 = vector.broadcast %jit3A_835 : i32 to vector<16xi32>
      %select_n3A_837 = arith.select %eq3A_828, %broadcast_in_dim3A_836, %select_n3A_598 : vector<16xi1>, vector<16xi32>
      %eq3A_838 = arith.cmpi eq, %select_n3A_607, %max3A_637 : vector<16xi32>
      %jit3A_839 = arith.constant 1.000000e+00 : f32
      %jit3A_840 = arith.constant 0.000000e+00 : f32
      %broadcast_in_dim3A_841 = vector.broadcast %jit3A_839 : f32 to vector<16xf32>
      %broadcast_in_dim3A_842 = vector.broadcast %jit3A_840 : f32 to vector<16xf32>
      %select_n3A_843 = arith.select %eq3A_838, %broadcast_in_dim3A_841, %broadcast_in_dim3A_842 : vector<16xi1>, vector<16xf32>
      %max3A_844 = arith.maximumf %select_n3A_604, %select_n3A_843 : vector<16xf32>
      %jit3A_845 = arith.constant -2147483648 : i32
      %broadcast_in_dim3A_846 = vector.broadcast %jit3A_845 : i32 to vector<16xi32>
      %select_n3A_847 = arith.select %eq3A_838, %broadcast_in_dim3A_846, %select_n3A_607 : vector<16xi1>, vector<16xi32>
      %eq3A_848 = arith.cmpi eq, %select_n3A_616, %max3A_637 : vector<16xi32>
      %jit3A_849 = arith.constant 1.000000e+00 : f32
      %jit3A_850 = arith.constant 0.000000e+00 : f32
      %broadcast_in_dim3A_851 = vector.broadcast %jit3A_849 : f32 to vector<16xf32>
      %broadcast_in_dim3A_852 = vector.broadcast %jit3A_850 : f32 to vector<16xf32>
      %select_n3A_853 = arith.select %eq3A_848, %broadcast_in_dim3A_851, %broadcast_in_dim3A_852 : vector<16xi1>, vector<16xf32>
      %max3A_854 = arith.maximumf %select_n3A_613, %select_n3A_853 : vector<16xf32>
      %jit3A_855 = arith.constant -2147483648 : i32
      %broadcast_in_dim3A_856 = vector.broadcast %jit3A_855 : i32 to vector<16xi32>
      %select_n3A_857 = arith.select %eq3A_848, %broadcast_in_dim3A_856, %select_n3A_616 : vector<16xi1>, vector<16xi32>
      %max3A_858 = arith.maxsi %select_n3A_647, %select_n3A_657 : vector<16xi32>
      %max3A_859 = arith.maxsi %select_n3A_667, %select_n3A_677 : vector<16xi32>
      %max3A_860 = arith.maxsi %select_n3A_687, %select_n3A_697 : vector<16xi32>
      %max3A_861 = arith.maxsi %select_n3A_707, %select_n3A_717 : vector<16xi32>
      %max3A_862 = arith.maxsi %select_n3A_727, %select_n3A_737 : vector<16xi32>
      %max3A_863 = arith.maxsi %select_n3A_747, %select_n3A_757 : vector<16xi32>
      %max3A_864 = arith.maxsi %select_n3A_767, %select_n3A_777 : vector<16xi32>
      %max3A_865 = arith.maxsi %select_n3A_787, %select_n3A_797 : vector<16xi32>
      %max3A_866 = arith.maxsi %select_n3A_807, %select_n3A_817 : vector<16xi32>
      %max3A_867 = arith.maxsi %select_n3A_827, %select_n3A_837 : vector<16xi32>
      %max3A_868 = arith.maxsi %select_n3A_847, %select_n3A_857 : vector<16xi32>
      %max3A_869 = arith.maxsi %max3A_858, %max3A_859 : vector<16xi32>
      %max3A_870 = arith.maxsi %max3A_860, %max3A_861 : vector<16xi32>
      %max3A_871 = arith.maxsi %max3A_862, %max3A_863 : vector<16xi32>
      %max3A_872 = arith.maxsi %max3A_864, %max3A_865 : vector<16xi32>
      %max3A_873 = arith.maxsi %max3A_866, %max3A_867 : vector<16xi32>
      %max3A_874 = arith.maxsi %max3A_869, %max3A_870 : vector<16xi32>
      %max3A_875 = arith.maxsi %max3A_871, %max3A_872 : vector<16xi32>
      %max3A_876 = arith.maxsi %max3A_873, %max3A_868 : vector<16xi32>
      %max3A_877 = arith.maxsi %max3A_874, %max3A_875 : vector<16xi32>
      %max3A_878 = arith.maxsi %max3A_877, %max3A_876 : vector<16xi32>
      %eq3A_879 = arith.cmpi eq, %select_n3A_647, %max3A_878 : vector<16xi32>
      %jit3A_880 = arith.constant 1.000000e+00 : f32
      %jit3A_881 = arith.constant 0.000000e+00 : f32
      %broadcast_in_dim3A_882 = vector.broadcast %jit3A_880 : f32 to vector<16xf32>
      %broadcast_in_dim3A_883 = vector.broadcast %jit3A_881 : f32 to vector<16xf32>
      %select_n3A_884 = arith.select %eq3A_879, %broadcast_in_dim3A_882, %broadcast_in_dim3A_883 : vector<16xi1>, vector<16xf32>
      %max3A_885 = arith.maximumf %max3A_644, %select_n3A_884 : vector<16xf32>
      %jit3A_886 = arith.constant -2147483648 : i32
      %broadcast_in_dim3A_887 = vector.broadcast %jit3A_886 : i32 to vector<16xi32>
      %select_n3A_888 = arith.select %eq3A_879, %broadcast_in_dim3A_887, %select_n3A_647 : vector<16xi1>, vector<16xi32>
      %eq3A_889 = arith.cmpi eq, %select_n3A_657, %max3A_878 : vector<16xi32>
      %jit3A_890 = arith.constant 1.000000e+00 : f32
      %jit3A_891 = arith.constant 0.000000e+00 : f32
      %broadcast_in_dim3A_892 = vector.broadcast %jit3A_890 : f32 to vector<16xf32>
      %broadcast_in_dim3A_893 = vector.broadcast %jit3A_891 : f32 to vector<16xf32>
      %select_n3A_894 = arith.select %eq3A_889, %broadcast_in_dim3A_892, %broadcast_in_dim3A_893 : vector<16xi1>, vector<16xf32>
      %max3A_895 = arith.maximumf %max3A_654, %select_n3A_894 : vector<16xf32>
      %jit3A_896 = arith.constant -2147483648 : i32
      %broadcast_in_dim3A_897 = vector.broadcast %jit3A_896 : i32 to vector<16xi32>
      %select_n3A_898 = arith.select %eq3A_889, %broadcast_in_dim3A_897, %select_n3A_657 : vector<16xi1>, vector<16xi32>
      %eq3A_899 = arith.cmpi eq, %select_n3A_667, %max3A_878 : vector<16xi32>
      %jit3A_900 = arith.constant 1.000000e+00 : f32
      %jit3A_901 = arith.constant 0.000000e+00 : f32
      %broadcast_in_dim3A_902 = vector.broadcast %jit3A_900 : f32 to vector<16xf32>
      %broadcast_in_dim3A_903 = vector.broadcast %jit3A_901 : f32 to vector<16xf32>
      %select_n3A_904 = arith.select %eq3A_899, %broadcast_in_dim3A_902, %broadcast_in_dim3A_903 : vector<16xi1>, vector<16xf32>
      %max3A_905 = arith.maximumf %max3A_664, %select_n3A_904 : vector<16xf32>
      %jit3A_906 = arith.constant -2147483648 : i32
      %broadcast_in_dim3A_907 = vector.broadcast %jit3A_906 : i32 to vector<16xi32>
      %select_n3A_908 = arith.select %eq3A_899, %broadcast_in_dim3A_907, %select_n3A_667 : vector<16xi1>, vector<16xi32>
      %eq3A_909 = arith.cmpi eq, %select_n3A_677, %max3A_878 : vector<16xi32>
      %jit3A_910 = arith.constant 1.000000e+00 : f32
      %jit3A_911 = arith.constant 0.000000e+00 : f32
      %broadcast_in_dim3A_912 = vector.broadcast %jit3A_910 : f32 to vector<16xf32>
      %broadcast_in_dim3A_913 = vector.broadcast %jit3A_911 : f32 to vector<16xf32>
      %select_n3A_914 = arith.select %eq3A_909, %broadcast_in_dim3A_912, %broadcast_in_dim3A_913 : vector<16xi1>, vector<16xf32>
      %max3A_915 = arith.maximumf %max3A_674, %select_n3A_914 : vector<16xf32>
      %jit3A_916 = arith.constant -2147483648 : i32
      %broadcast_in_dim3A_917 = vector.broadcast %jit3A_916 : i32 to vector<16xi32>
      %select_n3A_918 = arith.select %eq3A_909, %broadcast_in_dim3A_917, %select_n3A_677 : vector<16xi1>, vector<16xi32>
      %eq3A_919 = arith.cmpi eq, %select_n3A_687, %max3A_878 : vector<16xi32>
      %jit3A_920 = arith.constant 1.000000e+00 : f32
      %jit3A_921 = arith.constant 0.000000e+00 : f32
      %broadcast_in_dim3A_922 = vector.broadcast %jit3A_920 : f32 to vector<16xf32>
      %broadcast_in_dim3A_923 = vector.broadcast %jit3A_921 : f32 to vector<16xf32>
      %select_n3A_924 = arith.select %eq3A_919, %broadcast_in_dim3A_922, %broadcast_in_dim3A_923 : vector<16xi1>, vector<16xf32>
      %max3A_925 = arith.maximumf %max3A_684, %select_n3A_924 : vector<16xf32>
      %jit3A_926 = arith.constant -2147483648 : i32
      %broadcast_in_dim3A_927 = vector.broadcast %jit3A_926 : i32 to vector<16xi32>
      %select_n3A_928 = arith.select %eq3A_919, %broadcast_in_dim3A_927, %select_n3A_687 : vector<16xi1>, vector<16xi32>
      %eq3A_929 = arith.cmpi eq, %select_n3A_697, %max3A_878 : vector<16xi32>
      %jit3A_930 = arith.constant 1.000000e+00 : f32
      %jit3A_931 = arith.constant 0.000000e+00 : f32
      %broadcast_in_dim3A_932 = vector.broadcast %jit3A_930 : f32 to vector<16xf32>
      %broadcast_in_dim3A_933 = vector.broadcast %jit3A_931 : f32 to vector<16xf32>
      %select_n3A_934 = arith.select %eq3A_929, %broadcast_in_dim3A_932, %broadcast_in_dim3A_933 : vector<16xi1>, vector<16xf32>
      %max3A_935 = arith.maximumf %max3A_694, %select_n3A_934 : vector<16xf32>
      %jit3A_936 = arith.constant -2147483648 : i32
      %broadcast_in_dim3A_937 = vector.broadcast %jit3A_936 : i32 to vector<16xi32>
      %select_n3A_938 = arith.select %eq3A_929, %broadcast_in_dim3A_937, %select_n3A_697 : vector<16xi1>, vector<16xi32>
      %eq3A_939 = arith.cmpi eq, %select_n3A_707, %max3A_878 : vector<16xi32>
      %jit3A_940 = arith.constant 1.000000e+00 : f32
      %jit3A_941 = arith.constant 0.000000e+00 : f32
      %broadcast_in_dim3A_942 = vector.broadcast %jit3A_940 : f32 to vector<16xf32>
      %broadcast_in_dim3A_943 = vector.broadcast %jit3A_941 : f32 to vector<16xf32>
      %select_n3A_944 = arith.select %eq3A_939, %broadcast_in_dim3A_942, %broadcast_in_dim3A_943 : vector<16xi1>, vector<16xf32>
      %max3A_945 = arith.maximumf %max3A_704, %select_n3A_944 : vector<16xf32>
      %jit3A_946 = arith.constant -2147483648 : i32
      %broadcast_in_dim3A_947 = vector.broadcast %jit3A_946 : i32 to vector<16xi32>
      %select_n3A_948 = arith.select %eq3A_939, %broadcast_in_dim3A_947, %select_n3A_707 : vector<16xi1>, vector<16xi32>
      %eq3A_949 = arith.cmpi eq, %select_n3A_717, %max3A_878 : vector<16xi32>
      %jit3A_950 = arith.constant 1.000000e+00 : f32
      %jit3A_951 = arith.constant 0.000000e+00 : f32
      %broadcast_in_dim3A_952 = vector.broadcast %jit3A_950 : f32 to vector<16xf32>
      %broadcast_in_dim3A_953 = vector.broadcast %jit3A_951 : f32 to vector<16xf32>
      %select_n3A_954 = arith.select %eq3A_949, %broadcast_in_dim3A_952, %broadcast_in_dim3A_953 : vector<16xi1>, vector<16xf32>
      %max3A_955 = arith.maximumf %max3A_714, %select_n3A_954 : vector<16xf32>
      %jit3A_956 = arith.constant -2147483648 : i32
      %broadcast_in_dim3A_957 = vector.broadcast %jit3A_956 : i32 to vector<16xi32>
      %select_n3A_958 = arith.select %eq3A_949, %broadcast_in_dim3A_957, %select_n3A_717 : vector<16xi1>, vector<16xi32>
      %eq3A_959 = arith.cmpi eq, %select_n3A_727, %max3A_878 : vector<16xi32>
      %jit3A_960 = arith.constant 1.000000e+00 : f32
      %jit3A_961 = arith.constant 0.000000e+00 : f32
      %broadcast_in_dim3A_962 = vector.broadcast %jit3A_960 : f32 to vector<16xf32>
      %broadcast_in_dim3A_963 = vector.broadcast %jit3A_961 : f32 to vector<16xf32>
      %select_n3A_964 = arith.select %eq3A_959, %broadcast_in_dim3A_962, %broadcast_in_dim3A_963 : vector<16xi1>, vector<16xf32>
      %max3A_965 = arith.maximumf %max3A_724, %select_n3A_964 : vector<16xf32>
      %jit3A_966 = arith.constant -2147483648 : i32
      %broadcast_in_dim3A_967 = vector.broadcast %jit3A_966 : i32 to vector<16xi32>
      %select_n3A_968 = arith.select %eq3A_959, %broadcast_in_dim3A_967, %select_n3A_727 : vector<16xi1>, vector<16xi32>
      %eq3A_969 = arith.cmpi eq, %select_n3A_737, %max3A_878 : vector<16xi32>
      %jit3A_970 = arith.constant 1.000000e+00 : f32
      %jit3A_971 = arith.constant 0.000000e+00 : f32
      %broadcast_in_dim3A_972 = vector.broadcast %jit3A_970 : f32 to vector<16xf32>
      %broadcast_in_dim3A_973 = vector.broadcast %jit3A_971 : f32 to vector<16xf32>
      %select_n3A_974 = arith.select %eq3A_969, %broadcast_in_dim3A_972, %broadcast_in_dim3A_973 : vector<16xi1>, vector<16xf32>
      %max3A_975 = arith.maximumf %max3A_734, %select_n3A_974 : vector<16xf32>
      %jit3A_976 = arith.constant -2147483648 : i32
      %broadcast_in_dim3A_977 = vector.broadcast %jit3A_976 : i32 to vector<16xi32>
      %select_n3A_978 = arith.select %eq3A_969, %broadcast_in_dim3A_977, %select_n3A_737 : vector<16xi1>, vector<16xi32>
      %eq3A_979 = arith.cmpi eq, %select_n3A_747, %max3A_878 : vector<16xi32>
      %jit3A_980 = arith.constant 1.000000e+00 : f32
      %jit3A_981 = arith.constant 0.000000e+00 : f32
      %broadcast_in_dim3A_982 = vector.broadcast %jit3A_980 : f32 to vector<16xf32>
      %broadcast_in_dim3A_983 = vector.broadcast %jit3A_981 : f32 to vector<16xf32>
      %select_n3A_984 = arith.select %eq3A_979, %broadcast_in_dim3A_982, %broadcast_in_dim3A_983 : vector<16xi1>, vector<16xf32>
      %max3A_985 = arith.maximumf %max3A_744, %select_n3A_984 : vector<16xf32>
      %jit3A_986 = arith.constant -2147483648 : i32
      %broadcast_in_dim3A_987 = vector.broadcast %jit3A_986 : i32 to vector<16xi32>
      %select_n3A_988 = arith.select %eq3A_979, %broadcast_in_dim3A_987, %select_n3A_747 : vector<16xi1>, vector<16xi32>
      %eq3A_989 = arith.cmpi eq, %select_n3A_757, %max3A_878 : vector<16xi32>
      %jit3A_990 = arith.constant 1.000000e+00 : f32
      %jit3A_991 = arith.constant 0.000000e+00 : f32
      %broadcast_in_dim3A_992 = vector.broadcast %jit3A_990 : f32 to vector<16xf32>
      %broadcast_in_dim3A_993 = vector.broadcast %jit3A_991 : f32 to vector<16xf32>
      %select_n3A_994 = arith.select %eq3A_989, %broadcast_in_dim3A_992, %broadcast_in_dim3A_993 : vector<16xi1>, vector<16xf32>
      %max3A_995 = arith.maximumf %max3A_754, %select_n3A_994 : vector<16xf32>
      %jit3A_996 = arith.constant -2147483648 : i32
      %broadcast_in_dim3A_997 = vector.broadcast %jit3A_996 : i32 to vector<16xi32>
      %select_n3A_998 = arith.select %eq3A_989, %broadcast_in_dim3A_997, %select_n3A_757 : vector<16xi1>, vector<16xi32>
      %eq3A_999 = arith.cmpi eq, %select_n3A_767, %max3A_878 : vector<16xi32>
      %jit3A_1000 = arith.constant 1.000000e+00 : f32
      %jit3A_1001 = arith.constant 0.000000e+00 : f32
      %broadcast_in_dim3A_1002 = vector.broadcast %jit3A_1000 : f32 to vector<16xf32>
      %broadcast_in_dim3A_1003 = vector.broadcast %jit3A_1001 : f32 to vector<16xf32>
      %select_n3A_1004 = arith.select %eq3A_999, %broadcast_in_dim3A_1002, %broadcast_in_dim3A_1003 : vector<16xi1>, vector<16xf32>
      %max3A_1005 = arith.maximumf %max3A_764, %select_n3A_1004 : vector<16xf32>
      %jit3A_1006 = arith.constant -2147483648 : i32
      %broadcast_in_dim3A_1007 = vector.broadcast %jit3A_1006 : i32 to vector<16xi32>
      %select_n3A_1008 = arith.select %eq3A_999, %broadcast_in_dim3A_1007, %select_n3A_767 : vector<16xi1>, vector<16xi32>
      %eq3A_1009 = arith.cmpi eq, %select_n3A_777, %max3A_878 : vector<16xi32>
      %jit3A_1010 = arith.constant 1.000000e+00 : f32
      %jit3A_1011 = arith.constant 0.000000e+00 : f32
      %broadcast_in_dim3A_1012 = vector.broadcast %jit3A_1010 : f32 to vector<16xf32>
      %broadcast_in_dim3A_1013 = vector.broadcast %jit3A_1011 : f32 to vector<16xf32>
      %select_n3A_1014 = arith.select %eq3A_1009, %broadcast_in_dim3A_1012, %broadcast_in_dim3A_1013 : vector<16xi1>, vector<16xf32>
      %max3A_1015 = arith.maximumf %max3A_774, %select_n3A_1014 : vector<16xf32>
      %jit3A_1016 = arith.constant -2147483648 : i32
      %broadcast_in_dim3A_1017 = vector.broadcast %jit3A_1016 : i32 to vector<16xi32>
      %select_n3A_1018 = arith.select %eq3A_1009, %broadcast_in_dim3A_1017, %select_n3A_777 : vector<16xi1>, vector<16xi32>
      %eq3A_1019 = arith.cmpi eq, %select_n3A_787, %max3A_878 : vector<16xi32>
      %jit3A_1020 = arith.constant 1.000000e+00 : f32
      %jit3A_1021 = arith.constant 0.000000e+00 : f32
      %broadcast_in_dim3A_1022 = vector.broadcast %jit3A_1020 : f32 to vector<16xf32>
      %broadcast_in_dim3A_1023 = vector.broadcast %jit3A_1021 : f32 to vector<16xf32>
      %select_n3A_1024 = arith.select %eq3A_1019, %broadcast_in_dim3A_1022, %broadcast_in_dim3A_1023 : vector<16xi1>, vector<16xf32>
      %max3A_1025 = arith.maximumf %max3A_784, %select_n3A_1024 : vector<16xf32>
      %jit3A_1026 = arith.constant -2147483648 : i32
      %broadcast_in_dim3A_1027 = vector.broadcast %jit3A_1026 : i32 to vector<16xi32>
      %select_n3A_1028 = arith.select %eq3A_1019, %broadcast_in_dim3A_1027, %select_n3A_787 : vector<16xi1>, vector<16xi32>
      %eq3A_1029 = arith.cmpi eq, %select_n3A_797, %max3A_878 : vector<16xi32>
      %jit3A_1030 = arith.constant 1.000000e+00 : f32
      %jit3A_1031 = arith.constant 0.000000e+00 : f32
      %broadcast_in_dim3A_1032 = vector.broadcast %jit3A_1030 : f32 to vector<16xf32>
      %broadcast_in_dim3A_1033 = vector.broadcast %jit3A_1031 : f32 to vector<16xf32>
      %select_n3A_1034 = arith.select %eq3A_1029, %broadcast_in_dim3A_1032, %broadcast_in_dim3A_1033 : vector<16xi1>, vector<16xf32>
      %max3A_1035 = arith.maximumf %max3A_794, %select_n3A_1034 : vector<16xf32>
      %jit3A_1036 = arith.constant -2147483648 : i32
      %broadcast_in_dim3A_1037 = vector.broadcast %jit3A_1036 : i32 to vector<16xi32>
      %select_n3A_1038 = arith.select %eq3A_1029, %broadcast_in_dim3A_1037, %select_n3A_797 : vector<16xi1>, vector<16xi32>
      %eq3A_1039 = arith.cmpi eq, %select_n3A_807, %max3A_878 : vector<16xi32>
      %jit3A_1040 = arith.constant 1.000000e+00 : f32
      %jit3A_1041 = arith.constant 0.000000e+00 : f32
      %broadcast_in_dim3A_1042 = vector.broadcast %jit3A_1040 : f32 to vector<16xf32>
      %broadcast_in_dim3A_1043 = vector.broadcast %jit3A_1041 : f32 to vector<16xf32>
      %select_n3A_1044 = arith.select %eq3A_1039, %broadcast_in_dim3A_1042, %broadcast_in_dim3A_1043 : vector<16xi1>, vector<16xf32>
      %max3A_1045 = arith.maximumf %max3A_804, %select_n3A_1044 : vector<16xf32>
      %jit3A_1046 = arith.constant -2147483648 : i32
      %broadcast_in_dim3A_1047 = vector.broadcast %jit3A_1046 : i32 to vector<16xi32>
      %select_n3A_1048 = arith.select %eq3A_1039, %broadcast_in_dim3A_1047, %select_n3A_807 : vector<16xi1>, vector<16xi32>
      %eq3A_1049 = arith.cmpi eq, %select_n3A_817, %max3A_878 : vector<16xi32>
      %jit3A_1050 = arith.constant 1.000000e+00 : f32
      %jit3A_1051 = arith.constant 0.000000e+00 : f32
      %broadcast_in_dim3A_1052 = vector.broadcast %jit3A_1050 : f32 to vector<16xf32>
      %broadcast_in_dim3A_1053 = vector.broadcast %jit3A_1051 : f32 to vector<16xf32>
      %select_n3A_1054 = arith.select %eq3A_1049, %broadcast_in_dim3A_1052, %broadcast_in_dim3A_1053 : vector<16xi1>, vector<16xf32>
      %max3A_1055 = arith.maximumf %max3A_814, %select_n3A_1054 : vector<16xf32>
      %jit3A_1056 = arith.constant -2147483648 : i32
      %broadcast_in_dim3A_1057 = vector.broadcast %jit3A_1056 : i32 to vector<16xi32>
      %select_n3A_1058 = arith.select %eq3A_1049, %broadcast_in_dim3A_1057, %select_n3A_817 : vector<16xi1>, vector<16xi32>
      %eq3A_1059 = arith.cmpi eq, %select_n3A_827, %max3A_878 : vector<16xi32>
      %jit3A_1060 = arith.constant 1.000000e+00 : f32
      %jit3A_1061 = arith.constant 0.000000e+00 : f32
      %broadcast_in_dim3A_1062 = vector.broadcast %jit3A_1060 : f32 to vector<16xf32>
      %broadcast_in_dim3A_1063 = vector.broadcast %jit3A_1061 : f32 to vector<16xf32>
      %select_n3A_1064 = arith.select %eq3A_1059, %broadcast_in_dim3A_1062, %broadcast_in_dim3A_1063 : vector<16xi1>, vector<16xf32>
      %max3A_1065 = arith.maximumf %max3A_824, %select_n3A_1064 : vector<16xf32>
      %jit3A_1066 = arith.constant -2147483648 : i32
      %broadcast_in_dim3A_1067 = vector.broadcast %jit3A_1066 : i32 to vector<16xi32>
      %select_n3A_1068 = arith.select %eq3A_1059, %broadcast_in_dim3A_1067, %select_n3A_827 : vector<16xi1>, vector<16xi32>
      %eq3A_1069 = arith.cmpi eq, %select_n3A_837, %max3A_878 : vector<16xi32>
      %jit3A_1070 = arith.constant 1.000000e+00 : f32
      %jit3A_1071 = arith.constant 0.000000e+00 : f32
      %broadcast_in_dim3A_1072 = vector.broadcast %jit3A_1070 : f32 to vector<16xf32>
      %broadcast_in_dim3A_1073 = vector.broadcast %jit3A_1071 : f32 to vector<16xf32>
      %select_n3A_1074 = arith.select %eq3A_1069, %broadcast_in_dim3A_1072, %broadcast_in_dim3A_1073 : vector<16xi1>, vector<16xf32>
      %max3A_1075 = arith.maximumf %max3A_834, %select_n3A_1074 : vector<16xf32>
      %jit3A_1076 = arith.constant -2147483648 : i32
      %broadcast_in_dim3A_1077 = vector.broadcast %jit3A_1076 : i32 to vector<16xi32>
      %select_n3A_1078 = arith.select %eq3A_1069, %broadcast_in_dim3A_1077, %select_n3A_837 : vector<16xi1>, vector<16xi32>
      %eq3A_1079 = arith.cmpi eq, %select_n3A_847, %max3A_878 : vector<16xi32>
      %jit3A_1080 = arith.constant 1.000000e+00 : f32
      %jit3A_1081 = arith.constant 0.000000e+00 : f32
      %broadcast_in_dim3A_1082 = vector.broadcast %jit3A_1080 : f32 to vector<16xf32>
      %broadcast_in_dim3A_1083 = vector.broadcast %jit3A_1081 : f32 to vector<16xf32>
      %select_n3A_1084 = arith.select %eq3A_1079, %broadcast_in_dim3A_1082, %broadcast_in_dim3A_1083 : vector<16xi1>, vector<16xf32>
      %max3A_1085 = arith.maximumf %max3A_844, %select_n3A_1084 : vector<16xf32>
      %jit3A_1086 = arith.constant -2147483648 : i32
      %broadcast_in_dim3A_1087 = vector.broadcast %jit3A_1086 : i32 to vector<16xi32>
      %select_n3A_1088 = arith.select %eq3A_1079, %broadcast_in_dim3A_1087, %select_n3A_847 : vector<16xi1>, vector<16xi32>
      %eq3A_1089 = arith.cmpi eq, %select_n3A_857, %max3A_878 : vector<16xi32>
      %jit3A_1090 = arith.constant 1.000000e+00 : f32
      %jit3A_1091 = arith.constant 0.000000e+00 : f32
      %broadcast_in_dim3A_1092 = vector.broadcast %jit3A_1090 : f32 to vector<16xf32>
      %broadcast_in_dim3A_1093 = vector.broadcast %jit3A_1091 : f32 to vector<16xf32>
      %select_n3A_1094 = arith.select %eq3A_1089, %broadcast_in_dim3A_1092, %broadcast_in_dim3A_1093 : vector<16xi1>, vector<16xf32>
      %max3A_1095 = arith.maximumf %max3A_854, %select_n3A_1094 : vector<16xf32>
      %jit3A_1096 = arith.constant -2147483648 : i32
      %broadcast_in_dim3A_1097 = vector.broadcast %jit3A_1096 : i32 to vector<16xi32>
      %select_n3A_1098 = arith.select %eq3A_1089, %broadcast_in_dim3A_1097, %select_n3A_857 : vector<16xi1>, vector<16xi32>
      %max3A_1099 = arith.maxsi %select_n3A_888, %select_n3A_898 : vector<16xi32>
      %max3A_1100 = arith.maxsi %select_n3A_908, %select_n3A_918 : vector<16xi32>
      %max3A_1101 = arith.maxsi %select_n3A_928, %select_n3A_938 : vector<16xi32>
      %max3A_1102 = arith.maxsi %select_n3A_948, %select_n3A_958 : vector<16xi32>
      %max3A_1103 = arith.maxsi %select_n3A_968, %select_n3A_978 : vector<16xi32>
      %max3A_1104 = arith.maxsi %select_n3A_988, %select_n3A_998 : vector<16xi32>
      %max3A_1105 = arith.maxsi %select_n3A_1008, %select_n3A_1018 : vector<16xi32>
      %max3A_1106 = arith.maxsi %select_n3A_1028, %select_n3A_1038 : vector<16xi32>
      %max3A_1107 = arith.maxsi %select_n3A_1048, %select_n3A_1058 : vector<16xi32>
      %max3A_1108 = arith.maxsi %select_n3A_1068, %select_n3A_1078 : vector<16xi32>
      %max3A_1109 = arith.maxsi %select_n3A_1088, %select_n3A_1098 : vector<16xi32>
      %max3A_1110 = arith.maxsi %max3A_1099, %max3A_1100 : vector<16xi32>
      %max3A_1111 = arith.maxsi %max3A_1101, %max3A_1102 : vector<16xi32>
      %max3A_1112 = arith.maxsi %max3A_1103, %max3A_1104 : vector<16xi32>
      %max3A_1113 = arith.maxsi %max3A_1105, %max3A_1106 : vector<16xi32>
      %max3A_1114 = arith.maxsi %max3A_1107, %max3A_1108 : vector<16xi32>
      %max3A_1115 = arith.maxsi %max3A_1110, %max3A_1111 : vector<16xi32>
      %max3A_1116 = arith.maxsi %max3A_1112, %max3A_1113 : vector<16xi32>
      %max3A_1117 = arith.maxsi %max3A_1114, %max3A_1109 : vector<16xi32>
      %max3A_1118 = arith.maxsi %max3A_1115, %max3A_1116 : vector<16xi32>
      %max3A_1119 = arith.maxsi %max3A_1118, %max3A_1117 : vector<16xi32>
      %eq3A_1120 = arith.cmpi eq, %select_n3A_888, %max3A_1119 : vector<16xi32>
      %jit3A_1121 = arith.constant 1.000000e+00 : f32
      %jit3A_1122 = arith.constant 0.000000e+00 : f32
      %broadcast_in_dim3A_1123 = vector.broadcast %jit3A_1121 : f32 to vector<16xf32>
      %broadcast_in_dim3A_1124 = vector.broadcast %jit3A_1122 : f32 to vector<16xf32>
      %select_n3A_1125 = arith.select %eq3A_1120, %broadcast_in_dim3A_1123, %broadcast_in_dim3A_1124 : vector<16xi1>, vector<16xf32>
      %max3A_1126 = arith.maximumf %max3A_885, %select_n3A_1125 : vector<16xf32>
      %jit3A_1127 = arith.constant -2147483648 : i32
      %broadcast_in_dim3A_1128 = vector.broadcast %jit3A_1127 : i32 to vector<16xi32>
      %select_n3A_1129 = arith.select %eq3A_1120, %broadcast_in_dim3A_1128, %select_n3A_888 : vector<16xi1>, vector<16xi32>
      %eq3A_1130 = arith.cmpi eq, %select_n3A_898, %max3A_1119 : vector<16xi32>
      %jit3A_1131 = arith.constant 1.000000e+00 : f32
      %jit3A_1132 = arith.constant 0.000000e+00 : f32
      %broadcast_in_dim3A_1133 = vector.broadcast %jit3A_1131 : f32 to vector<16xf32>
      %broadcast_in_dim3A_1134 = vector.broadcast %jit3A_1132 : f32 to vector<16xf32>
      %select_n3A_1135 = arith.select %eq3A_1130, %broadcast_in_dim3A_1133, %broadcast_in_dim3A_1134 : vector<16xi1>, vector<16xf32>
      %max3A_1136 = arith.maximumf %max3A_895, %select_n3A_1135 : vector<16xf32>
      %jit3A_1137 = arith.constant -2147483648 : i32
      %broadcast_in_dim3A_1138 = vector.broadcast %jit3A_1137 : i32 to vector<16xi32>
      %select_n3A_1139 = arith.select %eq3A_1130, %broadcast_in_dim3A_1138, %select_n3A_898 : vector<16xi1>, vector<16xi32>
      %eq3A_1140 = arith.cmpi eq, %select_n3A_908, %max3A_1119 : vector<16xi32>
      %jit3A_1141 = arith.constant 1.000000e+00 : f32
      %jit3A_1142 = arith.constant 0.000000e+00 : f32
      %broadcast_in_dim3A_1143 = vector.broadcast %jit3A_1141 : f32 to vector<16xf32>
      %broadcast_in_dim3A_1144 = vector.broadcast %jit3A_1142 : f32 to vector<16xf32>
      %select_n3A_1145 = arith.select %eq3A_1140, %broadcast_in_dim3A_1143, %broadcast_in_dim3A_1144 : vector<16xi1>, vector<16xf32>
      %max3A_1146 = arith.maximumf %max3A_905, %select_n3A_1145 : vector<16xf32>
      %jit3A_1147 = arith.constant -2147483648 : i32
      %broadcast_in_dim3A_1148 = vector.broadcast %jit3A_1147 : i32 to vector<16xi32>
      %select_n3A_1149 = arith.select %eq3A_1140, %broadcast_in_dim3A_1148, %select_n3A_908 : vector<16xi1>, vector<16xi32>
      %eq3A_1150 = arith.cmpi eq, %select_n3A_918, %max3A_1119 : vector<16xi32>
      %jit3A_1151 = arith.constant 1.000000e+00 : f32
      %jit3A_1152 = arith.constant 0.000000e+00 : f32
      %broadcast_in_dim3A_1153 = vector.broadcast %jit3A_1151 : f32 to vector<16xf32>
      %broadcast_in_dim3A_1154 = vector.broadcast %jit3A_1152 : f32 to vector<16xf32>
      %select_n3A_1155 = arith.select %eq3A_1150, %broadcast_in_dim3A_1153, %broadcast_in_dim3A_1154 : vector<16xi1>, vector<16xf32>
      %max3A_1156 = arith.maximumf %max3A_915, %select_n3A_1155 : vector<16xf32>
      %jit3A_1157 = arith.constant -2147483648 : i32
      %broadcast_in_dim3A_1158 = vector.broadcast %jit3A_1157 : i32 to vector<16xi32>
      %select_n3A_1159 = arith.select %eq3A_1150, %broadcast_in_dim3A_1158, %select_n3A_918 : vector<16xi1>, vector<16xi32>
      %eq3A_1160 = arith.cmpi eq, %select_n3A_928, %max3A_1119 : vector<16xi32>
      %jit3A_1161 = arith.constant 1.000000e+00 : f32
      %jit3A_1162 = arith.constant 0.000000e+00 : f32
      %broadcast_in_dim3A_1163 = vector.broadcast %jit3A_1161 : f32 to vector<16xf32>
      %broadcast_in_dim3A_1164 = vector.broadcast %jit3A_1162 : f32 to vector<16xf32>
      %select_n3A_1165 = arith.select %eq3A_1160, %broadcast_in_dim3A_1163, %broadcast_in_dim3A_1164 : vector<16xi1>, vector<16xf32>
      %max3A_1166 = arith.maximumf %max3A_925, %select_n3A_1165 : vector<16xf32>
      %jit3A_1167 = arith.constant -2147483648 : i32
      %broadcast_in_dim3A_1168 = vector.broadcast %jit3A_1167 : i32 to vector<16xi32>
      %select_n3A_1169 = arith.select %eq3A_1160, %broadcast_in_dim3A_1168, %select_n3A_928 : vector<16xi1>, vector<16xi32>
      %eq3A_1170 = arith.cmpi eq, %select_n3A_938, %max3A_1119 : vector<16xi32>
      %jit3A_1171 = arith.constant 1.000000e+00 : f32
      %jit3A_1172 = arith.constant 0.000000e+00 : f32
      %broadcast_in_dim3A_1173 = vector.broadcast %jit3A_1171 : f32 to vector<16xf32>
      %broadcast_in_dim3A_1174 = vector.broadcast %jit3A_1172 : f32 to vector<16xf32>
      %select_n3A_1175 = arith.select %eq3A_1170, %broadcast_in_dim3A_1173, %broadcast_in_dim3A_1174 : vector<16xi1>, vector<16xf32>
      %max3A_1176 = arith.maximumf %max3A_935, %select_n3A_1175 : vector<16xf32>
      %jit3A_1177 = arith.constant -2147483648 : i32
      %broadcast_in_dim3A_1178 = vector.broadcast %jit3A_1177 : i32 to vector<16xi32>
      %select_n3A_1179 = arith.select %eq3A_1170, %broadcast_in_dim3A_1178, %select_n3A_938 : vector<16xi1>, vector<16xi32>
      %eq3A_1180 = arith.cmpi eq, %select_n3A_948, %max3A_1119 : vector<16xi32>
      %jit3A_1181 = arith.constant 1.000000e+00 : f32
      %jit3A_1182 = arith.constant 0.000000e+00 : f32
      %broadcast_in_dim3A_1183 = vector.broadcast %jit3A_1181 : f32 to vector<16xf32>
      %broadcast_in_dim3A_1184 = vector.broadcast %jit3A_1182 : f32 to vector<16xf32>
      %select_n3A_1185 = arith.select %eq3A_1180, %broadcast_in_dim3A_1183, %broadcast_in_dim3A_1184 : vector<16xi1>, vector<16xf32>
      %max3A_1186 = arith.maximumf %max3A_945, %select_n3A_1185 : vector<16xf32>
      %jit3A_1187 = arith.constant -2147483648 : i32
      %broadcast_in_dim3A_1188 = vector.broadcast %jit3A_1187 : i32 to vector<16xi32>
      %select_n3A_1189 = arith.select %eq3A_1180, %broadcast_in_dim3A_1188, %select_n3A_948 : vector<16xi1>, vector<16xi32>
      %eq3A_1190 = arith.cmpi eq, %select_n3A_958, %max3A_1119 : vector<16xi32>
      %jit3A_1191 = arith.constant 1.000000e+00 : f32
      %jit3A_1192 = arith.constant 0.000000e+00 : f32
      %broadcast_in_dim3A_1193 = vector.broadcast %jit3A_1191 : f32 to vector<16xf32>
      %broadcast_in_dim3A_1194 = vector.broadcast %jit3A_1192 : f32 to vector<16xf32>
      %select_n3A_1195 = arith.select %eq3A_1190, %broadcast_in_dim3A_1193, %broadcast_in_dim3A_1194 : vector<16xi1>, vector<16xf32>
      %max3A_1196 = arith.maximumf %max3A_955, %select_n3A_1195 : vector<16xf32>
      %jit3A_1197 = arith.constant -2147483648 : i32
      %broadcast_in_dim3A_1198 = vector.broadcast %jit3A_1197 : i32 to vector<16xi32>
      %select_n3A_1199 = arith.select %eq3A_1190, %broadcast_in_dim3A_1198, %select_n3A_958 : vector<16xi1>, vector<16xi32>
      %eq3A_1200 = arith.cmpi eq, %select_n3A_968, %max3A_1119 : vector<16xi32>
      %jit3A_1201 = arith.constant 1.000000e+00 : f32
      %jit3A_1202 = arith.constant 0.000000e+00 : f32
      %broadcast_in_dim3A_1203 = vector.broadcast %jit3A_1201 : f32 to vector<16xf32>
      %broadcast_in_dim3A_1204 = vector.broadcast %jit3A_1202 : f32 to vector<16xf32>
      %select_n3A_1205 = arith.select %eq3A_1200, %broadcast_in_dim3A_1203, %broadcast_in_dim3A_1204 : vector<16xi1>, vector<16xf32>
      %max3A_1206 = arith.maximumf %max3A_965, %select_n3A_1205 : vector<16xf32>
      %jit3A_1207 = arith.constant -2147483648 : i32
      %broadcast_in_dim3A_1208 = vector.broadcast %jit3A_1207 : i32 to vector<16xi32>
      %select_n3A_1209 = arith.select %eq3A_1200, %broadcast_in_dim3A_1208, %select_n3A_968 : vector<16xi1>, vector<16xi32>
      %eq3A_1210 = arith.cmpi eq, %select_n3A_978, %max3A_1119 : vector<16xi32>
      %jit3A_1211 = arith.constant 1.000000e+00 : f32
      %jit3A_1212 = arith.constant 0.000000e+00 : f32
      %broadcast_in_dim3A_1213 = vector.broadcast %jit3A_1211 : f32 to vector<16xf32>
      %broadcast_in_dim3A_1214 = vector.broadcast %jit3A_1212 : f32 to vector<16xf32>
      %select_n3A_1215 = arith.select %eq3A_1210, %broadcast_in_dim3A_1213, %broadcast_in_dim3A_1214 : vector<16xi1>, vector<16xf32>
      %max3A_1216 = arith.maximumf %max3A_975, %select_n3A_1215 : vector<16xf32>
      %jit3A_1217 = arith.constant -2147483648 : i32
      %broadcast_in_dim3A_1218 = vector.broadcast %jit3A_1217 : i32 to vector<16xi32>
      %select_n3A_1219 = arith.select %eq3A_1210, %broadcast_in_dim3A_1218, %select_n3A_978 : vector<16xi1>, vector<16xi32>
      %eq3A_1220 = arith.cmpi eq, %select_n3A_988, %max3A_1119 : vector<16xi32>
      %jit3A_1221 = arith.constant 1.000000e+00 : f32
      %jit3A_1222 = arith.constant 0.000000e+00 : f32
      %broadcast_in_dim3A_1223 = vector.broadcast %jit3A_1221 : f32 to vector<16xf32>
      %broadcast_in_dim3A_1224 = vector.broadcast %jit3A_1222 : f32 to vector<16xf32>
      %select_n3A_1225 = arith.select %eq3A_1220, %broadcast_in_dim3A_1223, %broadcast_in_dim3A_1224 : vector<16xi1>, vector<16xf32>
      %max3A_1226 = arith.maximumf %max3A_985, %select_n3A_1225 : vector<16xf32>
      %jit3A_1227 = arith.constant -2147483648 : i32
      %broadcast_in_dim3A_1228 = vector.broadcast %jit3A_1227 : i32 to vector<16xi32>
      %select_n3A_1229 = arith.select %eq3A_1220, %broadcast_in_dim3A_1228, %select_n3A_988 : vector<16xi1>, vector<16xi32>
      %eq3A_1230 = arith.cmpi eq, %select_n3A_998, %max3A_1119 : vector<16xi32>
      %jit3A_1231 = arith.constant 1.000000e+00 : f32
      %jit3A_1232 = arith.constant 0.000000e+00 : f32
      %broadcast_in_dim3A_1233 = vector.broadcast %jit3A_1231 : f32 to vector<16xf32>
      %broadcast_in_dim3A_1234 = vector.broadcast %jit3A_1232 : f32 to vector<16xf32>
      %select_n3A_1235 = arith.select %eq3A_1230, %broadcast_in_dim3A_1233, %broadcast_in_dim3A_1234 : vector<16xi1>, vector<16xf32>
      %max3A_1236 = arith.maximumf %max3A_995, %select_n3A_1235 : vector<16xf32>
      %jit3A_1237 = arith.constant -2147483648 : i32
      %broadcast_in_dim3A_1238 = vector.broadcast %jit3A_1237 : i32 to vector<16xi32>
      %select_n3A_1239 = arith.select %eq3A_1230, %broadcast_in_dim3A_1238, %select_n3A_998 : vector<16xi1>, vector<16xi32>
      %eq3A_1240 = arith.cmpi eq, %select_n3A_1008, %max3A_1119 : vector<16xi32>
      %jit3A_1241 = arith.constant 1.000000e+00 : f32
      %jit3A_1242 = arith.constant 0.000000e+00 : f32
      %broadcast_in_dim3A_1243 = vector.broadcast %jit3A_1241 : f32 to vector<16xf32>
      %broadcast_in_dim3A_1244 = vector.broadcast %jit3A_1242 : f32 to vector<16xf32>
      %select_n3A_1245 = arith.select %eq3A_1240, %broadcast_in_dim3A_1243, %broadcast_in_dim3A_1244 : vector<16xi1>, vector<16xf32>
      %max3A_1246 = arith.maximumf %max3A_1005, %select_n3A_1245 : vector<16xf32>
      %jit3A_1247 = arith.constant -2147483648 : i32
      %broadcast_in_dim3A_1248 = vector.broadcast %jit3A_1247 : i32 to vector<16xi32>
      %select_n3A_1249 = arith.select %eq3A_1240, %broadcast_in_dim3A_1248, %select_n3A_1008 : vector<16xi1>, vector<16xi32>
      %eq3A_1250 = arith.cmpi eq, %select_n3A_1018, %max3A_1119 : vector<16xi32>
      %jit3A_1251 = arith.constant 1.000000e+00 : f32
      %jit3A_1252 = arith.constant 0.000000e+00 : f32
      %broadcast_in_dim3A_1253 = vector.broadcast %jit3A_1251 : f32 to vector<16xf32>
      %broadcast_in_dim3A_1254 = vector.broadcast %jit3A_1252 : f32 to vector<16xf32>
      %select_n3A_1255 = arith.select %eq3A_1250, %broadcast_in_dim3A_1253, %broadcast_in_dim3A_1254 : vector<16xi1>, vector<16xf32>
      %max3A_1256 = arith.maximumf %max3A_1015, %select_n3A_1255 : vector<16xf32>
      %jit3A_1257 = arith.constant -2147483648 : i32
      %broadcast_in_dim3A_1258 = vector.broadcast %jit3A_1257 : i32 to vector<16xi32>
      %select_n3A_1259 = arith.select %eq3A_1250, %broadcast_in_dim3A_1258, %select_n3A_1018 : vector<16xi1>, vector<16xi32>
      %eq3A_1260 = arith.cmpi eq, %select_n3A_1028, %max3A_1119 : vector<16xi32>
      %jit3A_1261 = arith.constant 1.000000e+00 : f32
      %jit3A_1262 = arith.constant 0.000000e+00 : f32
      %broadcast_in_dim3A_1263 = vector.broadcast %jit3A_1261 : f32 to vector<16xf32>
      %broadcast_in_dim3A_1264 = vector.broadcast %jit3A_1262 : f32 to vector<16xf32>
      %select_n3A_1265 = arith.select %eq3A_1260, %broadcast_in_dim3A_1263, %broadcast_in_dim3A_1264 : vector<16xi1>, vector<16xf32>
      %max3A_1266 = arith.maximumf %max3A_1025, %select_n3A_1265 : vector<16xf32>
      %jit3A_1267 = arith.constant -2147483648 : i32
      %broadcast_in_dim3A_1268 = vector.broadcast %jit3A_1267 : i32 to vector<16xi32>
      %select_n3A_1269 = arith.select %eq3A_1260, %broadcast_in_dim3A_1268, %select_n3A_1028 : vector<16xi1>, vector<16xi32>
      %eq3A_1270 = arith.cmpi eq, %select_n3A_1038, %max3A_1119 : vector<16xi32>
      %jit3A_1271 = arith.constant 1.000000e+00 : f32
      %jit3A_1272 = arith.constant 0.000000e+00 : f32
      %broadcast_in_dim3A_1273 = vector.broadcast %jit3A_1271 : f32 to vector<16xf32>
      %broadcast_in_dim3A_1274 = vector.broadcast %jit3A_1272 : f32 to vector<16xf32>
      %select_n3A_1275 = arith.select %eq3A_1270, %broadcast_in_dim3A_1273, %broadcast_in_dim3A_1274 : vector<16xi1>, vector<16xf32>
      %max3A_1276 = arith.maximumf %max3A_1035, %select_n3A_1275 : vector<16xf32>
      %jit3A_1277 = arith.constant -2147483648 : i32
      %broadcast_in_dim3A_1278 = vector.broadcast %jit3A_1277 : i32 to vector<16xi32>
      %select_n3A_1279 = arith.select %eq3A_1270, %broadcast_in_dim3A_1278, %select_n3A_1038 : vector<16xi1>, vector<16xi32>
      %eq3A_1280 = arith.cmpi eq, %select_n3A_1048, %max3A_1119 : vector<16xi32>
      %jit3A_1281 = arith.constant 1.000000e+00 : f32
      %jit3A_1282 = arith.constant 0.000000e+00 : f32
      %broadcast_in_dim3A_1283 = vector.broadcast %jit3A_1281 : f32 to vector<16xf32>
      %broadcast_in_dim3A_1284 = vector.broadcast %jit3A_1282 : f32 to vector<16xf32>
      %select_n3A_1285 = arith.select %eq3A_1280, %broadcast_in_dim3A_1283, %broadcast_in_dim3A_1284 : vector<16xi1>, vector<16xf32>
      %max3A_1286 = arith.maximumf %max3A_1045, %select_n3A_1285 : vector<16xf32>
      %jit3A_1287 = arith.constant -2147483648 : i32
      %broadcast_in_dim3A_1288 = vector.broadcast %jit3A_1287 : i32 to vector<16xi32>
      %select_n3A_1289 = arith.select %eq3A_1280, %broadcast_in_dim3A_1288, %select_n3A_1048 : vector<16xi1>, vector<16xi32>
      %eq3A_1290 = arith.cmpi eq, %select_n3A_1058, %max3A_1119 : vector<16xi32>
      %jit3A_1291 = arith.constant 1.000000e+00 : f32
      %jit3A_1292 = arith.constant 0.000000e+00 : f32
      %broadcast_in_dim3A_1293 = vector.broadcast %jit3A_1291 : f32 to vector<16xf32>
      %broadcast_in_dim3A_1294 = vector.broadcast %jit3A_1292 : f32 to vector<16xf32>
      %select_n3A_1295 = arith.select %eq3A_1290, %broadcast_in_dim3A_1293, %broadcast_in_dim3A_1294 : vector<16xi1>, vector<16xf32>
      %max3A_1296 = arith.maximumf %max3A_1055, %select_n3A_1295 : vector<16xf32>
      %jit3A_1297 = arith.constant -2147483648 : i32
      %broadcast_in_dim3A_1298 = vector.broadcast %jit3A_1297 : i32 to vector<16xi32>
      %select_n3A_1299 = arith.select %eq3A_1290, %broadcast_in_dim3A_1298, %select_n3A_1058 : vector<16xi1>, vector<16xi32>
      %eq3A_1300 = arith.cmpi eq, %select_n3A_1068, %max3A_1119 : vector<16xi32>
      %jit3A_1301 = arith.constant 1.000000e+00 : f32
      %jit3A_1302 = arith.constant 0.000000e+00 : f32
      %broadcast_in_dim3A_1303 = vector.broadcast %jit3A_1301 : f32 to vector<16xf32>
      %broadcast_in_dim3A_1304 = vector.broadcast %jit3A_1302 : f32 to vector<16xf32>
      %select_n3A_1305 = arith.select %eq3A_1300, %broadcast_in_dim3A_1303, %broadcast_in_dim3A_1304 : vector<16xi1>, vector<16xf32>
      %max3A_1306 = arith.maximumf %max3A_1065, %select_n3A_1305 : vector<16xf32>
      %jit3A_1307 = arith.constant -2147483648 : i32
      %broadcast_in_dim3A_1308 = vector.broadcast %jit3A_1307 : i32 to vector<16xi32>
      %select_n3A_1309 = arith.select %eq3A_1300, %broadcast_in_dim3A_1308, %select_n3A_1068 : vector<16xi1>, vector<16xi32>
      %eq3A_1310 = arith.cmpi eq, %select_n3A_1078, %max3A_1119 : vector<16xi32>
      %jit3A_1311 = arith.constant 1.000000e+00 : f32
      %jit3A_1312 = arith.constant 0.000000e+00 : f32
      %broadcast_in_dim3A_1313 = vector.broadcast %jit3A_1311 : f32 to vector<16xf32>
      %broadcast_in_dim3A_1314 = vector.broadcast %jit3A_1312 : f32 to vector<16xf32>
      %select_n3A_1315 = arith.select %eq3A_1310, %broadcast_in_dim3A_1313, %broadcast_in_dim3A_1314 : vector<16xi1>, vector<16xf32>
      %max3A_1316 = arith.maximumf %max3A_1075, %select_n3A_1315 : vector<16xf32>
      %jit3A_1317 = arith.constant -2147483648 : i32
      %broadcast_in_dim3A_1318 = vector.broadcast %jit3A_1317 : i32 to vector<16xi32>
      %select_n3A_1319 = arith.select %eq3A_1310, %broadcast_in_dim3A_1318, %select_n3A_1078 : vector<16xi1>, vector<16xi32>
      %eq3A_1320 = arith.cmpi eq, %select_n3A_1088, %max3A_1119 : vector<16xi32>
      %jit3A_1321 = arith.constant 1.000000e+00 : f32
      %jit3A_1322 = arith.constant 0.000000e+00 : f32
      %broadcast_in_dim3A_1323 = vector.broadcast %jit3A_1321 : f32 to vector<16xf32>
      %broadcast_in_dim3A_1324 = vector.broadcast %jit3A_1322 : f32 to vector<16xf32>
      %select_n3A_1325 = arith.select %eq3A_1320, %broadcast_in_dim3A_1323, %broadcast_in_dim3A_1324 : vector<16xi1>, vector<16xf32>
      %max3A_1326 = arith.maximumf %max3A_1085, %select_n3A_1325 : vector<16xf32>
      %jit3A_1327 = arith.constant -2147483648 : i32
      %broadcast_in_dim3A_1328 = vector.broadcast %jit3A_1327 : i32 to vector<16xi32>
      %select_n3A_1329 = arith.select %eq3A_1320, %broadcast_in_dim3A_1328, %select_n3A_1088 : vector<16xi1>, vector<16xi32>
      %eq3A_1330 = arith.cmpi eq, %select_n3A_1098, %max3A_1119 : vector<16xi32>
      %jit3A_1331 = arith.constant 1.000000e+00 : f32
      %jit3A_1332 = arith.constant 0.000000e+00 : f32
      %broadcast_in_dim3A_1333 = vector.broadcast %jit3A_1331 : f32 to vector<16xf32>
      %broadcast_in_dim3A_1334 = vector.broadcast %jit3A_1332 : f32 to vector<16xf32>
      %select_n3A_1335 = arith.select %eq3A_1330, %broadcast_in_dim3A_1333, %broadcast_in_dim3A_1334 : vector<16xi1>, vector<16xf32>
      %max3A_1336 = arith.maximumf %max3A_1095, %select_n3A_1335 : vector<16xf32>
      %jit3A_1337 = arith.constant -2147483648 : i32
      %broadcast_in_dim3A_1338 = vector.broadcast %jit3A_1337 : i32 to vector<16xi32>
      %select_n3A_1339 = arith.select %eq3A_1330, %broadcast_in_dim3A_1338, %select_n3A_1098 : vector<16xi1>, vector<16xi32>
      %max3A_1340 = arith.maxsi %select_n3A_1129, %select_n3A_1139 : vector<16xi32>
      %max3A_1341 = arith.maxsi %select_n3A_1149, %select_n3A_1159 : vector<16xi32>
      %max3A_1342 = arith.maxsi %select_n3A_1169, %select_n3A_1179 : vector<16xi32>
      %max3A_1343 = arith.maxsi %select_n3A_1189, %select_n3A_1199 : vector<16xi32>
      %max3A_1344 = arith.maxsi %select_n3A_1209, %select_n3A_1219 : vector<16xi32>
      %max3A_1345 = arith.maxsi %select_n3A_1229, %select_n3A_1239 : vector<16xi32>
      %max3A_1346 = arith.maxsi %select_n3A_1249, %select_n3A_1259 : vector<16xi32>
      %max3A_1347 = arith.maxsi %select_n3A_1269, %select_n3A_1279 : vector<16xi32>
      %max3A_1348 = arith.maxsi %select_n3A_1289, %select_n3A_1299 : vector<16xi32>
      %max3A_1349 = arith.maxsi %select_n3A_1309, %select_n3A_1319 : vector<16xi32>
      %max3A_1350 = arith.maxsi %select_n3A_1329, %select_n3A_1339 : vector<16xi32>
      %max3A_1351 = arith.maxsi %max3A_1340, %max3A_1341 : vector<16xi32>
      %max3A_1352 = arith.maxsi %max3A_1342, %max3A_1343 : vector<16xi32>
      %max3A_1353 = arith.maxsi %max3A_1344, %max3A_1345 : vector<16xi32>
      %max3A_1354 = arith.maxsi %max3A_1346, %max3A_1347 : vector<16xi32>
      %max3A_1355 = arith.maxsi %max3A_1348, %max3A_1349 : vector<16xi32>
      %max3A_1356 = arith.maxsi %max3A_1351, %max3A_1352 : vector<16xi32>
      %max3A_1357 = arith.maxsi %max3A_1353, %max3A_1354 : vector<16xi32>
      %max3A_1358 = arith.maxsi %max3A_1355, %max3A_1350 : vector<16xi32>
      %max3A_1359 = arith.maxsi %max3A_1356, %max3A_1357 : vector<16xi32>
      %max3A_1360 = arith.maxsi %max3A_1359, %max3A_1358 : vector<16xi32>
      %eq3A_1361 = arith.cmpi eq, %select_n3A_1129, %max3A_1360 : vector<16xi32>
      %jit3A_1362 = arith.constant 1.000000e+00 : f32
      %jit3A_1363 = arith.constant 0.000000e+00 : f32
      %broadcast_in_dim3A_1364 = vector.broadcast %jit3A_1362 : f32 to vector<16xf32>
      %broadcast_in_dim3A_1365 = vector.broadcast %jit3A_1363 : f32 to vector<16xf32>
      %select_n3A_1366 = arith.select %eq3A_1361, %broadcast_in_dim3A_1364, %broadcast_in_dim3A_1365 : vector<16xi1>, vector<16xf32>
      %max3A_1367 = arith.maximumf %max3A_1126, %select_n3A_1366 : vector<16xf32>
      %jit3A_1368 = arith.constant -2147483648 : i32
      %broadcast_in_dim3A_1369 = vector.broadcast %jit3A_1368 : i32 to vector<16xi32>
      %select_n3A_1370 = arith.select %eq3A_1361, %broadcast_in_dim3A_1369, %select_n3A_1129 : vector<16xi1>, vector<16xi32>
      %eq3A_1371 = arith.cmpi eq, %select_n3A_1139, %max3A_1360 : vector<16xi32>
      %jit3A_1372 = arith.constant 1.000000e+00 : f32
      %jit3A_1373 = arith.constant 0.000000e+00 : f32
      %broadcast_in_dim3A_1374 = vector.broadcast %jit3A_1372 : f32 to vector<16xf32>
      %broadcast_in_dim3A_1375 = vector.broadcast %jit3A_1373 : f32 to vector<16xf32>
      %select_n3A_1376 = arith.select %eq3A_1371, %broadcast_in_dim3A_1374, %broadcast_in_dim3A_1375 : vector<16xi1>, vector<16xf32>
      %max3A_1377 = arith.maximumf %max3A_1136, %select_n3A_1376 : vector<16xf32>
      %jit3A_1378 = arith.constant -2147483648 : i32
      %broadcast_in_dim3A_1379 = vector.broadcast %jit3A_1378 : i32 to vector<16xi32>
      %select_n3A_1380 = arith.select %eq3A_1371, %broadcast_in_dim3A_1379, %select_n3A_1139 : vector<16xi1>, vector<16xi32>
      %eq3A_1381 = arith.cmpi eq, %select_n3A_1149, %max3A_1360 : vector<16xi32>
      %jit3A_1382 = arith.constant 1.000000e+00 : f32
      %jit3A_1383 = arith.constant 0.000000e+00 : f32
      %broadcast_in_dim3A_1384 = vector.broadcast %jit3A_1382 : f32 to vector<16xf32>
      %broadcast_in_dim3A_1385 = vector.broadcast %jit3A_1383 : f32 to vector<16xf32>
      %select_n3A_1386 = arith.select %eq3A_1381, %broadcast_in_dim3A_1384, %broadcast_in_dim3A_1385 : vector<16xi1>, vector<16xf32>
      %max3A_1387 = arith.maximumf %max3A_1146, %select_n3A_1386 : vector<16xf32>
      %jit3A_1388 = arith.constant -2147483648 : i32
      %broadcast_in_dim3A_1389 = vector.broadcast %jit3A_1388 : i32 to vector<16xi32>
      %select_n3A_1390 = arith.select %eq3A_1381, %broadcast_in_dim3A_1389, %select_n3A_1149 : vector<16xi1>, vector<16xi32>
      %eq3A_1391 = arith.cmpi eq, %select_n3A_1159, %max3A_1360 : vector<16xi32>
      %jit3A_1392 = arith.constant 1.000000e+00 : f32
      %jit3A_1393 = arith.constant 0.000000e+00 : f32
      %broadcast_in_dim3A_1394 = vector.broadcast %jit3A_1392 : f32 to vector<16xf32>
      %broadcast_in_dim3A_1395 = vector.broadcast %jit3A_1393 : f32 to vector<16xf32>
      %select_n3A_1396 = arith.select %eq3A_1391, %broadcast_in_dim3A_1394, %broadcast_in_dim3A_1395 : vector<16xi1>, vector<16xf32>
      %max3A_1397 = arith.maximumf %max3A_1156, %select_n3A_1396 : vector<16xf32>
      %jit3A_1398 = arith.constant -2147483648 : i32
      %broadcast_in_dim3A_1399 = vector.broadcast %jit3A_1398 : i32 to vector<16xi32>
      %select_n3A_1400 = arith.select %eq3A_1391, %broadcast_in_dim3A_1399, %select_n3A_1159 : vector<16xi1>, vector<16xi32>
      %eq3A_1401 = arith.cmpi eq, %select_n3A_1169, %max3A_1360 : vector<16xi32>
      %jit3A_1402 = arith.constant 1.000000e+00 : f32
      %jit3A_1403 = arith.constant 0.000000e+00 : f32
      %broadcast_in_dim3A_1404 = vector.broadcast %jit3A_1402 : f32 to vector<16xf32>
      %broadcast_in_dim3A_1405 = vector.broadcast %jit3A_1403 : f32 to vector<16xf32>
      %select_n3A_1406 = arith.select %eq3A_1401, %broadcast_in_dim3A_1404, %broadcast_in_dim3A_1405 : vector<16xi1>, vector<16xf32>
      %max3A_1407 = arith.maximumf %max3A_1166, %select_n3A_1406 : vector<16xf32>
      %jit3A_1408 = arith.constant -2147483648 : i32
      %broadcast_in_dim3A_1409 = vector.broadcast %jit3A_1408 : i32 to vector<16xi32>
      %select_n3A_1410 = arith.select %eq3A_1401, %broadcast_in_dim3A_1409, %select_n3A_1169 : vector<16xi1>, vector<16xi32>
      %eq3A_1411 = arith.cmpi eq, %select_n3A_1179, %max3A_1360 : vector<16xi32>
      %jit3A_1412 = arith.constant 1.000000e+00 : f32
      %jit3A_1413 = arith.constant 0.000000e+00 : f32
      %broadcast_in_dim3A_1414 = vector.broadcast %jit3A_1412 : f32 to vector<16xf32>
      %broadcast_in_dim3A_1415 = vector.broadcast %jit3A_1413 : f32 to vector<16xf32>
      %select_n3A_1416 = arith.select %eq3A_1411, %broadcast_in_dim3A_1414, %broadcast_in_dim3A_1415 : vector<16xi1>, vector<16xf32>
      %max3A_1417 = arith.maximumf %max3A_1176, %select_n3A_1416 : vector<16xf32>
      %jit3A_1418 = arith.constant -2147483648 : i32
      %broadcast_in_dim3A_1419 = vector.broadcast %jit3A_1418 : i32 to vector<16xi32>
      %select_n3A_1420 = arith.select %eq3A_1411, %broadcast_in_dim3A_1419, %select_n3A_1179 : vector<16xi1>, vector<16xi32>
      %eq3A_1421 = arith.cmpi eq, %select_n3A_1189, %max3A_1360 : vector<16xi32>
      %jit3A_1422 = arith.constant 1.000000e+00 : f32
      %jit3A_1423 = arith.constant 0.000000e+00 : f32
      %broadcast_in_dim3A_1424 = vector.broadcast %jit3A_1422 : f32 to vector<16xf32>
      %broadcast_in_dim3A_1425 = vector.broadcast %jit3A_1423 : f32 to vector<16xf32>
      %select_n3A_1426 = arith.select %eq3A_1421, %broadcast_in_dim3A_1424, %broadcast_in_dim3A_1425 : vector<16xi1>, vector<16xf32>
      %max3A_1427 = arith.maximumf %max3A_1186, %select_n3A_1426 : vector<16xf32>
      %jit3A_1428 = arith.constant -2147483648 : i32
      %broadcast_in_dim3A_1429 = vector.broadcast %jit3A_1428 : i32 to vector<16xi32>
      %select_n3A_1430 = arith.select %eq3A_1421, %broadcast_in_dim3A_1429, %select_n3A_1189 : vector<16xi1>, vector<16xi32>
      %eq3A_1431 = arith.cmpi eq, %select_n3A_1199, %max3A_1360 : vector<16xi32>
      %jit3A_1432 = arith.constant 1.000000e+00 : f32
      %jit3A_1433 = arith.constant 0.000000e+00 : f32
      %broadcast_in_dim3A_1434 = vector.broadcast %jit3A_1432 : f32 to vector<16xf32>
      %broadcast_in_dim3A_1435 = vector.broadcast %jit3A_1433 : f32 to vector<16xf32>
      %select_n3A_1436 = arith.select %eq3A_1431, %broadcast_in_dim3A_1434, %broadcast_in_dim3A_1435 : vector<16xi1>, vector<16xf32>
      %max3A_1437 = arith.maximumf %max3A_1196, %select_n3A_1436 : vector<16xf32>
      %jit3A_1438 = arith.constant -2147483648 : i32
      %broadcast_in_dim3A_1439 = vector.broadcast %jit3A_1438 : i32 to vector<16xi32>
      %select_n3A_1440 = arith.select %eq3A_1431, %broadcast_in_dim3A_1439, %select_n3A_1199 : vector<16xi1>, vector<16xi32>
      %eq3A_1441 = arith.cmpi eq, %select_n3A_1209, %max3A_1360 : vector<16xi32>
      %jit3A_1442 = arith.constant 1.000000e+00 : f32
      %jit3A_1443 = arith.constant 0.000000e+00 : f32
      %broadcast_in_dim3A_1444 = vector.broadcast %jit3A_1442 : f32 to vector<16xf32>
      %broadcast_in_dim3A_1445 = vector.broadcast %jit3A_1443 : f32 to vector<16xf32>
      %select_n3A_1446 = arith.select %eq3A_1441, %broadcast_in_dim3A_1444, %broadcast_in_dim3A_1445 : vector<16xi1>, vector<16xf32>
      %max3A_1447 = arith.maximumf %max3A_1206, %select_n3A_1446 : vector<16xf32>
      %jit3A_1448 = arith.constant -2147483648 : i32
      %broadcast_in_dim3A_1449 = vector.broadcast %jit3A_1448 : i32 to vector<16xi32>
      %select_n3A_1450 = arith.select %eq3A_1441, %broadcast_in_dim3A_1449, %select_n3A_1209 : vector<16xi1>, vector<16xi32>
      %eq3A_1451 = arith.cmpi eq, %select_n3A_1219, %max3A_1360 : vector<16xi32>
      %jit3A_1452 = arith.constant 1.000000e+00 : f32
      %jit3A_1453 = arith.constant 0.000000e+00 : f32
      %broadcast_in_dim3A_1454 = vector.broadcast %jit3A_1452 : f32 to vector<16xf32>
      %broadcast_in_dim3A_1455 = vector.broadcast %jit3A_1453 : f32 to vector<16xf32>
      %select_n3A_1456 = arith.select %eq3A_1451, %broadcast_in_dim3A_1454, %broadcast_in_dim3A_1455 : vector<16xi1>, vector<16xf32>
      %max3A_1457 = arith.maximumf %max3A_1216, %select_n3A_1456 : vector<16xf32>
      %jit3A_1458 = arith.constant -2147483648 : i32
      %broadcast_in_dim3A_1459 = vector.broadcast %jit3A_1458 : i32 to vector<16xi32>
      %select_n3A_1460 = arith.select %eq3A_1451, %broadcast_in_dim3A_1459, %select_n3A_1219 : vector<16xi1>, vector<16xi32>
      %eq3A_1461 = arith.cmpi eq, %select_n3A_1229, %max3A_1360 : vector<16xi32>
      %jit3A_1462 = arith.constant 1.000000e+00 : f32
      %jit3A_1463 = arith.constant 0.000000e+00 : f32
      %broadcast_in_dim3A_1464 = vector.broadcast %jit3A_1462 : f32 to vector<16xf32>
      %broadcast_in_dim3A_1465 = vector.broadcast %jit3A_1463 : f32 to vector<16xf32>
      %select_n3A_1466 = arith.select %eq3A_1461, %broadcast_in_dim3A_1464, %broadcast_in_dim3A_1465 : vector<16xi1>, vector<16xf32>
      %max3A_1467 = arith.maximumf %max3A_1226, %select_n3A_1466 : vector<16xf32>
      %jit3A_1468 = arith.constant -2147483648 : i32
      %broadcast_in_dim3A_1469 = vector.broadcast %jit3A_1468 : i32 to vector<16xi32>
      %select_n3A_1470 = arith.select %eq3A_1461, %broadcast_in_dim3A_1469, %select_n3A_1229 : vector<16xi1>, vector<16xi32>
      %eq3A_1471 = arith.cmpi eq, %select_n3A_1239, %max3A_1360 : vector<16xi32>
      %jit3A_1472 = arith.constant 1.000000e+00 : f32
      %jit3A_1473 = arith.constant 0.000000e+00 : f32
      %broadcast_in_dim3A_1474 = vector.broadcast %jit3A_1472 : f32 to vector<16xf32>
      %broadcast_in_dim3A_1475 = vector.broadcast %jit3A_1473 : f32 to vector<16xf32>
      %select_n3A_1476 = arith.select %eq3A_1471, %broadcast_in_dim3A_1474, %broadcast_in_dim3A_1475 : vector<16xi1>, vector<16xf32>
      %max3A_1477 = arith.maximumf %max3A_1236, %select_n3A_1476 : vector<16xf32>
      %jit3A_1478 = arith.constant -2147483648 : i32
      %broadcast_in_dim3A_1479 = vector.broadcast %jit3A_1478 : i32 to vector<16xi32>
      %select_n3A_1480 = arith.select %eq3A_1471, %broadcast_in_dim3A_1479, %select_n3A_1239 : vector<16xi1>, vector<16xi32>
      %eq3A_1481 = arith.cmpi eq, %select_n3A_1249, %max3A_1360 : vector<16xi32>
      %jit3A_1482 = arith.constant 1.000000e+00 : f32
      %jit3A_1483 = arith.constant 0.000000e+00 : f32
      %broadcast_in_dim3A_1484 = vector.broadcast %jit3A_1482 : f32 to vector<16xf32>
      %broadcast_in_dim3A_1485 = vector.broadcast %jit3A_1483 : f32 to vector<16xf32>
      %select_n3A_1486 = arith.select %eq3A_1481, %broadcast_in_dim3A_1484, %broadcast_in_dim3A_1485 : vector<16xi1>, vector<16xf32>
      %max3A_1487 = arith.maximumf %max3A_1246, %select_n3A_1486 : vector<16xf32>
      %jit3A_1488 = arith.constant -2147483648 : i32
      %broadcast_in_dim3A_1489 = vector.broadcast %jit3A_1488 : i32 to vector<16xi32>
      %select_n3A_1490 = arith.select %eq3A_1481, %broadcast_in_dim3A_1489, %select_n3A_1249 : vector<16xi1>, vector<16xi32>
      %eq3A_1491 = arith.cmpi eq, %select_n3A_1259, %max3A_1360 : vector<16xi32>
      %jit3A_1492 = arith.constant 1.000000e+00 : f32
      %jit3A_1493 = arith.constant 0.000000e+00 : f32
      %broadcast_in_dim3A_1494 = vector.broadcast %jit3A_1492 : f32 to vector<16xf32>
      %broadcast_in_dim3A_1495 = vector.broadcast %jit3A_1493 : f32 to vector<16xf32>
      %select_n3A_1496 = arith.select %eq3A_1491, %broadcast_in_dim3A_1494, %broadcast_in_dim3A_1495 : vector<16xi1>, vector<16xf32>
      %max3A_1497 = arith.maximumf %max3A_1256, %select_n3A_1496 : vector<16xf32>
      %jit3A_1498 = arith.constant -2147483648 : i32
      %broadcast_in_dim3A_1499 = vector.broadcast %jit3A_1498 : i32 to vector<16xi32>
      %select_n3A_1500 = arith.select %eq3A_1491, %broadcast_in_dim3A_1499, %select_n3A_1259 : vector<16xi1>, vector<16xi32>
      %eq3A_1501 = arith.cmpi eq, %select_n3A_1269, %max3A_1360 : vector<16xi32>
      %jit3A_1502 = arith.constant 1.000000e+00 : f32
      %jit3A_1503 = arith.constant 0.000000e+00 : f32
      %broadcast_in_dim3A_1504 = vector.broadcast %jit3A_1502 : f32 to vector<16xf32>
      %broadcast_in_dim3A_1505 = vector.broadcast %jit3A_1503 : f32 to vector<16xf32>
      %select_n3A_1506 = arith.select %eq3A_1501, %broadcast_in_dim3A_1504, %broadcast_in_dim3A_1505 : vector<16xi1>, vector<16xf32>
      %max3A_1507 = arith.maximumf %max3A_1266, %select_n3A_1506 : vector<16xf32>
      %jit3A_1508 = arith.constant -2147483648 : i32
      %broadcast_in_dim3A_1509 = vector.broadcast %jit3A_1508 : i32 to vector<16xi32>
      %select_n3A_1510 = arith.select %eq3A_1501, %broadcast_in_dim3A_1509, %select_n3A_1269 : vector<16xi1>, vector<16xi32>
      %eq3A_1511 = arith.cmpi eq, %select_n3A_1279, %max3A_1360 : vector<16xi32>
      %jit3A_1512 = arith.constant 1.000000e+00 : f32
      %jit3A_1513 = arith.constant 0.000000e+00 : f32
      %broadcast_in_dim3A_1514 = vector.broadcast %jit3A_1512 : f32 to vector<16xf32>
      %broadcast_in_dim3A_1515 = vector.broadcast %jit3A_1513 : f32 to vector<16xf32>
      %select_n3A_1516 = arith.select %eq3A_1511, %broadcast_in_dim3A_1514, %broadcast_in_dim3A_1515 : vector<16xi1>, vector<16xf32>
      %max3A_1517 = arith.maximumf %max3A_1276, %select_n3A_1516 : vector<16xf32>
      %jit3A_1518 = arith.constant -2147483648 : i32
      %broadcast_in_dim3A_1519 = vector.broadcast %jit3A_1518 : i32 to vector<16xi32>
      %select_n3A_1520 = arith.select %eq3A_1511, %broadcast_in_dim3A_1519, %select_n3A_1279 : vector<16xi1>, vector<16xi32>
      %eq3A_1521 = arith.cmpi eq, %select_n3A_1289, %max3A_1360 : vector<16xi32>
      %jit3A_1522 = arith.constant 1.000000e+00 : f32
      %jit3A_1523 = arith.constant 0.000000e+00 : f32
      %broadcast_in_dim3A_1524 = vector.broadcast %jit3A_1522 : f32 to vector<16xf32>
      %broadcast_in_dim3A_1525 = vector.broadcast %jit3A_1523 : f32 to vector<16xf32>
      %select_n3A_1526 = arith.select %eq3A_1521, %broadcast_in_dim3A_1524, %broadcast_in_dim3A_1525 : vector<16xi1>, vector<16xf32>
      %max3A_1527 = arith.maximumf %max3A_1286, %select_n3A_1526 : vector<16xf32>
      %jit3A_1528 = arith.constant -2147483648 : i32
      %broadcast_in_dim3A_1529 = vector.broadcast %jit3A_1528 : i32 to vector<16xi32>
      %select_n3A_1530 = arith.select %eq3A_1521, %broadcast_in_dim3A_1529, %select_n3A_1289 : vector<16xi1>, vector<16xi32>
      %eq3A_1531 = arith.cmpi eq, %select_n3A_1299, %max3A_1360 : vector<16xi32>
      %jit3A_1532 = arith.constant 1.000000e+00 : f32
      %jit3A_1533 = arith.constant 0.000000e+00 : f32
      %broadcast_in_dim3A_1534 = vector.broadcast %jit3A_1532 : f32 to vector<16xf32>
      %broadcast_in_dim3A_1535 = vector.broadcast %jit3A_1533 : f32 to vector<16xf32>
      %select_n3A_1536 = arith.select %eq3A_1531, %broadcast_in_dim3A_1534, %broadcast_in_dim3A_1535 : vector<16xi1>, vector<16xf32>
      %max3A_1537 = arith.maximumf %max3A_1296, %select_n3A_1536 : vector<16xf32>
      %jit3A_1538 = arith.constant -2147483648 : i32
      %broadcast_in_dim3A_1539 = vector.broadcast %jit3A_1538 : i32 to vector<16xi32>
      %select_n3A_1540 = arith.select %eq3A_1531, %broadcast_in_dim3A_1539, %select_n3A_1299 : vector<16xi1>, vector<16xi32>
      %eq3A_1541 = arith.cmpi eq, %select_n3A_1309, %max3A_1360 : vector<16xi32>
      %jit3A_1542 = arith.constant 1.000000e+00 : f32
      %jit3A_1543 = arith.constant 0.000000e+00 : f32
      %broadcast_in_dim3A_1544 = vector.broadcast %jit3A_1542 : f32 to vector<16xf32>
      %broadcast_in_dim3A_1545 = vector.broadcast %jit3A_1543 : f32 to vector<16xf32>
      %select_n3A_1546 = arith.select %eq3A_1541, %broadcast_in_dim3A_1544, %broadcast_in_dim3A_1545 : vector<16xi1>, vector<16xf32>
      %max3A_1547 = arith.maximumf %max3A_1306, %select_n3A_1546 : vector<16xf32>
      %jit3A_1548 = arith.constant -2147483648 : i32
      %broadcast_in_dim3A_1549 = vector.broadcast %jit3A_1548 : i32 to vector<16xi32>
      %select_n3A_1550 = arith.select %eq3A_1541, %broadcast_in_dim3A_1549, %select_n3A_1309 : vector<16xi1>, vector<16xi32>
      %eq3A_1551 = arith.cmpi eq, %select_n3A_1319, %max3A_1360 : vector<16xi32>
      %jit3A_1552 = arith.constant 1.000000e+00 : f32
      %jit3A_1553 = arith.constant 0.000000e+00 : f32
      %broadcast_in_dim3A_1554 = vector.broadcast %jit3A_1552 : f32 to vector<16xf32>
      %broadcast_in_dim3A_1555 = vector.broadcast %jit3A_1553 : f32 to vector<16xf32>
      %select_n3A_1556 = arith.select %eq3A_1551, %broadcast_in_dim3A_1554, %broadcast_in_dim3A_1555 : vector<16xi1>, vector<16xf32>
      %max3A_1557 = arith.maximumf %max3A_1316, %select_n3A_1556 : vector<16xf32>
      %jit3A_1558 = arith.constant -2147483648 : i32
      %broadcast_in_dim3A_1559 = vector.broadcast %jit3A_1558 : i32 to vector<16xi32>
      %select_n3A_1560 = arith.select %eq3A_1551, %broadcast_in_dim3A_1559, %select_n3A_1319 : vector<16xi1>, vector<16xi32>
      %eq3A_1561 = arith.cmpi eq, %select_n3A_1329, %max3A_1360 : vector<16xi32>
      %jit3A_1562 = arith.constant 1.000000e+00 : f32
      %jit3A_1563 = arith.constant 0.000000e+00 : f32
      %broadcast_in_dim3A_1564 = vector.broadcast %jit3A_1562 : f32 to vector<16xf32>
      %broadcast_in_dim3A_1565 = vector.broadcast %jit3A_1563 : f32 to vector<16xf32>
      %select_n3A_1566 = arith.select %eq3A_1561, %broadcast_in_dim3A_1564, %broadcast_in_dim3A_1565 : vector<16xi1>, vector<16xf32>
      %max3A_1567 = arith.maximumf %max3A_1326, %select_n3A_1566 : vector<16xf32>
      %jit3A_1568 = arith.constant -2147483648 : i32
      %broadcast_in_dim3A_1569 = vector.broadcast %jit3A_1568 : i32 to vector<16xi32>
      %select_n3A_1570 = arith.select %eq3A_1561, %broadcast_in_dim3A_1569, %select_n3A_1329 : vector<16xi1>, vector<16xi32>
      %eq3A_1571 = arith.cmpi eq, %select_n3A_1339, %max3A_1360 : vector<16xi32>
      %jit3A_1572 = arith.constant 1.000000e+00 : f32
      %jit3A_1573 = arith.constant 0.000000e+00 : f32
      %broadcast_in_dim3A_1574 = vector.broadcast %jit3A_1572 : f32 to vector<16xf32>
      %broadcast_in_dim3A_1575 = vector.broadcast %jit3A_1573 : f32 to vector<16xf32>
      %select_n3A_1576 = arith.select %eq3A_1571, %broadcast_in_dim3A_1574, %broadcast_in_dim3A_1575 : vector<16xi1>, vector<16xf32>
      %max3A_1577 = arith.maximumf %max3A_1336, %select_n3A_1576 : vector<16xf32>
      %jit3A_1578 = arith.constant -2147483648 : i32
      %broadcast_in_dim3A_1579 = vector.broadcast %jit3A_1578 : i32 to vector<16xi32>
      %select_n3A_1580 = arith.select %eq3A_1571, %broadcast_in_dim3A_1579, %select_n3A_1339 : vector<16xi1>, vector<16xi32>
      %max3A_1581 = arith.maxsi %select_n3A_1370, %select_n3A_1380 : vector<16xi32>
      %max3A_1582 = arith.maxsi %select_n3A_1390, %select_n3A_1400 : vector<16xi32>
      %max3A_1583 = arith.maxsi %select_n3A_1410, %select_n3A_1420 : vector<16xi32>
      %max3A_1584 = arith.maxsi %select_n3A_1430, %select_n3A_1440 : vector<16xi32>
      %max3A_1585 = arith.maxsi %select_n3A_1450, %select_n3A_1460 : vector<16xi32>
      %max3A_1586 = arith.maxsi %select_n3A_1470, %select_n3A_1480 : vector<16xi32>
      %max3A_1587 = arith.maxsi %select_n3A_1490, %select_n3A_1500 : vector<16xi32>
      %max3A_1588 = arith.maxsi %select_n3A_1510, %select_n3A_1520 : vector<16xi32>
      %max3A_1589 = arith.maxsi %select_n3A_1530, %select_n3A_1540 : vector<16xi32>
      %max3A_1590 = arith.maxsi %select_n3A_1550, %select_n3A_1560 : vector<16xi32>
      %max3A_1591 = arith.maxsi %select_n3A_1570, %select_n3A_1580 : vector<16xi32>
      %max3A_1592 = arith.maxsi %max3A_1581, %max3A_1582 : vector<16xi32>
      %max3A_1593 = arith.maxsi %max3A_1583, %max3A_1584 : vector<16xi32>
      %max3A_1594 = arith.maxsi %max3A_1585, %max3A_1586 : vector<16xi32>
      %max3A_1595 = arith.maxsi %max3A_1587, %max3A_1588 : vector<16xi32>
      %max3A_1596 = arith.maxsi %max3A_1589, %max3A_1590 : vector<16xi32>
      %max3A_1597 = arith.maxsi %max3A_1592, %max3A_1593 : vector<16xi32>
      %max3A_1598 = arith.maxsi %max3A_1594, %max3A_1595 : vector<16xi32>
      %max3A_1599 = arith.maxsi %max3A_1596, %max3A_1591 : vector<16xi32>
      %max3A_1600 = arith.maxsi %max3A_1597, %max3A_1598 : vector<16xi32>
      %max3A_1601 = arith.maxsi %max3A_1600, %max3A_1599 : vector<16xi32>
      %eq3A_1602 = arith.cmpi eq, %select_n3A_1370, %max3A_1601 : vector<16xi32>
      %jit3A_1603 = arith.constant 1.000000e+00 : f32
      %jit3A_1604 = arith.constant 0.000000e+00 : f32
      %broadcast_in_dim3A_1605 = vector.broadcast %jit3A_1603 : f32 to vector<16xf32>
      %broadcast_in_dim3A_1606 = vector.broadcast %jit3A_1604 : f32 to vector<16xf32>
      %select_n3A_1607 = arith.select %eq3A_1602, %broadcast_in_dim3A_1605, %broadcast_in_dim3A_1606 : vector<16xi1>, vector<16xf32>
      %max3A_1608 = arith.maximumf %max3A_1367, %select_n3A_1607 : vector<16xf32>
      %jit3A_1609 = arith.constant -2147483648 : i32
      %broadcast_in_dim3A_1610 = vector.broadcast %jit3A_1609 : i32 to vector<16xi32>
      %select_n3A_1611 = arith.select %eq3A_1602, %broadcast_in_dim3A_1610, %select_n3A_1370 : vector<16xi1>, vector<16xi32>
      %eq3A_1612 = arith.cmpi eq, %select_n3A_1380, %max3A_1601 : vector<16xi32>
      %jit3A_1613 = arith.constant 1.000000e+00 : f32
      %jit3A_1614 = arith.constant 0.000000e+00 : f32
      %broadcast_in_dim3A_1615 = vector.broadcast %jit3A_1613 : f32 to vector<16xf32>
      %broadcast_in_dim3A_1616 = vector.broadcast %jit3A_1614 : f32 to vector<16xf32>
      %select_n3A_1617 = arith.select %eq3A_1612, %broadcast_in_dim3A_1615, %broadcast_in_dim3A_1616 : vector<16xi1>, vector<16xf32>
      %max3A_1618 = arith.maximumf %max3A_1377, %select_n3A_1617 : vector<16xf32>
      %jit3A_1619 = arith.constant -2147483648 : i32
      %broadcast_in_dim3A_1620 = vector.broadcast %jit3A_1619 : i32 to vector<16xi32>
      %select_n3A_1621 = arith.select %eq3A_1612, %broadcast_in_dim3A_1620, %select_n3A_1380 : vector<16xi1>, vector<16xi32>
      %eq3A_1622 = arith.cmpi eq, %select_n3A_1390, %max3A_1601 : vector<16xi32>
      %jit3A_1623 = arith.constant 1.000000e+00 : f32
      %jit3A_1624 = arith.constant 0.000000e+00 : f32
      %broadcast_in_dim3A_1625 = vector.broadcast %jit3A_1623 : f32 to vector<16xf32>
      %broadcast_in_dim3A_1626 = vector.broadcast %jit3A_1624 : f32 to vector<16xf32>
      %select_n3A_1627 = arith.select %eq3A_1622, %broadcast_in_dim3A_1625, %broadcast_in_dim3A_1626 : vector<16xi1>, vector<16xf32>
      %max3A_1628 = arith.maximumf %max3A_1387, %select_n3A_1627 : vector<16xf32>
      %jit3A_1629 = arith.constant -2147483648 : i32
      %broadcast_in_dim3A_1630 = vector.broadcast %jit3A_1629 : i32 to vector<16xi32>
      %select_n3A_1631 = arith.select %eq3A_1622, %broadcast_in_dim3A_1630, %select_n3A_1390 : vector<16xi1>, vector<16xi32>
      %eq3A_1632 = arith.cmpi eq, %select_n3A_1400, %max3A_1601 : vector<16xi32>
      %jit3A_1633 = arith.constant 1.000000e+00 : f32
      %jit3A_1634 = arith.constant 0.000000e+00 : f32
      %broadcast_in_dim3A_1635 = vector.broadcast %jit3A_1633 : f32 to vector<16xf32>
      %broadcast_in_dim3A_1636 = vector.broadcast %jit3A_1634 : f32 to vector<16xf32>
      %select_n3A_1637 = arith.select %eq3A_1632, %broadcast_in_dim3A_1635, %broadcast_in_dim3A_1636 : vector<16xi1>, vector<16xf32>
      %max3A_1638 = arith.maximumf %max3A_1397, %select_n3A_1637 : vector<16xf32>
      %jit3A_1639 = arith.constant -2147483648 : i32
      %broadcast_in_dim3A_1640 = vector.broadcast %jit3A_1639 : i32 to vector<16xi32>
      %select_n3A_1641 = arith.select %eq3A_1632, %broadcast_in_dim3A_1640, %select_n3A_1400 : vector<16xi1>, vector<16xi32>
      %eq3A_1642 = arith.cmpi eq, %select_n3A_1410, %max3A_1601 : vector<16xi32>
      %jit3A_1643 = arith.constant 1.000000e+00 : f32
      %jit3A_1644 = arith.constant 0.000000e+00 : f32
      %broadcast_in_dim3A_1645 = vector.broadcast %jit3A_1643 : f32 to vector<16xf32>
      %broadcast_in_dim3A_1646 = vector.broadcast %jit3A_1644 : f32 to vector<16xf32>
      %select_n3A_1647 = arith.select %eq3A_1642, %broadcast_in_dim3A_1645, %broadcast_in_dim3A_1646 : vector<16xi1>, vector<16xf32>
      %max3A_1648 = arith.maximumf %max3A_1407, %select_n3A_1647 : vector<16xf32>
      %jit3A_1649 = arith.constant -2147483648 : i32
      %broadcast_in_dim3A_1650 = vector.broadcast %jit3A_1649 : i32 to vector<16xi32>
      %select_n3A_1651 = arith.select %eq3A_1642, %broadcast_in_dim3A_1650, %select_n3A_1410 : vector<16xi1>, vector<16xi32>
      %eq3A_1652 = arith.cmpi eq, %select_n3A_1420, %max3A_1601 : vector<16xi32>
      %jit3A_1653 = arith.constant 1.000000e+00 : f32
      %jit3A_1654 = arith.constant 0.000000e+00 : f32
      %broadcast_in_dim3A_1655 = vector.broadcast %jit3A_1653 : f32 to vector<16xf32>
      %broadcast_in_dim3A_1656 = vector.broadcast %jit3A_1654 : f32 to vector<16xf32>
      %select_n3A_1657 = arith.select %eq3A_1652, %broadcast_in_dim3A_1655, %broadcast_in_dim3A_1656 : vector<16xi1>, vector<16xf32>
      %max3A_1658 = arith.maximumf %max3A_1417, %select_n3A_1657 : vector<16xf32>
      %jit3A_1659 = arith.constant -2147483648 : i32
      %broadcast_in_dim3A_1660 = vector.broadcast %jit3A_1659 : i32 to vector<16xi32>
      %select_n3A_1661 = arith.select %eq3A_1652, %broadcast_in_dim3A_1660, %select_n3A_1420 : vector<16xi1>, vector<16xi32>
      %eq3A_1662 = arith.cmpi eq, %select_n3A_1430, %max3A_1601 : vector<16xi32>
      %jit3A_1663 = arith.constant 1.000000e+00 : f32
      %jit3A_1664 = arith.constant 0.000000e+00 : f32
      %broadcast_in_dim3A_1665 = vector.broadcast %jit3A_1663 : f32 to vector<16xf32>
      %broadcast_in_dim3A_1666 = vector.broadcast %jit3A_1664 : f32 to vector<16xf32>
      %select_n3A_1667 = arith.select %eq3A_1662, %broadcast_in_dim3A_1665, %broadcast_in_dim3A_1666 : vector<16xi1>, vector<16xf32>
      %max3A_1668 = arith.maximumf %max3A_1427, %select_n3A_1667 : vector<16xf32>
      %jit3A_1669 = arith.constant -2147483648 : i32
      %broadcast_in_dim3A_1670 = vector.broadcast %jit3A_1669 : i32 to vector<16xi32>
      %select_n3A_1671 = arith.select %eq3A_1662, %broadcast_in_dim3A_1670, %select_n3A_1430 : vector<16xi1>, vector<16xi32>
      %eq3A_1672 = arith.cmpi eq, %select_n3A_1440, %max3A_1601 : vector<16xi32>
      %jit3A_1673 = arith.constant 1.000000e+00 : f32
      %jit3A_1674 = arith.constant 0.000000e+00 : f32
      %broadcast_in_dim3A_1675 = vector.broadcast %jit3A_1673 : f32 to vector<16xf32>
      %broadcast_in_dim3A_1676 = vector.broadcast %jit3A_1674 : f32 to vector<16xf32>
      %select_n3A_1677 = arith.select %eq3A_1672, %broadcast_in_dim3A_1675, %broadcast_in_dim3A_1676 : vector<16xi1>, vector<16xf32>
      %max3A_1678 = arith.maximumf %max3A_1437, %select_n3A_1677 : vector<16xf32>
      %jit3A_1679 = arith.constant -2147483648 : i32
      %broadcast_in_dim3A_1680 = vector.broadcast %jit3A_1679 : i32 to vector<16xi32>
      %select_n3A_1681 = arith.select %eq3A_1672, %broadcast_in_dim3A_1680, %select_n3A_1440 : vector<16xi1>, vector<16xi32>
      %eq3A_1682 = arith.cmpi eq, %select_n3A_1450, %max3A_1601 : vector<16xi32>
      %jit3A_1683 = arith.constant 1.000000e+00 : f32
      %jit3A_1684 = arith.constant 0.000000e+00 : f32
      %broadcast_in_dim3A_1685 = vector.broadcast %jit3A_1683 : f32 to vector<16xf32>
      %broadcast_in_dim3A_1686 = vector.broadcast %jit3A_1684 : f32 to vector<16xf32>
      %select_n3A_1687 = arith.select %eq3A_1682, %broadcast_in_dim3A_1685, %broadcast_in_dim3A_1686 : vector<16xi1>, vector<16xf32>
      %max3A_1688 = arith.maximumf %max3A_1447, %select_n3A_1687 : vector<16xf32>
      %jit3A_1689 = arith.constant -2147483648 : i32
      %broadcast_in_dim3A_1690 = vector.broadcast %jit3A_1689 : i32 to vector<16xi32>
      %select_n3A_1691 = arith.select %eq3A_1682, %broadcast_in_dim3A_1690, %select_n3A_1450 : vector<16xi1>, vector<16xi32>
      %eq3A_1692 = arith.cmpi eq, %select_n3A_1460, %max3A_1601 : vector<16xi32>
      %jit3A_1693 = arith.constant 1.000000e+00 : f32
      %jit3A_1694 = arith.constant 0.000000e+00 : f32
      %broadcast_in_dim3A_1695 = vector.broadcast %jit3A_1693 : f32 to vector<16xf32>
      %broadcast_in_dim3A_1696 = vector.broadcast %jit3A_1694 : f32 to vector<16xf32>
      %select_n3A_1697 = arith.select %eq3A_1692, %broadcast_in_dim3A_1695, %broadcast_in_dim3A_1696 : vector<16xi1>, vector<16xf32>
      %max3A_1698 = arith.maximumf %max3A_1457, %select_n3A_1697 : vector<16xf32>
      %jit3A_1699 = arith.constant -2147483648 : i32
      %broadcast_in_dim3A_1700 = vector.broadcast %jit3A_1699 : i32 to vector<16xi32>
      %select_n3A_1701 = arith.select %eq3A_1692, %broadcast_in_dim3A_1700, %select_n3A_1460 : vector<16xi1>, vector<16xi32>
      %eq3A_1702 = arith.cmpi eq, %select_n3A_1470, %max3A_1601 : vector<16xi32>
      %jit3A_1703 = arith.constant 1.000000e+00 : f32
      %jit3A_1704 = arith.constant 0.000000e+00 : f32
      %broadcast_in_dim3A_1705 = vector.broadcast %jit3A_1703 : f32 to vector<16xf32>
      %broadcast_in_dim3A_1706 = vector.broadcast %jit3A_1704 : f32 to vector<16xf32>
      %select_n3A_1707 = arith.select %eq3A_1702, %broadcast_in_dim3A_1705, %broadcast_in_dim3A_1706 : vector<16xi1>, vector<16xf32>
      %max3A_1708 = arith.maximumf %max3A_1467, %select_n3A_1707 : vector<16xf32>
      %jit3A_1709 = arith.constant -2147483648 : i32
      %broadcast_in_dim3A_1710 = vector.broadcast %jit3A_1709 : i32 to vector<16xi32>
      %select_n3A_1711 = arith.select %eq3A_1702, %broadcast_in_dim3A_1710, %select_n3A_1470 : vector<16xi1>, vector<16xi32>
      %eq3A_1712 = arith.cmpi eq, %select_n3A_1480, %max3A_1601 : vector<16xi32>
      %jit3A_1713 = arith.constant 1.000000e+00 : f32
      %jit3A_1714 = arith.constant 0.000000e+00 : f32
      %broadcast_in_dim3A_1715 = vector.broadcast %jit3A_1713 : f32 to vector<16xf32>
      %broadcast_in_dim3A_1716 = vector.broadcast %jit3A_1714 : f32 to vector<16xf32>
      %select_n3A_1717 = arith.select %eq3A_1712, %broadcast_in_dim3A_1715, %broadcast_in_dim3A_1716 : vector<16xi1>, vector<16xf32>
      %max3A_1718 = arith.maximumf %max3A_1477, %select_n3A_1717 : vector<16xf32>
      %jit3A_1719 = arith.constant -2147483648 : i32
      %broadcast_in_dim3A_1720 = vector.broadcast %jit3A_1719 : i32 to vector<16xi32>
      %select_n3A_1721 = arith.select %eq3A_1712, %broadcast_in_dim3A_1720, %select_n3A_1480 : vector<16xi1>, vector<16xi32>
      %eq3A_1722 = arith.cmpi eq, %select_n3A_1490, %max3A_1601 : vector<16xi32>
      %jit3A_1723 = arith.constant 1.000000e+00 : f32
      %jit3A_1724 = arith.constant 0.000000e+00 : f32
      %broadcast_in_dim3A_1725 = vector.broadcast %jit3A_1723 : f32 to vector<16xf32>
      %broadcast_in_dim3A_1726 = vector.broadcast %jit3A_1724 : f32 to vector<16xf32>
      %select_n3A_1727 = arith.select %eq3A_1722, %broadcast_in_dim3A_1725, %broadcast_in_dim3A_1726 : vector<16xi1>, vector<16xf32>
      %max3A_1728 = arith.maximumf %max3A_1487, %select_n3A_1727 : vector<16xf32>
      %jit3A_1729 = arith.constant -2147483648 : i32
      %broadcast_in_dim3A_1730 = vector.broadcast %jit3A_1729 : i32 to vector<16xi32>
      %select_n3A_1731 = arith.select %eq3A_1722, %broadcast_in_dim3A_1730, %select_n3A_1490 : vector<16xi1>, vector<16xi32>
      %eq3A_1732 = arith.cmpi eq, %select_n3A_1500, %max3A_1601 : vector<16xi32>
      %jit3A_1733 = arith.constant 1.000000e+00 : f32
      %jit3A_1734 = arith.constant 0.000000e+00 : f32
      %broadcast_in_dim3A_1735 = vector.broadcast %jit3A_1733 : f32 to vector<16xf32>
      %broadcast_in_dim3A_1736 = vector.broadcast %jit3A_1734 : f32 to vector<16xf32>
      %select_n3A_1737 = arith.select %eq3A_1732, %broadcast_in_dim3A_1735, %broadcast_in_dim3A_1736 : vector<16xi1>, vector<16xf32>
      %max3A_1738 = arith.maximumf %max3A_1497, %select_n3A_1737 : vector<16xf32>
      %jit3A_1739 = arith.constant -2147483648 : i32
      %broadcast_in_dim3A_1740 = vector.broadcast %jit3A_1739 : i32 to vector<16xi32>
      %select_n3A_1741 = arith.select %eq3A_1732, %broadcast_in_dim3A_1740, %select_n3A_1500 : vector<16xi1>, vector<16xi32>
      %eq3A_1742 = arith.cmpi eq, %select_n3A_1510, %max3A_1601 : vector<16xi32>
      %jit3A_1743 = arith.constant 1.000000e+00 : f32
      %jit3A_1744 = arith.constant 0.000000e+00 : f32
      %broadcast_in_dim3A_1745 = vector.broadcast %jit3A_1743 : f32 to vector<16xf32>
      %broadcast_in_dim3A_1746 = vector.broadcast %jit3A_1744 : f32 to vector<16xf32>
      %select_n3A_1747 = arith.select %eq3A_1742, %broadcast_in_dim3A_1745, %broadcast_in_dim3A_1746 : vector<16xi1>, vector<16xf32>
      %max3A_1748 = arith.maximumf %max3A_1507, %select_n3A_1747 : vector<16xf32>
      %jit3A_1749 = arith.constant -2147483648 : i32
      %broadcast_in_dim3A_1750 = vector.broadcast %jit3A_1749 : i32 to vector<16xi32>
      %select_n3A_1751 = arith.select %eq3A_1742, %broadcast_in_dim3A_1750, %select_n3A_1510 : vector<16xi1>, vector<16xi32>
      %eq3A_1752 = arith.cmpi eq, %select_n3A_1520, %max3A_1601 : vector<16xi32>
      %jit3A_1753 = arith.constant 1.000000e+00 : f32
      %jit3A_1754 = arith.constant 0.000000e+00 : f32
      %broadcast_in_dim3A_1755 = vector.broadcast %jit3A_1753 : f32 to vector<16xf32>
      %broadcast_in_dim3A_1756 = vector.broadcast %jit3A_1754 : f32 to vector<16xf32>
      %select_n3A_1757 = arith.select %eq3A_1752, %broadcast_in_dim3A_1755, %broadcast_in_dim3A_1756 : vector<16xi1>, vector<16xf32>
      %max3A_1758 = arith.maximumf %max3A_1517, %select_n3A_1757 : vector<16xf32>
      %jit3A_1759 = arith.constant -2147483648 : i32
      %broadcast_in_dim3A_1760 = vector.broadcast %jit3A_1759 : i32 to vector<16xi32>
      %select_n3A_1761 = arith.select %eq3A_1752, %broadcast_in_dim3A_1760, %select_n3A_1520 : vector<16xi1>, vector<16xi32>
      %eq3A_1762 = arith.cmpi eq, %select_n3A_1530, %max3A_1601 : vector<16xi32>
      %jit3A_1763 = arith.constant 1.000000e+00 : f32
      %jit3A_1764 = arith.constant 0.000000e+00 : f32
      %broadcast_in_dim3A_1765 = vector.broadcast %jit3A_1763 : f32 to vector<16xf32>
      %broadcast_in_dim3A_1766 = vector.broadcast %jit3A_1764 : f32 to vector<16xf32>
      %select_n3A_1767 = arith.select %eq3A_1762, %broadcast_in_dim3A_1765, %broadcast_in_dim3A_1766 : vector<16xi1>, vector<16xf32>
      %max3A_1768 = arith.maximumf %max3A_1527, %select_n3A_1767 : vector<16xf32>
      %jit3A_1769 = arith.constant -2147483648 : i32
      %broadcast_in_dim3A_1770 = vector.broadcast %jit3A_1769 : i32 to vector<16xi32>
      %select_n3A_1771 = arith.select %eq3A_1762, %broadcast_in_dim3A_1770, %select_n3A_1530 : vector<16xi1>, vector<16xi32>
      %eq3A_1772 = arith.cmpi eq, %select_n3A_1540, %max3A_1601 : vector<16xi32>
      %jit3A_1773 = arith.constant 1.000000e+00 : f32
      %jit3A_1774 = arith.constant 0.000000e+00 : f32
      %broadcast_in_dim3A_1775 = vector.broadcast %jit3A_1773 : f32 to vector<16xf32>
      %broadcast_in_dim3A_1776 = vector.broadcast %jit3A_1774 : f32 to vector<16xf32>
      %select_n3A_1777 = arith.select %eq3A_1772, %broadcast_in_dim3A_1775, %broadcast_in_dim3A_1776 : vector<16xi1>, vector<16xf32>
      %max3A_1778 = arith.maximumf %max3A_1537, %select_n3A_1777 : vector<16xf32>
      %jit3A_1779 = arith.constant -2147483648 : i32
      %broadcast_in_dim3A_1780 = vector.broadcast %jit3A_1779 : i32 to vector<16xi32>
      %select_n3A_1781 = arith.select %eq3A_1772, %broadcast_in_dim3A_1780, %select_n3A_1540 : vector<16xi1>, vector<16xi32>
      %eq3A_1782 = arith.cmpi eq, %select_n3A_1550, %max3A_1601 : vector<16xi32>
      %jit3A_1783 = arith.constant 1.000000e+00 : f32
      %jit3A_1784 = arith.constant 0.000000e+00 : f32
      %broadcast_in_dim3A_1785 = vector.broadcast %jit3A_1783 : f32 to vector<16xf32>
      %broadcast_in_dim3A_1786 = vector.broadcast %jit3A_1784 : f32 to vector<16xf32>
      %select_n3A_1787 = arith.select %eq3A_1782, %broadcast_in_dim3A_1785, %broadcast_in_dim3A_1786 : vector<16xi1>, vector<16xf32>
      %max3A_1788 = arith.maximumf %max3A_1547, %select_n3A_1787 : vector<16xf32>
      %jit3A_1789 = arith.constant -2147483648 : i32
      %broadcast_in_dim3A_1790 = vector.broadcast %jit3A_1789 : i32 to vector<16xi32>
      %select_n3A_1791 = arith.select %eq3A_1782, %broadcast_in_dim3A_1790, %select_n3A_1550 : vector<16xi1>, vector<16xi32>
      %eq3A_1792 = arith.cmpi eq, %select_n3A_1560, %max3A_1601 : vector<16xi32>
      %jit3A_1793 = arith.constant 1.000000e+00 : f32
      %jit3A_1794 = arith.constant 0.000000e+00 : f32
      %broadcast_in_dim3A_1795 = vector.broadcast %jit3A_1793 : f32 to vector<16xf32>
      %broadcast_in_dim3A_1796 = vector.broadcast %jit3A_1794 : f32 to vector<16xf32>
      %select_n3A_1797 = arith.select %eq3A_1792, %broadcast_in_dim3A_1795, %broadcast_in_dim3A_1796 : vector<16xi1>, vector<16xf32>
      %max3A_1798 = arith.maximumf %max3A_1557, %select_n3A_1797 : vector<16xf32>
      %jit3A_1799 = arith.constant -2147483648 : i32
      %broadcast_in_dim3A_1800 = vector.broadcast %jit3A_1799 : i32 to vector<16xi32>
      %select_n3A_1801 = arith.select %eq3A_1792, %broadcast_in_dim3A_1800, %select_n3A_1560 : vector<16xi1>, vector<16xi32>
      %eq3A_1802 = arith.cmpi eq, %select_n3A_1570, %max3A_1601 : vector<16xi32>
      %jit3A_1803 = arith.constant 1.000000e+00 : f32
      %jit3A_1804 = arith.constant 0.000000e+00 : f32
      %broadcast_in_dim3A_1805 = vector.broadcast %jit3A_1803 : f32 to vector<16xf32>
      %broadcast_in_dim3A_1806 = vector.broadcast %jit3A_1804 : f32 to vector<16xf32>
      %select_n3A_1807 = arith.select %eq3A_1802, %broadcast_in_dim3A_1805, %broadcast_in_dim3A_1806 : vector<16xi1>, vector<16xf32>
      %max3A_1808 = arith.maximumf %max3A_1567, %select_n3A_1807 : vector<16xf32>
      %jit3A_1809 = arith.constant -2147483648 : i32
      %broadcast_in_dim3A_1810 = vector.broadcast %jit3A_1809 : i32 to vector<16xi32>
      %select_n3A_1811 = arith.select %eq3A_1802, %broadcast_in_dim3A_1810, %select_n3A_1570 : vector<16xi1>, vector<16xi32>
      %eq3A_1812 = arith.cmpi eq, %select_n3A_1580, %max3A_1601 : vector<16xi32>
      %jit3A_1813 = arith.constant 1.000000e+00 : f32
      %jit3A_1814 = arith.constant 0.000000e+00 : f32
      %broadcast_in_dim3A_1815 = vector.broadcast %jit3A_1813 : f32 to vector<16xf32>
      %broadcast_in_dim3A_1816 = vector.broadcast %jit3A_1814 : f32 to vector<16xf32>
      %select_n3A_1817 = arith.select %eq3A_1812, %broadcast_in_dim3A_1815, %broadcast_in_dim3A_1816 : vector<16xi1>, vector<16xf32>
      %max3A_1818 = arith.maximumf %max3A_1577, %select_n3A_1817 : vector<16xf32>
      %jit3A_1819 = arith.constant -2147483648 : i32
      %broadcast_in_dim3A_1820 = vector.broadcast %jit3A_1819 : i32 to vector<16xi32>
      %select_n3A_1821 = arith.select %eq3A_1812, %broadcast_in_dim3A_1820, %select_n3A_1580 : vector<16xi1>, vector<16xi32>
      %swap3A = arith.constant 0 : i32
      %swap3A_1822 = arith.index_cast %swap3A : i32 to index
      %swap3A_1823 = arith.index_cast %mul3A_10 : i32 to index
      %swap3A_1824 = tpu.vector_load %arg5[%swap3A_1822, %swap3A_1823] {strides = array<i32>} : memref<24x256xf32, #tpu.memory_space<vmem>>, vector<16xf32>,
      tpu.vector_store %arg5[%swap3A_1822, %swap3A_1823], %broadcast_in_dim3A_11 {strides = array<i32>} : memref<24x256xf32, #tpu.memory_space<vmem>>, vector<16xf32>,
      %swap3A_1825 = arith.constant 12 : i32
      %swap3A_1826 = arith.index_cast %swap3A_1825 : i32 to index
      %swap3A_1827 = arith.index_cast %mul3A_10 : i32 to index
      %swap3A_1828 = tpu.vector_load %arg5[%swap3A_1826, %swap3A_1827] {strides = array<i32>} : memref<24x256xf32, #tpu.memory_space<vmem>>, vector<16xf32>,
      tpu.vector_store %arg5[%swap3A_1826, %swap3A_1827], %broadcast_in_dim3A_11 {strides = array<i32>} : memref<24x256xf32, #tpu.memory_space<vmem>>, vector<16xf32>,
      %swap3A_1829 = arith.constant 1 : i32
      %swap3A_1830 = arith.index_cast %swap3A_1829 : i32 to index
      %swap3A_1831 = arith.index_cast %mul3A_10 : i32 to index
      %swap3A_1832 = tpu.vector_load %arg5[%swap3A_1830, %swap3A_1831] {strides = array<i32>} : memref<24x256xf32, #tpu.memory_space<vmem>>, vector<16xf32>,
      tpu.vector_store %arg5[%swap3A_1830, %swap3A_1831], %max3A_1608 {strides = array<i32>} : memref<24x256xf32, #tpu.memory_space<vmem>>, vector<16xf32>,
      %swap3A_1833 = arith.constant 2 : i32
      %swap3A_1834 = arith.index_cast %swap3A_1833 : i32 to index
      %swap3A_1835 = arith.index_cast %mul3A_10 : i32 to index
      %swap3A_1836 = tpu.vector_load %arg5[%swap3A_1834, %swap3A_1835] {strides = array<i32>} : memref<24x256xf32, #tpu.memory_space<vmem>>, vector<16xf32>,
      tpu.vector_store %arg5[%swap3A_1834, %swap3A_1835], %max3A_1618 {strides = array<i32>} : memref<24x256xf32, #tpu.memory_space<vmem>>, vector<16xf32>,
      %swap3A_1837 = arith.constant 3 : i32
      %swap3A_1838 = arith.index_cast %swap3A_1837 : i32 to index
      %swap3A_1839 = arith.index_cast %mul3A_10 : i32 to index
      %swap3A_1840 = tpu.vector_load %arg5[%swap3A_1838, %swap3A_1839] {strides = array<i32>} : memref<24x256xf32, #tpu.memory_space<vmem>>, vector<16xf32>,
      tpu.vector_store %arg5[%swap3A_1838, %swap3A_1839], %max3A_1628 {strides = array<i32>} : memref<24x256xf32, #tpu.memory_space<vmem>>, vector<16xf32>,
      %swap3A_1841 = arith.constant 4 : i32
      %swap3A_1842 = arith.index_cast %swap3A_1841 : i32 to index
      %swap3A_1843 = arith.index_cast %mul3A_10 : i32 to index
      %swap3A_1844 = tpu.vector_load %arg5[%swap3A_1842, %swap3A_1843] {strides = array<i32>} : memref<24x256xf32, #tpu.memory_space<vmem>>, vector<16xf32>,
      tpu.vector_store %arg5[%swap3A_1842, %swap3A_1843], %max3A_1638 {strides = array<i32>} : memref<24x256xf32, #tpu.memory_space<vmem>>, vector<16xf32>,
      %swap3A_1845 = arith.constant 5 : i32
      %swap3A_1846 = arith.index_cast %swap3A_1845 : i32 to index
      %swap3A_1847 = arith.index_cast %mul3A_10 : i32 to index
      %swap3A_1848 = tpu.vector_load %arg5[%swap3A_1846, %swap3A_1847] {strides = array<i32>} : memref<24x256xf32, #tpu.memory_space<vmem>>, vector<16xf32>,
      tpu.vector_store %arg5[%swap3A_1846, %swap3A_1847], %max3A_1648 {strides = array<i32>} : memref<24x256xf32, #tpu.memory_space<vmem>>, vector<16xf32>,
      %swap3A_1849 = arith.constant 6 : i32
      %swap3A_1850 = arith.index_cast %swap3A_1849 : i32 to index
      %swap3A_1851 = arith.index_cast %mul3A_10 : i32 to index
      %swap3A_1852 = tpu.vector_load %arg5[%swap3A_1850, %swap3A_1851] {strides = array<i32>} : memref<24x256xf32, #tpu.memory_space<vmem>>, vector<16xf32>,
      tpu.vector_store %arg5[%swap3A_1850, %swap3A_1851], %max3A_1658 {strides = array<i32>} : memref<24x256xf32, #tpu.memory_space<vmem>>, vector<16xf32>,
      %swap3A_1853 = arith.constant 7 : i32
      %swap3A_1854 = arith.index_cast %swap3A_1853 : i32 to index
      %swap3A_1855 = arith.index_cast %mul3A_10 : i32 to index
      %swap3A_1856 = tpu.vector_load %arg5[%swap3A_1854, %swap3A_1855] {strides = array<i32>} : memref<24x256xf32, #tpu.memory_space<vmem>>, vector<16xf32>,
      tpu.vector_store %arg5[%swap3A_1854, %swap3A_1855], %max3A_1668 {strides = array<i32>} : memref<24x256xf32, #tpu.memory_space<vmem>>, vector<16xf32>,
      %swap3A_1857 = arith.constant 8 : i32
      %swap3A_1858 = arith.index_cast %swap3A_1857 : i32 to index
      %swap3A_1859 = arith.index_cast %mul3A_10 : i32 to index
      %swap3A_1860 = tpu.vector_load %arg5[%swap3A_1858, %swap3A_1859] {strides = array<i32>} : memref<24x256xf32, #tpu.memory_space<vmem>>, vector<16xf32>,
      tpu.vector_store %arg5[%swap3A_1858, %swap3A_1859], %max3A_1678 {strides = array<i32>} : memref<24x256xf32, #tpu.memory_space<vmem>>, vector<16xf32>,
      %swap3A_1861 = arith.constant 9 : i32
      %swap3A_1862 = arith.index_cast %swap3A_1861 : i32 to index
      %swap3A_1863 = arith.index_cast %mul3A_10 : i32 to index
      %swap3A_1864 = tpu.vector_load %arg5[%swap3A_1862, %swap3A_1863] {strides = array<i32>} : memref<24x256xf32, #tpu.memory_space<vmem>>, vector<16xf32>,
      tpu.vector_store %arg5[%swap3A_1862, %swap3A_1863], %max3A_1688 {strides = array<i32>} : memref<24x256xf32, #tpu.memory_space<vmem>>, vector<16xf32>,
      %swap3A_1865 = arith.constant 10 : i32
      %swap3A_1866 = arith.index_cast %swap3A_1865 : i32 to index
      %swap3A_1867 = arith.index_cast %mul3A_10 : i32 to index
      %swap3A_1868 = tpu.vector_load %arg5[%swap3A_1866, %swap3A_1867] {strides = array<i32>} : memref<24x256xf32, #tpu.memory_space<vmem>>, vector<16xf32>,
      tpu.vector_store %arg5[%swap3A_1866, %swap3A_1867], %max3A_1698 {strides = array<i32>} : memref<24x256xf32, #tpu.memory_space<vmem>>, vector<16xf32>,
      %swap3A_1869 = arith.constant 11 : i32
      %swap3A_1870 = arith.index_cast %swap3A_1869 : i32 to index
      %swap3A_1871 = arith.index_cast %mul3A_10 : i32 to index
      %swap3A_1872 = tpu.vector_load %arg5[%swap3A_1870, %swap3A_1871] {strides = array<i32>} : memref<24x256xf32, #tpu.memory_space<vmem>>, vector<16xf32>,
      tpu.vector_store %arg5[%swap3A_1870, %swap3A_1871], %max3A_1708 {strides = array<i32>} : memref<24x256xf32, #tpu.memory_space<vmem>>, vector<16xf32>,
      %swap3A_1873 = arith.constant 13 : i32
      %swap3A_1874 = arith.index_cast %swap3A_1873 : i32 to index
      %swap3A_1875 = arith.index_cast %mul3A_10 : i32 to index
      %swap3A_1876 = tpu.vector_load %arg5[%swap3A_1874, %swap3A_1875] {strides = array<i32>} : memref<24x256xf32, #tpu.memory_space<vmem>>, vector<16xf32>,
      tpu.vector_store %arg5[%swap3A_1874, %swap3A_1875], %max3A_1718 {strides = array<i32>} : memref<24x256xf32, #tpu.memory_space<vmem>>, vector<16xf32>,
      %swap3A_1877 = arith.constant 14 : i32
      %swap3A_1878 = arith.index_cast %swap3A_1877 : i32 to index
      %swap3A_1879 = arith.index_cast %mul3A_10 : i32 to index
      %swap3A_1880 = tpu.vector_load %arg5[%swap3A_1878, %swap3A_1879] {strides = array<i32>} : memref<24x256xf32, #tpu.memory_space<vmem>>, vector<16xf32>,
      tpu.vector_store %arg5[%swap3A_1878, %swap3A_1879], %max3A_1728 {strides = array<i32>} : memref<24x256xf32, #tpu.memory_space<vmem>>, vector<16xf32>,
      %swap3A_1881 = arith.constant 15 : i32
      %swap3A_1882 = arith.index_cast %swap3A_1881 : i32 to index
      %swap3A_1883 = arith.index_cast %mul3A_10 : i32 to index
      %swap3A_1884 = tpu.vector_load %arg5[%swap3A_1882, %swap3A_1883] {strides = array<i32>} : memref<24x256xf32, #tpu.memory_space<vmem>>, vector<16xf32>,
      tpu.vector_store %arg5[%swap3A_1882, %swap3A_1883], %max3A_1738 {strides = array<i32>} : memref<24x256xf32, #tpu.memory_space<vmem>>, vector<16xf32>,
      %swap3A_1885 = arith.constant 16 : i32
      %swap3A_1886 = arith.index_cast %swap3A_1885 : i32 to index
      %swap3A_1887 = arith.index_cast %mul3A_10 : i32 to index
      %swap3A_1888 = tpu.vector_load %arg5[%swap3A_1886, %swap3A_1887] {strides = array<i32>} : memref<24x256xf32, #tpu.memory_space<vmem>>, vector<16xf32>,
      tpu.vector_store %arg5[%swap3A_1886, %swap3A_1887], %max3A_1748 {strides = array<i32>} : memref<24x256xf32, #tpu.memory_space<vmem>>, vector<16xf32>,
      %swap3A_1889 = arith.constant 17 : i32
      %swap3A_1890 = arith.index_cast %swap3A_1889 : i32 to index
      %swap3A_1891 = arith.index_cast %mul3A_10 : i32 to index
      %swap3A_1892 = tpu.vector_load %arg5[%swap3A_1890, %swap3A_1891] {strides = array<i32>} : memref<24x256xf32, #tpu.memory_space<vmem>>, vector<16xf32>,
      tpu.vector_store %arg5[%swap3A_1890, %swap3A_1891], %max3A_1758 {strides = array<i32>} : memref<24x256xf32, #tpu.memory_space<vmem>>, vector<16xf32>,
      %swap3A_1893 = arith.constant 18 : i32
      %swap3A_1894 = arith.index_cast %swap3A_1893 : i32 to index
      %swap3A_1895 = arith.index_cast %mul3A_10 : i32 to index
      %swap3A_1896 = tpu.vector_load %arg5[%swap3A_1894, %swap3A_1895] {strides = array<i32>} : memref<24x256xf32, #tpu.memory_space<vmem>>, vector<16xf32>,
      tpu.vector_store %arg5[%swap3A_1894, %swap3A_1895], %max3A_1768 {strides = array<i32>} : memref<24x256xf32, #tpu.memory_space<vmem>>, vector<16xf32>,
      %swap3A_1897 = arith.constant 19 : i32
      %swap3A_1898 = arith.index_cast %swap3A_1897 : i32 to index
      %swap3A_1899 = arith.index_cast %mul3A_10 : i32 to index
      %swap3A_1900 = tpu.vector_load %arg5[%swap3A_1898, %swap3A_1899] {strides = array<i32>} : memref<24x256xf32, #tpu.memory_space<vmem>>, vector<16xf32>,
      tpu.vector_store %arg5[%swap3A_1898, %swap3A_1899], %max3A_1778 {strides = array<i32>} : memref<24x256xf32, #tpu.memory_space<vmem>>, vector<16xf32>,
      %swap3A_1901 = arith.constant 20 : i32
      %swap3A_1902 = arith.index_cast %swap3A_1901 : i32 to index
      %swap3A_1903 = arith.index_cast %mul3A_10 : i32 to index
      %swap3A_1904 = tpu.vector_load %arg5[%swap3A_1902, %swap3A_1903] {strides = array<i32>} : memref<24x256xf32, #tpu.memory_space<vmem>>, vector<16xf32>,
      tpu.vector_store %arg5[%swap3A_1902, %swap3A_1903], %max3A_1788 {strides = array<i32>} : memref<24x256xf32, #tpu.memory_space<vmem>>, vector<16xf32>,
      %swap3A_1905 = arith.constant 21 : i32
      %swap3A_1906 = arith.index_cast %swap3A_1905 : i32 to index
      %swap3A_1907 = arith.index_cast %mul3A_10 : i32 to index
      %swap3A_1908 = tpu.vector_load %arg5[%swap3A_1906, %swap3A_1907] {strides = array<i32>} : memref<24x256xf32, #tpu.memory_space<vmem>>, vector<16xf32>,
      tpu.vector_store %arg5[%swap3A_1906, %swap3A_1907], %max3A_1798 {strides = array<i32>} : memref<24x256xf32, #tpu.memory_space<vmem>>, vector<16xf32>,
      %swap3A_1909 = arith.constant 22 : i32
      %swap3A_1910 = arith.index_cast %swap3A_1909 : i32 to index
      %swap3A_1911 = arith.index_cast %mul3A_10 : i32 to index
      %swap3A_1912 = tpu.vector_load %arg5[%swap3A_1910, %swap3A_1911] {strides = array<i32>} : memref<24x256xf32, #tpu.memory_space<vmem>>, vector<16xf32>,
      tpu.vector_store %arg5[%swap3A_1910, %swap3A_1911], %max3A_1808 {strides = array<i32>} : memref<24x256xf32, #tpu.memory_space<vmem>>, vector<16xf32>,
      %swap3A_1913 = arith.constant 23 : i32
      %swap3A_1914 = arith.index_cast %swap3A_1913 : i32 to index
      %swap3A_1915 = arith.index_cast %mul3A_10 : i32 to index
      %swap3A_1916 = tpu.vector_load %arg5[%swap3A_1914, %swap3A_1915] {strides = array<i32>} : memref<24x256xf32, #tpu.memory_space<vmem>>, vector<16xf32>,
      tpu.vector_store %arg5[%swap3A_1914, %swap3A_1915], %max3A_1818 {strides = array<i32>} : memref<24x256xf32, #tpu.memory_space<vmem>>, vector<16xf32>,
    }
    %scan3A_7 = arith.constant 16 : i32
    "tpu.region"() ({
      %run_scoped3A = tpu.sem_alloc : memref<!tpu.dma_semaphore, #tpu.memory_space<semaphore_mem>>
      %dma_start3A = arith.constant 0 : i32
      %dma_start3A_8 = tpu.memref_slice %arg3[%dma_start3A, %mul3A_2] : memref<24x8192xf32, #tpu.memory_space<hbm>> -> memref<24x256xf32, #tpu.memory_space<hbm>>
      %dma_start3A_9 = arith.constant 0 : i32
      %dma_start3A_10 = tpu.memref_slice %arg3[%dma_start3A_9, %mul3A_2] : memref<24x8192xf32, #tpu.memory_space<hbm>> -> memref<24x256xf32, #tpu.memory_space<hbm>>
      tpu.enqueue_dma source(%arg5 : memref<24x256xf32, #tpu.memory_space<vmem>>) target(%dma_start3A_10 : memref<24x256xf32, #tpu.memory_space<hbm>>) target_semaphore(%run_scoped3A : memref<!tpu.dma_semaphore, #tpu.memory_space<semaphore_mem>>)
      %dma_wait3A = arith.constant 0 : i32
      %dma_wait3A_11 = tpu.memref_slice %arg3[%dma_wait3A, %mul3A_2] : memref<24x8192xf32, #tpu.memory_space<hbm>> -> memref<24x256xf32, #tpu.memory_space<hbm>>
      %dma_wait3A_12 = arith.constant 0 : i32
      %dma_wait3A_13 = tpu.memref_slice %arg3[%dma_wait3A_12, %mul3A_2] : memref<24x8192xf32, #tpu.memory_space<hbm>> -> memref<24x256xf32, #tpu.memory_space<hbm>>
      tpu.wait_dma2 semaphore(%run_scoped3A : memref<!tpu.dma_semaphore, #tpu.memory_space<semaphore_mem>>) src(%arg5 : memref<24x256xf32, #tpu.memory_space<vmem>>) dst(%dma_wait3A_13 : memref<24x256xf32, #tpu.memory_space<hbm>>)
      tpu.yield
    }) : () -> ()
    return
  }
}

module attributes {stable_mosaic.version = 14 : i64} {
  func.func @_mlp_body(%arg0: i32, %arg1: memref<4096x256xf32, #tpu.memory_space<vmem>>, %arg2: memref<256x256xf32, #tpu.memory_space<vmem>>, %arg3: memref<1x256xf32, #tpu.memory_space<vmem>>, %arg4: memref<256x256xf32, #tpu.memory_space<vmem>>, %arg5: memref<1x256xf32, #tpu.memory_space<vmem>>, %arg6: memref<256x24xf32, #tpu.memory_space<vmem>>, %arg7: memref<1x24xf32, #tpu.memory_space<vmem>>, %arg8: memref<24x4096xf32, #tpu.memory_space<vmem>>) attributes {dimension_semantics = [#tpu.dimension_semantics<arbitrary>], iteration_bounds = array<i64: 2>, scalar_prefetch = 0 : i64, scratch_operands = 0 : i64, tpu.core_type = #tpu.core_type<tc>, window_params = [{transform_indices = @transform_0, window_bounds = array<i64: 4096, 256>}, {pipeline_mode = #tpu.pipeline_mode<synchronous>, transform_indices = @transform_1, window_bounds = array<i64: 256, 256>}, {pipeline_mode = #tpu.pipeline_mode<synchronous>, transform_indices = @transform_2, window_bounds = array<i64: 1, 256>}, {pipeline_mode = #tpu.pipeline_mode<synchronous>, transform_indices = @transform_3, window_bounds = array<i64: 256, 256>}, {pipeline_mode = #tpu.pipeline_mode<synchronous>, transform_indices = @transform_4, window_bounds = array<i64: 1, 256>}, {pipeline_mode = #tpu.pipeline_mode<synchronous>, transform_indices = @transform_5, window_bounds = array<i64: 256, 24>}, {pipeline_mode = #tpu.pipeline_mode<synchronous>, transform_indices = @transform_6, window_bounds = array<i64: 1, 24>}, {transform_indices = @transform_7, window_bounds = array<i64: 24, 4096>}]} {
    %get3A = arith.constant 0 : index
    %get3A_0 = arith.constant 0 : index
    %get3A_1 = vector.load %arg1[%get3A, %get3A_0] : memref<4096x256xf32, #tpu.memory_space<vmem>>, vector<4096x256xf32>
    %get3A_2 = arith.constant 0 : index
    %get3A_3 = arith.constant 0 : index
    %get3A_4 = vector.load %arg2[%get3A_2, %get3A_3] : memref<256x256xf32, #tpu.memory_space<vmem>>, vector<256x256xf32>
    %dot_general3A = arith.constant dense<0.000000e+00> : vector<4096x256xf32>
    %dot_general3A_5 = tpu.matmul %get3A_1, %get3A_4, %dot_general3A {dimension_numbers = #tpu.dot_dimension_numbers<[1], [0], [0], [1], [0, 0, 1, 1], [], []>, transpose_lhs_hint = false} : vector<4096x256xf32>, vector<256x256xf32>, vector<4096x256xf32> -> vector<4096x256xf32>
    %get3A_6 = arith.constant 0 : index
    %get3A_7 = arith.constant 0 : index
    %get3A_8 = vector.load %arg3[%get3A_6, %get3A_7] : memref<1x256xf32, #tpu.memory_space<vmem>>, vector<1x256xf32>
    %add3A = vector.broadcast %get3A_8 : vector<1x256xf32> to vector<4096x256xf32>
    %add3A_9 = arith.addf %dot_general3A_5, %add3A : vector<4096x256xf32>
    %max3A = arith.constant 0.000000e+00 : f32
    %max3A_10 = vector.broadcast %max3A : f32 to vector<4096x256xf32>
    %max3A_11 = arith.maximumf %add3A_9, %max3A_10 : vector<4096x256xf32>
    %get3A_12 = arith.constant 0 : index
    %get3A_13 = arith.constant 0 : index
    %get3A_14 = vector.load %arg4[%get3A_12, %get3A_13] : memref<256x256xf32, #tpu.memory_space<vmem>>, vector<256x256xf32>
    %dot_general3A_15 = arith.constant dense<0.000000e+00> : vector<4096x256xf32>
    %dot_general3A_16 = tpu.matmul %max3A_11, %get3A_14, %dot_general3A_15 {dimension_numbers = #tpu.dot_dimension_numbers<[1], [0], [0], [1], [0, 0, 1, 1], [], []>, transpose_lhs_hint = false} : vector<4096x256xf32>, vector<256x256xf32>, vector<4096x256xf32> -> vector<4096x256xf32>
    %get3A_17 = arith.constant 0 : index
    %get3A_18 = arith.constant 0 : index
    %get3A_19 = vector.load %arg5[%get3A_17, %get3A_18] : memref<1x256xf32, #tpu.memory_space<vmem>>, vector<1x256xf32>
    %add3A_20 = vector.broadcast %get3A_19 : vector<1x256xf32> to vector<4096x256xf32>
    %add3A_21 = arith.addf %dot_general3A_16, %add3A_20 : vector<4096x256xf32>
    %max3A_22 = arith.constant 0.000000e+00 : f32
    %max3A_23 = vector.broadcast %max3A_22 : f32 to vector<4096x256xf32>
    %max3A_24 = arith.maximumf %add3A_21, %max3A_23 : vector<4096x256xf32>
    %get3A_25 = arith.constant 0 : index
    %get3A_26 = arith.constant 0 : index
    %get3A_27 = vector.load %arg6[%get3A_25, %get3A_26] : memref<256x24xf32, #tpu.memory_space<vmem>>, vector<256x24xf32>
    %dot_general3A_28 = arith.constant dense<0.000000e+00> : vector<4096x24xf32>
    %dot_general3A_29 = tpu.matmul %max3A_24, %get3A_27, %dot_general3A_28 {dimension_numbers = #tpu.dot_dimension_numbers<[1], [0], [0], [1], [0, 0, 1, 1], [], []>, transpose_lhs_hint = false} : vector<4096x256xf32>, vector<256x24xf32>, vector<4096x24xf32> -> vector<4096x24xf32>
    %get3A_30 = arith.constant 0 : index
    %get3A_31 = arith.constant 0 : index
    %get3A_32 = vector.load %arg7[%get3A_30, %get3A_31] : memref<1x24xf32, #tpu.memory_space<vmem>>, vector<1x24xf32>
    %add3A_33 = vector.broadcast %get3A_32 : vector<1x24xf32> to vector<4096x24xf32>
    %add3A_34 = arith.addf %dot_general3A_29, %add3A_33 : vector<4096x24xf32>
    %transpose3A = tpu.transpose %add3A_34, [1, 0] : vector<4096x24xf32> -> vector<24x4096xf32>
    %swap3A = arith.constant 0 : index
    %swap3A_35 = arith.constant 0 : index
    %swap3A_36 = vector.load %arg8[%swap3A, %swap3A_35] : memref<24x4096xf32, #tpu.memory_space<vmem>>, vector<24x4096xf32>
    tpu.vector_store %arg8[%swap3A, %swap3A_35], %transpose3A {strides = array<i32>} : memref<24x4096xf32, #tpu.memory_space<vmem>>, vector<24x4096xf32>,
    return
  }
  func.func @transform_0(%arg0: i32) -> (i32, i32) {
    %c0_i32 = arith.constant 0 : i32
    %c0_i32_0 = arith.constant 0 : i32
    return %arg0, %c0_i32 : i32, i32
  }
  func.func @transform_1(%arg0: i32) -> (i32, i32) {
    %c0_i32 = arith.constant 0 : i32
    %c0_i32_0 = arith.constant 0 : i32
    %c0_i32_1 = arith.constant 0 : i32
    return %c0_i32, %c0_i32_0 : i32, i32
  }
  func.func @transform_2(%arg0: i32) -> (i32, i32) {
    %c0_i32 = arith.constant 0 : i32
    %c0_i32_0 = arith.constant 0 : i32
    %c0_i32_1 = arith.constant 0 : i32
    return %c0_i32, %c0_i32_0 : i32, i32
  }
  func.func @transform_3(%arg0: i32) -> (i32, i32) {
    %c0_i32 = arith.constant 0 : i32
    %c0_i32_0 = arith.constant 0 : i32
    %c0_i32_1 = arith.constant 0 : i32
    return %c0_i32, %c0_i32_0 : i32, i32
  }
  func.func @transform_4(%arg0: i32) -> (i32, i32) {
    %c0_i32 = arith.constant 0 : i32
    %c0_i32_0 = arith.constant 0 : i32
    %c0_i32_1 = arith.constant 0 : i32
    return %c0_i32, %c0_i32_0 : i32, i32
  }
  func.func @transform_5(%arg0: i32) -> (i32, i32) {
    %c0_i32 = arith.constant 0 : i32
    %c0_i32_0 = arith.constant 0 : i32
    %c0_i32_1 = arith.constant 0 : i32
    return %c0_i32, %c0_i32_0 : i32, i32
  }
  func.func @transform_6(%arg0: i32) -> (i32, i32) {
    %c0_i32 = arith.constant 0 : i32
    %c0_i32_0 = arith.constant 0 : i32
    %c0_i32_1 = arith.constant 0 : i32
    return %c0_i32, %c0_i32_0 : i32, i32
  }
  func.func @transform_7(%arg0: i32) -> (i32, i32) {
    %c0_i32 = arith.constant 0 : i32
    %c0_i32_0 = arith.constant 0 : i32
    return %c0_i32, %arg0 : i32, i32
  }
}

</mosaic_0001>

<sc_bundles>
// kernel: kernel.6.cloned.1.call-start
scs
__scs_entry_jumppad:
0x0: {  	(pc) =	sbr.rel $0x88, $3  }
0x1: {  	(tag) =	ssettag $0x0;
	lr =	simm.s32 $0x1  }
0x2: {  	[smem:$0x3F9A] =	sst lr;
	_ =	strace $0xD0000000  }
0x3: {  	_ = 	snop  }
0x4: {  	_ = 	snop  }
0x5: {  	_ = 	snop  }
0x6: {  	_ = 	snop  }
0x7: {  	_ = 	snop  }
__scs_overlays_trampoline_lowered:
0x8: {  	[smem:$0x3FA9] =	sst s0  }
0x9: {  	[smem:$0x3FAA] =	sst s1  }
0xa: {  	[smem:$0x3FAB] =	sst s2  }
0xb: {  	[smem:$0x3FAC] =	sst s3  }
0xc: {  	[smem:$0x3FAD] =	sst s4  }
0xd: {  	[smem:$0x3FAE] =	sst s5  }
0xe: {  	[smem:$0x3FAF] =	sst s6  }
0xf: {  	[smem:$0x3FB0] =	sst s7  }
0x10: {  	[smem:$0x3FB1] =	sst s8  }
0x11: {  	[smem:$0x3FB2] =	sst s9;
	s0 =	simm.s32 @!p0 $0x0  }
0x12: {  	s1 =	sld [smem:$0x3F98];
	s0 =	simm.s32 @p0 $0x1  }
0x13: {  	[smem:$0x3FB3] =	sst s0;
	s0 =	simm.s32 @!p1 $0x0  }
0x14: {  	s2 =	sld [smem:$0x3F97];
	s0 =	simm.s32 @p1 $0x1  }
0x15: {  	[smem:$0x3FB4] =	sst s0;
	s0 =	simm.s32 @!p2 $0x0  }
0x16: {  	s3 =	sld [smem:$0x3FDB];
	s0 =	simm.s32 @p2 $0x1  }
0x17: {  	s4 =	simm.s32 $0x1BF5;
	[smem:$0x3FB6] =	sst s0  }
0x18: {  	s0 =	sld [smem:$0x3F99];
	_ =	swait.ge [sflag:s4], $0x0  }
0x19: {  	s7 =	sld [smem:$0x3F9A]  }
0x1a: {  	s8 =	sadd.s32 $0xFFFFE003, lr  }
0x1b: {  	s9 =	sadd.s32 $0xFFFFFEF7, lr;
	s5 =	simm.s32 $0xFFFFFFFF;
	p2 =	slt.u32 s8, $0xFFFFF086  }
0x1c: {  	p1 =	slt.u32 s9, $0xF7A;
	s5 =	simm.s32 @!p2 $0x0  }
0x1d: {  	s5 =	simm.s32 @p1 $0x1;
	p0 =	seq.s32 s7, s2  }
0x1e: {  	s7 =	smul.u32 @!p0 $0xF7A, s2;
	p2 =	seq.s32 @!p0 s5, $0x0  }
0x1f: {  	s9 =	smul.u32 $0xF7A, s1;
	s8 =	simm.s32 @!p0 $0x1BF5;
	p2 =	por !p2, p0  }
0x20: {  	[sflag:s8] =	ssyncset.s32 @!p0 $0xFFFFF086;
	s6 =	sadd.s32 @!p0 s3, s7;
	s7 =	simm.s32 @!p0 $0x108  }
0x21: {  	s3 =	sadd.s32 s3, s9;
	s6 =	sadd.s32 @!p0 $0x88, s6;
	s7 =	simm.s32 @p2 $0x1082  }
0x22: {  	[simem:s7], [sflag:s8] =	dma.local @!p0 [hbm:s6], $0xF7A  }
0x23: {  	s9 =	sor.u32 $0xD0000000, s2;
	s6 =	simm.s32 $0x108;
	_ =	swait.ge @!p0 [sflag:s8], $0x0  }
0x24: {  	s3 =	sadd.s32 $0x88, s3;
	s6 =	simm.s32 @!p1 $0x1082;
	[sflag:s4] =	ssyncset.s32 $0xFFFFF086  }
0x25: {  	[simem:s6], [sflag:s4] =	dma.local [hbm:s3], $0xF7A  }
0x26: {  	[smem:$0x3F9A] =	sst s1;
	(tag) =	ssettag s2;
	_ =	strace s9  }
0x27: {  	s1 =	sld [smem:$0x3FAA]  }
0x28: {  	s2 =	sld [smem:$0x3FAB]  }
0x29: {  	s4 =	sld [smem:$0x3FAD]  }
0x2a: {  	p0 =	seq.s32 s5, $0x0;
	s5 =	sld [smem:$0x3FAE]  }
0x2b: {  	s6 =	sld [smem:$0x3FAF]  }
0x2c: {  	s7 =	sld [smem:$0x3FB0]  }
0x2d: {  	s3 =	simm.s32 $0x108;
	s8 =	sld [smem:$0x3FB1]  }
0x2e: {  	s3 =	simm.s32 @!p0 $0x1082;
	s9 =	sld [smem:$0x3FB2]  }
0x2f: {  	lr =	sadd.s32 s0, s3;
	s0 =	sld [smem:$0x3FA9]  }
0x30: {  	s3 =	sld [smem:$0x3FAC]  }
0x31: {  	[smem:$0x3FB5] =	sst s10  }
0x32: {  	s10 =	sld [smem:$0x3FB3];
	_ =	sdelay $0x3  }
0x33: {  	p0 =	seq.s32 s10, $0x1;
	s10 =	sld [smem:$0x3FB5];
	_ =	sdelay $0x3  }
0x34: {  	[smem:$0x3FB5] =	sst s10  }
0x35: {  	s10 =	sld [smem:$0x3FB4];
	_ =	sdelay $0x3  }
0x36: {  	p1 =	seq.s32 s10, $0x1;
	s10 =	sld [smem:$0x3FB5];
	_ =	sdelay $0x3  }
0x37: {  	[smem:$0x3FB5] =	sst s10  }
0x38: {  	s10 =	sld [smem:$0x3FB6]  }
0x39: {  	_ = 	snop;
	(pc) =	sbr.ind lr, $3  }
0x3a: {  	_ = 	snop  }
0x3b: {  	_ = 	snop  }
0x3c: {  	p2 =	seq.s32 s10, $0x1;
	s10 =	sld [smem:$0x3FB5]  }
0x3d: {  	_ =	shalt  }
0x3e: {  	_ =	shalt  }
0x3f: {  	_ =	shalt  }
0x40: {  	_ =	shalt  }
0x41: {  	_ =	shalt  }
0x42: {  	_ =	shalt  }
0x43: {  	_ =	shalt  }
0x44: {  	_ =	shalt  }
0x45: {  	_ =	shalt  }
0x46: {  	_ =	shalt  }
0x47: {  	_ =	shalt  }
0x48: {  	_ =	shalt  }
0x49: {  	_ =	shalt  }
0x4a: {  	_ =	shalt  }
0x4b: {  	_ =	shalt  }
0x4c: {  	_ =	shalt  }
0x4d: {  	_ =	shalt  }
0x4e: {  	_ =	shalt  }
0x4f: {  	_ =	shalt  }
0x50: {  	_ =	shalt  }
0x51: {  	_ =	shalt  }
0x52: {  	_ =	shalt  }
0x53: {  	_ =	shalt  }
0x54: {  	_ =	shalt  }
0x55: {  	_ =	shalt  }
0x56: {  	_ =	shalt  }
0x57: {  	_ =	shalt  }
0x58: {  	_ =	shalt  }
0x59: {  	_ =	shalt  }
0x5a: {  	_ =	shalt  }
0x5b: {  	_ =	shalt  }
0x5c: {  	_ =	shalt  }
0x5d: {  	_ =	shalt  }
0x5e: {  	_ =	shalt  }
0x5f: {  	_ =	shalt  }
0x60: {  	_ =	shalt  }
0x61: {  	_ =	shalt  }
0x62: {  	_ =	shalt  }
0x63: {  	_ =	shalt  }
0x64: {  	_ =	shalt  }
0x65: {  	_ =	shalt  }
0x66: {  	_ =	shalt  }
0x67: {  	_ =	shalt  }
0x68: {  	_ =	shalt  }
0x69: {  	_ =	shalt  }
0x6a: {  	_ =	shalt  }
0x6b: {  	_ =	shalt  }
0x6c: {  	_ =	shalt  }
0x6d: {  	_ =	shalt  }
0x6e: {  	_ =	shalt  }
0x6f: {  	_ =	shalt  }
0x70: {  	_ =	shalt  }
0x71: {  	_ =	shalt  }
0x72: {  	_ =	shalt  }
0x73: {  	_ =	shalt  }
0x74: {  	_ =	shalt  }
0x75: {  	_ =	shalt  }
0x76: {  	_ =	shalt  }
0x77: {  	_ =	shalt  }
0x78: {  	_ =	shalt  }
0x79: {  	_ =	shalt  }
0x7a: {  	_ =	shalt  }
0x7b: {  	_ =	shalt  }
0x7c: {  	_ =	shalt  }
0x7d: {  	_ =	shalt  }
0x7e: {  	_ =	shalt  }
0x7f: {  	_ =	shalt  }
0x80: {  	_ =	shalt  }
0x81: {  	_ =	shalt  }
0x82: {  	_ =	shalt  }
0x83: {  	_ =	shalt  }
0x84: {  	_ =	shalt  }
0x85: {  	_ =	shalt  }
0x86: {  	_ =	shalt  }
0x87: {  	_ =	shalt  }
.Lfunc_end0:
.L_simem_size_0:
called_computation_lowered:
.L_overlay_start_0:
0x88: {  	s2 =	sld [smem:$0x3FD9]  }
0x89: {  	s3 =	sld [smem:$0x3FFE];
	_ =	sdelay $0x1  }
0x8a: {  	s1 =	srdreg.scid  }
0x8b: {  	s0 =	sand.u32 $0x1, s1  }
0x8c: {  	s17 =	sshll.u32 s0, $0xA;
	s2 =	sadd.s32 s3, s2  }
0x8d: {  	s2 =	sadd.s32 s2, s17  }
0x8e: {  	[smem:$0x3FC1] =	sst s2  }
0x8f: {  	_ = 	snop  }
0x90: {  	(tm) =	ssettm $0x1  }
0x91: {  	s18 =	sld [smem:$0x3FFB];
	_ =	sdelay $0x3  }
0x92: {  	_ =	strace s18  }
0x93: {  	s2 =	sld [smem:$0x3FFC];
	_ =	sdelay $0x3  }
0x94: {  	_ =	strace s2  }
0x95: {  	s2 =	sld [smem:$0x3FFD];
	_ =	sdelay $0x3  }
0x96: {  	_ =	strace s2  }
0x97: {  	_ =	strace $0x8FFFFFFF  }
0x98: {  	s19 =	sld [smem:$0x3FDB];
	_ =	sdelay $0x1  }
0x99: {  	s20 =	simm.s32 $_scs_section_size  }
0x9a: {  	s4 =	simm.s32 $_size__tile_overlayer_lowered;
	s5 =	simm.s32 $_tile_overlayer_lowered  }
0x9b: {  	s6 =	simm.s32 $0x1BFF;
	s21 =	sshll.u32 s5, $0x1;
	s3 =	sadd.s32 s20, s19  }
0x9c: {  	s22 =	simm.s32 $0x0;
	s4 =	sshll.u32 s4, $0x1;
	s5 =	sadd.s32 s21, s3  }
0x9d: {  	[timem:s22], [sflag:s6] =	dma.local [hbm:s5], s4  }
0x9e: {  	_ =	swait.ge [sflag:s6], s4  }
0x9f: {  	s4 =	ssub.s32 $0x0, s4;
	[sflag:s6] =	ssyncset.done $0x0  }
0xa0: {  	[sflag:s6] =	ssyncadd.s32 s4;
	_ =	sdelay $0x1  }
0xa1: {  	s23 =	simm.s32 $0x1B8B  }
0xa2: {  	_ =	swait.ge [sflag:s23], $0x1  }
0xa3: {  	[sflag:s23] =	ssyncset.done $0x0  }
0xa4: {  	[sflag:s23] =	ssyncadd.s32 $0xFFFFFFFF  }
0xa5: {  	s4 =	sld [smem:$0x0]  }
0xa6: {  	s5 =	sand.u32 $0xFFFFFFFE, s1  }
0xa7: {  	p0 =	sne.s32 s1, s5  }
0xa8: {  	s5 =	sshll.u32 @p0 s5, $0xE  }
0xa9: {  	s5 =	sadd.s32 @p0 $0x11B8D, s5;
	s6 =	sshll.u32 @p0 s4, $0x11  }
0xaa: {  	s5 =	sor.u32 @p0 s6, s5  }
0xab: {  	[sflag:s5] =	ssyncadd.remote.s32 @p0 $0x1;
	_ =	sdelay $0x1  }
0xac: {  	s5 =	simm.s32 @p0 $0x1B8D  }
0xad: {  	_ =	swait.eq @p0 [sflag:s5], $0x1  }
0xae: {  	[sflag:s5] =	ssyncadd.s32 @p0 $0xFFFFFFFF  }
0xaf: {  	s6 =	sshll.u32 @!p0 s1, $0xE  }
0xb0: {  	s6 =	sor.u32 @!p0 $0x4000, s6;
	s5 =	simm.s32 @!p0 $0x1B8D  }
0xb1: {  	s4 =	sshll.u32 @!p0 s4, $0x11;
	s6 =	sadd.s32 @!p0 $0x11B8D, s6;
	_ =	swait.eq @!p0 [sflag:s5], $0x1  }
0xb2: {  	s4 =	sor.u32 @!p0 s4, s6;
	[sflag:s5] =	ssyncadd.s32 @!p0 $0xFFFFFFFF  }
0xb3: {  	s25 =	simm.s32 $0x1B8E;
	s24 =	sld [smem:$0x3FFE];
	[sflag:s4] =	ssyncadd.remote.s32 @!p0 $0x1  }
0xb4: {  	s26 =	simm.s32 $execute0_lowered;
	[smem:$0x3FD2] =	sst s25  }
0xb5: {  	s5 =	sshll.u32 s26, $0x1;
	_ =	strace $0x80000049;
	[dreg:$0x1] =	wrdreg $0xFFFFFFFF  }
0xb6: {  	s28 =	simm.s32 $_size_execute0_lowered;
	s3 =	sadd.s32 s3, s5;
	[dreg:$0x0] =	wrdreg $0x0  }
0xb7: {  	s5 =	sshll.u32 s28, $0x1;
	[dreg:$0x2] =	wrdreg s3  }
0xb8: {  	[dreg:$0x3] =	wrdreg s5  }
0xb9: {  	[dreg:$0x4] =	wrdreg $0xC0  }
0xba: {  	_ =	task [dreg:s22], $0x5FFFF  }
0xbb: {  	[dreg:$0x1] =	wrdreg $0xFFFFFFFF  }
0xbc: {  	[dreg:$0x0] =	wrdreg $0x60  }
0xbd: {  	[dreg:$0x2] =	wrdreg s24  }
0xbe: {  	[dreg:$0x3] =	wrdreg $0x9  }
0xbf: {  	_ =	task.clear_ibuf [dreg:s22], $0x4FFFF;
	_ =	strace $0x90000049  }
0xc0: {  	s29 =	simm.s32 $0x9;
	_ =	strace $0x8000004B  }
0xc1: {  	_ =	swait.ge [sflag:s29], $0x1  }
0xc2: {  	[sflag:s29] =	ssyncadd.s32 $0xFFFFFFFF  }
0xc3: {  	_ =	strace $0x9000004B  }
0xc4: {  	_ =	sfence  }
0xc5: {  	s30 =	sld [smem:$0x0];
	_ =	sdelay $0x2  }
0xc6: {  	s31 =	sshll.u32 s1, $0xD;
	s1 =	sshrl.u32 s1, $0x2  }
0xc7: {  	s4 =	sand.u32 $0x4000, s31;
	s1 =	sadd.s32 s1, s30  }
0xc8: {  	s0 =	sor.u32 s4, s0;
	s1 =	sshll.u32 s1, $0x11  }
0xc9: {  	s0 =	sor.u32 s1, s0  }
0xca: {  	s0 =	sadd.s32 $0x8F2B, s0  }
0xcb: {  	[sflag:s0] =	ssyncadd.remote.s32 $0x1  }
0xcc: {  	_ =	sfence.sel $0xFFFF  }
0xcd: {  	[dreg:$0x0] =	wrdreg $0xFFFFFFFF;
	(pc) =	sbr.abs _section_cstart, $3  }
0xce: {  	[dreg:$0x1] =	wrdreg $0xFFFFFFFF  }
0xcf: {  	_ =	task.clear_ibuf [dreg:s22], $0x2FFFF;
	_ =	strace $0x9FFFFFFF  }
0xd0: {  	(tm) =	ssettm $0x7FFFFFFF  }
0xd1: {  	_ =	shalt  }
tec
execute0_lowered:
.L_overlay_start_1:
0x0: {  	(tag) =	ssettag $0x1  }
0x1: {  	s3 =	rddreg [dreg:$0x0];
	s2 =	srdreg.scid  }
0x2: {  	s0 =	rddreg [dreg:$0x1];
	s1 =	stileid.u32;
	s7 =	simm.s32 $0x10000  }
0x3: {  	s8 =	simm.s32 $0x1;
	s9 =	simm.s32 $0x1800;
	s10 =	simm.s32 $0x0  }
0x4: {  	s4 =	sand.u32 $0x1, s2;
	s2 =	simm.s32 $0x0;
	s5 =	sshll.u32 s1, $0x9  }
0x5: {  	s6 =	sshll.u32 s4, $0x8;
	[smem:$0x7FF] =	sst s2;
	s4 =	ssub.s32 $0x2, s4  }
0x6: {  	s5 =	sor.u32 s6, s5;
	_ =	strace $0x8000004A;
	s30 =	sshrl.u32 s4, $0x1  }
0x7: {  	s6 =	simm.s32 $0x800;
	s5 =	sadd.s32 s5, s3;
	s31 =	ssub.s32 s4, s30  }
0x8: {  	v25 =	vimm.f32 $0.0e+00;
	s3 =	sadd.s32 $0x7800, s5;
	s4 =	sadd.s32 $0xD800, s5;
	s5 =	smax.u32 s31, $0x1  }
.LBB2_1:
0x9: {  	[tilespmem:s2], [sflag:$0x1] =	stream.strided.gather [hbm4b:s3+s6], $0x1800, s7, s6, $0x38;
	[tilespmem:$0x3000] =	vst v63  }
0xa: {  	_ =	swait.ge [sflag:s8], $0x1800  }
0xb: {  	[sflag:s8] =	ssyncset.done $0x0  }
0xc: {  	s11 =	simm.s32 $0x0;
	s12 =	simm.s32 $0x0;
	[sflag:s8] =	ssyncadd.s32 $0xFFFFE800  }
.LBB2_2:
0xd: {  	s13 =	sand.u32 $0xFFFFFC00, s11;
	s30 =	sand.u32 $0x70, s12;
	s14 =	sand.u32 $0x400, s11  }
0xe: {  	s24 =	sadd.s32 s13, s12;
	s13 =	sor.u32 s30, s14  }
0xf: {  	v1 =	vld [tilespmem:s13+$0x100]  }
0x10: {  	s25 =	sor.u32 s12, s11;
	v4 =	vld [tilespmem:s13+$0x200]  }
0x11: {  	s16 =	sor.u32 $0x380, s25;
	v38 =	vld [tilespmem:s13+$0x300]  }
0x12: {  	v8 =	vld [tilespmem:s16+$0x0]  }
0x13: {  	v9 =	vld [tilespmem:s13+$0x800]  }
0x14: {  	v11 =	vld [tilespmem:s13+$0x900]  }
0x15: {  	s21 =	sor.u32 $0xB80, s25;
	v14 =	vld [tilespmem:s13+$0xB00]  }
0x16: {  	v15 =	vld [tilespmem:s21+$0x0]  }
0x17: {  	v56 =	vld [tilespmem:s13+$0x1000]  }
0x18: {  	s25 =	sor.u32 $0x1380, s25;
	v18 =	vld [tilespmem:s13+$0x1100]  }
0x19: {  	s17 =	sor.u32 $0x80, s24;
	v22 =	vld [tilespmem:s25+$0x0];
	v5 =	vshra.s32 v1, $0x1F;
	v1 =	vand.u32 $0xFFFFFFE0, v1  }
0x1a: {  	s15 =	sor.u32 $0x180, s24;
	v0 =	vld [tilespmem:s17+$0x0];
	v7 =	vshra.s32 v4, $0x1F;
	v4 =	vand.u32 $0xFFFFFFE0, v4;
	v41 =	vshra.s32 v38, $0x1F  }
0x1b: {  	s31 =	sor.u32 $0x280, s24;
	v2 =	vld [tilespmem:s15+$0x0];
	v43 =	vshra.s32 v8, $0x1F;
	v44 =	vshra.s32 v9, $0x1F;
	v8 =	vand.u32 $0xFFFFFFE0, v8  }
0x1c: {  	s18 =	sor.u32 $0x880, s24;
	v6 =	vld [tilespmem:s31+$0x0];
	v9 =	vand.u32 $0xFFFFFFE0, v9;
	v50 =	vshra.s32 v11, $0x1F;
	v11 =	vand.u32 $0xFFFFFFE0, v11  }
0x1d: {  	s19 =	sor.u32 $0x980, s24;
	v42 =	vld [tilespmem:s18+$0x0];
	v58 =	vshra.s32 v14, $0x1F;
	v59 =	vshra.s32 v15, $0x1F;
	v14 =	vand.u32 $0xFFFFFFE0, v14  }
0x1e: {  	s20 =	sor.u32 $0xA80, s24;
	v12 =	vld [tilespmem:s19+$0x0];
	v15 =	vand.u32 $0xFFFFFFE0, v15;
	v23 =	vshra.s32 v56, $0x1F;
	v31 =	vshra.s32 v18, $0x1F  }
0x1f: {  	s22 =	sor.u32 $0x1080, s24;
	v48 =	vld [tilespmem:s20+$0x0];
	v18 =	vand.u32 $0xFFFFFFE0, v18;
	v24 =	vshra.s32 v22, $0x1F;
	v22 =	vand.u32 $0xFFFFFFE0, v22  }
0x20: {  	s23 =	sor.u32 $0x1180, s24;
	v17 =	vld [tilespmem:s22+$0x0];
	v3 =	vshra.s32 v0, $0x1F;
	v0 =	vand.u32 $0xFFFFFFE0, v0;
	v5 =	vand.u32 $0x7FFFFFE0, v5  }
0x21: {  	v28 =	vld [tilespmem:s23+$0x0];
	v37 =	vshra.s32 v2, $0x1F;
	v2 =	vand.u32 $0xFFFFFFE0, v2;
	v7 =	vand.u32 $0x7FFFFFE0, v7  }
0x22: {  	v39 =	vshra.s32 v6, $0x1F;
	v6 =	vand.u32 $0xFFFFFFE0, v6;
	v13 =	vand.u32 $0x7FFFFFE0, v44  }
0x23: {  	v47 =	vshra.s32 v42, $0x1F;
	v49 =	vand.u32 $0xFFFFFFE0, v42;
	v51 =	vshra.s32 v12, $0x1F  }
0x24: {  	v12 =	vand.u32 $0xFFFFFFE0, v12;
	v55 =	vshra.s32 v48, $0x1F;
	v57 =	vand.u32 $0xFFFFFFE0, v48  }
0x25: {  	v19 =	vand.u32 $0x7FFFFFE0, v59;
	v29 =	vshra.s32 v17, $0x1F;
	v17 =	vand.u32 $0xFFFFFFE0, v17  }
0x26: {  	v34 =	vshra.s32 v28, $0x1F;
	v24 =	vand.u32 $0x7FFFFFE0, v24;
	v3 =	vand.u32 $0x7FFFFFE0, v3  }
0x27: {  	v36 =	vxor.u32 v1, v5;
	v10 =	vand.u32 $0x7FFFFFE0, v39;
	v40 =	vxor.u32 v4, v7  }
0x28: {  	v5 =	vand.u32 $0xFFFFFFE0, v38;
	v7 =	vand.u32 $0x7FFFFFE0, v43;
	v46 =	vxor.u32 v9, v13  }
0x29: {  	v16 =	vand.u32 $0x7FFFFFE0, v51;
	v13 =	vand.u32 $0x7FFFFFE0, v58;
	v62 =	vxor.u32 v15, v19  }
0x2a: {  	v20 =	vld [tilespmem:s13+$0x1200];
	v30 =	vand.u32 $0x7FFFFFE0, v29;
	v19 =	vand.u32 $0x7FFFFFE0, v31;
	v15 =	vand.u32 $0xFFFFFFE0, v28  }
0x2b: {  	v33 =	vld [tilespmem:s13+$0x1300];
	v38 =	vxor.u32 v22, v24;
	v0 =	vxor.u32 v0, v3;
	v3 =	vand.u32 $0x7FFFFFE0, v37  }
0x2c: {  	v6 =	vxor.u32 v6, v10;
	v4 =	vor.u32 $0x1B, v40;
	v45 =	vxor.u32 v8, v7  }
0x2d: {  	v8 =	vand.u32 $0x7FFFFFE0, v47;
	v10 =	vand.u32 $0x7FFFFFE0, v50;
	v53 =	vxor.u32 v12, v16  }
0x2e: {  	v61 =	vxor.u32 v14, v13;
	v63 =	vor.u32 $0x10, v62;
	v14 =	vand.u32 $0x7FFFFFE0, v23  }
0x2f: {  	v16 =	vand.u32 $0xFFFFFFE0, v56;
	v32 =	vxor.u32 v18, v19;
	v19 =	vand.u32 $0x7FFFFFE0, v34  }
0x30: {  	s24 =	sor.u32 $0x1280, s24;
	v23 =	vshra.s32 v20, $0x1F;
	v20 =	vand.u32 $0xFFFFFFE0, v20;
	v37 =	vshra.s32 v33, $0x1F  }
0x31: {  	v21 =	vld [tilespmem:s24+$0x0];
	v18 =	vand.u32 $0xFFFFFFE0, v33;
	v1 =	vor.u32 $0x1E, v0;
	v0 =	vor.u32 $0x1D, v36  }
0x32: {  	v2 =	vxor.u32 v2, v3;
	v7 =	vor.u32 $0x18, v45;
	v8 =	vxor.u32 v49, v8  }
0x33: {  	v52 =	vxor.u32 v11, v10;
	v54 =	vor.u32 $0x14, v53;
	v11 =	vand.u32 $0x7FFFFFE0, v55  }
0x34: {  	v13 =	vor.u32 $0x11, v61;
	v14 =	vxor.u32 v16, v14;
	v16 =	vxor.u32 v17, v30  }
0x35: {  	v17 =	vor.u32 $0xD, v32;
	v15 =	vxor.u32 v15, v19;
	v35 =	vand.u32 $0x7FFFFFE0, v23  }
0x36: {  	v36 =	vshra.s32 v21, $0x1F;
	v21 =	vand.u32 $0xFFFFFFE0, v21;
	v23 =	vand.u32 $0x7FFFFFE0, v37  }
0x37: {  	v3 =	vor.u32 $0x1C, v2;
	v2 =	vor.u32 $0x1A, v6;
	v6 =	vand.u32 $0x7FFFFFE0, v41  }
0x38: {  	v9 =	vor.u32 $0x16, v8;
	v10 =	vor.u32 $0x15, v52;
	v11 =	vxor.u32 v57, v11  }
0x39: {  	v14 =	vor.u32 $0xF, v14;
	v16 =	vor.u32 $0xE, v16;
	v15 =	vor.u32 $0xC, v15  }
0x3a: {  	v19 =	vxor.u32 v20, v35;
	v20 =	vand.u32 $0x7FFFFFE0, v36;
	v18 =	vxor.u32 v18, v23  }
0x3b: {  	vm0 =	vgt.s32 v1, v0;
	vm15 =	vgt.s32 v13, v63;
	v5 =	vxor.u32 v5, v6  }
0x3c: {  	v60 =	vor.u32 $0x12, v11;
	v19 =	vor.u32 $0xB, v19;
	v20 =	vxor.u32 v21, v20  }
0x3d: {  	v18 =	vor.u32 $0x9, v18;
	v21 =	vor.u32 $0x8, v38;
	vm1 =	vgt.s32 v3, v4  }
0x3e: {  	v39 =	vsel vm0, v1, v0;
	vm13 =	vgt.s32 v9, v10;
	vm4 =	vgt.s32 v14, v16  }
0x3f: {  	vm5 =	vgt.s32 v17, v15;
	v29 =	vsel vm15, v13, v63;
	v6 =	vor.u32 $0x19, v5  }
0x40: {  	v5 =	vor.u32 $0x17, v46;
	v20 =	vor.u32 $0xA, v20;
	v40 =	vsel vm1, v3, v4  }
0x41: {  	vm14 =	vgt.s32 v54, v60;
	v27 =	vsel vm13, v9, v10;
	v30 =	vsel vm4, v14, v16  }
0x42: {  	v31 =	vsel vm5, v17, v15;
	vm7 =	vgt.s32 v18, v21;
	vm2 =	vgt.s32 v2, v6  }
0x43: {  	vm12 =	vgt.s32 v7, v5;
	v28 =	vsel vm14, v54, v60;
	vm6 =	vgt.s32 v19, v20  }
0x44: {  	vm8 =	vgt.s32 v39, v40;
	v33 =	vsel vm7, v18, v21;
	vm11 =	vgt.s32 v29, v30  }
0x45: {  	v24 =	vsel vm2, v2, v6;
	v26 =	vsel vm12, v7, v5;
	v32 =	vsel vm6, v19, v20  }
0x46: {  	v22 =	vsel vm8, v39, v40;
	vm10 =	vgt.s32 v27, v28;
	vm9 =	vgt.s32 v24, v26  }
0x47: {  	v41 =	vsel vm9, v24, v26;
	v24 =	vsel vm10, v27, v28;
	v26 =	vsel vm11, v29, v30  }
0x48: {  	vm12 =	vgt.s32 v31, v32;
	vm13 =	vgt.s32 v22, v41;
	vm2 =	vgt.s32 v24, v26  }
0x49: {  	v27 =	vsel vm12, v31, v32;
	v22 =	vsel vm13, v22, v41;
	v42 =	vsel vm2, v24, v26  }
0x4a: {  	vm0 =	vgt.s32 v27, v33;
	vm1 =	vgt.s32 v22, v42  }
0x4b: {  	v24 =	vsel vm0, v27, v33;
	v22 =	vsel vm1, v22, v42  }
0x4c: {  	vm0 =	vgt.s32 v22, v24  }
0x4d: {  	v32 =	vimm.s32 $0x0;
	v22 =	vsel vm0, v22, v24  }
0x4e: {  	vm0 =	veq.s32 v1, v22;
	vm14 =	veq.s32 v0, v22;
	vm15 =	veq.s32 v3, v22  }
0x4f: {  	vm4 =	veq.s32 v4, v22;
	vm5 =	veq.s32 v2, v22;
	vm6 =	veq.s32 v6, v22  }
0x50: {  	vm7 =	veq.s32 v7, v22;
	vm8 =	veq.s32 v5, v22;
	vm9 =	veq.s32 v9, v22  }
0x51: {  	vm10 =	veq.s32 v10, v22;
	vm11 =	veq.s32 v54, v22;
	vm12 =	veq.s32 v60, v22  }
0x52: {  	vm13 =	veq.s32 v13, v22;
	vm1 =	veq.s32 v14, v22;
	vm2 =	veq.s32 v15, v22  }
0x53: {  	vm3 =	veq.s32 v19, v22;
	v43 =	vsel vm0, $0x3F800000, v25;
	v1 =	vsel vm0, $0x80000000, v1  }
0x54: {  	v44 =	vsel vm14, $0x3F800000, v25;
	v0 =	vsel vm14, $0x80000000, v0;
	v45 =	vsel vm15, $0x3F800000, v25  }
0x55: {  	v3 =	vsel vm15, $0x80000000, v3;
	v46 =	vsel vm4, $0x3F800000, v25;
	v4 =	vsel vm4, $0x80000000, v4  }
0x56: {  	v47 =	vsel vm5, $0x3F800000, v25;
	v2 =	vsel vm5, $0x80000000, v2;
	v48 =	vsel vm6, $0x3F800000, v25  }
0x57: {  	v6 =	vsel vm6, $0x80000000, v6;
	v49 =	vsel vm7, $0x3F800000, v25;
	v7 =	vsel vm7, $0x80000000, v7  }
0x58: {  	v50 =	vsel vm8, $0x3F800000, v25;
	v5 =	vsel vm8, $0x80000000, v5;
	v51 =	vsel vm9, $0x3F800000, v25  }
0x59: {  	v9 =	vsel vm9, $0x80000000, v9;
	v52 =	vsel vm10, $0x3F800000, v25;
	v10 =	vsel vm10, $0x80000000, v10  }
0x5a: {  	v53 =	vsel vm11, $0x3F800000, v25;
	v8 =	vsel vm11, $0x80000000, v54;
	v54 =	vsel vm12, $0x3F800000, v25  }
0x5b: {  	v12 =	vsel vm12, $0x80000000, v60;
	v55 =	vsel vm13, $0x3F800000, v25;
	v13 =	vsel vm13, $0x80000000, v13  }
0x5c: {  	vm6 =	veq.s32 v63, v22;
	vm0 =	veq.s32 v16, v22;
	v14 =	vsel vm1, $0x80000000, v14  }
0x5d: {  	vm4 =	veq.s32 v17, v22;
	v15 =	vsel vm2, $0x80000000, v15;
	v19 =	vsel vm3, $0x80000000, v19  }
0x5e: {  	vm7 =	veq.s32 v20, v22;
	vm8 =	veq.s32 v18, v22;
	vm5 =	veq.s32 v21, v22  }
0x5f: {  	v38 =	vsel vm2, $0x3F800000, v25;
	v39 =	vsel vm3, $0x3F800000, v25;
	v11 =	vsel vm6, $0x80000000, v63  }
0x60: {  	v16 =	vsel vm0, $0x80000000, v16;
	v17 =	vsel vm4, $0x80000000, v17;
	v20 =	vsel vm7, $0x80000000, v20  }
0x61: {  	v18 =	vsel vm8, $0x80000000, v18;
	v21 =	vsel vm5, $0x80000000, v21;
	vm9 =	vgt.s32 v1, v0  }
0x62: {  	vm10 =	vgt.s32 v3, v4;
	vm11 =	vgt.s32 v2, v6;
	vm14 =	vgt.s32 v7, v5  }
0x63: {  	vm15 =	vgt.s32 v9, v10;
	vm12 =	vgt.s32 v8, v12;
	v36 =	vsel vm0, $0x3F800000, v25  }
0x64: {  	v37 =	vsel vm4, $0x3F800000, v25;
	v40 =	vsel vm7, $0x3F800000, v25;
	v41 =	vsel vm8, $0x3F800000, v25  }
0x65: {  	[tilespmem:$0x1FBC0] =	vst v53;
	v42 =	vsel vm5, $0x3F800000, v25;
	v53 =	vimm.s32 $0x0;
	v56 =	vsel vm9, v1, v0  }
0x66: {  	v57 =	vsel vm10, v3, v4;
	v24 =	vsel vm11, v2, v6;
	v26 =	vsel vm14, v7, v5  }
0x67: {  	v27 =	vsel vm15, v9, v10;
	v58 =	vsel vm12, v8, v12;
	vm13 =	vgt.s32 v13, v11  }
0x68: {  	vm14 =	vgt.s32 v14, v16;
	vm15 =	vgt.s32 v17, v15;
	vm12 =	vgt.s32 v19, v20  }
0x69: {  	v59 =	vsel vm13, v13, v11;
	v60 =	vsel vm14, v14, v16;
	v61 =	vsel vm15, v17, v15  }
0x6a: {  	vm13 =	vgt.s32 v18, v21;
	vm14 =	vgt.s32 v56, v57;
	v62 =	vsel vm12, v19, v20  }
0x6b: {  	vm15 =	vgt.s32 v24, v26;
	vm12 =	vgt.s32 v27, v58;
	v63 =	vsel vm13, v18, v21  }
0x6c: {  	v22 =	vsel vm14, v56, v57;
	vm13 =	vgt.s32 v59, v60;
	v34 =	vsel vm15, v24, v26  }
0x6d: {  	[tilespmem:$0x1FBE0] =	vst v54;
	v24 =	vsel vm12, v27, v58;
	vm14 =	vgt.s32 v61, v62;
	v26 =	vsel vm13, v59, v60  }
0x6e: {  	[tilespmem:$0x1FCA0] =	vst v38;
	vm15 =	vgt.s32 v22, v34;
	v27 =	vsel vm14, v61, v62;
	vm11 =	vgt.s32 v24, v26  }
0x6f: {  	[tilespmem:$0x1FCC0] =	vst v39;
	v22 =	vsel vm15, v22, v34;
	v35 =	vsel vm11, v24, v26;
	v24 =	vsel vm6, $0x3F800000, v25  }
0x70: {  	vm12 =	vgt.s32 v27, v63;
	[tilespmem:$0x1FC20] =	vst v24;
	vm13 =	vgt.s32 v22, v35;
	v24 =	vsel vm1, $0x3F800000, v25  }
0x71: {  	v54 =	vimm.s32 $0x0;
	[tilespmem:$0x1FC40] =	vst v24;
	v24 =	vsel vm12, v27, v63;
	v22 =	vsel vm13, v22, v35  }
0x72: {  	v38 =	vimm.s32 $0x0;
	v39 =	vimm.s32 $0x0;
	[tilespmem:$0x1FC60] =	vst v36;
	vm14 =	vgt.s32 v22, v24  }
0x73: {  	[tilespmem:$0x1FC80] =	vst v37;
	v36 =	vimm.s32 $0x0;
	v37 =	vimm.s32 $0x0;
	v22 =	vsel vm14, v22, v24  }
0x74: {  	v34 =	vimm.s32 $0x0;
	v35 =	vimm.s32 $0x0;
	vm0 =	veq.s32 v1, v22  }
0x75: {  	vm15 =	veq.s32 v0, v22;
	vm4 =	veq.s32 v3, v22;
	vm5 =	veq.s32 v4, v22  }
0x76: {  	vm6 =	veq.s32 v2, v22;
	vm7 =	veq.s32 v6, v22;
	vm8 =	veq.s32 v7, v22  }
0x77: {  	[tilespmem:$0x1FA80] =	vst v43;
	vm9 =	veq.s32 v5, v22;
	vm10 =	veq.s32 v9, v22;
	vm11 =	veq.s32 v10, v22  }
0x78: {  	[tilespmem:$0x1FAA0] =	vst v44;
	vm1 =	veq.s32 v12, v22;
	vm2 =	veq.s32 v14, v22;
	vm3 =	veq.s32 v16, v22  }
0x79: {  	[tilespmem:$0x1FAC0] =	vst v45;
	vm14 =	veq.s32 v20, v22;
	vm12 =	veq.s32 v18, v22;
	vm13 =	veq.s32 v21, v22  }
0x7a: {  	[tilespmem:$0x1FAE0] =	vst v46;
	v43 =	vsel vm0, $0x3F800000, v25;
	v1 =	vsel vm0, $0x80000000, v1;
	v44 =	vsel vm15, $0x3F800000, v25  }
0x7b: {  	[tilespmem:$0x1FB00] =	vst v47;
	v0 =	vsel vm15, $0x80000000, v0;
	v45 =	vsel vm4, $0x3F800000, v25;
	v3 =	vsel vm4, $0x80000000, v3  }
0x7c: {  	[tilespmem:$0x1FB20] =	vst v48;
	v46 =	vsel vm5, $0x3F800000, v25;
	v4 =	vsel vm5, $0x80000000, v4;
	v47 =	vsel vm6, $0x3F800000, v25  }
0x7d: {  	[tilespmem:$0x1FB40] =	vst v49;
	v2 =	vsel vm6, $0x80000000, v2;
	v48 =	vsel vm7, $0x3F800000, v25;
	v6 =	vsel vm7, $0x80000000, v6  }
0x7e: {  	[tilespmem:$0x1FB60] =	vst v50;
	v49 =	vsel vm8, $0x3F800000, v25;
	v7 =	vsel vm8, $0x80000000, v7;
	v50 =	vsel vm9, $0x3F800000, v25  }
0x7f: {  	[tilespmem:$0x1FB80] =	vst v51;
	v5 =	vsel vm9, $0x80000000, v5;
	v51 =	vsel vm10, $0x3F800000, v25;
	v9 =	vsel vm10, $0x80000000, v9  }
0x80: {  	[tilespmem:$0x1FBA0] =	vst v52;
	v52 =	vsel vm11, $0x3F800000, v25;
	v10 =	vsel vm11, $0x80000000, v10;
	vm6 =	veq.s32 v8, v22  }
0x81: {  	vm0 =	veq.s32 v13, v22;
	v12 =	vsel vm1, $0x80000000, v12;
	vm4 =	veq.s32 v11, v22  }
0x82: {  	v14 =	vsel vm2, $0x80000000, v14;
	v16 =	vsel vm3, $0x80000000, v16;
	vm7 =	veq.s32 v17, v22  }
0x83: {  	vm8 =	veq.s32 v15, v22;
	vm5 =	veq.s32 v19, v22;
	v23 =	vsel vm12, $0xFFFFFFFF, v53  }
0x84: {  	v22 =	vsel vm13, $0xFFFFFFFF, v54;
	v20 =	vsel vm14, $0x80000000, v20;
	v18 =	vsel vm12, $0x80000000, v18  }
0x85: {  	[tilespmem:$0x1FCE0] =	vst v40;
	v21 =	vsel vm13, $0x80000000, v21;
	v40 =	vsel vm14, $0x3F800000, v25;
	v8 =	vsel vm6, $0x80000000, v8  }
0x86: {  	v13 =	vsel vm0, $0x80000000, v13;
	v11 =	vsel vm4, $0x80000000, v11;
	v17 =	vsel vm7, $0x80000000, v17  }
0x87: {  	v15 =	vsel vm8, $0x80000000, v15;
	v19 =	vsel vm5, $0x80000000, v19;
	vm15 =	vgt.s32 v1, v0  }
0x88: {  	vm12 =	vgt.s32 v3, v4;
	vm13 =	vgt.s32 v2, v6;
	v30 =	vsel vm7, $0x3F800000, v25  }
0x89: {  	[tilespmem:$0x1FB10] =	vst v47;
	v31 =	vsel vm8, $0x3F800000, v25;
	v33 =	vsel vm5, $0x3F800000, v25;
	v47 =	vimm.s32 $0x0  }
0x8a: {  	[tilespmem:$0x1FC00] =	vst v55;
	v55 =	vsel vm15, v1, v0;
	v56 =	vsel vm12, v3, v4;
	v24 =	vsel vm13, v2, v6  }
0x8b: {  	vm15 =	vgt.s32 v7, v5;
	vm12 =	vgt.s32 v9, v10;
	vm13 =	vgt.s32 v8, v12  }
0x8c: {  	v26 =	vsel vm15, v7, v5;
	v27 =	vsel vm12, v9, v10;
	v57 =	vsel vm13, v8, v12  }
0x8d: {  	vm15 =	vgt.s32 v13, v11;
	vm12 =	vgt.s32 v14, v16;
	vm13 =	vgt.s32 v17, v15  }
0x8e: {  	v58 =	vsel vm15, v13, v11;
	v59 =	vsel vm12, v14, v16;
	v60 =	vsel vm13, v17, v15  }
0x8f: {  	vm15 =	vgt.s32 v19, v20;
	vm12 =	vgt.s32 v18, v21;
	vm13 =	vgt.s32 v55, v56  }
0x90: {  	[tilespmem:$0x1F950] =	vst v22;
	v61 =	vsel vm15, v19, v20;
	v22 =	vsel vm13, v55, v56;
	v62 =	vsel vm12, v18, v21  }
0x91: {  	vm15 =	vgt.s32 v24, v26;
	vm12 =	vgt.s32 v27, v57;
	vm13 =	vgt.s32 v58, v59  }
0x92: {  	v24 =	vsel vm15, v24, v26;
	v26 =	vsel vm12, v27, v57;
	v27 =	vsel vm13, v58, v59  }
0x93: {  	vm15 =	vgt.s32 v60, v61;
	vm12 =	vgt.s32 v22, v24;
	vm11 =	vgt.s32 v26, v27  }
0x94: {  	[tilespmem:$0x1FB30] =	vst v48;
	v63 =	vsel vm15, v60, v61;
	v22 =	vsel vm12, v22, v24;
	v24 =	vsel vm11, v26, v27  }
0x95: {  	[tilespmem:$0x1F940] =	vst v23;
	v26 =	vsel vm6, $0x3F800000, v25;
	vm13 =	vgt.s32 v63, v62;
	vm15 =	vgt.s32 v22, v24  }
0x96: {  	[tilespmem:$0x1FBD0] =	vst v26;
	v23 =	vsel vm13, v63, v62;
	v22 =	vsel vm15, v22, v24;
	v24 =	vsel vm0, $0x3F800000, v25  }
0x97: {  	v48 =	vimm.s32 $0x0;
	[tilespmem:$0x1FC10] =	vst v24;
	v24 =	vsel vm4, $0x3F800000, v25;
	vm12 =	vgt.s32 v22, v23  }
0x98: {  	v26 =	vsel vm1, $0x3F800000, v25;
	[tilespmem:$0x1FC30] =	vst v24;
	v24 =	vsel vm2, $0x3F800000, v25;
	v22 =	vsel vm12, v22, v23  }
0x99: {  	[tilespmem:$0x1FC50] =	vst v24;
	v24 =	vsel vm3, $0x3F800000, v25;
	vm0 =	veq.s32 v1, v22;
	vm13 =	veq.s32 v0, v22  }
0x9a: {  	vm15 =	veq.s32 v3, v22;
	vm4 =	veq.s32 v4, v22;
	vm9 =	veq.s32 v2, v22  }
0x9b: {  	vm11 =	veq.s32 v6, v22;
	vm10 =	veq.s32 v7, v22;
	vm12 =	veq.s32 v5, v22  }
0x9c: {  	vm5 =	veq.s32 v10, v22;
	vm6 =	veq.s32 v8, v22;
	vm2 =	veq.s32 v12, v22  }
0x9d: {  	vm3 =	veq.s32 v20, v22;
	v23 =	vsel vm0, $0xFFFFFFFF, v32;
	v1 =	vsel vm0, $0x80000000, v1  }
0x9e: {  	v0 =	vsel vm13, $0x80000000, v0;
	v3 =	vsel vm15, $0x80000000, v3;
	v4 =	vsel vm4, $0x80000000, v4  }
0x9f: {  	v2 =	vsel vm9, $0x80000000, v2;
	v6 =	vsel vm11, $0x80000000, v6;
	v7 =	vsel vm10, $0x80000000, v7  }
0xa0: {  	v5 =	vsel vm12, $0x80000000, v5;
	v10 =	vsel vm5, $0x80000000, v10;
	v8 =	vsel vm6, $0x80000000, v8  }
0xa1: {  	v12 =	vsel vm2, $0x80000000, v12;
	v20 =	vsel vm3, $0x80000000, v20;
	[tilespmem:$0x1F960] =	vst v23;
	v23 =	vsel vm13, $0xFFFFFFFF, v34  }
0xa2: {  	[tilespmem:$0x1FD00] =	vst v41;
	vm13 =	veq.s32 v9, v22;
	vm7 =	vgt.s32 v1, v0;
	vm1 =	vgt.s32 v3, v4  }
0xa3: {  	vm8 =	vgt.s32 v2, v6;
	vm14 =	vgt.s32 v7, v5;
	[tilespmem:$0x1F970] =	vst v23;
	v23 =	vsel vm15, $0xFFFFFFFF, v35  }
0xa4: {  	[tilespmem:$0x1FC70] =	vst v24;
	v9 =	vsel vm13, $0x80000000, v9;
	v41 =	vsel vm7, v1, v0;
	v24 =	vsel vm1, v3, v4  }
0xa5: {  	[tilespmem:$0x1FBF0] =	vst v26;
	v26 =	vsel vm8, v2, v6;
	v27 =	vsel vm14, v7, v5;
	vm14 =	veq.s32 v11, v22  }
0xa6: {  	vm7 =	veq.s32 v14, v22;
	[tilespmem:$0x1F980] =	vst v23;
	v23 =	vsel vm4, $0xFFFFFFFF, v36;
	vm15 =	vgt.s32 v9, v10  }
0xa7: {  	[tilespmem:$0x1FD20] =	vst v42;
	v11 =	vsel vm14, $0x80000000, v11;
	v14 =	vsel vm7, $0x80000000, v14;
	vm4 =	veq.s32 v16, v22  }
0xa8: {  	[tilespmem:$0x1F990] =	vst v23;
	v23 =	vsel vm5, $0xFFFFFFFF, v37;
	v42 =	vsel vm15, v9, v10;
	vm5 =	vgt.s32 v8, v12  }
0xa9: {  	vm15 =	veq.s32 v15, v22;
	v16 =	vsel vm4, $0x80000000, v16;
	[tilespmem:$0x1F9A0] =	vst v23;
	v23 =	vsel vm6, $0xFFFFFFFF, v38  }
0xaa: {  	[tilespmem:$0x1FA90] =	vst v43;
	vm6 =	veq.s32 v13, v22;
	v43 =	vsel vm5, v8, v12;
	vm5 =	veq.s32 v17, v22  }
0xab: {  	v15 =	vsel vm15, $0x80000000, v15;
	vm0 =	vgt.s32 v14, v16;
	[tilespmem:$0x1F9B0] =	vst v23;
	v23 =	vsel vm2, $0xFFFFFFFF, v39  }
0xac: {  	[tilespmem:$0x1FAD0] =	vst v45;
	v13 =	vsel vm6, $0x80000000, v13;
	v17 =	vsel vm5, $0x80000000, v17;
	v45 =	vsel vm0, v14, v16  }
0xad: {  	[tilespmem:$0x1FAB0] =	vst v44;
	vm0 =	veq.s32 v21, v22;
	vm2 =	vgt.s32 v41, v24;
	vm8 =	vgt.s32 v13, v11  }
0xae: {  	[tilespmem:$0x1F9C0] =	vst v23;
	vm1 =	vgt.s32 v17, v15;
	v21 =	vsel vm0, $0x80000000, v21;
	v23 =	vsel vm2, v41, v24  }
0xaf: {  	[tilespmem:$0x1FAF0] =	vst v46;
	v44 =	vsel vm8, v13, v11;
	vm8 =	veq.s32 v19, v22;
	v46 =	vsel vm1, v17, v15  }
0xb0: {  	vm1 =	veq.s32 v18, v22;
	v22 =	vsel vm0, $0xFFFFFFFF, v48;
	v19 =	vsel vm8, $0x80000000, v19  }
0xb1: {  	[tilespmem:$0x1FCD0] =	vst v33;
	v33 =	vsel vm1, $0xFFFFFFFF, v47;
	v18 =	vsel vm1, $0x80000000, v18;
	vm1 =	vgt.s32 v19, v20  }
0xb2: {  	[tilespmem:$0x1FB50] =	vst v49;
	vm2 =	vgt.s32 v44, v45;
	vm0 =	vgt.s32 v18, v21;
	v49 =	vsel vm1, v19, v20  }
0xb3: {  	[tilespmem:$0x1FB70] =	vst v50;
	v50 =	vsel vm0, v18, v21;
	vm0 =	vgt.s32 v26, v27;
	vm1 =	vgt.s32 v42, v43  }
0xb4: {  	v24 =	vsel vm0, v26, v27;
	v26 =	vsel vm1, v42, v43;
	v27 =	vsel vm2, v44, v45  }
0xb5: {  	vm1 =	vgt.s32 v23, v24;
	vm2 =	vgt.s32 v26, v27  }
0xb6: {  	v23 =	vsel vm1, v23, v24;
	v24 =	vsel vm2, v26, v27;
	v26 =	vld [tilespmem:$0x1F940]  }
0xb7: {  	vm1 =	vgt.s32 v23, v24  }
0xb8: {  	v23 =	vsel vm1, v23, v24;
	v24 =	vld [tilespmem:$0x1F960];
	_ =	sdelay $0x1  }
0xb9: {  	v28 =	vimm.s32 $0x0;
	[tilespmem:$0x1FB90] =	vst v51;
	vm0 =	vgt.s32 v46, v49  }
0xba: {  	v53 =	vimm.s32 $0x0;
	[tilespmem:$0x1F9E0] =	vst v22;
	v22 =	vsel vm0, v46, v49;
	vm0 =	vnez.u8 v26  }
0xbb: {  	[tilespmem:$0x1FCF0] =	vst v40;
	v40 =	vimm.s32 $0x0;
	v26 =	vsel vm0, $0x3F800000, v25;
	vm0 =	vgt.s32 v22, v50  }
0xbc: {  	[tilespmem:$0x1FBB0] =	vst v52;
	v56 =	vimm.s32 $0x0;
	v59 =	vld [tilespmem:$0x1F9A0];
	v22 =	vsel vm0, v22, v50;
	vm0 =	vnez.u8 v24  }
0xbd: {  	[tilespmem:$0x1FC90] =	vst v30;
	v58 =	vimm.s32 $0x0;
	v60 =	vimm.s32 $0x0;
	v61 =	vld [tilespmem:$0x1F9B0];
	v24 =	vsel vm0, $0x3F800000, v25  }
0xbe: {  	v62 =	vimm.s32 $0x0;
	v51 =	vsel vm9, $0x3F800000, v25;
	v52 =	vsel vm11, $0x3F800000, v25;
	[tilespmem:$0x1FD40] =	vst v24;
	v24 =	vld [tilespmem:$0x1F970]  }
0xbf: {  	v54 =	vsel vm10, $0x3F800000, v25;
	v55 =	vsel vm12, $0x3F800000, v25;
	v57 =	vsel vm13, $0x3F800000, v25;
	[tilespmem:$0x1FD10] =	vst v26;
	v26 =	vld [tilespmem:$0x1F950]  }
0xc0: {  	[tilespmem:$0x1FCB0] =	vst v31;
	v30 =	vsel vm14, $0x3F800000, v25;
	v31 =	vsel vm7, $0x3F800000, v25;
	v32 =	vsel vm4, $0x3F800000, v25  }
0xc1: {  	v37 =	vsel vm3, $0x3F800000, v25;
	v35 =	vsel vm15, $0x3F800000, v25;
	v29 =	vsel vm6, $0x3F800000, v25  }
0xc2: {  	v36 =	vsel vm8, $0x3F800000, v25;
	[tilespmem:$0x1F9D0] =	vst v33;
	v33 =	vsel vm5, $0x3F800000, v25;
	vm11 =	vnez.u8 v59  }
0xc3: {  	vm13 =	vnez.u8 v61;
	v42 =	vimm.s32 $0x0;
	vm0 =	vnez.u8 v24  }
0xc4: {  	vm2 =	vnez.u8 v26;
	v24 =	vsel vm0, $0x3F800000, v25;
	vm0 =	vgt.s32 v23, v22  }
0xc5: {  	v43 =	vimm.s32 $0x0;
	v26 =	vsel vm2, $0x3F800000, v25;
	v22 =	vsel vm0, v23, v22  }
0xc6: {  	vm0 =	veq.s32 v1, v22;
	vm9 =	veq.s32 v0, v22;
	vm10 =	veq.s32 v3, v22  }
0xc7: {  	vm12 =	veq.s32 v4, v22;
	vm6 =	veq.s32 v9, v22;
	vm7 =	veq.s32 v10, v22  }
0xc8: {  	[tilespmem:$0x1FE10] =	vst v30;
	v63 =	vld [tilespmem:$0x1F9C0];
	vm14 =	veq.s32 v14, v22;
	vm3 =	veq.s32 v20, v22;
	v23 =	vsel vm0, $0xFFFFFFFF, v53  }
0xc9: {  	[tilespmem:$0x1FD50] =	vst v24;
	v24 =	vld [tilespmem:$0x1F980];
	v1 =	vsel vm0, $0x80000000, v1;
	v0 =	vsel vm9, $0x80000000, v0;
	v3 =	vsel vm10, $0x80000000, v3  }
0xca: {  	[tilespmem:$0x1FE00] =	vst v29;
	v4 =	vsel vm12, $0x80000000, v4;
	v29 =	vsel vm6, $0x80000000, v9;
	v30 =	vsel vm7, $0x80000000, v10  }
0xcb: {  	v14 =	vsel vm14, $0x80000000, v14;
	v20 =	vsel vm3, $0x80000000, v20;
	v61 =	vsel vm6, $0x3F800000, v25  }
0xcc: {  	[tilespmem:$0x1F9F0] =	vst v23;
	v23 =	vsel vm9, $0xFFFFFFFF, v56;
	vm9 =	veq.s32 v2, v22;
	vm15 =	vgt.s32 v1, v0  }
0xcd: {  	vm4 =	vgt.s32 v3, v4;
	[tilespmem:$0x1FA00] =	vst v23;
	v23 =	vsel vm10, $0xFFFFFFFF, v58;
	v2 =	vsel vm9, $0x80000000, v2  }
0xce: {  	[tilespmem:$0x1FE20] =	vst v31;
	vm10 =	vnez.u8 v63;
	v38 =	vsel vm15, v1, v0;
	vm1 =	vnez.u8 v24  }
0xcf: {  	[tilespmem:$0x1FA10] =	vst v23;
	v23 =	vsel vm11, $0x3F800000, v25;
	vm11 =	veq.s32 v6, v22;
	v24 =	vsel vm1, $0x3F800000, v25  }
0xd0: {  	[tilespmem:$0x1FDD0] =	vst v23;
	v23 =	vsel vm12, $0xFFFFFFFF, v60;
	vm12 =	veq.s32 v7, v22;
	v34 =	vsel vm11, $0x80000000, v6  }
0xd1: {  	[tilespmem:$0x1FD30] =	vst v26;
	v6 =	vsel vm14, $0xFFFFFFFF, v40;
	vm14 =	veq.s32 v17, v22;
	v40 =	vimm.s32 $0x0  }
0xd2: {  	[tilespmem:$0x1FA20] =	vst v23;
	v23 =	vsel vm13, $0x3F800000, v25;
	v7 =	vsel vm12, $0x80000000, v7;
	vm5 =	vgt.s32 v2, v34  }
0xd3: {  	vm13 =	vgt.s32 v29, v30;
	v59 =	vsel vm12, $0x3F800000, v25;
	[tilespmem:$0x1FDE0] =	vst v23;
	v23 =	vsel vm9, $0xFFFFFFFF, v62  }
0xd4: {  	[tilespmem:$0x1FD60] =	vst v24;
	vm9 =	veq.s32 v8, v22;
	v26 =	vsel vm5, v2, v34;
	v39 =	vsel vm13, v29, v30  }
0xd5: {  	v24 =	vld [tilespmem:$0x1F990];
	vm13 =	veq.s32 v11, v22;
	v62 =	vsel vm7, $0x3F800000, v25;
	[tilespmem:$0x1FA30] =	vst v23;
	v23 =	vsel vm10, $0x3F800000, v25  }
0xd6: {  	[tilespmem:$0x1FE60] =	vst v36;
	vm10 =	veq.s32 v5, v22;
	v31 =	vsel vm9, $0x80000000, v8;
	v10 =	vsel vm13, $0x80000000, v11  }
0xd7: {  	v63 =	vsel vm9, $0x3F800000, v25;
	v36 =	vsel vm13, $0x3F800000, v25;
	[tilespmem:$0x1FDF0] =	vst v23;
	v23 =	vsel vm11, $0xFFFFFFFF, v28  }
0xd8: {  	v5 =	vsel vm10, $0x80000000, v5;
	vm11 =	veq.s32 v12, v22;
	v60 =	vsel vm10, $0x3F800000, v25  }
0xd9: {  	[tilespmem:$0x1FEF0] =	vst v63;
	v63 =	vsel vm14, $0x3F800000, v25;
	vm8 =	vgt.s32 v7, v5;
	v12 =	vsel vm11, $0x80000000, v12  }
0xda: {  	vm1 =	vnez.u8 v24;
	v27 =	vsel vm8, v7, v5;
	vm15 =	vgt.s32 v31, v12  }
0xdb: {  	[tilespmem:$0x1FA50] =	vst v6;
	vm8 =	veq.s32 v15, v22;
	v24 =	vsel vm1, $0x3F800000, v25;
	v41 =	vsel vm15, v31, v12  }
0xdc: {  	v6 =	vsel vm8, $0xFFFFFFFF, v42;
	v15 =	vsel vm8, $0x80000000, v15;
	vm1 =	veq.s32 v19, v22;
	[tilespmem:$0x1FD70] =	vst v24  }
0xdd: {  	v24 =	vsel vm4, v3, v4;
	vm4 =	veq.s32 v13, v22;
	[tilespmem:$0x1FA60] =	vst v6;
	v6 =	vsel vm1, $0xFFFFFFFF, v43  }
0xde: {  	v19 =	vsel vm1, $0x80000000, v19;
	v43 =	vimm.s32 $0x0;
	v9 =	vsel vm4, $0x80000000, v13  }
0xdf: {  	vm0 =	vgt.s32 v19, v20;
	vm2 =	vgt.s32 v38, v24;
	vm5 =	vgt.s32 v9, v10  }
0xe0: {  	v46 =	vsel vm0, v19, v20;
	v13 =	vsel vm5, v9, v10;
	vm5 =	veq.s32 v16, v22  }
0xe1: {  	[tilespmem:$0x1FA40] =	vst v23;
	v23 =	vsel vm2, v38, v24;
	vm0 =	vgt.s32 v26, v27;
	v8 =	vsel vm5, $0x80000000, v16  }
0xe2: {  	v38 =	vimm.s32 $0x0;
	v16 =	vsel vm14, $0x80000000, v17;
	vm15 =	vgt.s32 v14, v8  }
0xe3: {  	v24 =	vsel vm0, v26, v27;
	vm8 =	vgt.s32 v16, v15;
	v44 =	vsel vm15, v14, v8  }
0xe4: {  	v50 =	vld [tilespmem:$0x1F9D0];
	v45 =	vsel vm8, v16, v15;
	vm15 =	veq.s32 v18, v22;
	vm8 =	veq.s32 v21, v22  }
0xe5: {  	[tilespmem:$0x1FD80] =	vst v51;
	v22 =	vimm.s32 $0x0;
	v18 =	vsel vm15, $0x80000000, v18;
	v21 =	vsel vm8, $0x80000000, v21  }
0xe6: {  	[tilespmem:$0x1FEC0] =	vst v61;
	vm2 =	vgt.s32 v13, v44;
	vm0 =	vgt.s32 v45, v46;
	v61 =	vsel vm15, $0x3F800000, v25  }
0xe7: {  	v51 =	vld [tilespmem:$0x1F9E0];
	[tilespmem:$0x1FEB0] =	vst v60;
	v60 =	vsel vm8, $0x3F800000, v25;
	vm1 =	vgt.s32 v18, v21;
	v13 =	vsel vm2, v13, v44  }
0xe8: {  	v53 =	vld [tilespmem:$0x1F9F0];
	v48 =	vsel vm0, v45, v46;
	v47 =	vsel vm1, v18, v21;
	vm1 =	vgt.s32 v39, v41  }
0xe9: {  	vm0 =	vnez.u8 v50;
	v46 =	vimm.s32 $0x0;
	v11 =	vsel vm1, v39, v41  }
0xea: {  	[tilespmem:$0x1FDA0] =	vst v54;
	v54 =	vld [tilespmem:$0x1FA00];
	vm1 =	vgt.s32 v23, v24;
	v39 =	vsel vm5, $0x3F800000, v25;
	v41 =	vimm.s32 $0x0  }
0xeb: {  	[tilespmem:$0x1FDB0] =	vst v55;
	v55 =	vld [tilespmem:$0x1FA10];
	vm2 =	vgt.s32 v11, v13;
	v49 =	vsel vm1, v23, v24;
	v24 =	vsel vm0, $0x3F800000, v25  }
0xec: {  	[tilespmem:$0x1FD90] =	vst v52;
	v56 =	vld [tilespmem:$0x1FA20];
	vm0 =	vgt.s32 v48, v47;
	v23 =	vimm.s32 $0x0;
	v11 =	vsel vm2, v11, v13  }
0xed: {  	[tilespmem:$0x1FDC0] =	vst v57;
	v57 =	vld [tilespmem:$0x1FA30];
	vm2 =	vnez.u8 v51;
	v52 =	vsel vm0, v48, v47;
	vm0 =	vnez.u8 v53  }
0xee: {  	v58 =	vld [tilespmem:$0x1FA40];
	v13 =	vsel vm4, $0x3F800000, v25;
	vm1 =	vgt.s32 v49, v11;
	v26 =	vsel vm2, $0x3F800000, v25  }
0xef: {  	v27 =	vsel vm0, $0x3F800000, v25;
	vm0 =	vnez.u8 v54;
	v11 =	vsel vm1, v49, v11  }
0xf0: {  	[tilespmem:$0x1FE30] =	vst v32;
	v28 =	vsel vm0, $0x3F800000, v25;
	vm1 =	vnez.u8 v55;
	v49 =	vsel vm3, $0x3F800000, v25  }
0xf1: {  	[tilespmem:$0x1FE40] =	vst v33;
	vm0 =	vgt.s32 v11, v52;
	v32 =	vsel vm1, $0x3F800000, v25;
	vm1 =	vnez.u8 v56  }
0xf2: {  	[tilespmem:$0x1FA70] =	vst v6;
	v33 =	vsel vm1, $0x3F800000, v25;
	v6 =	vsel vm0, v11, v52;
	vm0 =	vnez.u8 v57  }
0xf3: {  	v11 =	vsel vm0, $0x3F800000, v25;
	vm0 =	vnez.u8 v58;
	vm10 =	veq.s32 v0, v6  }
0xf4: {  	vm6 =	veq.s32 v3, v6;
	vm7 =	veq.s32 v4, v6;
	vm2 =	veq.s32 v2, v6  }
0xf5: {  	vm9 =	veq.s32 v34, v6;
	vm12 =	veq.s32 v7, v6;
	vm13 =	veq.s32 v30, v6  }
0xf6: {  	vm14 =	veq.s32 v31, v6;
	vm5 =	veq.s32 v10, v6;
	vm3 =	veq.s32 v8, v6  }
0xf7: {  	vm8 =	veq.s32 v21, v6;
	[tilespmem:$0x1FE80] =	vst v11;
	v11 =	vsel vm0, $0x3F800000, v25;
	vm0 =	veq.s32 v1, v6  }
0xf8: {  	v47 =	vsel vm10, $0x80000000, v0;
	v56 =	vsel vm6, $0x80000000, v3;
	v53 =	vsel vm7, $0x80000000, v4  }
0xf9: {  	[tilespmem:$0x1FEA0] =	vst v59;
	v59 =	vsel vm2, $0x80000000, v2;
	v51 =	vsel vm9, $0x80000000, v34;
	v58 =	vsel vm12, $0x80000000, v7  }
0xfa: {  	[tilespmem:$0x1FE70] =	vst v37;
	v37 =	vld [tilespmem:$0x1FA50];
	v44 =	vsel vm13, $0x80000000, v30;
	v52 =	vsel vm5, $0x80000000, v10;
	v54 =	vsel vm0, $0x80000000, v1  }
0xfb: {  	v42 =	vld [tilespmem:$0x1FA60];
	[tilespmem:$0x1FE90] =	vst v11;
	v11 =	vsel vm11, $0x3F800000, v25;
	v1 =	vsel vm12, $0xFFFFFFFF, v22;
	vm1 =	vgt.s32 v56, v53  }
0xfc: {  	vm4 =	vgt.s32 v59, v51;
	v50 =	vsel vm0, $0x3F800000, v25;
	vm11 =	vgt.s32 v54, v47  }
0xfd: {  	[tilespmem:$0x1FE50] =	vst v35;
	v35 =	vsel vm1, v56, v53;
	v17 =	vsel vm11, v54, v47;
	vm11 =	veq.s32 v5, v6  }
0xfe: {  	[tilespmem:$0x1FEE0] =	vst v1;
	v2 =	vsel vm4, v59, v51;
	v1 =	vsel vm11, $0xFFFFFFFF, v23;
	v34 =	vsel vm11, $0x80000000, v5  }
0xff: {  	v45 =	vld [tilespmem:$0x1FA70];
	[tilespmem:$0x1FF30] =	vst v13;
	vm1 =	vgt.s32 v17, v35;
	vm11 =	vnez.u8 v37;
	vm12 =	vgt.s32 v58, v34  }
0x100: {  	[tilespmem:$0x1FF00] =	vst v1;
	v1 =	vsel vm1, v17, v35;
	v0 =	vsel vm11, $0x3F800000, v25;
	vm11 =	vnez.u8 v42  }
0x101: {  	v13 =	vld [tilespmem:$0x1FB40];
	[tilespmem:$0x1FF10] =	vst v11;
	vm1 =	veq.s32 v15, v6;
	v3 =	vsel vm12, v58, v34;
	vm12 =	veq.s32 v29, v6  }
0x102: {  	v30 =	vld [tilespmem:$0x1FAA0];
	[tilespmem:$0x1FF70] =	vst v0;
	vm4 =	vgt.s32 v2, v3;
	v0 =	vsel vm12, $0xFFFFFFFF, v38;
	v35 =	vsel vm12, $0x80000000, v29  }
0x103: {  	v11 =	vld [tilespmem:$0x1FB30];
	vm12 =	veq.s32 v12, v6;
	v5 =	vsel vm4, v2, v3;
	[tilespmem:$0x1FF20] =	vst v0;
	v0 =	vsel vm13, $0xFFFFFFFF, v40  }
0x104: {  	[tilespmem:$0x1FED0] =	vst v62;
	v23 =	vld [tilespmem:$0x1FA80];
	v48 =	vsel vm12, $0x80000000, v12;
	vm13 =	vnez.u8 v45;
	vm4 =	veq.s32 v14, v6  }
0x105: {  	v29 =	vld [tilespmem:$0x1FA90];
	vm15 =	vgt.s32 v35, v44;
	v45 =	vsel vm1, $0x80000000, v15;
	[tilespmem:$0x1FF40] =	vst v0;
	v0 =	vsel vm14, $0xFFFFFFFF, v41  }
0x106: {  	[tilespmem:$0x1FFF0] =	vst v34;
	v15 =	vld [tilespmem:$0x1FB60];
	v41 =	vsel vm14, $0x80000000, v31;
	v62 =	vsel vm13, $0x3F800000, v25;
	vm14 =	veq.s32 v9, v6  }
0x107: {  	v55 =	vsel vm15, v35, v44;
	v34 =	vsel vm4, $0x80000000, v14;
	v31 =	vld [tilespmem:$0x1FAB0];
	[tilespmem:$0x1FF60] =	vst v0;
	v0 =	vsel vm11, $0x3F800000, v25  }
0x108: {  	v14 =	vld [tilespmem:$0x1FB50];
	[tilespmem:$0x1FFB0] =	vst v0;
	v0 =	vsel vm12, $0xFFFFFFFF, v43;
	vm12 =	vgt.s32 v41, v48;
	v43 =	vsel vm3, $0x80000000, v8  }
0x109: {  	v8 =	vld [tilespmem:$0x1FB00];
	[tilespmem:$0x1FF80] =	vst v0;
	v0 =	vsel vm14, $0xFFFFFFFF, v46;
	v46 =	vsel vm14, $0x80000000, v9;
	v57 =	vsel vm12, v41, v48  }
0x10a: {  	vm12 =	veq.s32 v16, v6;
	vm14 =	vgt.s32 v34, v43;
	v9 =	vld [tilespmem:$0x1FB10];
	vm13 =	vgt.s32 v46, v52  }
0x10b: {  	v7 =	vsel vm14, v34, v43;
	v37 =	vsel vm12, $0x80000000, v16;
	vm14 =	veq.s32 v18, v6;
	v16 =	vld [tilespmem:$0x1FB70]  }
0x10c: {  	[tilespmem:$0x1FFC0] =	vst v49;
	vm0 =	vgt.s32 v55, v57;
	vm15 =	vgt.s32 v37, v45;
	v49 =	vsel vm14, $0x80000000, v18;
	v18 =	vld [tilespmem:$0x1FB90]  }
0x10d: {  	v10 =	vsel vm0, v55, v57;
	v57 =	vsel vm8, $0x80000000, v21;
	v21 =	vmax.f32 v30, v31;
	v30 =	vld [tilespmem:$0x1FBF0]  }
0x10e: {  	v4 =	vsel vm13, v46, v52;
	vm13 =	veq.s32 v19, v6;
	v31 =	vld [tilespmem:$0x1FC00];
	v17 =	vsel vm15, v37, v45  }
0x10f: {  	v42 =	vsel vm13, $0x80000000, v19;
	vm15 =	veq.s32 v20, v6;
	vm0 =	vgt.s32 v4, v7;
	v6 =	vld [tilespmem:$0x1FAE0]  }
0x110: {  	[tilespmem:$0x1FFA0] =	vst v0;
	v19 =	vimm.s32 $0x0;
	v40 =	vsel vm15, $0x80000000, v20;
	v0 =	vsel vm0, v4, v7;
	v4 =	vld [tilespmem:$0x1FAC0]  }
0x111: {  	vm11 =	vgt.s32 v49, v57;
	v2 =	vsel vm8, $0xFFFFFFFF, v19;
	v7 =	vld [tilespmem:$0x1FAF0];
	vm8 =	vgt.s32 v42, v40  }
0x112: {  	v22 =	vsel vm11, v49, v57;
	v19 =	vld [tilespmem:$0x1FBA0];
	vm11 =	vgt.s32 v10, v0;
	v20 =	vsel vm8, v42, v40  }
0x113: {  	vm8 =	vgt.s32 v1, v5;
	v0 =	vsel vm11, v10, v0;
	v10 =	vld [tilespmem:$0x1FB20];
	vm0 =	vgt.s32 v17, v20  }
0x114: {  	v1 =	vsel vm8, v1, v5;
	v5 =	vld [tilespmem:$0x1FAD0];
	v12 =	vsel vm0, v17, v20  }
0x115: {  	vm8 =	vgt.s32 v1, v0;
	v17 =	vld [tilespmem:$0x1FB80];
	vm0 =	vgt.s32 v12, v22  }
0x116: {  	v20 =	vld [tilespmem:$0x1FBB0];
	v0 =	vsel vm8, v1, v0;
	v12 =	vsel vm0, v12, v22  }
0x117: {  	v22 =	vld [tilespmem:$0x1FBC0];
	vm0 =	vgt.s32 v0, v12  }
0x118: {  	v0 =	vsel vm0, v0, v12;
	v12 =	vmax.f32 v23, v29;
	v23 =	vld [tilespmem:$0x1FBD0]  }
0x119: {  	[tilespmem:$0x1FFE0] =	vst v2;
	v2 =	vmax.f32 v6, v7;
	v6 =	vmax.f32 v15, v16;
	v16 =	vld [tilespmem:$0x1FC10]  }
0x11a: {  	v29 =	vld [tilespmem:$0x1FBE0]  }
0x11b: {  	v7 =	vmax.f32 v17, v18;
	v17 =	vld [tilespmem:$0x1FC20]  }
0x11c: {  	v18 =	vld [tilespmem:$0x1FC30]  }
0x11d: {  	v3 =	vmax.f32 v8, v9;
	v9 =	vmax.f32 v22, v23;
	v22 =	vld [tilespmem:$0x1FC60]  }
0x11e: {  	v23 =	vld [tilespmem:$0x1FC70]  }
0x11f: {  	v8 =	vmax.f32 v19, v20;
	v19 =	vld [tilespmem:$0x1FC40]  }
0x120: {  	v1 =	vmax.f32 v4, v5;
	v4 =	vmax.f32 v10, v11;
	v10 =	vmax.f32 v29, v30;
	v29 =	vld [tilespmem:$0x1FC80]  }
0x121: {  	v30 =	vld [tilespmem:$0x1FC90]  }
0x122: {  	v11 =	vmax.f32 v31, v16;
	v31 =	vld [tilespmem:$0x1FCA0]  }
0x123: {  	v15 =	vmax.f32 v22, v23;
	v22 =	vld [tilespmem:$0x1FCB0]  }
0x124: {  	v20 =	vld [tilespmem:$0x1FC50]  }
0x125: {  	v23 =	vld [tilespmem:$0x1FCC0]  }
0x126: {  	v16 =	vmax.f32 v29, v30;
	v29 =	vld [tilespmem:$0x1FCD0]  }
0x127: {  	v30 =	vld [tilespmem:$0x1FCE0]  }
0x128: {  	v5 =	vmax.f32 v13, v14;
	v13 =	vmax.f32 v17, v18;
	v17 =	vmax.f32 v31, v22;
	v31 =	vld [tilespmem:$0x1FCF0];
	_ =	sdelay $0x3  }
0x129: {  	v18 =	vmax.f32 v23, v29;
	v29 =	vld [tilespmem:$0x1FD00]  }
0x12a: {  	v14 =	vmax.f32 v19, v20;
	v19 =	vmax.f32 v30, v31;
	v30 =	vld [tilespmem:$0x1FD10];
	_ =	sdelay $0x3  }
0x12b: {  	v31 =	vld [tilespmem:$0x1FD20]  }
0x12c: {  	v20 =	vmax.f32 v29, v30;
	v30 =	vld [tilespmem:$0x1FD40]  }
0x12d: {  	v29 =	vld [tilespmem:$0x1FD30];
	_ =	sdelay $0x3  }
0x12e: {  	v12 =	vmax.f32 v12, v30;
	v30 =	vld [tilespmem:$0x1FD70]  }
0x12f: {  	v22 =	vmax.f32 v31, v29;
	v31 =	vld [tilespmem:$0x1FD50];
	_ =	sdelay $0x2  }
0x130: {  	v29 =	vld [tilespmem:$0x1FD60]  }
0x131: {  	v2 =	vmax.f32 v2, v30;
	v30 =	vld [tilespmem:$0x1FDA0]  }
0x132: {  	v21 =	vmax.f32 v21, v31;
	v31 =	vld [tilespmem:$0x1FD80];
	_ =	sdelay $0x2  }
0x133: {  	v1 =	vmax.f32 v1, v29;
	v29 =	vld [tilespmem:$0x1FD90]  }
0x134: {  	v5 =	vmax.f32 v5, v30;
	v30 =	vld [tilespmem:$0x1FDD0]  }
0x135: {  	v3 =	vmax.f32 v3, v31;
	v31 =	vld [tilespmem:$0x1FDB0];
	_ =	sdelay $0x2  }
0x136: {  	v4 =	vmax.f32 v4, v29;
	v29 =	vld [tilespmem:$0x1FDC0]  }
0x137: {  	v8 =	vmax.f32 v8, v30;
	v30 =	vld [tilespmem:$0x1FE00]  }
0x138: {  	v6 =	vmax.f32 v6, v31;
	v31 =	vld [tilespmem:$0x1FDE0];
	_ =	sdelay $0x2  }
0x139: {  	v7 =	vmax.f32 v7, v29;
	v29 =	vld [tilespmem:$0x1FDF0]  }
0x13a: {  	v11 =	vmax.f32 v11, v30;
	v30 =	vld [tilespmem:$0x1FE30]  }
0x13b: {  	v9 =	vmax.f32 v9, v31;
	v31 =	vld [tilespmem:$0x1FE10];
	_ =	sdelay $0x2  }
0x13c: {  	v10 =	vmax.f32 v10, v29;
	v29 =	vld [tilespmem:$0x1FE20]  }
0x13d: {  	v15 =	vmax.f32 v15, v30;
	v30 =	vld [tilespmem:$0x1FE60]  }
0x13e: {  	v13 =	vmax.f32 v13, v31;
	v31 =	vld [tilespmem:$0x1FE40];
	_ =	sdelay $0x2  }
0x13f: {  	v14 =	vmax.f32 v14, v29;
	v29 =	vld [tilespmem:$0x1FE50]  }
0x140: {  	v18 =	vmax.f32 v18, v30;
	v30 =	vld [tilespmem:$0x1FE90]  }
0x141: {  	v16 =	vmax.f32 v16, v31;
	v31 =	vld [tilespmem:$0x1FE70];
	_ =	sdelay $0x2  }
0x142: {  	v17 =	vmax.f32 v17, v29;
	v29 =	vld [tilespmem:$0x1FE80]  }
0x143: {  	v23 =	vmax.f32 v12, v27;
	v27 =	vmax.f32 v4, v30;
	v4 =	vld [tilespmem:$0x1FEB0]  }
0x144: {  	v19 =	vmax.f32 v19, v31;
	v31 =	vld [tilespmem:$0x1FEA0]  }
0x145: {  	v32 =	vmax.f32 v1, v32;
	v1 =	vld [tilespmem:$0x1FFB0];
	_ =	sdelay $0x2  }
0x146: {  	v22 =	vmax.f32 v22, v26;
	v26 =	vmax.f32 v3, v29;
	v29 =	vmax.f32 v6, v4;
	v4 =	vld [tilespmem:$0x1FF00]  }
0x147: {  	v21 =	vmax.f32 v21, v28;
	v28 =	vmax.f32 v5, v31;
	v5 =	vld [tilespmem:$0x1FEC0]  }
0x148: {  	[tilespmem:$0x1FFD0] =	vst v50;
	v50 =	vsel vm6, $0x3F800000, v25;
	v17 =	vmax.f32 v17, v1;
	v1 =	vld [tilespmem:$0x1FFC0]  }
0x149: {  	[tilespmem:$0x1FF90] =	vst v39;
	v39 =	vsel vm7, $0x3F800000, v25;
	v32 =	vmax.f32 v32, v50;
	v50 =	vld [tilespmem:$0x1FFE0]  }
0x14a: {  	[tilespmem:$0x1FF50] =	vst v36;
	v36 =	vsel vm9, $0x3F800000, v25;
	v38 =	vsel vm2, $0x3F800000, v25;
	v20 =	vmax.f32 v20, v24;
	v6 =	vld [tilespmem:$0x1FED0]  }
0x14b: {  	v55 =	vsel vm10, $0x3F800000, v25;
	v20 =	vmax.f32 v20, v61;
	vm6 =	vnez.u8 v4;
	v4 =	vld [tilespmem:$0x1FF40]  }
0x14c: {  	v61 =	vsel vm1, $0x3F800000, v25;
	v22 =	vmax.f32 v22, v60;
	v30 =	vmax.f32 v7, v5;
	v5 =	vld [tilespmem:$0x1FF10]  }
0x14d: {  	v60 =	vsel vm13, $0x3F800000, v25;
	v33 =	vmax.f32 v2, v33;
	v19 =	vmax.f32 v19, v1;
	v1 =	vld [tilespmem:$0x1FFD0]  }
0x14e: {  	v2 =	vsel vm12, $0x3F800000, v25;
	vm12 =	veq.s32 v58, v0;
	v21 =	vmax.f32 v21, v55;
	v7 =	vld [tilespmem:$0x1FEE0]  }
0x14f: {  	v55 =	vsel vm14, $0x3F800000, v25;
	v33 =	vmax.f32 v33, v39;
	v31 =	vmax.f32 v8, v6;
	v6 =	vld [tilespmem:$0x1FF20]  }
0x150: {  	vm14 =	veq.s32 v35, v0;
	v16 =	vmax.f32 v16, v63;
	vm8 =	vnez.u8 v4;
	v4 =	vld [tilespmem:$0x1FF70]  }
0x151: {  	v63 =	vsel vm5, $0x3F800000, v25;
	v18 =	vmax.f32 v18, v62;
	v10 =	vmax.f32 v10, v5;
	v5 =	vld [tilespmem:$0x1FF50]  }
0x152: {  	v62 =	vsel vm3, $0x3F800000, v25;
	vm5 =	vnez.u8 v50;
	v2 =	vmax.f32 v16, v2;
	v8 =	vld [tilespmem:$0x1FEF0]  }
0x153: {  	v16 =	vmax.f32 v20, v55;
	v55 =	vimm.f32 $1.000000000e+00;
	vm11 =	vnez.u8 v7;
	v7 =	vld [tilespmem:$0x1FF30]  }
0x154: {  	v3 =	vsel vm4, $0x3F800000, v25;
	vm4 =	veq.s32 v41, v0;
	vm7 =	vnez.u8 v6;
	v6 =	vld [tilespmem:$0x1FF60]  }
0x155: {  	v26 =	vmax.f32 v26, v38;
	v27 =	vmax.f32 v27, v36;
	v14 =	vmax.f32 v14, v4;
	v4 =	vld [tilespmem:$0x1FF90]  }
0x156: {  	v38 =	vsel vm14, $0x3F800000, v25;
	vm14 =	veq.s32 v49, v0;
	v13 =	vmax.f32 v13, v5;
	v5 =	vld [tilespmem:$0x1FF80]  }
0x157: {  	v23 =	vmax.f32 v23, v1;
	v24 =	vmax.f32 v9, v8;
	v9 =	vsel vm6, $0x3F800000, v25  }
0x158: {  	vm6 =	veq.s32 v54, v0;
	v12 =	vsel vm11, $0x3F800000, v25;
	v8 =	vsel vm7, $0x3F800000, v25  }
0x159: {  	v9 =	vmax.f32 v29, v9;
	vm7 =	veq.s32 v47, v0;
	v11 =	vmax.f32 v11, v7  }
0x15a: {  	v7 =	vsel vm8, $0x3F800000, v25;
	vm9 =	vnez.u8 v6;
	v15 =	vmax.f32 v15, v4;
	v4 =	vld [tilespmem:$0x1FFA0]  }
0x15b: {  	vm8 =	veq.s32 v56, v0;
	v6 =	vsel vm9, $0x3F800000, v25;
	vm10 =	vnez.u8 v5  }
0x15c: {  	v3 =	vmax.f32 v14, v3;
	v14 =	vmax.f32 v18, v60;
	v5 =	vsel vm10, $0x3F800000, v25  }
0x15d: {  	v60 =	vsel vm6, $0x3F800000, v25;
	vm9 =	veq.s32 v53, v0;
	v5 =	vmax.f32 v10, v5  }
0x15e: {  	v10 =	vmax.f32 v13, v63;
	v13 =	vmax.f32 v17, v61;
	v61 =	vsel vm7, $0x3F800000, v25  }
0x15f: {  	[tilespmem:s13+$0x1800] =	vst v55;
	v18 =	vmax.f32 v21, v61;
	v21 =	vsel vm9, $0x3F800000, v25;
	vm11 =	vnez.u8 v4  }
0x160: {  	[tilespmem:s13+$0x2200] =	vst v55;
	v17 =	vmax.f32 v23, v60;
	v23 =	vmax.f32 v33, v21;
	v33 =	vld [tilespmem:$0x1FFF0];
	v4 =	vsel vm11, $0x3F800000, v25  }
0x161: {  	[tilespmem:s17+$0x1800] =	vst v17;
	v4 =	vmax.f32 v11, v4;
	v11 =	vmax.f32 v15, v62;
	v62 =	vsel vm8, $0x3F800000, v25  }
0x162: {  	v12 =	vmax.f32 v28, v12;
	vm10 =	veq.s32 v59, v0;
	[tilespmem:s13+$0x1900] =	vst v18;
	v63 =	vmax.f32 v32, v62  }
0x163: {  	v8 =	vmax.f32 v30, v8;
	v28 =	vsel vm10, $0x3F800000, v25;
	vm11 =	veq.s32 v51, v0;
	[tilespmem:s15+$0x1800] =	vst v63  }
0x164: {  	v7 =	vmax.f32 v31, v7;
	v29 =	vmax.f32 v26, v28;
	v30 =	vsel vm11, $0x3F800000, v25;
	[tilespmem:s13+$0x1A00] =	vst v23  }
0x165: {  	v31 =	vmax.f32 v27, v30;
	v32 =	vsel vm12, $0x3F800000, v25;
	vm13 =	veq.s32 v33, v0;
	[tilespmem:s31+$0x1800] =	vst v29  }
0x166: {  	v1 =	vsel vm15, $0x3F800000, v25;
	v12 =	vmax.f32 v12, v32;
	v36 =	vsel vm13, $0x3F800000, v25;
	[tilespmem:s13+$0x1B00] =	vst v31  }
0x167: {  	vm15 =	veq.s32 v44, v0;
	v44 =	vsel vm4, $0x3F800000, v25;
	v9 =	vmax.f32 v9, v36;
	[tilespmem:s16+$0x1800] =	vst v12  }
0x168: {  	v39 =	vsel vm15, $0x3F800000, v25;
	v8 =	vmax.f32 v8, v38;
	v6 =	vmax.f32 v24, v6;
	[tilespmem:s13+$0x2000] =	vst v9  }
0x169: {  	v7 =	vmax.f32 v7, v39;
	v15 =	vsel vm5, $0x3F800000, v25;
	vm5 =	veq.s32 v48, v0;
	[tilespmem:s18+$0x1800] =	vst v8  }
0x16a: {  	vm6 =	veq.s32 v46, v0;
	v6 =	vmax.f32 v6, v44;
	v47 =	vsel vm5, $0x3F800000, v25;
	[tilespmem:s13+$0x2100] =	vst v7  }
0x16b: {  	vm7 =	veq.s32 v52, v0;
	v48 =	vsel vm6, $0x3F800000, v25;
	v5 =	vmax.f32 v5, v47;
	[tilespmem:s19+$0x1800] =	vst v6  }
0x16c: {  	v50 =	vsel vm7, $0x3F800000, v25;
	vm8 =	veq.s32 v34, v0;
	v4 =	vmax.f32 v4, v48;
	[tilespmem:s20+$0x1800] =	vst v5  }
0x16d: {  	vm9 =	veq.s32 v43, v0;
	v51 =	vmax.f32 v10, v50;
	v52 =	vsel vm8, $0x3F800000, v25;
	[tilespmem:s13+$0x2300] =	vst v4  }
0x16e: {  	vm10 =	veq.s32 v37, v0;
	v53 =	vsel vm9, $0x3F800000, v25;
	v3 =	vmax.f32 v3, v52;
	[tilespmem:s21+$0x1800] =	vst v51  }
0x16f: {  	v54 =	vsel vm10, $0x3F800000, v25;
	vm11 =	veq.s32 v45, v0;
	v4 =	vmax.f32 v11, v53;
	[tilespmem:s13+$0x2800] =	vst v3  }
0x170: {  	v2 =	vmax.f32 v2, v54;
	v55 =	vsel vm11, $0x3F800000, v25;
	vm12 =	veq.s32 v42, v0;
	[tilespmem:s22+$0x1800] =	vst v4  }
0x171: {  	p0 =	sne.s32 s12, $0xF0;
	v56 =	vsel vm12, $0x3F800000, v25;
	vm13 =	veq.s32 v40, v0;
	v3 =	vmax.f32 v13, v55;
	[tilespmem:s13+$0x2900] =	vst v2  }
.Ltmp0:
0x172: {  	v1 =	vmax.f32 v19, v1;
	v58 =	vmax.f32 v14, v56;
	v59 =	vsel vm13, $0x3F800000, v25;
	[tilespmem:s23+$0x1800] =	vst v3;
	(pc) =	sbr.rel @p0 .LBB2_2-.Ltmp0, $4  }
0x173: {  	vm15 =	veq.s32 v57, v0;
	v60 =	vsel vm14, $0x3F800000, v25;
	v1 =	vmax.f32 v1, v59;
	[tilespmem:s13+$0x2A00] =	vst v58  }
0x174: {  	v61 =	vmax.f32 v22, v15;
	v62 =	vmax.f32 v16, v60;
	v63 =	vsel vm15, $0x3F800000, v25;
	[tilespmem:s24+$0x1800] =	vst v1  }
0x175: {  	v0 =	vmax.f32 v61, v63;
	[tilespmem:s13+$0x2B00] =	vst v62  }
0x176: {  	s11 =	sadd.s32 $0x80, s11;
	s12 =	sadd.s32 $0x10, s12;
	[tilespmem:s25+$0x1800] =	vst v0  }
0x177: {  	s10 =	sadd.s32 $0x1, s10  }
0x178: {  	p0 =	sne.s32 s10, s5  }
.Ltmp1:
0x179: {  	_ = 	snop;
	(pc) =	sbr.rel @p0 .LBB2_1-.Ltmp1, $4  }
0x17a: {  	[hbm4b:s4+s6] =	stream.strided.scatter [tilespmem:s9], [sflag:$0x1], $0x1800, s7, s6, $0x38;
	[tilespmem:$0x3000] =	vst v63  }
0x17b: {  	_ =	swait.ge [sflag:s8], $0x1800  }
0x17c: {  	[sflag:s8] =	ssyncset.done $0x0  }
0x17d: {  	[sflag:s8] =	ssyncadd.s32 $0xFFFFE800  }
0x17e: {  	_ =	sfence.sel $0x180000  }
0x17f: {  	[bflag:$0x0] =	sbarrier.arrive $0xFFFF  }
0x180: {  	p0 =	sne.s32 s1, $0x0;
	_ =	strace $0x9000004A  }
0x181: {  	s0 =	sadd.s32 @!p0 $0x100000, s0;
	[bflag:$0x2] =	sbarrier.arrive $0xFFFF  }
0x182: {  	[sflag:s0] =	ssyncadd.tile.s32 @!p0 $0x1;
	_ =	shalt  }
.Lfunc_end2:
_tile_overlayer_lowered:
.L_overlay_start_2:
0x183: {  	(tag) =	ssettag $0x2  }
0x184: {  	s0 =	rddreg [dreg:$0x0];
	s2 =	stileid.u32  }
0x185: {  	s1 =	rddreg [dreg:$0x1];
	p0 =	sne.s32 s2, $0x0  }
0x186: {  	s3 =	rddreg [dreg:$0x2];
	[bflag:$0x3] =	sbarrier.arrive $0xFFFF;
	s2 =	simm.s32 @!p0 $0x1C01  }
0x187: {  	[timem:s3], [sflag:s2] =	dma.local @!p0 [hbm:s0], s1  }
0x188: {  	s0 =	simm.s32 @!p0 $0x1  }
0x189: {  	_ =	swait.ge @!p0 [sflag:s0], s1  }
0x18a: {  	s1 =	ssub.s32 @!p0 $0x0, s1;
	[sflag:s0] =	ssyncset.done @!p0 $0x0  }
0x18b: {  	[sflag:s0] =	ssyncadd.s32 @!p0 s1  }
0x18c: {  	[bflag:$0x3] =	sbarrier.arrive $0xFFFF  }
0x18d: {  	_ =	shalt  }

// kernel: kernel.9.cloned.1.call-start
scs
__scs_entry_jumppad:
0x0: {  	(pc) =	sbr.rel $0x88, $3  }
0x1: {  	(tag) =	ssettag $0x0;
	lr =	simm.s32 $0x1  }
0x2: {  	[smem:$0x3F9A] =	sst lr;
	_ =	strace $0xD0000000  }
0x3: {  	_ = 	snop  }
0x4: {  	_ = 	snop  }
0x5: {  	_ = 	snop  }
0x6: {  	_ = 	snop  }
0x7: {  	_ = 	snop  }
__scs_overlays_trampoline_lowered:
0x8: {  	[smem:$0x3FA9] =	sst s0  }
0x9: {  	[smem:$0x3FAA] =	sst s1  }
0xa: {  	[smem:$0x3FAB] =	sst s2  }
0xb: {  	[smem:$0x3FAC] =	sst s3  }
0xc: {  	[smem:$0x3FAD] =	sst s4  }
0xd: {  	[smem:$0x3FAE] =	sst s5  }
0xe: {  	[smem:$0x3FAF] =	sst s6  }
0xf: {  	[smem:$0x3FB0] =	sst s7  }
0x10: {  	[smem:$0x3FB1] =	sst s8  }
0x11: {  	[smem:$0x3FB2] =	sst s9;
	s0 =	simm.s32 @!p0 $0x0  }
0x12: {  	s1 =	sld [smem:$0x3F98];
	s0 =	simm.s32 @p0 $0x1  }
0x13: {  	[smem:$0x3FB3] =	sst s0;
	s0 =	simm.s32 @!p1 $0x0  }
0x14: {  	s2 =	sld [smem:$0x3F97];
	s0 =	simm.s32 @p1 $0x1  }
0x15: {  	[smem:$0x3FB4] =	sst s0;
	s0 =	simm.s32 @!p2 $0x0  }
0x16: {  	s3 =	sld [smem:$0x3FDB];
	s0 =	simm.s32 @p2 $0x1  }
0x17: {  	s4 =	simm.s32 $0x1BF5;
	[smem:$0x3FB6] =	sst s0  }
0x18: {  	s0 =	sld [smem:$0x3F99];
	_ =	swait.ge [sflag:s4], $0x0  }
0x19: {  	s7 =	sld [smem:$0x3F9A]  }
0x1a: {  	s8 =	sadd.s32 $0xFFFFE003, lr  }
0x1b: {  	s9 =	sadd.s32 $0xFFFFFEF7, lr;
	s5 =	simm.s32 $0xFFFFFFFF;
	p2 =	slt.u32 s8, $0xFFFFF086  }
0x1c: {  	p1 =	slt.u32 s9, $0xF7A;
	s5 =	simm.s32 @!p2 $0x0  }
0x1d: {  	s5 =	simm.s32 @p1 $0x1;
	p0 =	seq.s32 s7, s2  }
0x1e: {  	s7 =	smul.u32 @!p0 $0xF7A, s2;
	p2 =	seq.s32 @!p0 s5, $0x0  }
0x1f: {  	s9 =	smul.u32 $0xF7A, s1;
	s8 =	simm.s32 @!p0 $0x1BF5;
	p2 =	por !p2, p0  }
0x20: {  	[sflag:s8] =	ssyncset.s32 @!p0 $0xFFFFF086;
	s6 =	sadd.s32 @!p0 s3, s7;
	s7 =	simm.s32 @!p0 $0x108  }
0x21: {  	s3 =	sadd.s32 s3, s9;
	s6 =	sadd.s32 @!p0 $0x88, s6;
	s7 =	simm.s32 @p2 $0x1082  }
0x22: {  	[simem:s7], [sflag:s8] =	dma.local @!p0 [hbm:s6], $0xF7A  }
0x23: {  	s9 =	sor.u32 $0xD0000000, s2;
	s6 =	simm.s32 $0x108;
	_ =	swait.ge @!p0 [sflag:s8], $0x0  }
0x24: {  	s3 =	sadd.s32 $0x88, s3;
	s6 =	simm.s32 @!p1 $0x1082;
	[sflag:s4] =	ssyncset.s32 $0xFFFFF086  }
0x25: {  	[simem:s6], [sflag:s4] =	dma.local [hbm:s3], $0xF7A  }
0x26: {  	[smem:$0x3F9A] =	sst s1;
	(tag) =	ssettag s2;
	_ =	strace s9  }
0x27: {  	s1 =	sld [smem:$0x3FAA]  }
0x28: {  	s2 =	sld [smem:$0x3FAB]  }
0x29: {  	s4 =	sld [smem:$0x3FAD]  }
0x2a: {  	p0 =	seq.s32 s5, $0x0;
	s5 =	sld [smem:$0x3FAE]  }
0x2b: {  	s6 =	sld [smem:$0x3FAF]  }
0x2c: {  	s7 =	sld [smem:$0x3FB0]  }
0x2d: {  	s3 =	simm.s32 $0x108;
	s8 =	sld [smem:$0x3FB1]  }
0x2e: {  	s3 =	simm.s32 @!p0 $0x1082;
	s9 =	sld [smem:$0x3FB2]  }
0x2f: {  	lr =	sadd.s32 s0, s3;
	s0 =	sld [smem:$0x3FA9]  }
0x30: {  	s3 =	sld [smem:$0x3FAC]  }
0x31: {  	[smem:$0x3FB5] =	sst s10  }
0x32: {  	s10 =	sld [smem:$0x3FB3];
	_ =	sdelay $0x3  }
0x33: {  	p0 =	seq.s32 s10, $0x1;
	s10 =	sld [smem:$0x3FB5];
	_ =	sdelay $0x3  }
0x34: {  	[smem:$0x3FB5] =	sst s10  }
0x35: {  	s10 =	sld [smem:$0x3FB4];
	_ =	sdelay $0x3  }
0x36: {  	p1 =	seq.s32 s10, $0x1;
	s10 =	sld [smem:$0x3FB5];
	_ =	sdelay $0x3  }
0x37: {  	[smem:$0x3FB5] =	sst s10  }
0x38: {  	s10 =	sld [smem:$0x3FB6]  }
0x39: {  	_ = 	snop;
	(pc) =	sbr.ind lr, $3  }
0x3a: {  	_ = 	snop  }
0x3b: {  	_ = 	snop  }
0x3c: {  	p2 =	seq.s32 s10, $0x1;
	s10 =	sld [smem:$0x3FB5]  }
0x3d: {  	_ =	shalt  }
0x3e: {  	_ =	shalt  }
0x3f: {  	_ =	shalt  }
0x40: {  	_ =	shalt  }
0x41: {  	_ =	shalt  }
0x42: {  	_ =	shalt  }
0x43: {  	_ =	shalt  }
0x44: {  	_ =	shalt  }
0x45: {  	_ =	shalt  }
0x46: {  	_ =	shalt  }
0x47: {  	_ =	shalt  }
0x48: {  	_ =	shalt  }
0x49: {  	_ =	shalt  }
0x4a: {  	_ =	shalt  }
0x4b: {  	_ =	shalt  }
0x4c: {  	_ =	shalt  }
0x4d: {  	_ =	shalt  }
0x4e: {  	_ =	shalt  }
0x4f: {  	_ =	shalt  }
0x50: {  	_ =	shalt  }
0x51: {  	_ =	shalt  }
0x52: {  	_ =	shalt  }
0x53: {  	_ =	shalt  }
0x54: {  	_ =	shalt  }
0x55: {  	_ =	shalt  }
0x56: {  	_ =	shalt  }
0x57: {  	_ =	shalt  }
0x58: {  	_ =	shalt  }
0x59: {  	_ =	shalt  }
0x5a: {  	_ =	shalt  }
0x5b: {  	_ =	shalt  }
0x5c: {  	_ =	shalt  }
0x5d: {  	_ =	shalt  }
0x5e: {  	_ =	shalt  }
0x5f: {  	_ =	shalt  }
0x60: {  	_ =	shalt  }
0x61: {  	_ =	shalt  }
0x62: {  	_ =	shalt  }
0x63: {  	_ =	shalt  }
0x64: {  	_ =	shalt  }
0x65: {  	_ =	shalt  }
0x66: {  	_ =	shalt  }
0x67: {  	_ =	shalt  }
0x68: {  	_ =	shalt  }
0x69: {  	_ =	shalt  }
0x6a: {  	_ =	shalt  }
0x6b: {  	_ =	shalt  }
0x6c: {  	_ =	shalt  }
0x6d: {  	_ =	shalt  }
0x6e: {  	_ =	shalt  }
0x6f: {  	_ =	shalt  }
0x70: {  	_ =	shalt  }
0x71: {  	_ =	shalt  }
0x72: {  	_ =	shalt  }
0x73: {  	_ =	shalt  }
0x74: {  	_ =	shalt  }
0x75: {  	_ =	shalt  }
0x76: {  	_ =	shalt  }
0x77: {  	_ =	shalt  }
0x78: {  	_ =	shalt  }
0x79: {  	_ =	shalt  }
0x7a: {  	_ =	shalt  }
0x7b: {  	_ =	shalt  }
0x7c: {  	_ =	shalt  }
0x7d: {  	_ =	shalt  }
0x7e: {  	_ =	shalt  }
0x7f: {  	_ =	shalt  }
0x80: {  	_ =	shalt  }
0x81: {  	_ =	shalt  }
0x82: {  	_ =	shalt  }
0x83: {  	_ =	shalt  }
0x84: {  	_ =	shalt  }
0x85: {  	_ =	shalt  }
0x86: {  	_ =	shalt  }
0x87: {  	_ =	shalt  }
.Lfunc_end0:
.L_simem_size_0:
called_computation.1_lowered:
.L_overlay_start_0:
0x88: {  	s2 =	sld [smem:$0x3FD9]  }
0x89: {  	s3 =	sld [smem:$0x3FFE];
	_ =	sdelay $0x1  }
0x8a: {  	s1 =	srdreg.scid  }
0x8b: {  	s0 =	sand.u32 $0x1, s1  }
0x8c: {  	s17 =	sshll.u32 s0, $0xA;
	s2 =	sadd.s32 s3, s2  }
0x8d: {  	s2 =	sadd.s32 s2, s17  }
0x8e: {  	[smem:$0x3FC1] =	sst s2  }
0x8f: {  	_ = 	snop  }
0x90: {  	s2 =	sld [smem:$0x3FD0];
	(tm) =	ssettm $0x1  }
0x91: {  	s18 =	sld [smem:$0x3FFB];
	_ =	sdelay $0x3  }
0x92: {  	_ =	strace s18  }
0x93: {  	s3 =	sld [smem:$0x3FFC];
	_ =	sdelay $0x3  }
0x94: {  	_ =	strace s3  }
0x95: {  	s3 =	sld [smem:$0x3FFD];
	_ =	sdelay $0x3  }
0x96: {  	_ =	strace s3  }
0x97: {  	_ =	strace $0x8FFFFFFF  }
0x98: {  	s19 =	sld [smem:$0x3FDB];
	_ =	sdelay $0x1  }
0x99: {  	s4 =	simm.s32 $_scs_section_size  }
0x9a: {  	s5 =	simm.s32 $_size__tile_overlayer_lowered;
	s6 =	simm.s32 $_tile_overlayer_lowered  }
0x9b: {  	s22 =	simm.s32 $0x1BFF;
	s21 =	sshll.u32 s6, $0x1;
	s3 =	sadd.s32 s4, s19  }
0x9c: {  	s7 =	simm.s32 $0x0;
	s20 =	sshll.u32 s5, $0x1;
	s5 =	sadd.s32 s21, s3  }
0x9d: {  	[timem:s7], [sflag:s22] =	dma.local [hbm:s5], s20  }
0x9e: {  	_ =	swait.ge [sflag:s22], s20  }
0x9f: {  	s4 =	ssub.s32 $0x0, s20;
	[sflag:s22] =	ssyncset.done $0x0  }
0xa0: {  	[sflag:s22] =	ssyncadd.s32 s4;
	_ =	sdelay $0x1  }
0xa1: {  	s23 =	simm.s32 $0x1B8B  }
0xa2: {  	_ =	swait.ge [sflag:s23], $0x1  }
0xa3: {  	[sflag:s23] =	ssyncset.done $0x0  }
0xa4: {  	s25 =	simm.s32 $0x1B8E;
	s24 =	sld [smem:$0x3FFE];
	[sflag:s23] =	ssyncadd.s32 $0xFFFFFFFF  }
0xa5: {  	s26 =	simm.s32 $execute0_lowered;
	[smem:$0x3FD2] =	sst s25  }
0xa6: {  	s5 =	sshll.u32 s26, $0x1;
	_ =	strace $0x80000046;
	[dreg:$0x1] =	wrdreg $0xFFFFFFFF  }
0xa7: {  	s28 =	simm.s32 $_size_execute0_lowered;
	s3 =	sadd.s32 s3, s5;
	[dreg:$0x0] =	wrdreg $0x0  }
0xa8: {  	s5 =	sshll.u32 s28, $0x1;
	[dreg:$0x2] =	wrdreg s3  }
0xa9: {  	[dreg:$0x3] =	wrdreg s5  }
0xaa: {  	[dreg:$0x4] =	wrdreg $0xC0  }
0xab: {  	_ =	task [dreg:s7], $0x5FFFF  }
0xac: {  	[dreg:$0x1] =	wrdreg $0xFFFFFFFF  }
0xad: {  	[dreg:$0x0] =	wrdreg $0x60  }
0xae: {  	[dreg:$0x2] =	wrdreg s2  }
0xaf: {  	[dreg:$0x3] =	wrdreg s24  }
0xb0: {  	[dreg:$0x4] =	wrdreg $0xA  }
0xb1: {  	_ =	task.clear_ibuf [dreg:s7], $0x5FFFF;
	_ =	strace $0x90000046  }
0xb2: {  	s29 =	simm.s32 $0xA;
	_ =	strace $0x80000048  }
0xb3: {  	_ =	swait.ge [sflag:s29], $0x1  }
0xb4: {  	[sflag:s29] =	ssyncadd.s32 $0xFFFFFFFF  }
0xb5: {  	_ =	strace $0x90000048  }
0xb6: {  	_ =	sfence  }
0xb7: {  	s30 =	sld [smem:$0x0];
	_ =	sdelay $0x2  }
0xb8: {  	s31 =	sshll.u32 s1, $0xD;
	s1 =	sshrl.u32 s1, $0x2  }
0xb9: {  	s3 =	sand.u32 $0x4000, s31;
	s1 =	sadd.s32 s1, s30  }
0xba: {  	s0 =	sor.u32 s3, s0;
	s1 =	sshll.u32 s1, $0x11  }
0xbb: {  	s0 =	sor.u32 s1, s0  }
0xbc: {  	s0 =	sadd.s32 $0x8F2B, s0  }
0xbd: {  	[sflag:s0] =	ssyncadd.remote.s32 $0x1  }
0xbe: {  	_ =	sfence.sel $0xFFFF  }
0xbf: {  	[dreg:$0x0] =	wrdreg $0xFFFFFFFF;
	(pc) =	sbr.abs _section_cstart, $3  }
0xc0: {  	[dreg:$0x1] =	wrdreg $0xFFFFFFFF  }
0xc1: {  	_ =	task.clear_ibuf [dreg:s7], $0x2FFFF;
	_ =	strace $0x9FFFFFFF  }
0xc2: {  	(tm) =	ssettm $0x7FFFFFFF  }
0xc3: {  	_ =	shalt  }
tec
execute0_lowered:
.L_overlay_start_1:
0x0: {  	(tag) =	ssettag $0x1  }
0x1: {  	s3 =	rddreg [dreg:$0x0]  }
0x2: {  	s4 =	rddreg [dreg:$0x1];
	s2 =	srdreg.scid  }
0x3: {  	s0 =	rddreg [dreg:$0x2];
	s1 =	stileid.u32;
	s8 =	simm.s32 $0x1  }
0x4: {  	s9 =	simm.s32 $0x1800;
	s10 =	simm.s32 $0x0;
	s5 =	sand.u32 $0x1, s2  }
0x5: {  	s2 =	simm.s32 $0x0;
	s6 =	sshll.u32 s1, $0x9;
	s7 =	sshll.u32 s5, $0x8  }
0x6: {  	[smem:$0x7FF] =	sst s2;
	s5 =	ssub.s32 $0x2, s5;
	s6 =	sor.u32 s7, s6  }
0x7: {  	_ =	strace $0x80000047;
	s31 =	sshrl.u32 s5, $0x1;
	s7 =	simm.s32 $0x10000  }
0x8: {  	s4 =	sadd.s32 s6, s4;
	s5 =	ssub.s32 s5, s31;
	s3 =	sadd.s32 s3, s6  }
0x9: {  	v25 =	vimm.f32 $0.0e+00;
	s6 =	simm.s32 $0x800;
	s4 =	sadd.s32 $0x1800, s4;
	s5 =	smax.u32 s5, $0x1  }
.LBB2_1:
0xa: {  	[tilespmem:s2], [sflag:$0x1] =	stream.strided.gather [hbm4b:s3+s6], $0x1800, s7, s6, $0x38;
	[tilespmem:$0x3000] =	vst v63  }
0xb: {  	_ =	swait.ge [sflag:s8], $0x1800  }
0xc: {  	[sflag:s8] =	ssyncset.done $0x0  }
0xd: {  	s11 =	simm.s32 $0x0;
	s12 =	simm.s32 $0x0;
	[sflag:s8] =	ssyncadd.s32 $0xFFFFE800  }
.LBB2_2:
0xe: {  	s13 =	sand.u32 $0xFFFFFC00, s11;
	s30 =	sand.u32 $0x70, s12;
	s14 =	sand.u32 $0x400, s11  }
0xf: {  	s24 =	sadd.s32 s13, s12;
	s13 =	sor.u32 s30, s14  }
0x10: {  	v1 =	vld [tilespmem:s13+$0x100]  }
0x11: {  	s25 =	sor.u32 s12, s11;
	v4 =	vld [tilespmem:s13+$0x200]  }
0x12: {  	s16 =	sor.u32 $0x380, s25;
	v38 =	vld [tilespmem:s13+$0x300]  }
0x13: {  	v8 =	vld [tilespmem:s16+$0x0]  }
0x14: {  	v9 =	vld [tilespmem:s13+$0x800]  }
0x15: {  	v11 =	vld [tilespmem:s13+$0x900]  }
0x16: {  	s21 =	sor.u32 $0xB80, s25;
	v14 =	vld [tilespmem:s13+$0xB00]  }
0x17: {  	v15 =	vld [tilespmem:s21+$0x0]  }
0x18: {  	v56 =	vld [tilespmem:s13+$0x1000]  }
0x19: {  	s25 =	sor.u32 $0x1380, s25;
	v18 =	vld [tilespmem:s13+$0x1100]  }
0x1a: {  	s17 =	sor.u32 $0x80, s24;
	v22 =	vld [tilespmem:s25+$0x0];
	v5 =	vshra.s32 v1, $0x1F;
	v1 =	vand.u32 $0xFFFFFFE0, v1  }
0x1b: {  	s15 =	sor.u32 $0x180, s24;
	v0 =	vld [tilespmem:s17+$0x0];
	v7 =	vshra.s32 v4, $0x1F;
	v4 =	vand.u32 $0xFFFFFFE0, v4;
	v41 =	vshra.s32 v38, $0x1F  }
0x1c: {  	s31 =	sor.u32 $0x280, s24;
	v2 =	vld [tilespmem:s15+$0x0];
	v43 =	vshra.s32 v8, $0x1F;
	v44 =	vshra.s32 v9, $0x1F;
	v8 =	vand.u32 $0xFFFFFFE0, v8  }
0x1d: {  	s18 =	sor.u32 $0x880, s24;
	v6 =	vld [tilespmem:s31+$0x0];
	v9 =	vand.u32 $0xFFFFFFE0, v9;
	v50 =	vshra.s32 v11, $0x1F;
	v11 =	vand.u32 $0xFFFFFFE0, v11  }
0x1e: {  	s19 =	sor.u32 $0x980, s24;
	v42 =	vld [tilespmem:s18+$0x0];
	v58 =	vshra.s32 v14, $0x1F;
	v59 =	vshra.s32 v15, $0x1F;
	v14 =	vand.u32 $0xFFFFFFE0, v14  }
0x1f: {  	s20 =	sor.u32 $0xA80, s24;
	v12 =	vld [tilespmem:s19+$0x0];
	v15 =	vand.u32 $0xFFFFFFE0, v15;
	v23 =	vshra.s32 v56, $0x1F;
	v31 =	vshra.s32 v18, $0x1F  }
0x20: {  	s22 =	sor.u32 $0x1080, s24;
	v48 =	vld [tilespmem:s20+$0x0];
	v18 =	vand.u32 $0xFFFFFFE0, v18;
	v24 =	vshra.s32 v22, $0x1F;
	v22 =	vand.u32 $0xFFFFFFE0, v22  }
0x21: {  	s23 =	sor.u32 $0x1180, s24;
	v17 =	vld [tilespmem:s22+$0x0];
	v3 =	vshra.s32 v0, $0x1F;
	v0 =	vand.u32 $0xFFFFFFE0, v0;
	v5 =	vand.u32 $0x7FFFFFE0, v5  }
0x22: {  	v28 =	vld [tilespmem:s23+$0x0];
	v37 =	vshra.s32 v2, $0x1F;
	v2 =	vand.u32 $0xFFFFFFE0, v2;
	v7 =	vand.u32 $0x7FFFFFE0, v7  }
0x23: {  	v39 =	vshra.s32 v6, $0x1F;
	v6 =	vand.u32 $0xFFFFFFE0, v6;
	v13 =	vand.u32 $0x7FFFFFE0, v44  }
0x24: {  	v47 =	vshra.s32 v42, $0x1F;
	v49 =	vand.u32 $0xFFFFFFE0, v42;
	v51 =	vshra.s32 v12, $0x1F  }
0x25: {  	v12 =	vand.u32 $0xFFFFFFE0, v12;
	v55 =	vshra.s32 v48, $0x1F;
	v57 =	vand.u32 $0xFFFFFFE0, v48  }
0x26: {  	v19 =	vand.u32 $0x7FFFFFE0, v59;
	v29 =	vshra.s32 v17, $0x1F;
	v17 =	vand.u32 $0xFFFFFFE0, v17  }
0x27: {  	v34 =	vshra.s32 v28, $0x1F;
	v24 =	vand.u32 $0x7FFFFFE0, v24;
	v3 =	vand.u32 $0x7FFFFFE0, v3  }
0x28: {  	v36 =	vxor.u32 v1, v5;
	v10 =	vand.u32 $0x7FFFFFE0, v39;
	v40 =	vxor.u32 v4, v7  }
0x29: {  	v5 =	vand.u32 $0xFFFFFFE0, v38;
	v7 =	vand.u32 $0x7FFFFFE0, v43;
	v46 =	vxor.u32 v9, v13  }
0x2a: {  	v16 =	vand.u32 $0x7FFFFFE0, v51;
	v13 =	vand.u32 $0x7FFFFFE0, v58;
	v62 =	vxor.u32 v15, v19  }
0x2b: {  	v20 =	vld [tilespmem:s13+$0x1200];
	v30 =	vand.u32 $0x7FFFFFE0, v29;
	v19 =	vand.u32 $0x7FFFFFE0, v31;
	v15 =	vand.u32 $0xFFFFFFE0, v28  }
0x2c: {  	v33 =	vld [tilespmem:s13+$0x1300];
	v38 =	vxor.u32 v22, v24;
	v0 =	vxor.u32 v0, v3;
	v3 =	vand.u32 $0x7FFFFFE0, v37  }
0x2d: {  	v6 =	vxor.u32 v6, v10;
	v4 =	vor.u32 $0x1B, v40;
	v45 =	vxor.u32 v8, v7  }
0x2e: {  	v8 =	vand.u32 $0x7FFFFFE0, v47;
	v10 =	vand.u32 $0x7FFFFFE0, v50;
	v53 =	vxor.u32 v12, v16  }
0x2f: {  	v61 =	vxor.u32 v14, v13;
	v63 =	vor.u32 $0x10, v62;
	v14 =	vand.u32 $0x7FFFFFE0, v23  }
0x30: {  	v16 =	vand.u32 $0xFFFFFFE0, v56;
	v32 =	vxor.u32 v18, v19;
	v19 =	vand.u32 $0x7FFFFFE0, v34  }
0x31: {  	s24 =	sor.u32 $0x1280, s24;
	v23 =	vshra.s32 v20, $0x1F;
	v20 =	vand.u32 $0xFFFFFFE0, v20;
	v37 =	vshra.s32 v33, $0x1F  }
0x32: {  	v21 =	vld [tilespmem:s24+$0x0];
	v18 =	vand.u32 $0xFFFFFFE0, v33;
	v1 =	vor.u32 $0x1E, v0;
	v0 =	vor.u32 $0x1D, v36  }
0x33: {  	v2 =	vxor.u32 v2, v3;
	v7 =	vor.u32 $0x18, v45;
	v8 =	vxor.u32 v49, v8  }
0x34: {  	v52 =	vxor.u32 v11, v10;
	v54 =	vor.u32 $0x14, v53;
	v11 =	vand.u32 $0x7FFFFFE0, v55  }
0x35: {  	v13 =	vor.u32 $0x11, v61;
	v14 =	vxor.u32 v16, v14;
	v16 =	vxor.u32 v17, v30  }
0x36: {  	v17 =	vor.u32 $0xD, v32;
	v15 =	vxor.u32 v15, v19;
	v35 =	vand.u32 $0x7FFFFFE0, v23  }
0x37: {  	v36 =	vshra.s32 v21, $0x1F;
	v21 =	vand.u32 $0xFFFFFFE0, v21;
	v23 =	vand.u32 $0x7FFFFFE0, v37  }
0x38: {  	v3 =	vor.u32 $0x1C, v2;
	v2 =	vor.u32 $0x1A, v6;
	v6 =	vand.u32 $0x7FFFFFE0, v41  }
0x39: {  	v9 =	vor.u32 $0x16, v8;
	v10 =	vor.u32 $0x15, v52;
	v11 =	vxor.u32 v57, v11  }
0x3a: {  	v14 =	vor.u32 $0xF, v14;
	v16 =	vor.u32 $0xE, v16;
	v15 =	vor.u32 $0xC, v15  }
0x3b: {  	v19 =	vxor.u32 v20, v35;
	v20 =	vand.u32 $0x7FFFFFE0, v36;
	v18 =	vxor.u32 v18, v23  }
0x3c: {  	vm0 =	vgt.s32 v1, v0;
	vm15 =	vgt.s32 v13, v63;
	v5 =	vxor.u32 v5, v6  }
0x3d: {  	v60 =	vor.u32 $0x12, v11;
	v19 =	vor.u32 $0xB, v19;
	v20 =	vxor.u32 v21, v20  }
0x3e: {  	v18 =	vor.u32 $0x9, v18;
	v21 =	vor.u32 $0x8, v38;
	vm1 =	vgt.s32 v3, v4  }
0x3f: {  	v39 =	vsel vm0, v1, v0;
	vm13 =	vgt.s32 v9, v10;
	vm4 =	vgt.s32 v14, v16  }
0x40: {  	vm5 =	vgt.s32 v17, v15;
	v29 =	vsel vm15, v13, v63;
	v6 =	vor.u32 $0x19, v5  }
0x41: {  	v5 =	vor.u32 $0x17, v46;
	v20 =	vor.u32 $0xA, v20;
	v40 =	vsel vm1, v3, v4  }
0x42: {  	vm14 =	vgt.s32 v54, v60;
	v27 =	vsel vm13, v9, v10;
	v30 =	vsel vm4, v14, v16  }
0x43: {  	v31 =	vsel vm5, v17, v15;
	vm7 =	vgt.s32 v18, v21;
	vm2 =	vgt.s32 v2, v6  }
0x44: {  	vm12 =	vgt.s32 v7, v5;
	v28 =	vsel vm14, v54, v60;
	vm6 =	vgt.s32 v19, v20  }
0x45: {  	vm8 =	vgt.s32 v39, v40;
	v33 =	vsel vm7, v18, v21;
	vm11 =	vgt.s32 v29, v30  }
0x46: {  	v24 =	vsel vm2, v2, v6;
	v26 =	vsel vm12, v7, v5;
	v32 =	vsel vm6, v19, v20  }
0x47: {  	v22 =	vsel vm8, v39, v40;
	vm10 =	vgt.s32 v27, v28;
	vm9 =	vgt.s32 v24, v26  }
0x48: {  	v41 =	vsel vm9, v24, v26;
	v24 =	vsel vm10, v27, v28;
	v26 =	vsel vm11, v29, v30  }
0x49: {  	vm12 =	vgt.s32 v31, v32;
	vm13 =	vgt.s32 v22, v41;
	vm2 =	vgt.s32 v24, v26  }
0x4a: {  	v27 =	vsel vm12, v31, v32;
	v22 =	vsel vm13, v22, v41;
	v42 =	vsel vm2, v24, v26  }
0x4b: {  	vm0 =	vgt.s32 v27, v33;
	vm1 =	vgt.s32 v22, v42  }
0x4c: {  	v24 =	vsel vm0, v27, v33;
	v22 =	vsel vm1, v22, v42  }
0x4d: {  	vm0 =	vgt.s32 v22, v24  }
0x4e: {  	v32 =	vimm.s32 $0x0;
	v22 =	vsel vm0, v22, v24  }
0x4f: {  	vm0 =	veq.s32 v1, v22;
	vm14 =	veq.s32 v0, v22;
	vm15 =	veq.s32 v3, v22  }
0x50: {  	vm4 =	veq.s32 v4, v22;
	vm5 =	veq.s32 v2, v22;
	vm6 =	veq.s32 v6, v22  }
0x51: {  	vm7 =	veq.s32 v7, v22;
	vm8 =	veq.s32 v5, v22;
	vm9 =	veq.s32 v9, v22  }
0x52: {  	vm10 =	veq.s32 v10, v22;
	vm11 =	veq.s32 v54, v22;
	vm12 =	veq.s32 v60, v22  }
0x53: {  	vm13 =	veq.s32 v13, v22;
	vm1 =	veq.s32 v14, v22;
	vm2 =	veq.s32 v15, v22  }
0x54: {  	vm3 =	veq.s32 v19, v22;
	v43 =	vsel vm0, $0x3F800000, v25;
	v1 =	vsel vm0, $0x80000000, v1  }
0x55: {  	v44 =	vsel vm14, $0x3F800000, v25;
	v0 =	vsel vm14, $0x80000000, v0;
	v45 =	vsel vm15, $0x3F800000, v25  }
0x56: {  	v3 =	vsel vm15, $0x80000000, v3;
	v46 =	vsel vm4, $0x3F800000, v25;
	v4 =	vsel vm4, $0x80000000, v4  }
0x57: {  	v47 =	vsel vm5, $0x3F800000, v25;
	v2 =	vsel vm5, $0x80000000, v2;
	v48 =	vsel vm6, $0x3F800000, v25  }
0x58: {  	v6 =	vsel vm6, $0x80000000, v6;
	v49 =	vsel vm7, $0x3F800000, v25;
	v7 =	vsel vm7, $0x80000000, v7  }
0x59: {  	v50 =	vsel vm8, $0x3F800000, v25;
	v5 =	vsel vm8, $0x80000000, v5;
	v51 =	vsel vm9, $0x3F800000, v25  }
0x5a: {  	v9 =	vsel vm9, $0x80000000, v9;
	v52 =	vsel vm10, $0x3F800000, v25;
	v10 =	vsel vm10, $0x80000000, v10  }
0x5b: {  	v53 =	vsel vm11, $0x3F800000, v25;
	v8 =	vsel vm11, $0x80000000, v54;
	v54 =	vsel vm12, $0x3F800000, v25  }
0x5c: {  	v12 =	vsel vm12, $0x80000000, v60;
	v55 =	vsel vm13, $0x3F800000, v25;
	v13 =	vsel vm13, $0x80000000, v13  }
0x5d: {  	vm6 =	veq.s32 v63, v22;
	vm0 =	veq.s32 v16, v22;
	v14 =	vsel vm1, $0x80000000, v14  }
0x5e: {  	vm4 =	veq.s32 v17, v22;
	v15 =	vsel vm2, $0x80000000, v15;
	v19 =	vsel vm3, $0x80000000, v19  }
0x5f: {  	vm7 =	veq.s32 v20, v22;
	vm8 =	veq.s32 v18, v22;
	vm5 =	veq.s32 v21, v22  }
0x60: {  	v38 =	vsel vm2, $0x3F800000, v25;
	v39 =	vsel vm3, $0x3F800000, v25;
	v11 =	vsel vm6, $0x80000000, v63  }
0x61: {  	v16 =	vsel vm0, $0x80000000, v16;
	v17 =	vsel vm4, $0x80000000, v17;
	v20 =	vsel vm7, $0x80000000, v20  }
0x62: {  	v18 =	vsel vm8, $0x80000000, v18;
	v21 =	vsel vm5, $0x80000000, v21;
	vm9 =	vgt.s32 v1, v0  }
0x63: {  	vm10 =	vgt.s32 v3, v4;
	vm11 =	vgt.s32 v2, v6;
	vm14 =	vgt.s32 v7, v5  }
0x64: {  	vm15 =	vgt.s32 v9, v10;
	vm12 =	vgt.s32 v8, v12;
	v36 =	vsel vm0, $0x3F800000, v25  }
0x65: {  	v37 =	vsel vm4, $0x3F800000, v25;
	v40 =	vsel vm7, $0x3F800000, v25;
	v41 =	vsel vm8, $0x3F800000, v25  }
0x66: {  	[tilespmem:$0x1FBC0] =	vst v53;
	v42 =	vsel vm5, $0x3F800000, v25;
	v53 =	vimm.s32 $0x0;
	v56 =	vsel vm9, v1, v0  }
0x67: {  	v57 =	vsel vm10, v3, v4;
	v24 =	vsel vm11, v2, v6;
	v26 =	vsel vm14, v7, v5  }
0x68: {  	v27 =	vsel vm15, v9, v10;
	v58 =	vsel vm12, v8, v12;
	vm13 =	vgt.s32 v13, v11  }
0x69: {  	vm14 =	vgt.s32 v14, v16;
	vm15 =	vgt.s32 v17, v15;
	vm12 =	vgt.s32 v19, v20  }
0x6a: {  	v59 =	vsel vm13, v13, v11;
	v60 =	vsel vm14, v14, v16;
	v61 =	vsel vm15, v17, v15  }
0x6b: {  	vm13 =	vgt.s32 v18, v21;
	vm14 =	vgt.s32 v56, v57;
	v62 =	vsel vm12, v19, v20  }
0x6c: {  	vm15 =	vgt.s32 v24, v26;
	vm12 =	vgt.s32 v27, v58;
	v63 =	vsel vm13, v18, v21  }
0x6d: {  	v22 =	vsel vm14, v56, v57;
	vm13 =	vgt.s32 v59, v60;
	v34 =	vsel vm15, v24, v26  }
0x6e: {  	[tilespmem:$0x1FBE0] =	vst v54;
	v24 =	vsel vm12, v27, v58;
	vm14 =	vgt.s32 v61, v62;
	v26 =	vsel vm13, v59, v60  }
0x6f: {  	[tilespmem:$0x1FCA0] =	vst v38;
	vm15 =	vgt.s32 v22, v34;
	v27 =	vsel vm14, v61, v62;
	vm11 =	vgt.s32 v24, v26  }
0x70: {  	[tilespmem:$0x1FCC0] =	vst v39;
	v22 =	vsel vm15, v22, v34;
	v35 =	vsel vm11, v24, v26;
	v24 =	vsel vm6, $0x3F800000, v25  }
0x71: {  	vm12 =	vgt.s32 v27, v63;
	[tilespmem:$0x1FC20] =	vst v24;
	vm13 =	vgt.s32 v22, v35;
	v24 =	vsel vm1, $0x3F800000, v25  }
0x72: {  	v54 =	vimm.s32 $0x0;
	[tilespmem:$0x1FC40] =	vst v24;
	v24 =	vsel vm12, v27, v63;
	v22 =	vsel vm13, v22, v35  }
0x73: {  	v38 =	vimm.s32 $0x0;
	v39 =	vimm.s32 $0x0;
	[tilespmem:$0x1FC60] =	vst v36;
	vm14 =	vgt.s32 v22, v24  }
0x74: {  	[tilespmem:$0x1FC80] =	vst v37;
	v36 =	vimm.s32 $0x0;
	v37 =	vimm.s32 $0x0;
	v22 =	vsel vm14, v22, v24  }
0x75: {  	v34 =	vimm.s32 $0x0;
	v35 =	vimm.s32 $0x0;
	vm0 =	veq.s32 v1, v22  }
0x76: {  	vm15 =	veq.s32 v0, v22;
	vm4 =	veq.s32 v3, v22;
	vm5 =	veq.s32 v4, v22  }
0x77: {  	vm6 =	veq.s32 v2, v22;
	vm7 =	veq.s32 v6, v22;
	vm8 =	veq.s32 v7, v22  }
0x78: {  	[tilespmem:$0x1FA80] =	vst v43;
	vm9 =	veq.s32 v5, v22;
	vm10 =	veq.s32 v9, v22;
	vm11 =	veq.s32 v10, v22  }
0x79: {  	[tilespmem:$0x1FAA0] =	vst v44;
	vm1 =	veq.s32 v12, v22;
	vm2 =	veq.s32 v14, v22;
	vm3 =	veq.s32 v16, v22  }
0x7a: {  	[tilespmem:$0x1FAC0] =	vst v45;
	vm14 =	veq.s32 v20, v22;
	vm12 =	veq.s32 v18, v22;
	vm13 =	veq.s32 v21, v22  }
0x7b: {  	[tilespmem:$0x1FAE0] =	vst v46;
	v43 =	vsel vm0, $0x3F800000, v25;
	v1 =	vsel vm0, $0x80000000, v1;
	v44 =	vsel vm15, $0x3F800000, v25  }
0x7c: {  	[tilespmem:$0x1FB00] =	vst v47;
	v0 =	vsel vm15, $0x80000000, v0;
	v45 =	vsel vm4, $0x3F800000, v25;
	v3 =	vsel vm4, $0x80000000, v3  }
0x7d: {  	[tilespmem:$0x1FB20] =	vst v48;
	v46 =	vsel vm5, $0x3F800000, v25;
	v4 =	vsel vm5, $0x80000000, v4;
	v47 =	vsel vm6, $0x3F800000, v25  }
0x7e: {  	[tilespmem:$0x1FB40] =	vst v49;
	v2 =	vsel vm6, $0x80000000, v2;
	v48 =	vsel vm7, $0x3F800000, v25;
	v6 =	vsel vm7, $0x80000000, v6  }
0x7f: {  	[tilespmem:$0x1FB60] =	vst v50;
	v49 =	vsel vm8, $0x3F800000, v25;
	v7 =	vsel vm8, $0x80000000, v7;
	v50 =	vsel vm9, $0x3F800000, v25  }
0x80: {  	[tilespmem:$0x1FB80] =	vst v51;
	v5 =	vsel vm9, $0x80000000, v5;
	v51 =	vsel vm10, $0x3F800000, v25;
	v9 =	vsel vm10, $0x80000000, v9  }
0x81: {  	[tilespmem:$0x1FBA0] =	vst v52;
	v52 =	vsel vm11, $0x3F800000, v25;
	v10 =	vsel vm11, $0x80000000, v10;
	vm6 =	veq.s32 v8, v22  }
0x82: {  	vm0 =	veq.s32 v13, v22;
	v12 =	vsel vm1, $0x80000000, v12;
	vm4 =	veq.s32 v11, v22  }
0x83: {  	v14 =	vsel vm2, $0x80000000, v14;
	v16 =	vsel vm3, $0x80000000, v16;
	vm7 =	veq.s32 v17, v22  }
0x84: {  	vm8 =	veq.s32 v15, v22;
	vm5 =	veq.s32 v19, v22;
	v23 =	vsel vm12, $0xFFFFFFFF, v53  }
0x85: {  	v22 =	vsel vm13, $0xFFFFFFFF, v54;
	v20 =	vsel vm14, $0x80000000, v20;
	v18 =	vsel vm12, $0x80000000, v18  }
0x86: {  	[tilespmem:$0x1FCE0] =	vst v40;
	v21 =	vsel vm13, $0x80000000, v21;
	v40 =	vsel vm14, $0x3F800000, v25;
	v8 =	vsel vm6, $0x80000000, v8  }
0x87: {  	v13 =	vsel vm0, $0x80000000, v13;
	v11 =	vsel vm4, $0x80000000, v11;
	v17 =	vsel vm7, $0x80000000, v17  }
0x88: {  	v15 =	vsel vm8, $0x80000000, v15;
	v19 =	vsel vm5, $0x80000000, v19;
	vm15 =	vgt.s32 v1, v0  }
0x89: {  	vm12 =	vgt.s32 v3, v4;
	vm13 =	vgt.s32 v2, v6;
	v30 =	vsel vm7, $0x3F800000, v25  }
0x8a: {  	[tilespmem:$0x1FB10] =	vst v47;
	v31 =	vsel vm8, $0x3F800000, v25;
	v33 =	vsel vm5, $0x3F800000, v25;
	v47 =	vimm.s32 $0x0  }
0x8b: {  	[tilespmem:$0x1FC00] =	vst v55;
	v55 =	vsel vm15, v1, v0;
	v56 =	vsel vm12, v3, v4;
	v24 =	vsel vm13, v2, v6  }
0x8c: {  	vm15 =	vgt.s32 v7, v5;
	vm12 =	vgt.s32 v9, v10;
	vm13 =	vgt.s32 v8, v12  }
0x8d: {  	v26 =	vsel vm15, v7, v5;
	v27 =	vsel vm12, v9, v10;
	v57 =	vsel vm13, v8, v12  }
0x8e: {  	vm15 =	vgt.s32 v13, v11;
	vm12 =	vgt.s32 v14, v16;
	vm13 =	vgt.s32 v17, v15  }
0x8f: {  	v58 =	vsel vm15, v13, v11;
	v59 =	vsel vm12, v14, v16;
	v60 =	vsel vm13, v17, v15  }
0x90: {  	vm15 =	vgt.s32 v19, v20;
	vm12 =	vgt.s32 v18, v21;
	vm13 =	vgt.s32 v55, v56  }
0x91: {  	[tilespmem:$0x1F950] =	vst v22;
	v61 =	vsel vm15, v19, v20;
	v22 =	vsel vm13, v55, v56;
	v62 =	vsel vm12, v18, v21  }
0x92: {  	vm15 =	vgt.s32 v24, v26;
	vm12 =	vgt.s32 v27, v57;
	vm13 =	vgt.s32 v58, v59  }
0x93: {  	v24 =	vsel vm15, v24, v26;
	v26 =	vsel vm12, v27, v57;
	v27 =	vsel vm13, v58, v59  }
0x94: {  	vm15 =	vgt.s32 v60, v61;
	vm12 =	vgt.s32 v22, v24;
	vm11 =	vgt.s32 v26, v27  }
0x95: {  	[tilespmem:$0x1FB30] =	vst v48;
	v63 =	vsel vm15, v60, v61;
	v22 =	vsel vm12, v22, v24;
	v24 =	vsel vm11, v26, v27  }
0x96: {  	[tilespmem:$0x1F940] =	vst v23;
	v26 =	vsel vm6, $0x3F800000, v25;
	vm13 =	vgt.s32 v63, v62;
	vm15 =	vgt.s32 v22, v24  }
0x97: {  	[tilespmem:$0x1FBD0] =	vst v26;
	v23 =	vsel vm13, v63, v62;
	v22 =	vsel vm15, v22, v24;
	v24 =	vsel vm0, $0x3F800000, v25  }
0x98: {  	v48 =	vimm.s32 $0x0;
	[tilespmem:$0x1FC10] =	vst v24;
	v24 =	vsel vm4, $0x3F800000, v25;
	vm12 =	vgt.s32 v22, v23  }
0x99: {  	v26 =	vsel vm1, $0x3F800000, v25;
	[tilespmem:$0x1FC30] =	vst v24;
	v24 =	vsel vm2, $0x3F800000, v25;
	v22 =	vsel vm12, v22, v23  }
0x9a: {  	[tilespmem:$0x1FC50] =	vst v24;
	v24 =	vsel vm3, $0x3F800000, v25;
	vm0 =	veq.s32 v1, v22;
	vm13 =	veq.s32 v0, v22  }
0x9b: {  	vm15 =	veq.s32 v3, v22;
	vm4 =	veq.s32 v4, v22;
	vm9 =	veq.s32 v2, v22  }
0x9c: {  	vm11 =	veq.s32 v6, v22;
	vm10 =	veq.s32 v7, v22;
	vm12 =	veq.s32 v5, v22  }
0x9d: {  	vm5 =	veq.s32 v10, v22;
	vm6 =	veq.s32 v8, v22;
	vm2 =	veq.s32 v12, v22  }
0x9e: {  	vm3 =	veq.s32 v20, v22;
	v23 =	vsel vm0, $0xFFFFFFFF, v32;
	v1 =	vsel vm0, $0x80000000, v1  }
0x9f: {  	v0 =	vsel vm13, $0x80000000, v0;
	v3 =	vsel vm15, $0x80000000, v3;
	v4 =	vsel vm4, $0x80000000, v4  }
0xa0: {  	v2 =	vsel vm9, $0x80000000, v2;
	v6 =	vsel vm11, $0x80000000, v6;
	v7 =	vsel vm10, $0x80000000, v7  }
0xa1: {  	v5 =	vsel vm12, $0x80000000, v5;
	v10 =	vsel vm5, $0x80000000, v10;
	v8 =	vsel vm6, $0x80000000, v8  }
0xa2: {  	v12 =	vsel vm2, $0x80000000, v12;
	v20 =	vsel vm3, $0x80000000, v20;
	[tilespmem:$0x1F960] =	vst v23;
	v23 =	vsel vm13, $0xFFFFFFFF, v34  }
0xa3: {  	[tilespmem:$0x1FD00] =	vst v41;
	vm13 =	veq.s32 v9, v22;
	vm7 =	vgt.s32 v1, v0;
	vm1 =	vgt.s32 v3, v4  }
0xa4: {  	vm8 =	vgt.s32 v2, v6;
	vm14 =	vgt.s32 v7, v5;
	[tilespmem:$0x1F970] =	vst v23;
	v23 =	vsel vm15, $0xFFFFFFFF, v35  }
0xa5: {  	[tilespmem:$0x1FC70] =	vst v24;
	v9 =	vsel vm13, $0x80000000, v9;
	v41 =	vsel vm7, v1, v0;
	v24 =	vsel vm1, v3, v4  }
0xa6: {  	[tilespmem:$0x1FBF0] =	vst v26;
	v26 =	vsel vm8, v2, v6;
	v27 =	vsel vm14, v7, v5;
	vm14 =	veq.s32 v11, v22  }
0xa7: {  	vm7 =	veq.s32 v14, v22;
	[tilespmem:$0x1F980] =	vst v23;
	v23 =	vsel vm4, $0xFFFFFFFF, v36;
	vm15 =	vgt.s32 v9, v10  }
0xa8: {  	[tilespmem:$0x1FD20] =	vst v42;
	v11 =	vsel vm14, $0x80000000, v11;
	v14 =	vsel vm7, $0x80000000, v14;
	vm4 =	veq.s32 v16, v22  }
0xa9: {  	[tilespmem:$0x1F990] =	vst v23;
	v23 =	vsel vm5, $0xFFFFFFFF, v37;
	v42 =	vsel vm15, v9, v10;
	vm5 =	vgt.s32 v8, v12  }
0xaa: {  	vm15 =	veq.s32 v15, v22;
	v16 =	vsel vm4, $0x80000000, v16;
	[tilespmem:$0x1F9A0] =	vst v23;
	v23 =	vsel vm6, $0xFFFFFFFF, v38  }
0xab: {  	[tilespmem:$0x1FA90] =	vst v43;
	vm6 =	veq.s32 v13, v22;
	v43 =	vsel vm5, v8, v12;
	vm5 =	veq.s32 v17, v22  }
0xac: {  	v15 =	vsel vm15, $0x80000000, v15;
	vm0 =	vgt.s32 v14, v16;
	[tilespmem:$0x1F9B0] =	vst v23;
	v23 =	vsel vm2, $0xFFFFFFFF, v39  }
0xad: {  	[tilespmem:$0x1FAD0] =	vst v45;
	v13 =	vsel vm6, $0x80000000, v13;
	v17 =	vsel vm5, $0x80000000, v17;
	v45 =	vsel vm0, v14, v16  }
0xae: {  	[tilespmem:$0x1FAB0] =	vst v44;
	vm0 =	veq.s32 v21, v22;
	vm2 =	vgt.s32 v41, v24;
	vm8 =	vgt.s32 v13, v11  }
0xaf: {  	[tilespmem:$0x1F9C0] =	vst v23;
	vm1 =	vgt.s32 v17, v15;
	v21 =	vsel vm0, $0x80000000, v21;
	v23 =	vsel vm2, v41, v24  }
0xb0: {  	[tilespmem:$0x1FAF0] =	vst v46;
	v44 =	vsel vm8, v13, v11;
	vm8 =	veq.s32 v19, v22;
	v46 =	vsel vm1, v17, v15  }
0xb1: {  	vm1 =	veq.s32 v18, v22;
	v22 =	vsel vm0, $0xFFFFFFFF, v48;
	v19 =	vsel vm8, $0x80000000, v19  }
0xb2: {  	[tilespmem:$0x1FCD0] =	vst v33;
	v33 =	vsel vm1, $0xFFFFFFFF, v47;
	v18 =	vsel vm1, $0x80000000, v18;
	vm1 =	vgt.s32 v19, v20  }
0xb3: {  	[tilespmem:$0x1FB50] =	vst v49;
	vm2 =	vgt.s32 v44, v45;
	vm0 =	vgt.s32 v18, v21;
	v49 =	vsel vm1, v19, v20  }
0xb4: {  	[tilespmem:$0x1FB70] =	vst v50;
	v50 =	vsel vm0, v18, v21;
	vm0 =	vgt.s32 v26, v27;
	vm1 =	vgt.s32 v42, v43  }
0xb5: {  	v24 =	vsel vm0, v26, v27;
	v26 =	vsel vm1, v42, v43;
	v27 =	vsel vm2, v44, v45  }
0xb6: {  	vm1 =	vgt.s32 v23, v24;
	vm2 =	vgt.s32 v26, v27  }
0xb7: {  	v23 =	vsel vm1, v23, v24;
	v24 =	vsel vm2, v26, v27;
	v26 =	vld [tilespmem:$0x1F940]  }
0xb8: {  	vm1 =	vgt.s32 v23, v24  }
0xb9: {  	v23 =	vsel vm1, v23, v24;
	v24 =	vld [tilespmem:$0x1F960];
	_ =	sdelay $0x1  }
0xba: {  	v28 =	vimm.s32 $0x0;
	[tilespmem:$0x1FB90] =	vst v51;
	vm0 =	vgt.s32 v46, v49  }
0xbb: {  	v53 =	vimm.s32 $0x0;
	[tilespmem:$0x1F9E0] =	vst v22;
	v22 =	vsel vm0, v46, v49;
	vm0 =	vnez.u8 v26  }
0xbc: {  	[tilespmem:$0x1FCF0] =	vst v40;
	v40 =	vimm.s32 $0x0;
	v26 =	vsel vm0, $0x3F800000, v25;
	vm0 =	vgt.s32 v22, v50  }
0xbd: {  	[tilespmem:$0x1FBB0] =	vst v52;
	v56 =	vimm.s32 $0x0;
	v59 =	vld [tilespmem:$0x1F9A0];
	v22 =	vsel vm0, v22, v50;
	vm0 =	vnez.u8 v24  }
0xbe: {  	[tilespmem:$0x1FC90] =	vst v30;
	v58 =	vimm.s32 $0x0;
	v60 =	vimm.s32 $0x0;
	v61 =	vld [tilespmem:$0x1F9B0];
	v24 =	vsel vm0, $0x3F800000, v25  }
0xbf: {  	v62 =	vimm.s32 $0x0;
	v51 =	vsel vm9, $0x3F800000, v25;
	v52 =	vsel vm11, $0x3F800000, v25;
	[tilespmem:$0x1FD40] =	vst v24;
	v24 =	vld [tilespmem:$0x1F970]  }
0xc0: {  	v54 =	vsel vm10, $0x3F800000, v25;
	v55 =	vsel vm12, $0x3F800000, v25;
	v57 =	vsel vm13, $0x3F800000, v25;
	[tilespmem:$0x1FD10] =	vst v26;
	v26 =	vld [tilespmem:$0x1F950]  }
0xc1: {  	[tilespmem:$0x1FCB0] =	vst v31;
	v30 =	vsel vm14, $0x3F800000, v25;
	v31 =	vsel vm7, $0x3F800000, v25;
	v32 =	vsel vm4, $0x3F800000, v25  }
0xc2: {  	v37 =	vsel vm3, $0x3F800000, v25;
	v35 =	vsel vm15, $0x3F800000, v25;
	v29 =	vsel vm6, $0x3F800000, v25  }
0xc3: {  	v36 =	vsel vm8, $0x3F800000, v25;
	[tilespmem:$0x1F9D0] =	vst v33;
	v33 =	vsel vm5, $0x3F800000, v25;
	vm11 =	vnez.u8 v59  }
0xc4: {  	vm13 =	vnez.u8 v61;
	v42 =	vimm.s32 $0x0;
	vm0 =	vnez.u8 v24  }
0xc5: {  	vm2 =	vnez.u8 v26;
	v24 =	vsel vm0, $0x3F800000, v25;
	vm0 =	vgt.s32 v23, v22  }
0xc6: {  	v43 =	vimm.s32 $0x0;
	v26 =	vsel vm2, $0x3F800000, v25;
	v22 =	vsel vm0, v23, v22  }
0xc7: {  	vm0 =	veq.s32 v1, v22;
	vm9 =	veq.s32 v0, v22;
	vm10 =	veq.s32 v3, v22  }
0xc8: {  	vm12 =	veq.s32 v4, v22;
	vm6 =	veq.s32 v9, v22;
	vm7 =	veq.s32 v10, v22  }
0xc9: {  	[tilespmem:$0x1FE10] =	vst v30;
	v63 =	vld [tilespmem:$0x1F9C0];
	vm14 =	veq.s32 v14, v22;
	vm3 =	veq.s32 v20, v22;
	v23 =	vsel vm0, $0xFFFFFFFF, v53  }
0xca: {  	[tilespmem:$0x1FD50] =	vst v24;
	v24 =	vld [tilespmem:$0x1F980];
	v1 =	vsel vm0, $0x80000000, v1;
	v0 =	vsel vm9, $0x80000000, v0;
	v3 =	vsel vm10, $0x80000000, v3  }
0xcb: {  	[tilespmem:$0x1FE00] =	vst v29;
	v4 =	vsel vm12, $0x80000000, v4;
	v29 =	vsel vm6, $0x80000000, v9;
	v30 =	vsel vm7, $0x80000000, v10  }
0xcc: {  	v14 =	vsel vm14, $0x80000000, v14;
	v20 =	vsel vm3, $0x80000000, v20;
	v61 =	vsel vm6, $0x3F800000, v25  }
0xcd: {  	[tilespmem:$0x1F9F0] =	vst v23;
	v23 =	vsel vm9, $0xFFFFFFFF, v56;
	vm9 =	veq.s32 v2, v22;
	vm15 =	vgt.s32 v1, v0  }
0xce: {  	vm4 =	vgt.s32 v3, v4;
	[tilespmem:$0x1FA00] =	vst v23;
	v23 =	vsel vm10, $0xFFFFFFFF, v58;
	v2 =	vsel vm9, $0x80000000, v2  }
0xcf: {  	[tilespmem:$0x1FE20] =	vst v31;
	vm10 =	vnez.u8 v63;
	v38 =	vsel vm15, v1, v0;
	vm1 =	vnez.u8 v24  }
0xd0: {  	[tilespmem:$0x1FA10] =	vst v23;
	v23 =	vsel vm11, $0x3F800000, v25;
	vm11 =	veq.s32 v6, v22;
	v24 =	vsel vm1, $0x3F800000, v25  }
0xd1: {  	[tilespmem:$0x1FDD0] =	vst v23;
	v23 =	vsel vm12, $0xFFFFFFFF, v60;
	vm12 =	veq.s32 v7, v22;
	v34 =	vsel vm11, $0x80000000, v6  }
0xd2: {  	[tilespmem:$0x1FD30] =	vst v26;
	v6 =	vsel vm14, $0xFFFFFFFF, v40;
	vm14 =	veq.s32 v17, v22;
	v40 =	vimm.s32 $0x0  }
0xd3: {  	[tilespmem:$0x1FA20] =	vst v23;
	v23 =	vsel vm13, $0x3F800000, v25;
	v7 =	vsel vm12, $0x80000000, v7;
	vm5 =	vgt.s32 v2, v34  }
0xd4: {  	vm13 =	vgt.s32 v29, v30;
	v59 =	vsel vm12, $0x3F800000, v25;
	[tilespmem:$0x1FDE0] =	vst v23;
	v23 =	vsel vm9, $0xFFFFFFFF, v62  }
0xd5: {  	[tilespmem:$0x1FD60] =	vst v24;
	vm9 =	veq.s32 v8, v22;
	v26 =	vsel vm5, v2, v34;
	v39 =	vsel vm13, v29, v30  }
0xd6: {  	v24 =	vld [tilespmem:$0x1F990];
	vm13 =	veq.s32 v11, v22;
	v62 =	vsel vm7, $0x3F800000, v25;
	[tilespmem:$0x1FA30] =	vst v23;
	v23 =	vsel vm10, $0x3F800000, v25  }
0xd7: {  	[tilespmem:$0x1FE60] =	vst v36;
	vm10 =	veq.s32 v5, v22;
	v31 =	vsel vm9, $0x80000000, v8;
	v10 =	vsel vm13, $0x80000000, v11  }
0xd8: {  	v63 =	vsel vm9, $0x3F800000, v25;
	v36 =	vsel vm13, $0x3F800000, v25;
	[tilespmem:$0x1FDF0] =	vst v23;
	v23 =	vsel vm11, $0xFFFFFFFF, v28  }
0xd9: {  	v5 =	vsel vm10, $0x80000000, v5;
	vm11 =	veq.s32 v12, v22;
	v60 =	vsel vm10, $0x3F800000, v25  }
0xda: {  	[tilespmem:$0x1FEF0] =	vst v63;
	v63 =	vsel vm14, $0x3F800000, v25;
	vm8 =	vgt.s32 v7, v5;
	v12 =	vsel vm11, $0x80000000, v12  }
0xdb: {  	vm1 =	vnez.u8 v24;
	v27 =	vsel vm8, v7, v5;
	vm15 =	vgt.s32 v31, v12  }
0xdc: {  	[tilespmem:$0x1FA50] =	vst v6;
	vm8 =	veq.s32 v15, v22;
	v24 =	vsel vm1, $0x3F800000, v25;
	v41 =	vsel vm15, v31, v12  }
0xdd: {  	v6 =	vsel vm8, $0xFFFFFFFF, v42;
	v15 =	vsel vm8, $0x80000000, v15;
	vm1 =	veq.s32 v19, v22;
	[tilespmem:$0x1FD70] =	vst v24  }
0xde: {  	v24 =	vsel vm4, v3, v4;
	vm4 =	veq.s32 v13, v22;
	[tilespmem:$0x1FA60] =	vst v6;
	v6 =	vsel vm1, $0xFFFFFFFF, v43  }
0xdf: {  	v19 =	vsel vm1, $0x80000000, v19;
	v43 =	vimm.s32 $0x0;
	v9 =	vsel vm4, $0x80000000, v13  }
0xe0: {  	vm0 =	vgt.s32 v19, v20;
	vm2 =	vgt.s32 v38, v24;
	vm5 =	vgt.s32 v9, v10  }
0xe1: {  	v46 =	vsel vm0, v19, v20;
	v13 =	vsel vm5, v9, v10;
	vm5 =	veq.s32 v16, v22  }
0xe2: {  	[tilespmem:$0x1FA40] =	vst v23;
	v23 =	vsel vm2, v38, v24;
	vm0 =	vgt.s32 v26, v27;
	v8 =	vsel vm5, $0x80000000, v16  }
0xe3: {  	v38 =	vimm.s32 $0x0;
	v16 =	vsel vm14, $0x80000000, v17;
	vm15 =	vgt.s32 v14, v8  }
0xe4: {  	v24 =	vsel vm0, v26, v27;
	vm8 =	vgt.s32 v16, v15;
	v44 =	vsel vm15, v14, v8  }
0xe5: {  	v50 =	vld [tilespmem:$0x1F9D0];
	v45 =	vsel vm8, v16, v15;
	vm15 =	veq.s32 v18, v22;
	vm8 =	veq.s32 v21, v22  }
0xe6: {  	[tilespmem:$0x1FD80] =	vst v51;
	v22 =	vimm.s32 $0x0;
	v18 =	vsel vm15, $0x80000000, v18;
	v21 =	vsel vm8, $0x80000000, v21  }
0xe7: {  	[tilespmem:$0x1FEC0] =	vst v61;
	vm2 =	vgt.s32 v13, v44;
	vm0 =	vgt.s32 v45, v46;
	v61 =	vsel vm15, $0x3F800000, v25  }
0xe8: {  	v51 =	vld [tilespmem:$0x1F9E0];
	[tilespmem:$0x1FEB0] =	vst v60;
	v60 =	vsel vm8, $0x3F800000, v25;
	vm1 =	vgt.s32 v18, v21;
	v13 =	vsel vm2, v13, v44  }
0xe9: {  	v53 =	vld [tilespmem:$0x1F9F0];
	v48 =	vsel vm0, v45, v46;
	v47 =	vsel vm1, v18, v21;
	vm1 =	vgt.s32 v39, v41  }
0xea: {  	vm0 =	vnez.u8 v50;
	v46 =	vimm.s32 $0x0;
	v11 =	vsel vm1, v39, v41  }
0xeb: {  	[tilespmem:$0x1FDA0] =	vst v54;
	v54 =	vld [tilespmem:$0x1FA00];
	vm1 =	vgt.s32 v23, v24;
	v39 =	vsel vm5, $0x3F800000, v25;
	v41 =	vimm.s32 $0x0  }
0xec: {  	[tilespmem:$0x1FDB0] =	vst v55;
	v55 =	vld [tilespmem:$0x1FA10];
	vm2 =	vgt.s32 v11, v13;
	v49 =	vsel vm1, v23, v24;
	v24 =	vsel vm0, $0x3F800000, v25  }
0xed: {  	[tilespmem:$0x1FD90] =	vst v52;
	v56 =	vld [tilespmem:$0x1FA20];
	vm0 =	vgt.s32 v48, v47;
	v23 =	vimm.s32 $0x0;
	v11 =	vsel vm2, v11, v13  }
0xee: {  	[tilespmem:$0x1FDC0] =	vst v57;
	v57 =	vld [tilespmem:$0x1FA30];
	vm2 =	vnez.u8 v51;
	v52 =	vsel vm0, v48, v47;
	vm0 =	vnez.u8 v53  }
0xef: {  	v58 =	vld [tilespmem:$0x1FA40];
	v13 =	vsel vm4, $0x3F800000, v25;
	vm1 =	vgt.s32 v49, v11;
	v26 =	vsel vm2, $0x3F800000, v25  }
0xf0: {  	v27 =	vsel vm0, $0x3F800000, v25;
	vm0 =	vnez.u8 v54;
	v11 =	vsel vm1, v49, v11  }
0xf1: {  	[tilespmem:$0x1FE30] =	vst v32;
	v28 =	vsel vm0, $0x3F800000, v25;
	vm1 =	vnez.u8 v55;
	v49 =	vsel vm3, $0x3F800000, v25  }
0xf2: {  	[tilespmem:$0x1FE40] =	vst v33;
	vm0 =	vgt.s32 v11, v52;
	v32 =	vsel vm1, $0x3F800000, v25;
	vm1 =	vnez.u8 v56  }
0xf3: {  	[tilespmem:$0x1FA70] =	vst v6;
	v33 =	vsel vm1, $0x3F800000, v25;
	v6 =	vsel vm0, v11, v52;
	vm0 =	vnez.u8 v57  }
0xf4: {  	v11 =	vsel vm0, $0x3F800000, v25;
	vm0 =	vnez.u8 v58;
	vm10 =	veq.s32 v0, v6  }
0xf5: {  	vm6 =	veq.s32 v3, v6;
	vm7 =	veq.s32 v4, v6;
	vm2 =	veq.s32 v2, v6  }
0xf6: {  	vm9 =	veq.s32 v34, v6;
	vm12 =	veq.s32 v7, v6;
	vm13 =	veq.s32 v30, v6  }
0xf7: {  	vm14 =	veq.s32 v31, v6;
	vm5 =	veq.s32 v10, v6;
	vm3 =	veq.s32 v8, v6  }
0xf8: {  	vm8 =	veq.s32 v21, v6;
	[tilespmem:$0x1FE80] =	vst v11;
	v11 =	vsel vm0, $0x3F800000, v25;
	vm0 =	veq.s32 v1, v6  }
0xf9: {  	v47 =	vsel vm10, $0x80000000, v0;
	v56 =	vsel vm6, $0x80000000, v3;
	v53 =	vsel vm7, $0x80000000, v4  }
0xfa: {  	[tilespmem:$0x1FEA0] =	vst v59;
	v59 =	vsel vm2, $0x80000000, v2;
	v51 =	vsel vm9, $0x80000000, v34;
	v58 =	vsel vm12, $0x80000000, v7  }
0xfb: {  	[tilespmem:$0x1FE70] =	vst v37;
	v37 =	vld [tilespmem:$0x1FA50];
	v44 =	vsel vm13, $0x80000000, v30;
	v52 =	vsel vm5, $0x80000000, v10;
	v54 =	vsel vm0, $0x80000000, v1  }
0xfc: {  	v42 =	vld [tilespmem:$0x1FA60];
	[tilespmem:$0x1FE90] =	vst v11;
	v11 =	vsel vm11, $0x3F800000, v25;
	v1 =	vsel vm12, $0xFFFFFFFF, v22;
	vm1 =	vgt.s32 v56, v53  }
0xfd: {  	vm4 =	vgt.s32 v59, v51;
	v50 =	vsel vm0, $0x3F800000, v25;
	vm11 =	vgt.s32 v54, v47  }
0xfe: {  	[tilespmem:$0x1FE50] =	vst v35;
	v35 =	vsel vm1, v56, v53;
	v17 =	vsel vm11, v54, v47;
	vm11 =	veq.s32 v5, v6  }
0xff: {  	[tilespmem:$0x1FEE0] =	vst v1;
	v2 =	vsel vm4, v59, v51;
	v1 =	vsel vm11, $0xFFFFFFFF, v23;
	v34 =	vsel vm11, $0x80000000, v5  }
0x100: {  	v45 =	vld [tilespmem:$0x1FA70];
	[tilespmem:$0x1FF30] =	vst v13;
	vm1 =	vgt.s32 v17, v35;
	vm11 =	vnez.u8 v37;
	vm12 =	vgt.s32 v58, v34  }
0x101: {  	[tilespmem:$0x1FF00] =	vst v1;
	v1 =	vsel vm1, v17, v35;
	v0 =	vsel vm11, $0x3F800000, v25;
	vm11 =	vnez.u8 v42  }
0x102: {  	v13 =	vld [tilespmem:$0x1FB40];
	[tilespmem:$0x1FF10] =	vst v11;
	vm1 =	veq.s32 v15, v6;
	v3 =	vsel vm12, v58, v34;
	vm12 =	veq.s32 v29, v6  }
0x103: {  	v30 =	vld [tilespmem:$0x1FAA0];
	[tilespmem:$0x1FF70] =	vst v0;
	vm4 =	vgt.s32 v2, v3;
	v0 =	vsel vm12, $0xFFFFFFFF, v38;
	v35 =	vsel vm12, $0x80000000, v29  }
0x104: {  	v11 =	vld [tilespmem:$0x1FB30];
	vm12 =	veq.s32 v12, v6;
	v5 =	vsel vm4, v2, v3;
	[tilespmem:$0x1FF20] =	vst v0;
	v0 =	vsel vm13, $0xFFFFFFFF, v40  }
0x105: {  	[tilespmem:$0x1FED0] =	vst v62;
	v23 =	vld [tilespmem:$0x1FA80];
	v48 =	vsel vm12, $0x80000000, v12;
	vm13 =	vnez.u8 v45;
	vm4 =	veq.s32 v14, v6  }
0x106: {  	v29 =	vld [tilespmem:$0x1FA90];
	vm15 =	vgt.s32 v35, v44;
	v45 =	vsel vm1, $0x80000000, v15;
	[tilespmem:$0x1FF40] =	vst v0;
	v0 =	vsel vm14, $0xFFFFFFFF, v41  }
0x107: {  	[tilespmem:$0x1FFF0] =	vst v34;
	v15 =	vld [tilespmem:$0x1FB60];
	v41 =	vsel vm14, $0x80000000, v31;
	v62 =	vsel vm13, $0x3F800000, v25;
	vm14 =	veq.s32 v9, v6  }
0x108: {  	v55 =	vsel vm15, v35, v44;
	v34 =	vsel vm4, $0x80000000, v14;
	v31 =	vld [tilespmem:$0x1FAB0];
	[tilespmem:$0x1FF60] =	vst v0;
	v0 =	vsel vm11, $0x3F800000, v25  }
0x109: {  	v14 =	vld [tilespmem:$0x1FB50];
	[tilespmem:$0x1FFB0] =	vst v0;
	v0 =	vsel vm12, $0xFFFFFFFF, v43;
	vm12 =	vgt.s32 v41, v48;
	v43 =	vsel vm3, $0x80000000, v8  }
0x10a: {  	v8 =	vld [tilespmem:$0x1FB00];
	[tilespmem:$0x1FF80] =	vst v0;
	v0 =	vsel vm14, $0xFFFFFFFF, v46;
	v46 =	vsel vm14, $0x80000000, v9;
	v57 =	vsel vm12, v41, v48  }
0x10b: {  	vm12 =	veq.s32 v16, v6;
	vm14 =	vgt.s32 v34, v43;
	v9 =	vld [tilespmem:$0x1FB10];
	vm13 =	vgt.s32 v46, v52  }
0x10c: {  	v7 =	vsel vm14, v34, v43;
	v37 =	vsel vm12, $0x80000000, v16;
	vm14 =	veq.s32 v18, v6;
	v16 =	vld [tilespmem:$0x1FB70]  }
0x10d: {  	[tilespmem:$0x1FFC0] =	vst v49;
	vm0 =	vgt.s32 v55, v57;
	vm15 =	vgt.s32 v37, v45;
	v49 =	vsel vm14, $0x80000000, v18;
	v18 =	vld [tilespmem:$0x1FB90]  }
0x10e: {  	v10 =	vsel vm0, v55, v57;
	v57 =	vsel vm8, $0x80000000, v21;
	v21 =	vmax.f32 v30, v31;
	v30 =	vld [tilespmem:$0x1FBF0]  }
0x10f: {  	v4 =	vsel vm13, v46, v52;
	vm13 =	veq.s32 v19, v6;
	v31 =	vld [tilespmem:$0x1FC00];
	v17 =	vsel vm15, v37, v45  }
0x110: {  	v42 =	vsel vm13, $0x80000000, v19;
	vm15 =	veq.s32 v20, v6;
	vm0 =	vgt.s32 v4, v7;
	v6 =	vld [tilespmem:$0x1FAE0]  }
0x111: {  	[tilespmem:$0x1FFA0] =	vst v0;
	v19 =	vimm.s32 $0x0;
	v40 =	vsel vm15, $0x80000000, v20;
	v0 =	vsel vm0, v4, v7;
	v4 =	vld [tilespmem:$0x1FAC0]  }
0x112: {  	vm11 =	vgt.s32 v49, v57;
	v2 =	vsel vm8, $0xFFFFFFFF, v19;
	v7 =	vld [tilespmem:$0x1FAF0];
	vm8 =	vgt.s32 v42, v40  }
0x113: {  	v22 =	vsel vm11, v49, v57;
	v19 =	vld [tilespmem:$0x1FBA0];
	vm11 =	vgt.s32 v10, v0;
	v20 =	vsel vm8, v42, v40  }
0x114: {  	vm8 =	vgt.s32 v1, v5;
	v0 =	vsel vm11, v10, v0;
	v10 =	vld [tilespmem:$0x1FB20];
	vm0 =	vgt.s32 v17, v20  }
0x115: {  	v1 =	vsel vm8, v1, v5;
	v5 =	vld [tilespmem:$0x1FAD0];
	v12 =	vsel vm0, v17, v20  }
0x116: {  	vm8 =	vgt.s32 v1, v0;
	v17 =	vld [tilespmem:$0x1FB80];
	vm0 =	vgt.s32 v12, v22  }
0x117: {  	v20 =	vld [tilespmem:$0x1FBB0];
	v0 =	vsel vm8, v1, v0;
	v12 =	vsel vm0, v12, v22  }
0x118: {  	v22 =	vld [tilespmem:$0x1FBC0];
	vm0 =	vgt.s32 v0, v12  }
0x119: {  	v0 =	vsel vm0, v0, v12;
	v12 =	vmax.f32 v23, v29;
	v23 =	vld [tilespmem:$0x1FBD0]  }
0x11a: {  	[tilespmem:$0x1FFE0] =	vst v2;
	v2 =	vmax.f32 v6, v7;
	v6 =	vmax.f32 v15, v16;
	v16 =	vld [tilespmem:$0x1FC10]  }
0x11b: {  	v29 =	vld [tilespmem:$0x1FBE0]  }
0x11c: {  	v7 =	vmax.f32 v17, v18;
	v17 =	vld [tilespmem:$0x1FC20]  }
0x11d: {  	v18 =	vld [tilespmem:$0x1FC30]  }
0x11e: {  	v3 =	vmax.f32 v8, v9;
	v9 =	vmax.f32 v22, v23;
	v22 =	vld [tilespmem:$0x1FC60]  }
0x11f: {  	v23 =	vld [tilespmem:$0x1FC70]  }
0x120: {  	v8 =	vmax.f32 v19, v20;
	v19 =	vld [tilespmem:$0x1FC40]  }
0x121: {  	v1 =	vmax.f32 v4, v5;
	v4 =	vmax.f32 v10, v11;
	v10 =	vmax.f32 v29, v30;
	v29 =	vld [tilespmem:$0x1FC80]  }
0x122: {  	v30 =	vld [tilespmem:$0x1FC90]  }
0x123: {  	v11 =	vmax.f32 v31, v16;
	v31 =	vld [tilespmem:$0x1FCA0]  }
0x124: {  	v15 =	vmax.f32 v22, v23;
	v22 =	vld [tilespmem:$0x1FCB0]  }
0x125: {  	v20 =	vld [tilespmem:$0x1FC50]  }
0x126: {  	v23 =	vld [tilespmem:$0x1FCC0]  }
0x127: {  	v16 =	vmax.f32 v29, v30;
	v29 =	vld [tilespmem:$0x1FCD0]  }
0x128: {  	v30 =	vld [tilespmem:$0x1FCE0]  }
0x129: {  	v5 =	vmax.f32 v13, v14;
	v13 =	vmax.f32 v17, v18;
	v17 =	vmax.f32 v31, v22;
	v31 =	vld [tilespmem:$0x1FCF0];
	_ =	sdelay $0x3  }
0x12a: {  	v18 =	vmax.f32 v23, v29;
	v29 =	vld [tilespmem:$0x1FD00]  }
0x12b: {  	v14 =	vmax.f32 v19, v20;
	v19 =	vmax.f32 v30, v31;
	v30 =	vld [tilespmem:$0x1FD10];
	_ =	sdelay $0x3  }
0x12c: {  	v31 =	vld [tilespmem:$0x1FD20]  }
0x12d: {  	v20 =	vmax.f32 v29, v30;
	v30 =	vld [tilespmem:$0x1FD40]  }
0x12e: {  	v29 =	vld [tilespmem:$0x1FD30];
	_ =	sdelay $0x3  }
0x12f: {  	v12 =	vmax.f32 v12, v30;
	v30 =	vld [tilespmem:$0x1FD70]  }
0x130: {  	v22 =	vmax.f32 v31, v29;
	v31 =	vld [tilespmem:$0x1FD50];
	_ =	sdelay $0x2  }
0x131: {  	v29 =	vld [tilespmem:$0x1FD60]  }
0x132: {  	v2 =	vmax.f32 v2, v30;
	v30 =	vld [tilespmem:$0x1FDA0]  }
0x133: {  	v21 =	vmax.f32 v21, v31;
	v31 =	vld [tilespmem:$0x1FD80];
	_ =	sdelay $0x2  }
0x134: {  	v1 =	vmax.f32 v1, v29;
	v29 =	vld [tilespmem:$0x1FD90]  }
0x135: {  	v5 =	vmax.f32 v5, v30;
	v30 =	vld [tilespmem:$0x1FDD0]  }
0x136: {  	v3 =	vmax.f32 v3, v31;
	v31 =	vld [tilespmem:$0x1FDB0];
	_ =	sdelay $0x2  }
0x137: {  	v4 =	vmax.f32 v4, v29;
	v29 =	vld [tilespmem:$0x1FDC0]  }
0x138: {  	v8 =	vmax.f32 v8, v30;
	v30 =	vld [tilespmem:$0x1FE00]  }
0x139: {  	v6 =	vmax.f32 v6, v31;
	v31 =	vld [tilespmem:$0x1FDE0];
	_ =	sdelay $0x2  }
0x13a: {  	v7 =	vmax.f32 v7, v29;
	v29 =	vld [tilespmem:$0x1FDF0]  }
0x13b: {  	v11 =	vmax.f32 v11, v30;
	v30 =	vld [tilespmem:$0x1FE30]  }
0x13c: {  	v9 =	vmax.f32 v9, v31;
	v31 =	vld [tilespmem:$0x1FE10];
	_ =	sdelay $0x2  }
0x13d: {  	v10 =	vmax.f32 v10, v29;
	v29 =	vld [tilespmem:$0x1FE20]  }
0x13e: {  	v15 =	vmax.f32 v15, v30;
	v30 =	vld [tilespmem:$0x1FE60]  }
0x13f: {  	v13 =	vmax.f32 v13, v31;
	v31 =	vld [tilespmem:$0x1FE40];
	_ =	sdelay $0x2  }
0x140: {  	v14 =	vmax.f32 v14, v29;
	v29 =	vld [tilespmem:$0x1FE50]  }
0x141: {  	v18 =	vmax.f32 v18, v30;
	v30 =	vld [tilespmem:$0x1FE90]  }
0x142: {  	v16 =	vmax.f32 v16, v31;
	v31 =	vld [tilespmem:$0x1FE70];
	_ =	sdelay $0x2  }
0x143: {  	v17 =	vmax.f32 v17, v29;
	v29 =	vld [tilespmem:$0x1FE80]  }
0x144: {  	v23 =	vmax.f32 v12, v27;
	v27 =	vmax.f32 v4, v30;
	v4 =	vld [tilespmem:$0x1FEB0]  }
0x145: {  	v19 =	vmax.f32 v19, v31;
	v31 =	vld [tilespmem:$0x1FEA0]  }
0x146: {  	v32 =	vmax.f32 v1, v32;
	v1 =	vld [tilespmem:$0x1FFB0];
	_ =	sdelay $0x2  }
0x147: {  	v22 =	vmax.f32 v22, v26;
	v26 =	vmax.f32 v3, v29;
	v29 =	vmax.f32 v6, v4;
	v4 =	vld [tilespmem:$0x1FF00]  }
0x148: {  	v21 =	vmax.f32 v21, v28;
	v28 =	vmax.f32 v5, v31;
	v5 =	vld [tilespmem:$0x1FEC0]  }
0x149: {  	[tilespmem:$0x1FFD0] =	vst v50;
	v50 =	vsel vm6, $0x3F800000, v25;
	v17 =	vmax.f32 v17, v1;
	v1 =	vld [tilespmem:$0x1FFC0]  }
0x14a: {  	[tilespmem:$0x1FF90] =	vst v39;
	v39 =	vsel vm7, $0x3F800000, v25;
	v32 =	vmax.f32 v32, v50;
	v50 =	vld [tilespmem:$0x1FFE0]  }
0x14b: {  	[tilespmem:$0x1FF50] =	vst v36;
	v36 =	vsel vm9, $0x3F800000, v25;
	v38 =	vsel vm2, $0x3F800000, v25;
	v20 =	vmax.f32 v20, v24;
	v6 =	vld [tilespmem:$0x1FED0]  }
0x14c: {  	v55 =	vsel vm10, $0x3F800000, v25;
	v20 =	vmax.f32 v20, v61;
	vm6 =	vnez.u8 v4;
	v4 =	vld [tilespmem:$0x1FF40]  }
0x14d: {  	v61 =	vsel vm1, $0x3F800000, v25;
	v22 =	vmax.f32 v22, v60;
	v30 =	vmax.f32 v7, v5;
	v5 =	vld [tilespmem:$0x1FF10]  }
0x14e: {  	v60 =	vsel vm13, $0x3F800000, v25;
	v33 =	vmax.f32 v2, v33;
	v19 =	vmax.f32 v19, v1;
	v1 =	vld [tilespmem:$0x1FFD0]  }
0x14f: {  	v2 =	vsel vm12, $0x3F800000, v25;
	vm12 =	veq.s32 v58, v0;
	v21 =	vmax.f32 v21, v55;
	v7 =	vld [tilespmem:$0x1FEE0]  }
0x150: {  	v55 =	vsel vm14, $0x3F800000, v25;
	v33 =	vmax.f32 v33, v39;
	v31 =	vmax.f32 v8, v6;
	v6 =	vld [tilespmem:$0x1FF20]  }
0x151: {  	vm14 =	veq.s32 v35, v0;
	v16 =	vmax.f32 v16, v63;
	vm8 =	vnez.u8 v4;
	v4 =	vld [tilespmem:$0x1FF70]  }
0x152: {  	v63 =	vsel vm5, $0x3F800000, v25;
	v18 =	vmax.f32 v18, v62;
	v10 =	vmax.f32 v10, v5;
	v5 =	vld [tilespmem:$0x1FF50]  }
0x153: {  	v62 =	vsel vm3, $0x3F800000, v25;
	vm5 =	vnez.u8 v50;
	v2 =	vmax.f32 v16, v2;
	v8 =	vld [tilespmem:$0x1FEF0]  }
0x154: {  	v16 =	vmax.f32 v20, v55;
	v55 =	vimm.f32 $1.000000000e+00;
	vm11 =	vnez.u8 v7;
	v7 =	vld [tilespmem:$0x1FF30]  }
0x155: {  	v3 =	vsel vm4, $0x3F800000, v25;
	vm4 =	veq.s32 v41, v0;
	vm7 =	vnez.u8 v6;
	v6 =	vld [tilespmem:$0x1FF60]  }
0x156: {  	v26 =	vmax.f32 v26, v38;
	v27 =	vmax.f32 v27, v36;
	v14 =	vmax.f32 v14, v4;
	v4 =	vld [tilespmem:$0x1FF90]  }
0x157: {  	v38 =	vsel vm14, $0x3F800000, v25;
	vm14 =	veq.s32 v49, v0;
	v13 =	vmax.f32 v13, v5;
	v5 =	vld [tilespmem:$0x1FF80]  }
0x158: {  	v23 =	vmax.f32 v23, v1;
	v24 =	vmax.f32 v9, v8;
	v9 =	vsel vm6, $0x3F800000, v25  }
0x159: {  	vm6 =	veq.s32 v54, v0;
	v12 =	vsel vm11, $0x3F800000, v25;
	v8 =	vsel vm7, $0x3F800000, v25  }
0x15a: {  	v9 =	vmax.f32 v29, v9;
	vm7 =	veq.s32 v47, v0;
	v11 =	vmax.f32 v11, v7  }
0x15b: {  	v7 =	vsel vm8, $0x3F800000, v25;
	vm9 =	vnez.u8 v6;
	v15 =	vmax.f32 v15, v4;
	v4 =	vld [tilespmem:$0x1FFA0]  }
0x15c: {  	vm8 =	veq.s32 v56, v0;
	v6 =	vsel vm9, $0x3F800000, v25;
	vm10 =	vnez.u8 v5  }
0x15d: {  	v3 =	vmax.f32 v14, v3;
	v14 =	vmax.f32 v18, v60;
	v5 =	vsel vm10, $0x3F800000, v25  }
0x15e: {  	v60 =	vsel vm6, $0x3F800000, v25;
	vm9 =	veq.s32 v53, v0;
	v5 =	vmax.f32 v10, v5  }
0x15f: {  	v10 =	vmax.f32 v13, v63;
	v13 =	vmax.f32 v17, v61;
	v61 =	vsel vm7, $0x3F800000, v25  }
0x160: {  	[tilespmem:s13+$0x1800] =	vst v55;
	v18 =	vmax.f32 v21, v61;
	v21 =	vsel vm9, $0x3F800000, v25;
	vm11 =	vnez.u8 v4  }
0x161: {  	[tilespmem:s13+$0x2200] =	vst v55;
	v17 =	vmax.f32 v23, v60;
	v23 =	vmax.f32 v33, v21;
	v33 =	vld [tilespmem:$0x1FFF0];
	v4 =	vsel vm11, $0x3F800000, v25  }
0x162: {  	[tilespmem:s17+$0x1800] =	vst v17;
	v4 =	vmax.f32 v11, v4;
	v11 =	vmax.f32 v15, v62;
	v62 =	vsel vm8, $0x3F800000, v25  }
0x163: {  	v12 =	vmax.f32 v28, v12;
	vm10 =	veq.s32 v59, v0;
	[tilespmem:s13+$0x1900] =	vst v18;
	v63 =	vmax.f32 v32, v62  }
0x164: {  	v8 =	vmax.f32 v30, v8;
	v28 =	vsel vm10, $0x3F800000, v25;
	vm11 =	veq.s32 v51, v0;
	[tilespmem:s15+$0x1800] =	vst v63  }
0x165: {  	v7 =	vmax.f32 v31, v7;
	v29 =	vmax.f32 v26, v28;
	v30 =	vsel vm11, $0x3F800000, v25;
	[tilespmem:s13+$0x1A00] =	vst v23  }
0x166: {  	v31 =	vmax.f32 v27, v30;
	v32 =	vsel vm12, $0x3F800000, v25;
	vm13 =	veq.s32 v33, v0;
	[tilespmem:s31+$0x1800] =	vst v29  }
0x167: {  	v1 =	vsel vm15, $0x3F800000, v25;
	v12 =	vmax.f32 v12, v32;
	v36 =	vsel vm13, $0x3F800000, v25;
	[tilespmem:s13+$0x1B00] =	vst v31  }
0x168: {  	vm15 =	veq.s32 v44, v0;
	v44 =	vsel vm4, $0x3F800000, v25;
	v9 =	vmax.f32 v9, v36;
	[tilespmem:s16+$0x1800] =	vst v12  }
0x169: {  	v39 =	vsel vm15, $0x3F800000, v25;
	v8 =	vmax.f32 v8, v38;
	v6 =	vmax.f32 v24, v6;
	[tilespmem:s13+$0x2000] =	vst v9  }
0x16a: {  	v7 =	vmax.f32 v7, v39;
	v15 =	vsel vm5, $0x3F800000, v25;
	vm5 =	veq.s32 v48, v0;
	[tilespmem:s18+$0x1800] =	vst v8  }
0x16b: {  	vm6 =	veq.s32 v46, v0;
	v6 =	vmax.f32 v6, v44;
	v47 =	vsel vm5, $0x3F800000, v25;
	[tilespmem:s13+$0x2100] =	vst v7  }
0x16c: {  	vm7 =	veq.s32 v52, v0;
	v48 =	vsel vm6, $0x3F800000, v25;
	v5 =	vmax.f32 v5, v47;
	[tilespmem:s19+$0x1800] =	vst v6  }
0x16d: {  	v50 =	vsel vm7, $0x3F800000, v25;
	vm8 =	veq.s32 v34, v0;
	v4 =	vmax.f32 v4, v48;
	[tilespmem:s20+$0x1800] =	vst v5  }
0x16e: {  	vm9 =	veq.s32 v43, v0;
	v51 =	vmax.f32 v10, v50;
	v52 =	vsel vm8, $0x3F800000, v25;
	[tilespmem:s13+$0x2300] =	vst v4  }
0x16f: {  	vm10 =	veq.s32 v37, v0;
	v53 =	vsel vm9, $0x3F800000, v25;
	v3 =	vmax.f32 v3, v52;
	[tilespmem:s21+$0x1800] =	vst v51  }
0x170: {  	v54 =	vsel vm10, $0x3F800000, v25;
	vm11 =	veq.s32 v45, v0;
	v4 =	vmax.f32 v11, v53;
	[tilespmem:s13+$0x2800] =	vst v3  }
0x171: {  	v2 =	vmax.f32 v2, v54;
	v55 =	vsel vm11, $0x3F800000, v25;
	vm12 =	veq.s32 v42, v0;
	[tilespmem:s22+$0x1800] =	vst v4  }
0x172: {  	p0 =	sne.s32 s12, $0xF0;
	v56 =	vsel vm12, $0x3F800000, v25;
	vm13 =	veq.s32 v40, v0;
	v3 =	vmax.f32 v13, v55;
	[tilespmem:s13+$0x2900] =	vst v2  }
.Ltmp0:
0x173: {  	v1 =	vmax.f32 v19, v1;
	v58 =	vmax.f32 v14, v56;
	v59 =	vsel vm13, $0x3F800000, v25;
	[tilespmem:s23+$0x1800] =	vst v3;
	(pc) =	sbr.rel @p0 .LBB2_2-.Ltmp0, $4  }
0x174: {  	vm15 =	veq.s32 v57, v0;
	v60 =	vsel vm14, $0x3F800000, v25;
	v1 =	vmax.f32 v1, v59;
	[tilespmem:s13+$0x2A00] =	vst v58  }
0x175: {  	v61 =	vmax.f32 v22, v15;
	v62 =	vmax.f32 v16, v60;
	v63 =	vsel vm15, $0x3F800000, v25;
	[tilespmem:s24+$0x1800] =	vst v1  }
0x176: {  	v0 =	vmax.f32 v61, v63;
	[tilespmem:s13+$0x2B00] =	vst v62  }
0x177: {  	s11 =	sadd.s32 $0x80, s11;
	s12 =	sadd.s32 $0x10, s12;
	[tilespmem:s25+$0x1800] =	vst v0  }
0x178: {  	s10 =	sadd.s32 $0x1, s10  }
0x179: {  	p0 =	sne.s32 s10, s5  }
.Ltmp1:
0x17a: {  	_ = 	snop;
	(pc) =	sbr.rel @p0 .LBB2_1-.Ltmp1, $4  }
0x17b: {  	[hbm4b:s4+s6] =	stream.strided.scatter [tilespmem:s9], [sflag:$0x1], $0x1800, s7, s6, $0x38;
	[tilespmem:$0x3000] =	vst v63  }
0x17c: {  	_ =	swait.ge [sflag:s8], $0x1800  }
0x17d: {  	[sflag:s8] =	ssyncset.done $0x0  }
0x17e: {  	[sflag:s8] =	ssyncadd.s32 $0xFFFFE800  }
0x17f: {  	_ =	sfence.sel $0x180000  }
0x180: {  	[bflag:$0x0] =	sbarrier.arrive $0xFFFF  }
0x181: {  	p0 =	sne.s32 s1, $0x0;
	_ =	strace $0x90000047  }
0x182: {  	s0 =	sadd.s32 @!p0 $0x100000, s0;
	[bflag:$0x2] =	sbarrier.arrive $0xFFFF  }
0x183: {  	[sflag:s0] =	ssyncadd.tile.s32 @!p0 $0x1;
	_ =	shalt  }
.Lfunc_end2:
_tile_overlayer_lowered:
.L_overlay_start_2:
0x184: {  	(tag) =	ssettag $0x2  }
0x185: {  	s0 =	rddreg [dreg:$0x0];
	s2 =	stileid.u32  }
0x186: {  	s1 =	rddreg [dreg:$0x1];
	p0 =	sne.s32 s2, $0x0  }
0x187: {  	s3 =	rddreg [dreg:$0x2];
	[bflag:$0x3] =	sbarrier.arrive $0xFFFF;
	s2 =	simm.s32 @!p0 $0x1C01  }
0x188: {  	[timem:s3], [sflag:s2] =	dma.local @!p0 [hbm:s0], s1  }
0x189: {  	s0 =	simm.s32 @!p0 $0x1  }
0x18a: {  	_ =	swait.ge @!p0 [sflag:s0], s1  }
0x18b: {  	s1 =	ssub.s32 @!p0 $0x0, s1;
	[sflag:s0] =	ssyncset.done @!p0 $0x0  }
0x18c: {  	[sflag:s0] =	ssyncadd.s32 @!p0 s1  }
0x18d: {  	[bflag:$0x3] =	sbarrier.arrive $0xFFFF  }
0x18e: {  	_ =	shalt  }

</sc_bundles>
